<compile_context>
chip_gen: v7x
topology: tpu7x:2x2x1
jax: 0.10.2.dev20260603
libtpu: 0.0.44.dev20260713+nightly
codegen_flags: <defaults>
</compile_context>

<pallas_src>
import functools

import jax
import jax.numpy as jnp
from jax import lax
from jax.experimental import pallas as pl
from jax.experimental.pallas import tpu as pltpu
from jax.experimental.pallas import tpu_sc as plsc

B = 16
ROWS = 512
D = 26 * 64
H = 16
CAP = 64
REG = 0.01
EPS = 1e-5


def _score_body(t_ref, g1_ref, bb1_ref, w1_ref, b1_ref, g2_ref, bb2_ref,
                w2_ref, b2_ref, out_ref):
    t = t_ref[0]
    m = jnp.mean(t, axis=-1, keepdims=True)
    v = jnp.mean((t - m) ** 2, axis=-1, keepdims=True)
    h = (t - m) * lax.rsqrt(v + EPS) * g1_ref[0] + bb1_ref[0]
    h = lax.dot_general(h, w1_ref[...], (((1,), (1,)), ((), ())),
                        preferred_element_type=jnp.float32)
    h = jnp.maximum(h + b1_ref[0], 0.0)
    m2 = jnp.mean(h, axis=-1, keepdims=True)
    v2 = jnp.mean((h - m2) ** 2, axis=-1, keepdims=True)
    h = (h - m2) * lax.rsqrt(v2 + EPS) * g2_ref[0] + bb2_ref[0]
    s = jnp.sum(h * w2_ref[0], axis=-1) + b2_ref[0, 0]
    out_ref[0, 0, :] = s


def _scores(t, g1, bb1, W1, b1, g2, bb2, w2, b2):
    full = lambda shape: pl.BlockSpec(shape, lambda i: (0,) * len(shape))
    return pl.pallas_call(
        _score_body,
        grid=(B,),
        in_specs=[
            pl.BlockSpec((1, ROWS, D), lambda i: (i, 0, 0)),
            full((1, D)), full((1, D)), full((H, D)), full((1, H)),
            full((1, H)), full((1, H)), full((1, H)), full((1, 1)),
        ],
        out_specs=pl.BlockSpec((1, 1, ROWS), lambda i: (i, 0, 0)),
        out_shape=jax.ShapeDtypeStruct((B, 1, ROWS), jnp.float32),
    )(t, g1, bb1, W1, b1, g2, bb2, w2, b2).reshape(B, ROWS)


def _sort_body(sc_ref, s_out, p_out):
    sc = sc_ref[...]
    mn = jnp.min(sc, axis=1, keepdims=True)
    mx = jnp.max(sc, axis=1, keepdims=True)
    keys = (sc - mn) / (mx - mn) * (100.0 / REG)
    vals = lax.broadcasted_iota(jnp.int32, (B, ROWS), 1)
    idx = vals
    k = 2
    while k <= ROWS:
        j = k // 2
        while j >= 1:
            lower = (idx & j) == 0
            pk = jnp.where(lower, jnp.roll(keys, -j, axis=1),
                           jnp.roll(keys, j, axis=1))
            pv = jnp.where(lower, jnp.roll(vals, -j, axis=1),
                           jnp.roll(vals, j, axis=1))
            dirb = (idx & k) != 0
            ws = (dirb & lower) | (~dirb & ~lower)
            le = keys <= pk
            lt = keys < pk
            cond_small = (lower & le) | (~lower & lt)
            cond_big = (lower & ~le) | (~lower & ~lt)
            keep = (ws & cond_small) | (~ws & cond_big)
            keys = jnp.where(keep, keys, pk)
            vals = jnp.where(keep, vals, pv)
            j //= 2
        k *= 2
    s_out[...] = keys.T
    p_out[...] = vals


def _sort(scores):
    return pl.pallas_call(
        _sort_body,
        out_shape=(jax.ShapeDtypeStruct((ROWS, B), jnp.float32),
                   jax.ShapeDtypeStruct((B, ROWS), jnp.int32)),
    )(scores)


def _sc_body(s_hbm, p_hbm, ranks_hbm, ridx_hbm,
             sv, ssum, slen, outt, permv, perm15, outrow, ridxrow):
    cid = lax.axis_index("c")
    sid = lax.axis_index("s")
    wid = sid * 2 + cid

    @pl.when(wid < B)
    def _():
        pltpu.sync_copy(s_hbm, sv)
        lanes = lax.iota(jnp.int32, 16)

        def pav_step(i, c):
            sp, ts, tl = c
            y_i = sv[pl.ds(i * 16, 16)] - (
                jnp.float32(ROWS) - i.astype(jnp.float32))
            plsc.store_scatter(ssum, [sp * 16 + lanes], ts)
            plsc.store_scatter(slen, [sp * 16 + lanes], tl)
            sp = sp + 1
            ts = y_i
            tl = jnp.ones((16,), jnp.float32)

            def mbody(mc):
                spc, mts, mtl, _ = mc
                i1 = jnp.maximum(spc - 1, 0) * 16 + lanes
                ps = plsc.load_gather(ssum, [i1])
                pls = plsc.load_gather(slen, [i1])
                need = (spc >= 1) & (mts * pls > ps * mtl)
                mts = jnp.where(need, mts + ps, mts)
                mtl = jnp.where(need, mtl + pls, mtl)
                return (spc - need.astype(jnp.int32), mts, mtl,
                        jnp.any(need))

            sp, ts, tl, _ = lax.while_loop(
                lambda mc: mc[3], mbody, (sp, ts, tl, jnp.bool_(True)))
            return sp, ts, tl

        sp0 = jnp.zeros((16,), jnp.int32)
        ts0 = sv[pl.ds(0, 16)] - jnp.float32(ROWS)
        tl0 = jnp.ones((16,), jnp.float32)
        sp, ts, tl = lax.fori_loop(1, ROWS, pav_step, (sp0, ts0, tl0))
        plsc.store_scatter(ssum, [sp * 16 + lanes], ts)
        plsc.store_scatter(slen, [sp * 16 + lanes], tl)

        def exp_step(i, c):
            cp, endp, avg = c
            adv = i.astype(jnp.float32) >= endp
            ns = plsc.load_gather(ssum, [cp * 16 + lanes])
            nl = plsc.load_gather(slen, [cp * 16 + lanes])
            avg = jnp.where(adv, ns / nl, avg)
            endp = jnp.where(adv, endp + nl, endp)
            cp = cp + adv.astype(jnp.int32)
            outt[pl.ds(i * 16, 16)] = sv[pl.ds(i * 16, 16)] - avg
            return cp, endp, avg

        lax.fori_loop(0, ROWS, exp_step,
                      (jnp.zeros((16,), jnp.int32),
                       jnp.zeros((16,), jnp.float32),
                       jnp.zeros((16,), jnp.float32)))

        pltpu.sync_copy(p_hbm.at[wid], permv)
        pltpu.sync_copy(p_hbm.at[B - 1], perm15)
        bvec = jnp.full((16,), wid, jnp.int32)
        for c in range(ROWS // 16):
            rows = c * 16 + lanes
            vals = plsc.load_gather(outt, [rows * 16 + bvec])
            pos = permv[pl.ds(c * 16, 16)]
            plsc.store_scatter(outrow, [pos], vals)
            rvals = ((jnp.int32(ROWS - 1) - rows) >> 6) + 1
            p15 = perm15[pl.ds(c * 16, 16)]
            plsc.store_scatter(ridxrow, [p15], rvals)
        pltpu.sync_copy(outrow, ranks_hbm.at[wid])
        pltpu.sync_copy(ridxrow, ridx_hbm.at[wid])


def _sc_stage(s_desc, perm):
    mesh = plsc.VectorSubcoreMesh(core_axis_name="c", subcore_axis_name="s")
    kfn = pl.kernel(
        _sc_body,
        mesh=mesh,
        compiler_params=pltpu.CompilerParams(needs_layout_passes=False),
        out_type=(jax.ShapeDtypeStruct((B, ROWS), jnp.float32),
                  jax.ShapeDtypeStruct((B, ROWS), jnp.int32)),
        scratch_types=[
            pltpu.VMEM((B * ROWS,), jnp.float32),
            pltpu.VMEM((ROWS * 16,), jnp.float32),
            pltpu.VMEM((ROWS * 16,), jnp.float32),
            pltpu.VMEM((ROWS * 16,), jnp.float32),
            pltpu.VMEM((ROWS,), jnp.int32),
            pltpu.VMEM((ROWS,), jnp.int32),
            pltpu.VMEM((ROWS,), jnp.float32),
            pltpu.VMEM((ROWS,), jnp.int32),
        ],
    )
    return kfn(s_desc.reshape(B * ROWS), perm)


def kernel(table, ln1_g, ln1_b, W1, b1, ln2_g, ln2_b, W2, b2):
    t = table.reshape(B, ROWS, D)
    scores = _scores(t, ln1_g.reshape(1, D), ln1_b.reshape(1, D), W1,
                     b1.reshape(1, H), ln2_g.reshape(1, H),
                     ln2_b.reshape(1, H), W2.reshape(1, H), b2.reshape(1, 1))
    s_desc, perm = _sort(scores)
    ranks, ridx = _sc_stage(s_desc, perm)
    return ranks.reshape(B, ROWS, 1), ridx.reshape(B, ROWS, 1)

# --- scband reference (transcript-rebuilt; emitter-appended) ---
"""Pipeline reference for scband-ranking-model-v2-25237227831810 (READ-ONLY COPY).

The authoritative reference and input builder live on the scoring server;
editing this copy changes nothing except your own understanding.
"""

import jax, jax.numpy as jnp
import numpy as np

B = 16
ROWS = 512
COL_NUM = 26
DMODEL = 64
CAPACITY = 64
REG_STRENGTH = 0.01
BIG = 1e30


def setup_inputs(seed: int = 0) -> dict:
    key = jax.random.key(seed)
    ks = jax.random.split(key, 4)
    d = COL_NUM * DMODEL
    table = jax.random.normal(ks[0], (B, ROWS, COL_NUM, DMODEL), dtype=jnp.float32)
    W1 = jax.random.normal(ks[1], (16, d), dtype=jnp.float32) * 0.02
    b1 = jnp.zeros((16,), jnp.float32)
    W2 = jax.random.normal(ks[2], (1, 16), dtype=jnp.float32) * 0.02
    b2 = jnp.zeros((1,), jnp.float32)
    ln1_g = jnp.ones((d,), jnp.float32)
    ln1_b = jnp.zeros((d,), jnp.float32)
    ln2_g = jnp.ones((16,), jnp.float32)
    ln2_b = jnp.zeros((16,), jnp.float32)
    return {"table": table, "ln1_g": ln1_g, "ln1_b": ln1_b, "W1": W1, "b1": b1,
            "ln2_g": ln2_g, "ln2_b": ln2_b, "W2": W2, "b2": b2}


def _layer_norm(x, g, b, eps=1e-5):
    m = jnp.mean(x, axis=-1, keepdims=True)
    v = jnp.mean((x - m) ** 2, axis=-1, keepdims=True)
    return (x - m) / jnp.sqrt(v + eps) * g + b


def _isotonic_nonincreasing(y):
    # exact L2 isotonic regression (nonincreasing) via the minimax mean formula,
    # equivalent to PAV used by torchsort's isotonic_l2
    z = -y  # solve nondecreasing problem on -y
    n = z.shape[0]
    c = jnp.concatenate([jnp.zeros((1,), z.dtype), jnp.cumsum(z)])
    jj = jnp.arange(n)[:, None]
    kk = jnp.arange(n)[None, :]
    valid = kk >= jj
    lens = jnp.where(valid, (kk - jj + 1).astype(z.dtype), 1.0)
    avg = (c[kk + 1] - c[jj]) / lens
    avg = jnp.where(valid, avg, BIG)
    # minK[j, i] = min_{k >= i} avg[j, k]
    minK = jax.lax.associative_scan(jnp.minimum, avg, reverse=True, axis=1)
    minK = jnp.where(jj <= kk, minK, -BIG)
    m = jax.lax.associative_scan(jnp.maximum, minK, axis=0)
    sol_nondecr = jnp.diagonal(m)
    return -sol_nondecr


def _soft_rank_l2(scores, reg_strength):
    # torchsort.soft_rank(values, regularization='l2', regularization_strength=eps)
    # = projection of values/eps onto the permutahedron P(1..n)
    theta = scores / reg_strength
    n = theta.shape[-1]
    perm = jnp.argsort(-theta, axis=-1)  # descending sort permutation
    s = jnp.take_along_axis(theta, perm, axis=-1)
    w = jnp.arange(n, 0, -1).astype(theta.dtype)
    v = jax.vmap(_isotonic_nonincreasing)(s - w)
    out_sorted = s - v
    inv = jnp.argsort(perm, axis=-1)
    return jnp.take_along_axis(out_sorted, inv, axis=-1)


def reference(table, ln1_g, ln1_b, W1, b1, ln2_g, ln2_b, W2, b2):
    rows = table.shape[1]
    t = table.reshape(-1, rows, COL_NUM * DMODEL)
    h = _layer_norm(t, ln1_g, ln1_b)
    h = h @ W1.T + b1
    h = jax.nn.relu(h)
    h = _layer_norm(h, ln2_g, ln2_b)
    scores = (h @ W2.T + b2).reshape(-1, rows)
    mn = jnp.min(scores, axis=1, keepdims=True)
    mx = jnp.max(scores, axis=1, keepdims=True)
    scaled = (scores - mn) / (mx - mn) * 100.0
    original_ranks = _soft_rank_l2(scaled, REG_STRENGTH)
    sorted_indices = jnp.argsort(scores, axis=1)
    rank_indices = jnp.zeros(scores.shape, dtype=sorted_indices.dtype)
    # faithful to torch: rank_indices[:, sorted_indices] = arange(rows)
    rank_indices = rank_indices.at[:, sorted_indices].set(jnp.arange(rows, dtype=sorted_indices.dtype))
    rank_indices = rank_indices // CAPACITY + 1
    return (original_ranks.reshape(-1, rows, 1), rank_indices.reshape(-1, rows, 1))

if __name__ == "__main__":
    import jax
    _d = setup_inputs()
    print(jax.jit(kernel)(*tuple(_d.values())))

</pallas_src>

<mosaic_0001>
#map = affine_map<(d0, d1) -> (0)>
#map1 = affine_map<(d0, d1) -> (0, 0)>
module attributes {stable_mosaic.version = 14 : i64} {
  func.func @_sc_body(%arg0: i32, %arg1: i32, %arg2: memref<8192xf32, #tpu.memory_space<hbm>>, %arg3: memref<16x512xi32, #tpu.memory_space<hbm>>, %arg4: memref<16x512xf32, #tpu.memory_space<hbm>>, %arg5: memref<16x512xi32, #tpu.memory_space<hbm>>, %arg6: memref<8192xf32, #tpu.memory_space<vmem>>, %arg7: memref<8192xf32, #tpu.memory_space<vmem>>, %arg8: memref<8192xf32, #tpu.memory_space<vmem>>, %arg9: memref<8192xf32, #tpu.memory_space<vmem>>, %arg10: memref<512xi32, #tpu.memory_space<vmem>>, %arg11: memref<512xi32, #tpu.memory_space<vmem>>, %arg12: memref<512xf32, #tpu.memory_space<vmem>>, %arg13: memref<512xi32, #tpu.memory_space<vmem>>) attributes {dimension_semantics = [#tpu.dimension_semantics<core_parallel>, #tpu.dimension_semantics<subcore_parallel>], iteration_bounds = array<i64: 2, 16>, scalar_prefetch = 0 : i64, scratch_operands = 8 : i64, tpu.core_type = #tpu.core_type<sc_vector_subcore>, window_params = [{transform_indices = #map}, {transform_indices = #map1}, {transform_indices = #map1}, {transform_indices = #map1}]} {
    %mul3A = arith.constant 2 : i32
    %mul3A_0 = arith.muli %arg1, %mul3A : i32
    %add3A = arith.addi %mul3A_0, %arg0 : i32
    %lt3A = arith.constant 16 : i32
    %lt3A_1 = arith.cmpi slt, %add3A, %lt3A : i32
    %convert_element_type3A = arith.extui %lt3A_1 : i1 to i32
    %cond3A = arith.constant 0 : i32
    %cond3A_2 = arith.cmpi ne, %convert_element_type3A, %cond3A : i32
    scf.if %cond3A_2 {
      "tpu.region"() ({
        %run_scoped3A_705 = tpu.sem_alloc : memref<!tpu.dma_semaphore, #tpu.memory_space<semaphore_mem>>
        tpu.enqueue_dma source(%arg2 : memref<8192xf32, #tpu.memory_space<hbm>>) target(%arg6 : memref<8192xf32, #tpu.memory_space<vmem>>) target_semaphore(%run_scoped3A_705 : memref<!tpu.dma_semaphore, #tpu.memory_space<semaphore_mem>>)
        tpu.wait_dma2 semaphore(%run_scoped3A_705 : memref<!tpu.dma_semaphore, #tpu.memory_space<semaphore_mem>>) src(%arg2 : memref<8192xf32, #tpu.memory_space<hbm>>) dst(%arg6 : memref<8192xf32, #tpu.memory_space<vmem>>)
        tpu.yield
      }) : () -> ()
      %iota3A = tpu.iota {dimensions = array<i32: 0>} : vector<16xi32>
      %broadcast_in_dim3A = arith.constant 0 : i32
      %broadcast_in_dim3A_3 = vector.broadcast %broadcast_in_dim3A : i32 to vector<16xi32>
      %get3A = arith.constant 0 : index
      %get3A_4 = tpu.vector_load %arg6[%get3A] {strides = array<i32>} : memref<8192xf32, #tpu.memory_space<vmem>>, vector<16xf32>,
      %sub3A = arith.constant 5.120000e+02 : f32
      %sub3A_5 = vector.broadcast %sub3A : f32 to vector<16xf32>
      %sub3A_6 = arith.subf %get3A_4, %sub3A_5 : vector<16xf32>
      %broadcast_in_dim3A_7 = arith.constant 1.000000e+00 : f32
      %broadcast_in_dim3A_8 = vector.broadcast %broadcast_in_dim3A_7 : f32 to vector<16xf32>
      %scan3A = arith.constant 1 : i32
      %scan3A_9 = arith.constant 511 : i32
      %scan3A_10 = arith.addi %scan3A, %scan3A_9 : i32
      %scan3A_11 = arith.constant 1 : i32
      %scan3A_12:3 = scf.for %scan3A_705 = %scan3A to %scan3A_10 step %scan3A_11 iter_args(%scan3A_706 = %broadcast_in_dim3A_3, %scan3A_707 = %sub3A_6, %scan3A_708 = %broadcast_in_dim3A_8) -> (vector<16xi32>, vector<16xf32>, vector<16xf32>)  : i32 {
        %mul3A_709 = arith.constant 16 : i32
        %mul3A_710 = arith.muli %scan3A_705, %mul3A_709 : i32
        %get3A_711 = arith.index_cast %mul3A_710 : i32 to index
        %get3A_712 = tpu.vector_load %arg6[%get3A_711] {strides = array<i32>} : memref<8192xf32, #tpu.memory_space<vmem>>, vector<16xf32>,
        %convert_element_type3A_713 = arith.sitofp %scan3A_705 : i32 to f32
        %sub3A_714 = arith.constant 5.120000e+02 : f32
        %sub3A_715 = arith.subf %sub3A_714, %convert_element_type3A_713 : f32
        %sub3A_716 = vector.broadcast %sub3A_715 : f32 to vector<16xf32>
        %sub3A_717 = arith.subf %get3A_712, %sub3A_716 : vector<16xf32>
        %mul3A_718 = arith.constant 16 : i32
        %mul3A_719 = vector.broadcast %mul3A_718 : i32 to vector<16xi32>
        %mul3A_720 = arith.muli %scan3A_706, %mul3A_719 : vector<16xi32>
        %add3A_721 = arith.addi %mul3A_720, %iota3A : vector<16xi32>
        tpu.vector_store_idx %arg7[%add3A_721], %scan3A_707 : memref<8192xf32, #tpu.memory_space<vmem>>[vector<16xi32>], vector<16xf32>,
        %mul3A_722 = arith.constant 16 : i32
        %mul3A_723 = vector.broadcast %mul3A_722 : i32 to vector<16xi32>
        %mul3A_724 = arith.muli %scan3A_706, %mul3A_723 : vector<16xi32>
        %add3A_725 = arith.addi %mul3A_724, %iota3A : vector<16xi32>
        tpu.vector_store_idx %arg8[%add3A_725], %scan3A_708 : memref<8192xf32, #tpu.memory_space<vmem>>[vector<16xi32>], vector<16xf32>,
        %add3A_726 = arith.constant 1 : i32
        %add3A_727 = vector.broadcast %add3A_726 : i32 to vector<16xi32>
        %add3A_728 = arith.addi %scan3A_706, %add3A_727 : vector<16xi32>
        %broadcast_in_dim3A_729 = arith.constant 1.000000e+00 : f32
        %broadcast_in_dim3A_730 = vector.broadcast %broadcast_in_dim3A_729 : f32 to vector<16xf32>
        %while3A = arith.constant true
        %while3A_731:4 = scf.while (%while3A_732 = %add3A_728, %while3A_733 = %sub3A_717, %while3A_734 = %broadcast_in_dim3A_730, %while3A_735 = %while3A) : (vector<16xi32>, vector<16xf32>, vector<16xf32>, i1) -> (vector<16xi32>, vector<16xf32>, vector<16xf32>, i1) {
          scf.condition(%while3A_735) %while3A_732, %while3A_733, %while3A_734, %while3A_735 : vector<16xi32>, vector<16xf32>, vector<16xf32>, i1
        } do {
        ^bb0(%while3A_732: vector<16xi32>, %while3A_733: vector<16xf32>, %while3A_734: vector<16xf32>, %while3A_735: i1):
          %sub3A_736 = arith.constant 1 : i32
          %sub3A_737 = vector.broadcast %sub3A_736 : i32 to vector<16xi32>
          %sub3A_738 = arith.subi %while3A_732, %sub3A_737 : vector<16xi32>
          %max3A = arith.constant 0 : i32
          %max3A_739 = vector.broadcast %max3A : i32 to vector<16xi32>
          %max3A_740 = arith.maxsi %sub3A_738, %max3A_739 : vector<16xi32>
          %mul3A_741 = arith.constant 16 : i32
          %mul3A_742 = vector.broadcast %mul3A_741 : i32 to vector<16xi32>
          %mul3A_743 = arith.muli %max3A_740, %mul3A_742 : vector<16xi32>
          %add3A_744 = arith.addi %mul3A_743, %iota3A : vector<16xi32>
          %gather3A_745 = tpu.vector_load_idx %arg7[%add3A_744] : memref<8192xf32, #tpu.memory_space<vmem>>[vector<16xi32>], vector<16xf32>,
          %gather3A_746 = tpu.vector_load_idx %arg8[%add3A_744] : memref<8192xf32, #tpu.memory_space<vmem>>[vector<16xi32>], vector<16xf32>,
          %ge3A = arith.constant 1 : i32
          %ge3A_747 = vector.broadcast %ge3A : i32 to vector<16xi32>
          %ge3A_748 = arith.cmpi sge, %while3A_732, %ge3A_747 : vector<16xi32>
          %mul3A_749 = arith.mulf %while3A_733, %gather3A_746 : vector<16xf32>
          %mul3A_750 = arith.mulf %gather3A_745, %while3A_734 : vector<16xf32>
          %gt3A = arith.cmpf ogt, %mul3A_749, %mul3A_750 : vector<16xf32>
          %and3A = arith.andi %ge3A_748, %gt3A : vector<16xi1>
          %add3A_751 = arith.addf %while3A_733, %gather3A_745 : vector<16xf32>
          %select_n3A = arith.select %and3A, %add3A_751, %while3A_733 : vector<16xi1>, vector<16xf32>
          %add3A_752 = arith.addf %while3A_734, %gather3A_746 : vector<16xf32>
          %select_n3A_753 = arith.select %and3A, %add3A_752, %while3A_734 : vector<16xi1>, vector<16xf32>
          %convert_element_type3A_754 = arith.extui %and3A : vector<16xi1> to vector<16xi32>
          %sub3A_755 = arith.subi %while3A_732, %convert_element_type3A_754 : vector<16xi32>
          %reduce_or3A = arith.constant 1.000000e+00 : f32
          %reduce_or3A_756 = arith.constant 0.000000e+00 : f32
          %reduce_or3A_757 = vector.broadcast %reduce_or3A : f32 to vector<16xf32>
          %reduce_or3A_758 = vector.broadcast %reduce_or3A_756 : f32 to vector<16xf32>
          %reduce_or3A_759 = arith.select %and3A, %reduce_or3A_757, %reduce_or3A_758 : vector<16xi1>, vector<16xf32>
          %reduce_or3A_760 = arith.constant true
          %reduce_or3A_761 = vector.broadcast %reduce_or3A_760 : i1 to vector<16xi1>
          %reduce_or3A_762 = tpu.scan <max>, %reduce_or3A_759 masked %reduce_or3A_761 : vector<16xf32>, vector<16xi1> -> vector<16xf32>
          %reduce_or3A_763 = vector.extract %reduce_or3A_762[15] : f32 from vector<16xf32>
          %reduce_or3A_764 = arith.constant 0.000000e+00 : f32
          %reduce_or3A_765 = arith.cmpf ogt, %reduce_or3A_763, %reduce_or3A_764 : f32
          scf.yield %sub3A_755, %select_n3A, %select_n3A_753, %reduce_or3A_765 : vector<16xi32>, vector<16xf32>, vector<16xf32>, i1
        }
        scf.yield %while3A_731#0, %while3A_731#1, %while3A_731#2 : vector<16xi32>, vector<16xf32>, vector<16xf32>
      }
      %scan3A_13 = arith.constant 511 : i32
      %mul3A_14 = arith.constant 16 : i32
      %mul3A_15 = vector.broadcast %mul3A_14 : i32 to vector<16xi32>
      %mul3A_16 = arith.muli %scan3A_12#0, %mul3A_15 : vector<16xi32>
      %add3A_17 = arith.addi %mul3A_16, %iota3A : vector<16xi32>
      tpu.vector_store_idx %arg7[%add3A_17], %scan3A_12#1 : memref<8192xf32, #tpu.memory_space<vmem>>[vector<16xi32>], vector<16xf32>,
      %mul3A_18 = arith.constant 16 : i32
      %mul3A_19 = vector.broadcast %mul3A_18 : i32 to vector<16xi32>
      %mul3A_20 = arith.muli %scan3A_12#0, %mul3A_19 : vector<16xi32>
      %add3A_21 = arith.addi %mul3A_20, %iota3A : vector<16xi32>
      tpu.vector_store_idx %arg8[%add3A_21], %scan3A_12#2 : memref<8192xf32, #tpu.memory_space<vmem>>[vector<16xi32>], vector<16xf32>,
      %broadcast_in_dim3A_22 = arith.constant 0 : i32
      %broadcast_in_dim3A_23 = vector.broadcast %broadcast_in_dim3A_22 : i32 to vector<16xi32>
      %broadcast_in_dim3A_24 = arith.constant 0.000000e+00 : f32
      %broadcast_in_dim3A_25 = vector.broadcast %broadcast_in_dim3A_24 : f32 to vector<16xf32>
      %broadcast_in_dim3A_26 = arith.constant 0.000000e+00 : f32
      %broadcast_in_dim3A_27 = vector.broadcast %broadcast_in_dim3A_26 : f32 to vector<16xf32>
      %scan3A_28 = arith.constant 0 : i32
      %scan3A_29 = arith.constant 512 : i32
      %scan3A_30 = arith.addi %scan3A_28, %scan3A_29 : i32
      %scan3A_31 = arith.constant 1 : i32
      %scan3A_32:3 = scf.for %scan3A_705 = %scan3A_28 to %scan3A_30 step %scan3A_31 iter_args(%scan3A_706 = %broadcast_in_dim3A_23, %scan3A_707 = %broadcast_in_dim3A_25, %scan3A_708 = %broadcast_in_dim3A_27) -> (vector<16xi32>, vector<16xf32>, vector<16xf32>)  : i32 {
        %convert_element_type3A_709 = arith.sitofp %scan3A_705 : i32 to f32
        %ge3A = vector.broadcast %convert_element_type3A_709 : f32 to vector<16xf32>
        %ge3A_710 = arith.cmpf oge, %ge3A, %scan3A_707 : vector<16xf32>
        %mul3A_711 = arith.constant 16 : i32
        %mul3A_712 = vector.broadcast %mul3A_711 : i32 to vector<16xi32>
        %mul3A_713 = arith.muli %scan3A_706, %mul3A_712 : vector<16xi32>
        %add3A_714 = arith.addi %mul3A_713, %iota3A : vector<16xi32>
        %gather3A_715 = tpu.vector_load_idx %arg7[%add3A_714] : memref<8192xf32, #tpu.memory_space<vmem>>[vector<16xi32>], vector<16xf32>,
        %mul3A_716 = arith.constant 16 : i32
        %mul3A_717 = vector.broadcast %mul3A_716 : i32 to vector<16xi32>
        %mul3A_718 = arith.muli %scan3A_706, %mul3A_717 : vector<16xi32>
        %add3A_719 = arith.addi %mul3A_718, %iota3A : vector<16xi32>
        %gather3A_720 = tpu.vector_load_idx %arg8[%add3A_719] : memref<8192xf32, #tpu.memory_space<vmem>>[vector<16xi32>], vector<16xf32>,
        %div3A = arith.divf %gather3A_715, %gather3A_720 : vector<16xf32>
        %select_n3A = arith.select %ge3A_710, %div3A, %scan3A_708 : vector<16xi1>, vector<16xf32>
        %add3A_721 = arith.addf %scan3A_707, %gather3A_720 : vector<16xf32>
        %select_n3A_722 = arith.select %ge3A_710, %add3A_721, %scan3A_707 : vector<16xi1>, vector<16xf32>
        %convert_element_type3A_723 = arith.extui %ge3A_710 : vector<16xi1> to vector<16xi32>
        %add3A_724 = arith.addi %scan3A_706, %convert_element_type3A_723 : vector<16xi32>
        %mul3A_725 = arith.constant 16 : i32
        %mul3A_726 = arith.muli %scan3A_705, %mul3A_725 : i32
        %get3A_727 = arith.index_cast %mul3A_726 : i32 to index
        %get3A_728 = tpu.vector_load %arg6[%get3A_727] {strides = array<i32>} : memref<8192xf32, #tpu.memory_space<vmem>>, vector<16xf32>,
        %sub3A_729 = arith.subf %get3A_728, %select_n3A : vector<16xf32>
        %mul3A_730 = arith.constant 16 : i32
        %mul3A_731 = arith.muli %scan3A_705, %mul3A_730 : i32
        %swap3A = arith.index_cast %mul3A_731 : i32 to index
        %swap3A_732 = tpu.vector_load %arg9[%swap3A] {strides = array<i32>} : memref<8192xf32, #tpu.memory_space<vmem>>, vector<16xf32>,
        tpu.vector_store %arg9[%swap3A], %sub3A_729 {strides = array<i32>} : memref<8192xf32, #tpu.memory_space<vmem>>, vector<16xf32>,
        scf.yield %add3A_724, %select_n3A_722, %select_n3A : vector<16xi32>, vector<16xf32>, vector<16xf32>
      }
      %scan3A_33 = arith.constant 512 : i32
      "tpu.region"() ({
        %run_scoped3A_705 = tpu.sem_alloc : memref<!tpu.dma_semaphore, #tpu.memory_space<semaphore_mem>>
        %dma_start3A = arith.constant 0 : i32
        %dma_start3A_706 = tpu.memref_slice %arg3[%add3A, %dma_start3A] : memref<16x512xi32, #tpu.memory_space<hbm>> -> memref<1x512xi32, #tpu.memory_space<hbm>>
        %dma_start3A_707 = tpu.memref_squeeze %dma_start3A_706 : memref<1x512xi32, #tpu.memory_space<hbm>> -> memref<512xi32, #tpu.memory_space<hbm>>
        %dma_start3A_708 = arith.constant 0 : i32
        %dma_start3A_709 = tpu.memref_slice %arg3[%add3A, %dma_start3A_708] : memref<16x512xi32, #tpu.memory_space<hbm>> -> memref<1x512xi32, #tpu.memory_space<hbm>>
        %dma_start3A_710 = tpu.memref_squeeze %dma_start3A_709 : memref<1x512xi32, #tpu.memory_space<hbm>> -> memref<512xi32, #tpu.memory_space<hbm>>
        tpu.enqueue_dma source(%dma_start3A_710 : memref<512xi32, #tpu.memory_space<hbm>>) target(%arg10 : memref<512xi32, #tpu.memory_space<vmem>>) target_semaphore(%run_scoped3A_705 : memref<!tpu.dma_semaphore, #tpu.memory_space<semaphore_mem>>)
        %dma_wait3A = arith.constant 0 : i32
        %dma_wait3A_711 = tpu.memref_slice %arg3[%add3A, %dma_wait3A] : memref<16x512xi32, #tpu.memory_space<hbm>> -> memref<1x512xi32, #tpu.memory_space<hbm>>
        %dma_wait3A_712 = tpu.memref_squeeze %dma_wait3A_711 : memref<1x512xi32, #tpu.memory_space<hbm>> -> memref<512xi32, #tpu.memory_space<hbm>>
        %dma_wait3A_713 = arith.constant 0 : i32
        %dma_wait3A_714 = tpu.memref_slice %arg3[%add3A, %dma_wait3A_713] : memref<16x512xi32, #tpu.memory_space<hbm>> -> memref<1x512xi32, #tpu.memory_space<hbm>>
        %dma_wait3A_715 = tpu.memref_squeeze %dma_wait3A_714 : memref<1x512xi32, #tpu.memory_space<hbm>> -> memref<512xi32, #tpu.memory_space<hbm>>
        tpu.wait_dma2 semaphore(%run_scoped3A_705 : memref<!tpu.dma_semaphore, #tpu.memory_space<semaphore_mem>>) src(%dma_wait3A_715 : memref<512xi32, #tpu.memory_space<hbm>>) dst(%arg10 : memref<512xi32, #tpu.memory_space<vmem>>)
        tpu.yield
      }) : () -> ()
      %run_scoped3A = arith.constant 15 : i32
      "tpu.region"() ({
        %run_scoped3A_705 = tpu.sem_alloc : memref<!tpu.dma_semaphore, #tpu.memory_space<semaphore_mem>>
        %dma_start3A = arith.constant 0 : i32
        %dma_start3A_706 = tpu.memref_slice %arg3[%run_scoped3A, %dma_start3A] : memref<16x512xi32, #tpu.memory_space<hbm>> -> memref<1x512xi32, #tpu.memory_space<hbm>>
        %dma_start3A_707 = tpu.memref_squeeze %dma_start3A_706 : memref<1x512xi32, #tpu.memory_space<hbm>> -> memref<512xi32, #tpu.memory_space<hbm>>
        %dma_start3A_708 = arith.constant 0 : i32
        %dma_start3A_709 = tpu.memref_slice %arg3[%run_scoped3A, %dma_start3A_708] : memref<16x512xi32, #tpu.memory_space<hbm>> -> memref<1x512xi32, #tpu.memory_space<hbm>>
        %dma_start3A_710 = tpu.memref_squeeze %dma_start3A_709 : memref<1x512xi32, #tpu.memory_space<hbm>> -> memref<512xi32, #tpu.memory_space<hbm>>
        tpu.enqueue_dma source(%dma_start3A_710 : memref<512xi32, #tpu.memory_space<hbm>>) target(%arg11 : memref<512xi32, #tpu.memory_space<vmem>>) target_semaphore(%run_scoped3A_705 : memref<!tpu.dma_semaphore, #tpu.memory_space<semaphore_mem>>)
        %dma_wait3A = arith.constant 0 : i32
        %dma_wait3A_711 = tpu.memref_slice %arg3[%run_scoped3A, %dma_wait3A] : memref<16x512xi32, #tpu.memory_space<hbm>> -> memref<1x512xi32, #tpu.memory_space<hbm>>
        %dma_wait3A_712 = tpu.memref_squeeze %dma_wait3A_711 : memref<1x512xi32, #tpu.memory_space<hbm>> -> memref<512xi32, #tpu.memory_space<hbm>>
        %dma_wait3A_713 = arith.constant 0 : i32
        %dma_wait3A_714 = tpu.memref_slice %arg3[%run_scoped3A, %dma_wait3A_713] : memref<16x512xi32, #tpu.memory_space<hbm>> -> memref<1x512xi32, #tpu.memory_space<hbm>>
        %dma_wait3A_715 = tpu.memref_squeeze %dma_wait3A_714 : memref<1x512xi32, #tpu.memory_space<hbm>> -> memref<512xi32, #tpu.memory_space<hbm>>
        tpu.wait_dma2 semaphore(%run_scoped3A_705 : memref<!tpu.dma_semaphore, #tpu.memory_space<semaphore_mem>>) src(%dma_wait3A_715 : memref<512xi32, #tpu.memory_space<hbm>>) dst(%arg11 : memref<512xi32, #tpu.memory_space<vmem>>)
        tpu.yield
      }) : () -> ()
      %broadcast_in_dim3A_34 = vector.broadcast %add3A : i32 to vector<16xi32>
      %add3A_35 = arith.constant 0 : i32
      %add3A_36 = vector.broadcast %add3A_35 : i32 to vector<16xi32>
      %add3A_37 = arith.addi %add3A_36, %iota3A : vector<16xi32>
      %mul3A_38 = arith.constant 16 : i32
      %mul3A_39 = vector.broadcast %mul3A_38 : i32 to vector<16xi32>
      %mul3A_40 = arith.muli %add3A_37, %mul3A_39 : vector<16xi32>
      %add3A_41 = arith.addi %mul3A_40, %broadcast_in_dim3A_34 : vector<16xi32>
      %gather3A = tpu.vector_load_idx %arg9[%add3A_41] : memref<8192xf32, #tpu.memory_space<vmem>>[vector<16xi32>], vector<16xf32>,
      %get3A_42 = arith.constant 0 : index
      %get3A_43 = tpu.vector_load %arg10[%get3A_42] {strides = array<i32>} : memref<512xi32, #tpu.memory_space<vmem>>, vector<16xi32>,
      tpu.vector_store_idx %arg12[%get3A_43], %gather3A : memref<512xf32, #tpu.memory_space<vmem>>[vector<16xi32>], vector<16xf32>,
      %sub3A_44 = arith.constant 511 : i32
      %sub3A_45 = vector.broadcast %sub3A_44 : i32 to vector<16xi32>
      %sub3A_46 = arith.subi %sub3A_45, %add3A_37 : vector<16xi32>
      %shift_right_arithmetic3A = arith.constant 6 : i32
      %shift_right_arithmetic3A_47 = vector.broadcast %shift_right_arithmetic3A : i32 to vector<16xi32>
      %shift_right_arithmetic3A_48 = arith.shrsi %sub3A_46, %shift_right_arithmetic3A_47 : vector<16xi32>
      %add3A_49 = arith.constant 1 : i32
      %add3A_50 = vector.broadcast %add3A_49 : i32 to vector<16xi32>
      %add3A_51 = arith.addi %shift_right_arithmetic3A_48, %add3A_50 : vector<16xi32>
      %get3A_52 = arith.constant 0 : index
      %get3A_53 = tpu.vector_load %arg11[%get3A_52] {strides = array<i32>} : memref<512xi32, #tpu.memory_space<vmem>>, vector<16xi32>,
      tpu.vector_store_idx %arg13[%get3A_53], %add3A_51 : memref<512xi32, #tpu.memory_space<vmem>>[vector<16xi32>], vector<16xi32>,
      %add3A_54 = arith.constant 16 : i32
      %add3A_55 = vector.broadcast %add3A_54 : i32 to vector<16xi32>
      %add3A_56 = arith.addi %add3A_55, %iota3A : vector<16xi32>
      %mul3A_57 = arith.constant 16 : i32
      %mul3A_58 = vector.broadcast %mul3A_57 : i32 to vector<16xi32>
      %mul3A_59 = arith.muli %add3A_56, %mul3A_58 : vector<16xi32>
      %add3A_60 = arith.addi %mul3A_59, %broadcast_in_dim3A_34 : vector<16xi32>
      %gather3A_61 = tpu.vector_load_idx %arg9[%add3A_60] : memref<8192xf32, #tpu.memory_space<vmem>>[vector<16xi32>], vector<16xf32>,
      %get3A_62 = arith.constant 16 : index
      %get3A_63 = tpu.vector_load %arg10[%get3A_62] {strides = array<i32>} : memref<512xi32, #tpu.memory_space<vmem>>, vector<16xi32>,
      tpu.vector_store_idx %arg12[%get3A_63], %gather3A_61 : memref<512xf32, #tpu.memory_space<vmem>>[vector<16xi32>], vector<16xf32>,
      %sub3A_64 = arith.constant 511 : i32
      %sub3A_65 = vector.broadcast %sub3A_64 : i32 to vector<16xi32>
      %sub3A_66 = arith.subi %sub3A_65, %add3A_56 : vector<16xi32>
      %shift_right_arithmetic3A_67 = arith.constant 6 : i32
      %shift_right_arithmetic3A_68 = vector.broadcast %shift_right_arithmetic3A_67 : i32 to vector<16xi32>
      %shift_right_arithmetic3A_69 = arith.shrsi %sub3A_66, %shift_right_arithmetic3A_68 : vector<16xi32>
      %add3A_70 = arith.constant 1 : i32
      %add3A_71 = vector.broadcast %add3A_70 : i32 to vector<16xi32>
      %add3A_72 = arith.addi %shift_right_arithmetic3A_69, %add3A_71 : vector<16xi32>
      %get3A_73 = arith.constant 16 : index
      %get3A_74 = tpu.vector_load %arg11[%get3A_73] {strides = array<i32>} : memref<512xi32, #tpu.memory_space<vmem>>, vector<16xi32>,
      tpu.vector_store_idx %arg13[%get3A_74], %add3A_72 : memref<512xi32, #tpu.memory_space<vmem>>[vector<16xi32>], vector<16xi32>,
      %add3A_75 = arith.constant 32 : i32
      %add3A_76 = vector.broadcast %add3A_75 : i32 to vector<16xi32>
      %add3A_77 = arith.addi %add3A_76, %iota3A : vector<16xi32>
      %mul3A_78 = arith.constant 16 : i32
      %mul3A_79 = vector.broadcast %mul3A_78 : i32 to vector<16xi32>
      %mul3A_80 = arith.muli %add3A_77, %mul3A_79 : vector<16xi32>
      %add3A_81 = arith.addi %mul3A_80, %broadcast_in_dim3A_34 : vector<16xi32>
      %gather3A_82 = tpu.vector_load_idx %arg9[%add3A_81] : memref<8192xf32, #tpu.memory_space<vmem>>[vector<16xi32>], vector<16xf32>,
      %get3A_83 = arith.constant 32 : index
      %get3A_84 = tpu.vector_load %arg10[%get3A_83] {strides = array<i32>} : memref<512xi32, #tpu.memory_space<vmem>>, vector<16xi32>,
      tpu.vector_store_idx %arg12[%get3A_84], %gather3A_82 : memref<512xf32, #tpu.memory_space<vmem>>[vector<16xi32>], vector<16xf32>,
      %sub3A_85 = arith.constant 511 : i32
      %sub3A_86 = vector.broadcast %sub3A_85 : i32 to vector<16xi32>
      %sub3A_87 = arith.subi %sub3A_86, %add3A_77 : vector<16xi32>
      %shift_right_arithmetic3A_88 = arith.constant 6 : i32
      %shift_right_arithmetic3A_89 = vector.broadcast %shift_right_arithmetic3A_88 : i32 to vector<16xi32>
      %shift_right_arithmetic3A_90 = arith.shrsi %sub3A_87, %shift_right_arithmetic3A_89 : vector<16xi32>
      %add3A_91 = arith.constant 1 : i32
      %add3A_92 = vector.broadcast %add3A_91 : i32 to vector<16xi32>
      %add3A_93 = arith.addi %shift_right_arithmetic3A_90, %add3A_92 : vector<16xi32>
      %get3A_94 = arith.constant 32 : index
      %get3A_95 = tpu.vector_load %arg11[%get3A_94] {strides = array<i32>} : memref<512xi32, #tpu.memory_space<vmem>>, vector<16xi32>,
      tpu.vector_store_idx %arg13[%get3A_95], %add3A_93 : memref<512xi32, #tpu.memory_space<vmem>>[vector<16xi32>], vector<16xi32>,
      %add3A_96 = arith.constant 48 : i32
      %add3A_97 = vector.broadcast %add3A_96 : i32 to vector<16xi32>
      %add3A_98 = arith.addi %add3A_97, %iota3A : vector<16xi32>
      %mul3A_99 = arith.constant 16 : i32
      %mul3A_100 = vector.broadcast %mul3A_99 : i32 to vector<16xi32>
      %mul3A_101 = arith.muli %add3A_98, %mul3A_100 : vector<16xi32>
      %add3A_102 = arith.addi %mul3A_101, %broadcast_in_dim3A_34 : vector<16xi32>
      %gather3A_103 = tpu.vector_load_idx %arg9[%add3A_102] : memref<8192xf32, #tpu.memory_space<vmem>>[vector<16xi32>], vector<16xf32>,
      %get3A_104 = arith.constant 48 : index
      %get3A_105 = tpu.vector_load %arg10[%get3A_104] {strides = array<i32>} : memref<512xi32, #tpu.memory_space<vmem>>, vector<16xi32>,
      tpu.vector_store_idx %arg12[%get3A_105], %gather3A_103 : memref<512xf32, #tpu.memory_space<vmem>>[vector<16xi32>], vector<16xf32>,
      %sub3A_106 = arith.constant 511 : i32
      %sub3A_107 = vector.broadcast %sub3A_106 : i32 to vector<16xi32>
      %sub3A_108 = arith.subi %sub3A_107, %add3A_98 : vector<16xi32>
      %shift_right_arithmetic3A_109 = arith.constant 6 : i32
      %shift_right_arithmetic3A_110 = vector.broadcast %shift_right_arithmetic3A_109 : i32 to vector<16xi32>
      %shift_right_arithmetic3A_111 = arith.shrsi %sub3A_108, %shift_right_arithmetic3A_110 : vector<16xi32>
      %add3A_112 = arith.constant 1 : i32
      %add3A_113 = vector.broadcast %add3A_112 : i32 to vector<16xi32>
      %add3A_114 = arith.addi %shift_right_arithmetic3A_111, %add3A_113 : vector<16xi32>
      %get3A_115 = arith.constant 48 : index
      %get3A_116 = tpu.vector_load %arg11[%get3A_115] {strides = array<i32>} : memref<512xi32, #tpu.memory_space<vmem>>, vector<16xi32>,
      tpu.vector_store_idx %arg13[%get3A_116], %add3A_114 : memref<512xi32, #tpu.memory_space<vmem>>[vector<16xi32>], vector<16xi32>,
      %add3A_117 = arith.constant 64 : i32
      %add3A_118 = vector.broadcast %add3A_117 : i32 to vector<16xi32>
      %add3A_119 = arith.addi %add3A_118, %iota3A : vector<16xi32>
      %mul3A_120 = arith.constant 16 : i32
      %mul3A_121 = vector.broadcast %mul3A_120 : i32 to vector<16xi32>
      %mul3A_122 = arith.muli %add3A_119, %mul3A_121 : vector<16xi32>
      %add3A_123 = arith.addi %mul3A_122, %broadcast_in_dim3A_34 : vector<16xi32>
      %gather3A_124 = tpu.vector_load_idx %arg9[%add3A_123] : memref<8192xf32, #tpu.memory_space<vmem>>[vector<16xi32>], vector<16xf32>,
      %get3A_125 = arith.constant 64 : index
      %get3A_126 = tpu.vector_load %arg10[%get3A_125] {strides = array<i32>} : memref<512xi32, #tpu.memory_space<vmem>>, vector<16xi32>,
      tpu.vector_store_idx %arg12[%get3A_126], %gather3A_124 : memref<512xf32, #tpu.memory_space<vmem>>[vector<16xi32>], vector<16xf32>,
      %sub3A_127 = arith.constant 511 : i32
      %sub3A_128 = vector.broadcast %sub3A_127 : i32 to vector<16xi32>
      %sub3A_129 = arith.subi %sub3A_128, %add3A_119 : vector<16xi32>
      %shift_right_arithmetic3A_130 = arith.constant 6 : i32
      %shift_right_arithmetic3A_131 = vector.broadcast %shift_right_arithmetic3A_130 : i32 to vector<16xi32>
      %shift_right_arithmetic3A_132 = arith.shrsi %sub3A_129, %shift_right_arithmetic3A_131 : vector<16xi32>
      %add3A_133 = arith.constant 1 : i32
      %add3A_134 = vector.broadcast %add3A_133 : i32 to vector<16xi32>
      %add3A_135 = arith.addi %shift_right_arithmetic3A_132, %add3A_134 : vector<16xi32>
      %get3A_136 = arith.constant 64 : index
      %get3A_137 = tpu.vector_load %arg11[%get3A_136] {strides = array<i32>} : memref<512xi32, #tpu.memory_space<vmem>>, vector<16xi32>,
      tpu.vector_store_idx %arg13[%get3A_137], %add3A_135 : memref<512xi32, #tpu.memory_space<vmem>>[vector<16xi32>], vector<16xi32>,
      %add3A_138 = arith.constant 80 : i32
      %add3A_139 = vector.broadcast %add3A_138 : i32 to vector<16xi32>
      %add3A_140 = arith.addi %add3A_139, %iota3A : vector<16xi32>
      %mul3A_141 = arith.constant 16 : i32
      %mul3A_142 = vector.broadcast %mul3A_141 : i32 to vector<16xi32>
      %mul3A_143 = arith.muli %add3A_140, %mul3A_142 : vector<16xi32>
      %add3A_144 = arith.addi %mul3A_143, %broadcast_in_dim3A_34 : vector<16xi32>
      %gather3A_145 = tpu.vector_load_idx %arg9[%add3A_144] : memref<8192xf32, #tpu.memory_space<vmem>>[vector<16xi32>], vector<16xf32>,
      %get3A_146 = arith.constant 80 : index
      %get3A_147 = tpu.vector_load %arg10[%get3A_146] {strides = array<i32>} : memref<512xi32, #tpu.memory_space<vmem>>, vector<16xi32>,
      tpu.vector_store_idx %arg12[%get3A_147], %gather3A_145 : memref<512xf32, #tpu.memory_space<vmem>>[vector<16xi32>], vector<16xf32>,
      %sub3A_148 = arith.constant 511 : i32
      %sub3A_149 = vector.broadcast %sub3A_148 : i32 to vector<16xi32>
      %sub3A_150 = arith.subi %sub3A_149, %add3A_140 : vector<16xi32>
      %shift_right_arithmetic3A_151 = arith.constant 6 : i32
      %shift_right_arithmetic3A_152 = vector.broadcast %shift_right_arithmetic3A_151 : i32 to vector<16xi32>
      %shift_right_arithmetic3A_153 = arith.shrsi %sub3A_150, %shift_right_arithmetic3A_152 : vector<16xi32>
      %add3A_154 = arith.constant 1 : i32
      %add3A_155 = vector.broadcast %add3A_154 : i32 to vector<16xi32>
      %add3A_156 = arith.addi %shift_right_arithmetic3A_153, %add3A_155 : vector<16xi32>
      %get3A_157 = arith.constant 80 : index
      %get3A_158 = tpu.vector_load %arg11[%get3A_157] {strides = array<i32>} : memref<512xi32, #tpu.memory_space<vmem>>, vector<16xi32>,
      tpu.vector_store_idx %arg13[%get3A_158], %add3A_156 : memref<512xi32, #tpu.memory_space<vmem>>[vector<16xi32>], vector<16xi32>,
      %add3A_159 = arith.constant 96 : i32
      %add3A_160 = vector.broadcast %add3A_159 : i32 to vector<16xi32>
      %add3A_161 = arith.addi %add3A_160, %iota3A : vector<16xi32>
      %mul3A_162 = arith.constant 16 : i32
      %mul3A_163 = vector.broadcast %mul3A_162 : i32 to vector<16xi32>
      %mul3A_164 = arith.muli %add3A_161, %mul3A_163 : vector<16xi32>
      %add3A_165 = arith.addi %mul3A_164, %broadcast_in_dim3A_34 : vector<16xi32>
      %gather3A_166 = tpu.vector_load_idx %arg9[%add3A_165] : memref<8192xf32, #tpu.memory_space<vmem>>[vector<16xi32>], vector<16xf32>,
      %get3A_167 = arith.constant 96 : index
      %get3A_168 = tpu.vector_load %arg10[%get3A_167] {strides = array<i32>} : memref<512xi32, #tpu.memory_space<vmem>>, vector<16xi32>,
      tpu.vector_store_idx %arg12[%get3A_168], %gather3A_166 : memref<512xf32, #tpu.memory_space<vmem>>[vector<16xi32>], vector<16xf32>,
      %sub3A_169 = arith.constant 511 : i32
      %sub3A_170 = vector.broadcast %sub3A_169 : i32 to vector<16xi32>
      %sub3A_171 = arith.subi %sub3A_170, %add3A_161 : vector<16xi32>
      %shift_right_arithmetic3A_172 = arith.constant 6 : i32
      %shift_right_arithmetic3A_173 = vector.broadcast %shift_right_arithmetic3A_172 : i32 to vector<16xi32>
      %shift_right_arithmetic3A_174 = arith.shrsi %sub3A_171, %shift_right_arithmetic3A_173 : vector<16xi32>
      %add3A_175 = arith.constant 1 : i32
      %add3A_176 = vector.broadcast %add3A_175 : i32 to vector<16xi32>
      %add3A_177 = arith.addi %shift_right_arithmetic3A_174, %add3A_176 : vector<16xi32>
      %get3A_178 = arith.constant 96 : index
      %get3A_179 = tpu.vector_load %arg11[%get3A_178] {strides = array<i32>} : memref<512xi32, #tpu.memory_space<vmem>>, vector<16xi32>,
      tpu.vector_store_idx %arg13[%get3A_179], %add3A_177 : memref<512xi32, #tpu.memory_space<vmem>>[vector<16xi32>], vector<16xi32>,
      %add3A_180 = arith.constant 112 : i32
      %add3A_181 = vector.broadcast %add3A_180 : i32 to vector<16xi32>
      %add3A_182 = arith.addi %add3A_181, %iota3A : vector<16xi32>
      %mul3A_183 = arith.constant 16 : i32
      %mul3A_184 = vector.broadcast %mul3A_183 : i32 to vector<16xi32>
      %mul3A_185 = arith.muli %add3A_182, %mul3A_184 : vector<16xi32>
      %add3A_186 = arith.addi %mul3A_185, %broadcast_in_dim3A_34 : vector<16xi32>
      %gather3A_187 = tpu.vector_load_idx %arg9[%add3A_186] : memref<8192xf32, #tpu.memory_space<vmem>>[vector<16xi32>], vector<16xf32>,
      %get3A_188 = arith.constant 112 : index
      %get3A_189 = tpu.vector_load %arg10[%get3A_188] {strides = array<i32>} : memref<512xi32, #tpu.memory_space<vmem>>, vector<16xi32>,
      tpu.vector_store_idx %arg12[%get3A_189], %gather3A_187 : memref<512xf32, #tpu.memory_space<vmem>>[vector<16xi32>], vector<16xf32>,
      %sub3A_190 = arith.constant 511 : i32
      %sub3A_191 = vector.broadcast %sub3A_190 : i32 to vector<16xi32>
      %sub3A_192 = arith.subi %sub3A_191, %add3A_182 : vector<16xi32>
      %shift_right_arithmetic3A_193 = arith.constant 6 : i32
      %shift_right_arithmetic3A_194 = vector.broadcast %shift_right_arithmetic3A_193 : i32 to vector<16xi32>
      %shift_right_arithmetic3A_195 = arith.shrsi %sub3A_192, %shift_right_arithmetic3A_194 : vector<16xi32>
      %add3A_196 = arith.constant 1 : i32
      %add3A_197 = vector.broadcast %add3A_196 : i32 to vector<16xi32>
      %add3A_198 = arith.addi %shift_right_arithmetic3A_195, %add3A_197 : vector<16xi32>
      %get3A_199 = arith.constant 112 : index
      %get3A_200 = tpu.vector_load %arg11[%get3A_199] {strides = array<i32>} : memref<512xi32, #tpu.memory_space<vmem>>, vector<16xi32>,
      tpu.vector_store_idx %arg13[%get3A_200], %add3A_198 : memref<512xi32, #tpu.memory_space<vmem>>[vector<16xi32>], vector<16xi32>,
      %add3A_201 = arith.constant 128 : i32
      %add3A_202 = vector.broadcast %add3A_201 : i32 to vector<16xi32>
      %add3A_203 = arith.addi %add3A_202, %iota3A : vector<16xi32>
      %mul3A_204 = arith.constant 16 : i32
      %mul3A_205 = vector.broadcast %mul3A_204 : i32 to vector<16xi32>
      %mul3A_206 = arith.muli %add3A_203, %mul3A_205 : vector<16xi32>
      %add3A_207 = arith.addi %mul3A_206, %broadcast_in_dim3A_34 : vector<16xi32>
      %gather3A_208 = tpu.vector_load_idx %arg9[%add3A_207] : memref<8192xf32, #tpu.memory_space<vmem>>[vector<16xi32>], vector<16xf32>,
      %get3A_209 = arith.constant 128 : index
      %get3A_210 = tpu.vector_load %arg10[%get3A_209] {strides = array<i32>} : memref<512xi32, #tpu.memory_space<vmem>>, vector<16xi32>,
      tpu.vector_store_idx %arg12[%get3A_210], %gather3A_208 : memref<512xf32, #tpu.memory_space<vmem>>[vector<16xi32>], vector<16xf32>,
      %sub3A_211 = arith.constant 511 : i32
      %sub3A_212 = vector.broadcast %sub3A_211 : i32 to vector<16xi32>
      %sub3A_213 = arith.subi %sub3A_212, %add3A_203 : vector<16xi32>
      %shift_right_arithmetic3A_214 = arith.constant 6 : i32
      %shift_right_arithmetic3A_215 = vector.broadcast %shift_right_arithmetic3A_214 : i32 to vector<16xi32>
      %shift_right_arithmetic3A_216 = arith.shrsi %sub3A_213, %shift_right_arithmetic3A_215 : vector<16xi32>
      %add3A_217 = arith.constant 1 : i32
      %add3A_218 = vector.broadcast %add3A_217 : i32 to vector<16xi32>
      %add3A_219 = arith.addi %shift_right_arithmetic3A_216, %add3A_218 : vector<16xi32>
      %get3A_220 = arith.constant 128 : index
      %get3A_221 = tpu.vector_load %arg11[%get3A_220] {strides = array<i32>} : memref<512xi32, #tpu.memory_space<vmem>>, vector<16xi32>,
      tpu.vector_store_idx %arg13[%get3A_221], %add3A_219 : memref<512xi32, #tpu.memory_space<vmem>>[vector<16xi32>], vector<16xi32>,
      %add3A_222 = arith.constant 144 : i32
      %add3A_223 = vector.broadcast %add3A_222 : i32 to vector<16xi32>
      %add3A_224 = arith.addi %add3A_223, %iota3A : vector<16xi32>
      %mul3A_225 = arith.constant 16 : i32
      %mul3A_226 = vector.broadcast %mul3A_225 : i32 to vector<16xi32>
      %mul3A_227 = arith.muli %add3A_224, %mul3A_226 : vector<16xi32>
      %add3A_228 = arith.addi %mul3A_227, %broadcast_in_dim3A_34 : vector<16xi32>
      %gather3A_229 = tpu.vector_load_idx %arg9[%add3A_228] : memref<8192xf32, #tpu.memory_space<vmem>>[vector<16xi32>], vector<16xf32>,
      %get3A_230 = arith.constant 144 : index
      %get3A_231 = tpu.vector_load %arg10[%get3A_230] {strides = array<i32>} : memref<512xi32, #tpu.memory_space<vmem>>, vector<16xi32>,
      tpu.vector_store_idx %arg12[%get3A_231], %gather3A_229 : memref<512xf32, #tpu.memory_space<vmem>>[vector<16xi32>], vector<16xf32>,
      %sub3A_232 = arith.constant 511 : i32
      %sub3A_233 = vector.broadcast %sub3A_232 : i32 to vector<16xi32>
      %sub3A_234 = arith.subi %sub3A_233, %add3A_224 : vector<16xi32>
      %shift_right_arithmetic3A_235 = arith.constant 6 : i32
      %shift_right_arithmetic3A_236 = vector.broadcast %shift_right_arithmetic3A_235 : i32 to vector<16xi32>
      %shift_right_arithmetic3A_237 = arith.shrsi %sub3A_234, %shift_right_arithmetic3A_236 : vector<16xi32>
      %add3A_238 = arith.constant 1 : i32
      %add3A_239 = vector.broadcast %add3A_238 : i32 to vector<16xi32>
      %add3A_240 = arith.addi %shift_right_arithmetic3A_237, %add3A_239 : vector<16xi32>
      %get3A_241 = arith.constant 144 : index
      %get3A_242 = tpu.vector_load %arg11[%get3A_241] {strides = array<i32>} : memref<512xi32, #tpu.memory_space<vmem>>, vector<16xi32>,
      tpu.vector_store_idx %arg13[%get3A_242], %add3A_240 : memref<512xi32, #tpu.memory_space<vmem>>[vector<16xi32>], vector<16xi32>,
      %add3A_243 = arith.constant 160 : i32
      %add3A_244 = vector.broadcast %add3A_243 : i32 to vector<16xi32>
      %add3A_245 = arith.addi %add3A_244, %iota3A : vector<16xi32>
      %mul3A_246 = arith.constant 16 : i32
      %mul3A_247 = vector.broadcast %mul3A_246 : i32 to vector<16xi32>
      %mul3A_248 = arith.muli %add3A_245, %mul3A_247 : vector<16xi32>
      %add3A_249 = arith.addi %mul3A_248, %broadcast_in_dim3A_34 : vector<16xi32>
      %gather3A_250 = tpu.vector_load_idx %arg9[%add3A_249] : memref<8192xf32, #tpu.memory_space<vmem>>[vector<16xi32>], vector<16xf32>,
      %get3A_251 = arith.constant 160 : index
      %get3A_252 = tpu.vector_load %arg10[%get3A_251] {strides = array<i32>} : memref<512xi32, #tpu.memory_space<vmem>>, vector<16xi32>,
      tpu.vector_store_idx %arg12[%get3A_252], %gather3A_250 : memref<512xf32, #tpu.memory_space<vmem>>[vector<16xi32>], vector<16xf32>,
      %sub3A_253 = arith.constant 511 : i32
      %sub3A_254 = vector.broadcast %sub3A_253 : i32 to vector<16xi32>
      %sub3A_255 = arith.subi %sub3A_254, %add3A_245 : vector<16xi32>
      %shift_right_arithmetic3A_256 = arith.constant 6 : i32
      %shift_right_arithmetic3A_257 = vector.broadcast %shift_right_arithmetic3A_256 : i32 to vector<16xi32>
      %shift_right_arithmetic3A_258 = arith.shrsi %sub3A_255, %shift_right_arithmetic3A_257 : vector<16xi32>
      %add3A_259 = arith.constant 1 : i32
      %add3A_260 = vector.broadcast %add3A_259 : i32 to vector<16xi32>
      %add3A_261 = arith.addi %shift_right_arithmetic3A_258, %add3A_260 : vector<16xi32>
      %get3A_262 = arith.constant 160 : index
      %get3A_263 = tpu.vector_load %arg11[%get3A_262] {strides = array<i32>} : memref<512xi32, #tpu.memory_space<vmem>>, vector<16xi32>,
      tpu.vector_store_idx %arg13[%get3A_263], %add3A_261 : memref<512xi32, #tpu.memory_space<vmem>>[vector<16xi32>], vector<16xi32>,
      %add3A_264 = arith.constant 176 : i32
      %add3A_265 = vector.broadcast %add3A_264 : i32 to vector<16xi32>
      %add3A_266 = arith.addi %add3A_265, %iota3A : vector<16xi32>
      %mul3A_267 = arith.constant 16 : i32
      %mul3A_268 = vector.broadcast %mul3A_267 : i32 to vector<16xi32>
      %mul3A_269 = arith.muli %add3A_266, %mul3A_268 : vector<16xi32>
      %add3A_270 = arith.addi %mul3A_269, %broadcast_in_dim3A_34 : vector<16xi32>
      %gather3A_271 = tpu.vector_load_idx %arg9[%add3A_270] : memref<8192xf32, #tpu.memory_space<vmem>>[vector<16xi32>], vector<16xf32>,
      %get3A_272 = arith.constant 176 : index
      %get3A_273 = tpu.vector_load %arg10[%get3A_272] {strides = array<i32>} : memref<512xi32, #tpu.memory_space<vmem>>, vector<16xi32>,
      tpu.vector_store_idx %arg12[%get3A_273], %gather3A_271 : memref<512xf32, #tpu.memory_space<vmem>>[vector<16xi32>], vector<16xf32>,
      %sub3A_274 = arith.constant 511 : i32
      %sub3A_275 = vector.broadcast %sub3A_274 : i32 to vector<16xi32>
      %sub3A_276 = arith.subi %sub3A_275, %add3A_266 : vector<16xi32>
      %shift_right_arithmetic3A_277 = arith.constant 6 : i32
      %shift_right_arithmetic3A_278 = vector.broadcast %shift_right_arithmetic3A_277 : i32 to vector<16xi32>
      %shift_right_arithmetic3A_279 = arith.shrsi %sub3A_276, %shift_right_arithmetic3A_278 : vector<16xi32>
      %add3A_280 = arith.constant 1 : i32
      %add3A_281 = vector.broadcast %add3A_280 : i32 to vector<16xi32>
      %add3A_282 = arith.addi %shift_right_arithmetic3A_279, %add3A_281 : vector<16xi32>
      %get3A_283 = arith.constant 176 : index
      %get3A_284 = tpu.vector_load %arg11[%get3A_283] {strides = array<i32>} : memref<512xi32, #tpu.memory_space<vmem>>, vector<16xi32>,
      tpu.vector_store_idx %arg13[%get3A_284], %add3A_282 : memref<512xi32, #tpu.memory_space<vmem>>[vector<16xi32>], vector<16xi32>,
      %add3A_285 = arith.constant 192 : i32
      %add3A_286 = vector.broadcast %add3A_285 : i32 to vector<16xi32>
      %add3A_287 = arith.addi %add3A_286, %iota3A : vector<16xi32>
      %mul3A_288 = arith.constant 16 : i32
      %mul3A_289 = vector.broadcast %mul3A_288 : i32 to vector<16xi32>
      %mul3A_290 = arith.muli %add3A_287, %mul3A_289 : vector<16xi32>
      %add3A_291 = arith.addi %mul3A_290, %broadcast_in_dim3A_34 : vector<16xi32>
      %gather3A_292 = tpu.vector_load_idx %arg9[%add3A_291] : memref<8192xf32, #tpu.memory_space<vmem>>[vector<16xi32>], vector<16xf32>,
      %get3A_293 = arith.constant 192 : index
      %get3A_294 = tpu.vector_load %arg10[%get3A_293] {strides = array<i32>} : memref<512xi32, #tpu.memory_space<vmem>>, vector<16xi32>,
      tpu.vector_store_idx %arg12[%get3A_294], %gather3A_292 : memref<512xf32, #tpu.memory_space<vmem>>[vector<16xi32>], vector<16xf32>,
      %sub3A_295 = arith.constant 511 : i32
      %sub3A_296 = vector.broadcast %sub3A_295 : i32 to vector<16xi32>
      %sub3A_297 = arith.subi %sub3A_296, %add3A_287 : vector<16xi32>
      %shift_right_arithmetic3A_298 = arith.constant 6 : i32
      %shift_right_arithmetic3A_299 = vector.broadcast %shift_right_arithmetic3A_298 : i32 to vector<16xi32>
      %shift_right_arithmetic3A_300 = arith.shrsi %sub3A_297, %shift_right_arithmetic3A_299 : vector<16xi32>
      %add3A_301 = arith.constant 1 : i32
      %add3A_302 = vector.broadcast %add3A_301 : i32 to vector<16xi32>
      %add3A_303 = arith.addi %shift_right_arithmetic3A_300, %add3A_302 : vector<16xi32>
      %get3A_304 = arith.constant 192 : index
      %get3A_305 = tpu.vector_load %arg11[%get3A_304] {strides = array<i32>} : memref<512xi32, #tpu.memory_space<vmem>>, vector<16xi32>,
      tpu.vector_store_idx %arg13[%get3A_305], %add3A_303 : memref<512xi32, #tpu.memory_space<vmem>>[vector<16xi32>], vector<16xi32>,
      %add3A_306 = arith.constant 208 : i32
      %add3A_307 = vector.broadcast %add3A_306 : i32 to vector<16xi32>
      %add3A_308 = arith.addi %add3A_307, %iota3A : vector<16xi32>
      %mul3A_309 = arith.constant 16 : i32
      %mul3A_310 = vector.broadcast %mul3A_309 : i32 to vector<16xi32>
      %mul3A_311 = arith.muli %add3A_308, %mul3A_310 : vector<16xi32>
      %add3A_312 = arith.addi %mul3A_311, %broadcast_in_dim3A_34 : vector<16xi32>
      %gather3A_313 = tpu.vector_load_idx %arg9[%add3A_312] : memref<8192xf32, #tpu.memory_space<vmem>>[vector<16xi32>], vector<16xf32>,
      %get3A_314 = arith.constant 208 : index
      %get3A_315 = tpu.vector_load %arg10[%get3A_314] {strides = array<i32>} : memref<512xi32, #tpu.memory_space<vmem>>, vector<16xi32>,
      tpu.vector_store_idx %arg12[%get3A_315], %gather3A_313 : memref<512xf32, #tpu.memory_space<vmem>>[vector<16xi32>], vector<16xf32>,
      %sub3A_316 = arith.constant 511 : i32
      %sub3A_317 = vector.broadcast %sub3A_316 : i32 to vector<16xi32>
      %sub3A_318 = arith.subi %sub3A_317, %add3A_308 : vector<16xi32>
      %shift_right_arithmetic3A_319 = arith.constant 6 : i32
      %shift_right_arithmetic3A_320 = vector.broadcast %shift_right_arithmetic3A_319 : i32 to vector<16xi32>
      %shift_right_arithmetic3A_321 = arith.shrsi %sub3A_318, %shift_right_arithmetic3A_320 : vector<16xi32>
      %add3A_322 = arith.constant 1 : i32
      %add3A_323 = vector.broadcast %add3A_322 : i32 to vector<16xi32>
      %add3A_324 = arith.addi %shift_right_arithmetic3A_321, %add3A_323 : vector<16xi32>
      %get3A_325 = arith.constant 208 : index
      %get3A_326 = tpu.vector_load %arg11[%get3A_325] {strides = array<i32>} : memref<512xi32, #tpu.memory_space<vmem>>, vector<16xi32>,
      tpu.vector_store_idx %arg13[%get3A_326], %add3A_324 : memref<512xi32, #tpu.memory_space<vmem>>[vector<16xi32>], vector<16xi32>,
      %add3A_327 = arith.constant 224 : i32
      %add3A_328 = vector.broadcast %add3A_327 : i32 to vector<16xi32>
      %add3A_329 = arith.addi %add3A_328, %iota3A : vector<16xi32>
      %mul3A_330 = arith.constant 16 : i32
      %mul3A_331 = vector.broadcast %mul3A_330 : i32 to vector<16xi32>
      %mul3A_332 = arith.muli %add3A_329, %mul3A_331 : vector<16xi32>
      %add3A_333 = arith.addi %mul3A_332, %broadcast_in_dim3A_34 : vector<16xi32>
      %gather3A_334 = tpu.vector_load_idx %arg9[%add3A_333] : memref<8192xf32, #tpu.memory_space<vmem>>[vector<16xi32>], vector<16xf32>,
      %get3A_335 = arith.constant 224 : index
      %get3A_336 = tpu.vector_load %arg10[%get3A_335] {strides = array<i32>} : memref<512xi32, #tpu.memory_space<vmem>>, vector<16xi32>,
      tpu.vector_store_idx %arg12[%get3A_336], %gather3A_334 : memref<512xf32, #tpu.memory_space<vmem>>[vector<16xi32>], vector<16xf32>,
      %sub3A_337 = arith.constant 511 : i32
      %sub3A_338 = vector.broadcast %sub3A_337 : i32 to vector<16xi32>
      %sub3A_339 = arith.subi %sub3A_338, %add3A_329 : vector<16xi32>
      %shift_right_arithmetic3A_340 = arith.constant 6 : i32
      %shift_right_arithmetic3A_341 = vector.broadcast %shift_right_arithmetic3A_340 : i32 to vector<16xi32>
      %shift_right_arithmetic3A_342 = arith.shrsi %sub3A_339, %shift_right_arithmetic3A_341 : vector<16xi32>
      %add3A_343 = arith.constant 1 : i32
      %add3A_344 = vector.broadcast %add3A_343 : i32 to vector<16xi32>
      %add3A_345 = arith.addi %shift_right_arithmetic3A_342, %add3A_344 : vector<16xi32>
      %get3A_346 = arith.constant 224 : index
      %get3A_347 = tpu.vector_load %arg11[%get3A_346] {strides = array<i32>} : memref<512xi32, #tpu.memory_space<vmem>>, vector<16xi32>,
      tpu.vector_store_idx %arg13[%get3A_347], %add3A_345 : memref<512xi32, #tpu.memory_space<vmem>>[vector<16xi32>], vector<16xi32>,
      %add3A_348 = arith.constant 240 : i32
      %add3A_349 = vector.broadcast %add3A_348 : i32 to vector<16xi32>
      %add3A_350 = arith.addi %add3A_349, %iota3A : vector<16xi32>
      %mul3A_351 = arith.constant 16 : i32
      %mul3A_352 = vector.broadcast %mul3A_351 : i32 to vector<16xi32>
      %mul3A_353 = arith.muli %add3A_350, %mul3A_352 : vector<16xi32>
      %add3A_354 = arith.addi %mul3A_353, %broadcast_in_dim3A_34 : vector<16xi32>
      %gather3A_355 = tpu.vector_load_idx %arg9[%add3A_354] : memref<8192xf32, #tpu.memory_space<vmem>>[vector<16xi32>], vector<16xf32>,
      %get3A_356 = arith.constant 240 : index
      %get3A_357 = tpu.vector_load %arg10[%get3A_356] {strides = array<i32>} : memref<512xi32, #tpu.memory_space<vmem>>, vector<16xi32>,
      tpu.vector_store_idx %arg12[%get3A_357], %gather3A_355 : memref<512xf32, #tpu.memory_space<vmem>>[vector<16xi32>], vector<16xf32>,
      %sub3A_358 = arith.constant 511 : i32
      %sub3A_359 = vector.broadcast %sub3A_358 : i32 to vector<16xi32>
      %sub3A_360 = arith.subi %sub3A_359, %add3A_350 : vector<16xi32>
      %shift_right_arithmetic3A_361 = arith.constant 6 : i32
      %shift_right_arithmetic3A_362 = vector.broadcast %shift_right_arithmetic3A_361 : i32 to vector<16xi32>
      %shift_right_arithmetic3A_363 = arith.shrsi %sub3A_360, %shift_right_arithmetic3A_362 : vector<16xi32>
      %add3A_364 = arith.constant 1 : i32
      %add3A_365 = vector.broadcast %add3A_364 : i32 to vector<16xi32>
      %add3A_366 = arith.addi %shift_right_arithmetic3A_363, %add3A_365 : vector<16xi32>
      %get3A_367 = arith.constant 240 : index
      %get3A_368 = tpu.vector_load %arg11[%get3A_367] {strides = array<i32>} : memref<512xi32, #tpu.memory_space<vmem>>, vector<16xi32>,
      tpu.vector_store_idx %arg13[%get3A_368], %add3A_366 : memref<512xi32, #tpu.memory_space<vmem>>[vector<16xi32>], vector<16xi32>,
      %add3A_369 = arith.constant 256 : i32
      %add3A_370 = vector.broadcast %add3A_369 : i32 to vector<16xi32>
      %add3A_371 = arith.addi %add3A_370, %iota3A : vector<16xi32>
      %mul3A_372 = arith.constant 16 : i32
      %mul3A_373 = vector.broadcast %mul3A_372 : i32 to vector<16xi32>
      %mul3A_374 = arith.muli %add3A_371, %mul3A_373 : vector<16xi32>
      %add3A_375 = arith.addi %mul3A_374, %broadcast_in_dim3A_34 : vector<16xi32>
      %gather3A_376 = tpu.vector_load_idx %arg9[%add3A_375] : memref<8192xf32, #tpu.memory_space<vmem>>[vector<16xi32>], vector<16xf32>,
      %get3A_377 = arith.constant 256 : index
      %get3A_378 = tpu.vector_load %arg10[%get3A_377] {strides = array<i32>} : memref<512xi32, #tpu.memory_space<vmem>>, vector<16xi32>,
      tpu.vector_store_idx %arg12[%get3A_378], %gather3A_376 : memref<512xf32, #tpu.memory_space<vmem>>[vector<16xi32>], vector<16xf32>,
      %sub3A_379 = arith.constant 511 : i32
      %sub3A_380 = vector.broadcast %sub3A_379 : i32 to vector<16xi32>
      %sub3A_381 = arith.subi %sub3A_380, %add3A_371 : vector<16xi32>
      %shift_right_arithmetic3A_382 = arith.constant 6 : i32
      %shift_right_arithmetic3A_383 = vector.broadcast %shift_right_arithmetic3A_382 : i32 to vector<16xi32>
      %shift_right_arithmetic3A_384 = arith.shrsi %sub3A_381, %shift_right_arithmetic3A_383 : vector<16xi32>
      %add3A_385 = arith.constant 1 : i32
      %add3A_386 = vector.broadcast %add3A_385 : i32 to vector<16xi32>
      %add3A_387 = arith.addi %shift_right_arithmetic3A_384, %add3A_386 : vector<16xi32>
      %get3A_388 = arith.constant 256 : index
      %get3A_389 = tpu.vector_load %arg11[%get3A_388] {strides = array<i32>} : memref<512xi32, #tpu.memory_space<vmem>>, vector<16xi32>,
      tpu.vector_store_idx %arg13[%get3A_389], %add3A_387 : memref<512xi32, #tpu.memory_space<vmem>>[vector<16xi32>], vector<16xi32>,
      %add3A_390 = arith.constant 272 : i32
      %add3A_391 = vector.broadcast %add3A_390 : i32 to vector<16xi32>
      %add3A_392 = arith.addi %add3A_391, %iota3A : vector<16xi32>
      %mul3A_393 = arith.constant 16 : i32
      %mul3A_394 = vector.broadcast %mul3A_393 : i32 to vector<16xi32>
      %mul3A_395 = arith.muli %add3A_392, %mul3A_394 : vector<16xi32>
      %add3A_396 = arith.addi %mul3A_395, %broadcast_in_dim3A_34 : vector<16xi32>
      %gather3A_397 = tpu.vector_load_idx %arg9[%add3A_396] : memref<8192xf32, #tpu.memory_space<vmem>>[vector<16xi32>], vector<16xf32>,
      %get3A_398 = arith.constant 272 : index
      %get3A_399 = tpu.vector_load %arg10[%get3A_398] {strides = array<i32>} : memref<512xi32, #tpu.memory_space<vmem>>, vector<16xi32>,
      tpu.vector_store_idx %arg12[%get3A_399], %gather3A_397 : memref<512xf32, #tpu.memory_space<vmem>>[vector<16xi32>], vector<16xf32>,
      %sub3A_400 = arith.constant 511 : i32
      %sub3A_401 = vector.broadcast %sub3A_400 : i32 to vector<16xi32>
      %sub3A_402 = arith.subi %sub3A_401, %add3A_392 : vector<16xi32>
      %shift_right_arithmetic3A_403 = arith.constant 6 : i32
      %shift_right_arithmetic3A_404 = vector.broadcast %shift_right_arithmetic3A_403 : i32 to vector<16xi32>
      %shift_right_arithmetic3A_405 = arith.shrsi %sub3A_402, %shift_right_arithmetic3A_404 : vector<16xi32>
      %add3A_406 = arith.constant 1 : i32
      %add3A_407 = vector.broadcast %add3A_406 : i32 to vector<16xi32>
      %add3A_408 = arith.addi %shift_right_arithmetic3A_405, %add3A_407 : vector<16xi32>
      %get3A_409 = arith.constant 272 : index
      %get3A_410 = tpu.vector_load %arg11[%get3A_409] {strides = array<i32>} : memref<512xi32, #tpu.memory_space<vmem>>, vector<16xi32>,
      tpu.vector_store_idx %arg13[%get3A_410], %add3A_408 : memref<512xi32, #tpu.memory_space<vmem>>[vector<16xi32>], vector<16xi32>,
      %add3A_411 = arith.constant 288 : i32
      %add3A_412 = vector.broadcast %add3A_411 : i32 to vector<16xi32>
      %add3A_413 = arith.addi %add3A_412, %iota3A : vector<16xi32>
      %mul3A_414 = arith.constant 16 : i32
      %mul3A_415 = vector.broadcast %mul3A_414 : i32 to vector<16xi32>
      %mul3A_416 = arith.muli %add3A_413, %mul3A_415 : vector<16xi32>
      %add3A_417 = arith.addi %mul3A_416, %broadcast_in_dim3A_34 : vector<16xi32>
      %gather3A_418 = tpu.vector_load_idx %arg9[%add3A_417] : memref<8192xf32, #tpu.memory_space<vmem>>[vector<16xi32>], vector<16xf32>,
      %get3A_419 = arith.constant 288 : index
      %get3A_420 = tpu.vector_load %arg10[%get3A_419] {strides = array<i32>} : memref<512xi32, #tpu.memory_space<vmem>>, vector<16xi32>,
      tpu.vector_store_idx %arg12[%get3A_420], %gather3A_418 : memref<512xf32, #tpu.memory_space<vmem>>[vector<16xi32>], vector<16xf32>,
      %sub3A_421 = arith.constant 511 : i32
      %sub3A_422 = vector.broadcast %sub3A_421 : i32 to vector<16xi32>
      %sub3A_423 = arith.subi %sub3A_422, %add3A_413 : vector<16xi32>
      %shift_right_arithmetic3A_424 = arith.constant 6 : i32
      %shift_right_arithmetic3A_425 = vector.broadcast %shift_right_arithmetic3A_424 : i32 to vector<16xi32>
      %shift_right_arithmetic3A_426 = arith.shrsi %sub3A_423, %shift_right_arithmetic3A_425 : vector<16xi32>
      %add3A_427 = arith.constant 1 : i32
      %add3A_428 = vector.broadcast %add3A_427 : i32 to vector<16xi32>
      %add3A_429 = arith.addi %shift_right_arithmetic3A_426, %add3A_428 : vector<16xi32>
      %get3A_430 = arith.constant 288 : index
      %get3A_431 = tpu.vector_load %arg11[%get3A_430] {strides = array<i32>} : memref<512xi32, #tpu.memory_space<vmem>>, vector<16xi32>,
      tpu.vector_store_idx %arg13[%get3A_431], %add3A_429 : memref<512xi32, #tpu.memory_space<vmem>>[vector<16xi32>], vector<16xi32>,
      %add3A_432 = arith.constant 304 : i32
      %add3A_433 = vector.broadcast %add3A_432 : i32 to vector<16xi32>
      %add3A_434 = arith.addi %add3A_433, %iota3A : vector<16xi32>
      %mul3A_435 = arith.constant 16 : i32
      %mul3A_436 = vector.broadcast %mul3A_435 : i32 to vector<16xi32>
      %mul3A_437 = arith.muli %add3A_434, %mul3A_436 : vector<16xi32>
      %add3A_438 = arith.addi %mul3A_437, %broadcast_in_dim3A_34 : vector<16xi32>
      %gather3A_439 = tpu.vector_load_idx %arg9[%add3A_438] : memref<8192xf32, #tpu.memory_space<vmem>>[vector<16xi32>], vector<16xf32>,
      %get3A_440 = arith.constant 304 : index
      %get3A_441 = tpu.vector_load %arg10[%get3A_440] {strides = array<i32>} : memref<512xi32, #tpu.memory_space<vmem>>, vector<16xi32>,
      tpu.vector_store_idx %arg12[%get3A_441], %gather3A_439 : memref<512xf32, #tpu.memory_space<vmem>>[vector<16xi32>], vector<16xf32>,
      %sub3A_442 = arith.constant 511 : i32
      %sub3A_443 = vector.broadcast %sub3A_442 : i32 to vector<16xi32>
      %sub3A_444 = arith.subi %sub3A_443, %add3A_434 : vector<16xi32>
      %shift_right_arithmetic3A_445 = arith.constant 6 : i32
      %shift_right_arithmetic3A_446 = vector.broadcast %shift_right_arithmetic3A_445 : i32 to vector<16xi32>
      %shift_right_arithmetic3A_447 = arith.shrsi %sub3A_444, %shift_right_arithmetic3A_446 : vector<16xi32>
      %add3A_448 = arith.constant 1 : i32
      %add3A_449 = vector.broadcast %add3A_448 : i32 to vector<16xi32>
      %add3A_450 = arith.addi %shift_right_arithmetic3A_447, %add3A_449 : vector<16xi32>
      %get3A_451 = arith.constant 304 : index
      %get3A_452 = tpu.vector_load %arg11[%get3A_451] {strides = array<i32>} : memref<512xi32, #tpu.memory_space<vmem>>, vector<16xi32>,
      tpu.vector_store_idx %arg13[%get3A_452], %add3A_450 : memref<512xi32, #tpu.memory_space<vmem>>[vector<16xi32>], vector<16xi32>,
      %add3A_453 = arith.constant 320 : i32
      %add3A_454 = vector.broadcast %add3A_453 : i32 to vector<16xi32>
      %add3A_455 = arith.addi %add3A_454, %iota3A : vector<16xi32>
      %mul3A_456 = arith.constant 16 : i32
      %mul3A_457 = vector.broadcast %mul3A_456 : i32 to vector<16xi32>
      %mul3A_458 = arith.muli %add3A_455, %mul3A_457 : vector<16xi32>
      %add3A_459 = arith.addi %mul3A_458, %broadcast_in_dim3A_34 : vector<16xi32>
      %gather3A_460 = tpu.vector_load_idx %arg9[%add3A_459] : memref<8192xf32, #tpu.memory_space<vmem>>[vector<16xi32>], vector<16xf32>,
      %get3A_461 = arith.constant 320 : index
      %get3A_462 = tpu.vector_load %arg10[%get3A_461] {strides = array<i32>} : memref<512xi32, #tpu.memory_space<vmem>>, vector<16xi32>,
      tpu.vector_store_idx %arg12[%get3A_462], %gather3A_460 : memref<512xf32, #tpu.memory_space<vmem>>[vector<16xi32>], vector<16xf32>,
      %sub3A_463 = arith.constant 511 : i32
      %sub3A_464 = vector.broadcast %sub3A_463 : i32 to vector<16xi32>
      %sub3A_465 = arith.subi %sub3A_464, %add3A_455 : vector<16xi32>
      %shift_right_arithmetic3A_466 = arith.constant 6 : i32
      %shift_right_arithmetic3A_467 = vector.broadcast %shift_right_arithmetic3A_466 : i32 to vector<16xi32>
      %shift_right_arithmetic3A_468 = arith.shrsi %sub3A_465, %shift_right_arithmetic3A_467 : vector<16xi32>
      %add3A_469 = arith.constant 1 : i32
      %add3A_470 = vector.broadcast %add3A_469 : i32 to vector<16xi32>
      %add3A_471 = arith.addi %shift_right_arithmetic3A_468, %add3A_470 : vector<16xi32>
      %get3A_472 = arith.constant 320 : index
      %get3A_473 = tpu.vector_load %arg11[%get3A_472] {strides = array<i32>} : memref<512xi32, #tpu.memory_space<vmem>>, vector<16xi32>,
      tpu.vector_store_idx %arg13[%get3A_473], %add3A_471 : memref<512xi32, #tpu.memory_space<vmem>>[vector<16xi32>], vector<16xi32>,
      %add3A_474 = arith.constant 336 : i32
      %add3A_475 = vector.broadcast %add3A_474 : i32 to vector<16xi32>
      %add3A_476 = arith.addi %add3A_475, %iota3A : vector<16xi32>
      %mul3A_477 = arith.constant 16 : i32
      %mul3A_478 = vector.broadcast %mul3A_477 : i32 to vector<16xi32>
      %mul3A_479 = arith.muli %add3A_476, %mul3A_478 : vector<16xi32>
      %add3A_480 = arith.addi %mul3A_479, %broadcast_in_dim3A_34 : vector<16xi32>
      %gather3A_481 = tpu.vector_load_idx %arg9[%add3A_480] : memref<8192xf32, #tpu.memory_space<vmem>>[vector<16xi32>], vector<16xf32>,
      %get3A_482 = arith.constant 336 : index
      %get3A_483 = tpu.vector_load %arg10[%get3A_482] {strides = array<i32>} : memref<512xi32, #tpu.memory_space<vmem>>, vector<16xi32>,
      tpu.vector_store_idx %arg12[%get3A_483], %gather3A_481 : memref<512xf32, #tpu.memory_space<vmem>>[vector<16xi32>], vector<16xf32>,
      %sub3A_484 = arith.constant 511 : i32
      %sub3A_485 = vector.broadcast %sub3A_484 : i32 to vector<16xi32>
      %sub3A_486 = arith.subi %sub3A_485, %add3A_476 : vector<16xi32>
      %shift_right_arithmetic3A_487 = arith.constant 6 : i32
      %shift_right_arithmetic3A_488 = vector.broadcast %shift_right_arithmetic3A_487 : i32 to vector<16xi32>
      %shift_right_arithmetic3A_489 = arith.shrsi %sub3A_486, %shift_right_arithmetic3A_488 : vector<16xi32>
      %add3A_490 = arith.constant 1 : i32
      %add3A_491 = vector.broadcast %add3A_490 : i32 to vector<16xi32>
      %add3A_492 = arith.addi %shift_right_arithmetic3A_489, %add3A_491 : vector<16xi32>
      %get3A_493 = arith.constant 336 : index
      %get3A_494 = tpu.vector_load %arg11[%get3A_493] {strides = array<i32>} : memref<512xi32, #tpu.memory_space<vmem>>, vector<16xi32>,
      tpu.vector_store_idx %arg13[%get3A_494], %add3A_492 : memref<512xi32, #tpu.memory_space<vmem>>[vector<16xi32>], vector<16xi32>,
      %add3A_495 = arith.constant 352 : i32
      %add3A_496 = vector.broadcast %add3A_495 : i32 to vector<16xi32>
      %add3A_497 = arith.addi %add3A_496, %iota3A : vector<16xi32>
      %mul3A_498 = arith.constant 16 : i32
      %mul3A_499 = vector.broadcast %mul3A_498 : i32 to vector<16xi32>
      %mul3A_500 = arith.muli %add3A_497, %mul3A_499 : vector<16xi32>
      %add3A_501 = arith.addi %mul3A_500, %broadcast_in_dim3A_34 : vector<16xi32>
      %gather3A_502 = tpu.vector_load_idx %arg9[%add3A_501] : memref<8192xf32, #tpu.memory_space<vmem>>[vector<16xi32>], vector<16xf32>,
      %get3A_503 = arith.constant 352 : index
      %get3A_504 = tpu.vector_load %arg10[%get3A_503] {strides = array<i32>} : memref<512xi32, #tpu.memory_space<vmem>>, vector<16xi32>,
      tpu.vector_store_idx %arg12[%get3A_504], %gather3A_502 : memref<512xf32, #tpu.memory_space<vmem>>[vector<16xi32>], vector<16xf32>,
      %sub3A_505 = arith.constant 511 : i32
      %sub3A_506 = vector.broadcast %sub3A_505 : i32 to vector<16xi32>
      %sub3A_507 = arith.subi %sub3A_506, %add3A_497 : vector<16xi32>
      %shift_right_arithmetic3A_508 = arith.constant 6 : i32
      %shift_right_arithmetic3A_509 = vector.broadcast %shift_right_arithmetic3A_508 : i32 to vector<16xi32>
      %shift_right_arithmetic3A_510 = arith.shrsi %sub3A_507, %shift_right_arithmetic3A_509 : vector<16xi32>
      %add3A_511 = arith.constant 1 : i32
      %add3A_512 = vector.broadcast %add3A_511 : i32 to vector<16xi32>
      %add3A_513 = arith.addi %shift_right_arithmetic3A_510, %add3A_512 : vector<16xi32>
      %get3A_514 = arith.constant 352 : index
      %get3A_515 = tpu.vector_load %arg11[%get3A_514] {strides = array<i32>} : memref<512xi32, #tpu.memory_space<vmem>>, vector<16xi32>,
      tpu.vector_store_idx %arg13[%get3A_515], %add3A_513 : memref<512xi32, #tpu.memory_space<vmem>>[vector<16xi32>], vector<16xi32>,
      %add3A_516 = arith.constant 368 : i32
      %add3A_517 = vector.broadcast %add3A_516 : i32 to vector<16xi32>
      %add3A_518 = arith.addi %add3A_517, %iota3A : vector<16xi32>
      %mul3A_519 = arith.constant 16 : i32
      %mul3A_520 = vector.broadcast %mul3A_519 : i32 to vector<16xi32>
      %mul3A_521 = arith.muli %add3A_518, %mul3A_520 : vector<16xi32>
      %add3A_522 = arith.addi %mul3A_521, %broadcast_in_dim3A_34 : vector<16xi32>
      %gather3A_523 = tpu.vector_load_idx %arg9[%add3A_522] : memref<8192xf32, #tpu.memory_space<vmem>>[vector<16xi32>], vector<16xf32>,
      %get3A_524 = arith.constant 368 : index
      %get3A_525 = tpu.vector_load %arg10[%get3A_524] {strides = array<i32>} : memref<512xi32, #tpu.memory_space<vmem>>, vector<16xi32>,
      tpu.vector_store_idx %arg12[%get3A_525], %gather3A_523 : memref<512xf32, #tpu.memory_space<vmem>>[vector<16xi32>], vector<16xf32>,
      %sub3A_526 = arith.constant 511 : i32
      %sub3A_527 = vector.broadcast %sub3A_526 : i32 to vector<16xi32>
      %sub3A_528 = arith.subi %sub3A_527, %add3A_518 : vector<16xi32>
      %shift_right_arithmetic3A_529 = arith.constant 6 : i32
      %shift_right_arithmetic3A_530 = vector.broadcast %shift_right_arithmetic3A_529 : i32 to vector<16xi32>
      %shift_right_arithmetic3A_531 = arith.shrsi %sub3A_528, %shift_right_arithmetic3A_530 : vector<16xi32>
      %add3A_532 = arith.constant 1 : i32
      %add3A_533 = vector.broadcast %add3A_532 : i32 to vector<16xi32>
      %add3A_534 = arith.addi %shift_right_arithmetic3A_531, %add3A_533 : vector<16xi32>
      %get3A_535 = arith.constant 368 : index
      %get3A_536 = tpu.vector_load %arg11[%get3A_535] {strides = array<i32>} : memref<512xi32, #tpu.memory_space<vmem>>, vector<16xi32>,
      tpu.vector_store_idx %arg13[%get3A_536], %add3A_534 : memref<512xi32, #tpu.memory_space<vmem>>[vector<16xi32>], vector<16xi32>,
      %add3A_537 = arith.constant 384 : i32
      %add3A_538 = vector.broadcast %add3A_537 : i32 to vector<16xi32>
      %add3A_539 = arith.addi %add3A_538, %iota3A : vector<16xi32>
      %mul3A_540 = arith.constant 16 : i32
      %mul3A_541 = vector.broadcast %mul3A_540 : i32 to vector<16xi32>
      %mul3A_542 = arith.muli %add3A_539, %mul3A_541 : vector<16xi32>
      %add3A_543 = arith.addi %mul3A_542, %broadcast_in_dim3A_34 : vector<16xi32>
      %gather3A_544 = tpu.vector_load_idx %arg9[%add3A_543] : memref<8192xf32, #tpu.memory_space<vmem>>[vector<16xi32>], vector<16xf32>,
      %get3A_545 = arith.constant 384 : index
      %get3A_546 = tpu.vector_load %arg10[%get3A_545] {strides = array<i32>} : memref<512xi32, #tpu.memory_space<vmem>>, vector<16xi32>,
      tpu.vector_store_idx %arg12[%get3A_546], %gather3A_544 : memref<512xf32, #tpu.memory_space<vmem>>[vector<16xi32>], vector<16xf32>,
      %sub3A_547 = arith.constant 511 : i32
      %sub3A_548 = vector.broadcast %sub3A_547 : i32 to vector<16xi32>
      %sub3A_549 = arith.subi %sub3A_548, %add3A_539 : vector<16xi32>
      %shift_right_arithmetic3A_550 = arith.constant 6 : i32
      %shift_right_arithmetic3A_551 = vector.broadcast %shift_right_arithmetic3A_550 : i32 to vector<16xi32>
      %shift_right_arithmetic3A_552 = arith.shrsi %sub3A_549, %shift_right_arithmetic3A_551 : vector<16xi32>
      %add3A_553 = arith.constant 1 : i32
      %add3A_554 = vector.broadcast %add3A_553 : i32 to vector<16xi32>
      %add3A_555 = arith.addi %shift_right_arithmetic3A_552, %add3A_554 : vector<16xi32>
      %get3A_556 = arith.constant 384 : index
      %get3A_557 = tpu.vector_load %arg11[%get3A_556] {strides = array<i32>} : memref<512xi32, #tpu.memory_space<vmem>>, vector<16xi32>,
      tpu.vector_store_idx %arg13[%get3A_557], %add3A_555 : memref<512xi32, #tpu.memory_space<vmem>>[vector<16xi32>], vector<16xi32>,
      %add3A_558 = arith.constant 400 : i32
      %add3A_559 = vector.broadcast %add3A_558 : i32 to vector<16xi32>
      %add3A_560 = arith.addi %add3A_559, %iota3A : vector<16xi32>
      %mul3A_561 = arith.constant 16 : i32
      %mul3A_562 = vector.broadcast %mul3A_561 : i32 to vector<16xi32>
      %mul3A_563 = arith.muli %add3A_560, %mul3A_562 : vector<16xi32>
      %add3A_564 = arith.addi %mul3A_563, %broadcast_in_dim3A_34 : vector<16xi32>
      %gather3A_565 = tpu.vector_load_idx %arg9[%add3A_564] : memref<8192xf32, #tpu.memory_space<vmem>>[vector<16xi32>], vector<16xf32>,
      %get3A_566 = arith.constant 400 : index
      %get3A_567 = tpu.vector_load %arg10[%get3A_566] {strides = array<i32>} : memref<512xi32, #tpu.memory_space<vmem>>, vector<16xi32>,
      tpu.vector_store_idx %arg12[%get3A_567], %gather3A_565 : memref<512xf32, #tpu.memory_space<vmem>>[vector<16xi32>], vector<16xf32>,
      %sub3A_568 = arith.constant 511 : i32
      %sub3A_569 = vector.broadcast %sub3A_568 : i32 to vector<16xi32>
      %sub3A_570 = arith.subi %sub3A_569, %add3A_560 : vector<16xi32>
      %shift_right_arithmetic3A_571 = arith.constant 6 : i32
      %shift_right_arithmetic3A_572 = vector.broadcast %shift_right_arithmetic3A_571 : i32 to vector<16xi32>
      %shift_right_arithmetic3A_573 = arith.shrsi %sub3A_570, %shift_right_arithmetic3A_572 : vector<16xi32>
      %add3A_574 = arith.constant 1 : i32
      %add3A_575 = vector.broadcast %add3A_574 : i32 to vector<16xi32>
      %add3A_576 = arith.addi %shift_right_arithmetic3A_573, %add3A_575 : vector<16xi32>
      %get3A_577 = arith.constant 400 : index
      %get3A_578 = tpu.vector_load %arg11[%get3A_577] {strides = array<i32>} : memref<512xi32, #tpu.memory_space<vmem>>, vector<16xi32>,
      tpu.vector_store_idx %arg13[%get3A_578], %add3A_576 : memref<512xi32, #tpu.memory_space<vmem>>[vector<16xi32>], vector<16xi32>,
      %add3A_579 = arith.constant 416 : i32
      %add3A_580 = vector.broadcast %add3A_579 : i32 to vector<16xi32>
      %add3A_581 = arith.addi %add3A_580, %iota3A : vector<16xi32>
      %mul3A_582 = arith.constant 16 : i32
      %mul3A_583 = vector.broadcast %mul3A_582 : i32 to vector<16xi32>
      %mul3A_584 = arith.muli %add3A_581, %mul3A_583 : vector<16xi32>
      %add3A_585 = arith.addi %mul3A_584, %broadcast_in_dim3A_34 : vector<16xi32>
      %gather3A_586 = tpu.vector_load_idx %arg9[%add3A_585] : memref<8192xf32, #tpu.memory_space<vmem>>[vector<16xi32>], vector<16xf32>,
      %get3A_587 = arith.constant 416 : index
      %get3A_588 = tpu.vector_load %arg10[%get3A_587] {strides = array<i32>} : memref<512xi32, #tpu.memory_space<vmem>>, vector<16xi32>,
      tpu.vector_store_idx %arg12[%get3A_588], %gather3A_586 : memref<512xf32, #tpu.memory_space<vmem>>[vector<16xi32>], vector<16xf32>,
      %sub3A_589 = arith.constant 511 : i32
      %sub3A_590 = vector.broadcast %sub3A_589 : i32 to vector<16xi32>
      %sub3A_591 = arith.subi %sub3A_590, %add3A_581 : vector<16xi32>
      %shift_right_arithmetic3A_592 = arith.constant 6 : i32
      %shift_right_arithmetic3A_593 = vector.broadcast %shift_right_arithmetic3A_592 : i32 to vector<16xi32>
      %shift_right_arithmetic3A_594 = arith.shrsi %sub3A_591, %shift_right_arithmetic3A_593 : vector<16xi32>
      %add3A_595 = arith.constant 1 : i32
      %add3A_596 = vector.broadcast %add3A_595 : i32 to vector<16xi32>
      %add3A_597 = arith.addi %shift_right_arithmetic3A_594, %add3A_596 : vector<16xi32>
      %get3A_598 = arith.constant 416 : index
      %get3A_599 = tpu.vector_load %arg11[%get3A_598] {strides = array<i32>} : memref<512xi32, #tpu.memory_space<vmem>>, vector<16xi32>,
      tpu.vector_store_idx %arg13[%get3A_599], %add3A_597 : memref<512xi32, #tpu.memory_space<vmem>>[vector<16xi32>], vector<16xi32>,
      %add3A_600 = arith.constant 432 : i32
      %add3A_601 = vector.broadcast %add3A_600 : i32 to vector<16xi32>
      %add3A_602 = arith.addi %add3A_601, %iota3A : vector<16xi32>
      %mul3A_603 = arith.constant 16 : i32
      %mul3A_604 = vector.broadcast %mul3A_603 : i32 to vector<16xi32>
      %mul3A_605 = arith.muli %add3A_602, %mul3A_604 : vector<16xi32>
      %add3A_606 = arith.addi %mul3A_605, %broadcast_in_dim3A_34 : vector<16xi32>
      %gather3A_607 = tpu.vector_load_idx %arg9[%add3A_606] : memref<8192xf32, #tpu.memory_space<vmem>>[vector<16xi32>], vector<16xf32>,
      %get3A_608 = arith.constant 432 : index
      %get3A_609 = tpu.vector_load %arg10[%get3A_608] {strides = array<i32>} : memref<512xi32, #tpu.memory_space<vmem>>, vector<16xi32>,
      tpu.vector_store_idx %arg12[%get3A_609], %gather3A_607 : memref<512xf32, #tpu.memory_space<vmem>>[vector<16xi32>], vector<16xf32>,
      %sub3A_610 = arith.constant 511 : i32
      %sub3A_611 = vector.broadcast %sub3A_610 : i32 to vector<16xi32>
      %sub3A_612 = arith.subi %sub3A_611, %add3A_602 : vector<16xi32>
      %shift_right_arithmetic3A_613 = arith.constant 6 : i32
      %shift_right_arithmetic3A_614 = vector.broadcast %shift_right_arithmetic3A_613 : i32 to vector<16xi32>
      %shift_right_arithmetic3A_615 = arith.shrsi %sub3A_612, %shift_right_arithmetic3A_614 : vector<16xi32>
      %add3A_616 = arith.constant 1 : i32
      %add3A_617 = vector.broadcast %add3A_616 : i32 to vector<16xi32>
      %add3A_618 = arith.addi %shift_right_arithmetic3A_615, %add3A_617 : vector<16xi32>
      %get3A_619 = arith.constant 432 : index
      %get3A_620 = tpu.vector_load %arg11[%get3A_619] {strides = array<i32>} : memref<512xi32, #tpu.memory_space<vmem>>, vector<16xi32>,
      tpu.vector_store_idx %arg13[%get3A_620], %add3A_618 : memref<512xi32, #tpu.memory_space<vmem>>[vector<16xi32>], vector<16xi32>,
      %add3A_621 = arith.constant 448 : i32
      %add3A_622 = vector.broadcast %add3A_621 : i32 to vector<16xi32>
      %add3A_623 = arith.addi %add3A_622, %iota3A : vector<16xi32>
      %mul3A_624 = arith.constant 16 : i32
      %mul3A_625 = vector.broadcast %mul3A_624 : i32 to vector<16xi32>
      %mul3A_626 = arith.muli %add3A_623, %mul3A_625 : vector<16xi32>
      %add3A_627 = arith.addi %mul3A_626, %broadcast_in_dim3A_34 : vector<16xi32>
      %gather3A_628 = tpu.vector_load_idx %arg9[%add3A_627] : memref<8192xf32, #tpu.memory_space<vmem>>[vector<16xi32>], vector<16xf32>,
      %get3A_629 = arith.constant 448 : index
      %get3A_630 = tpu.vector_load %arg10[%get3A_629] {strides = array<i32>} : memref<512xi32, #tpu.memory_space<vmem>>, vector<16xi32>,
      tpu.vector_store_idx %arg12[%get3A_630], %gather3A_628 : memref<512xf32, #tpu.memory_space<vmem>>[vector<16xi32>], vector<16xf32>,
      %sub3A_631 = arith.constant 511 : i32
      %sub3A_632 = vector.broadcast %sub3A_631 : i32 to vector<16xi32>
      %sub3A_633 = arith.subi %sub3A_632, %add3A_623 : vector<16xi32>
      %shift_right_arithmetic3A_634 = arith.constant 6 : i32
      %shift_right_arithmetic3A_635 = vector.broadcast %shift_right_arithmetic3A_634 : i32 to vector<16xi32>
      %shift_right_arithmetic3A_636 = arith.shrsi %sub3A_633, %shift_right_arithmetic3A_635 : vector<16xi32>
      %add3A_637 = arith.constant 1 : i32
      %add3A_638 = vector.broadcast %add3A_637 : i32 to vector<16xi32>
      %add3A_639 = arith.addi %shift_right_arithmetic3A_636, %add3A_638 : vector<16xi32>
      %get3A_640 = arith.constant 448 : index
      %get3A_641 = tpu.vector_load %arg11[%get3A_640] {strides = array<i32>} : memref<512xi32, #tpu.memory_space<vmem>>, vector<16xi32>,
      tpu.vector_store_idx %arg13[%get3A_641], %add3A_639 : memref<512xi32, #tpu.memory_space<vmem>>[vector<16xi32>], vector<16xi32>,
      %add3A_642 = arith.constant 464 : i32
      %add3A_643 = vector.broadcast %add3A_642 : i32 to vector<16xi32>
      %add3A_644 = arith.addi %add3A_643, %iota3A : vector<16xi32>
      %mul3A_645 = arith.constant 16 : i32
      %mul3A_646 = vector.broadcast %mul3A_645 : i32 to vector<16xi32>
      %mul3A_647 = arith.muli %add3A_644, %mul3A_646 : vector<16xi32>
      %add3A_648 = arith.addi %mul3A_647, %broadcast_in_dim3A_34 : vector<16xi32>
      %gather3A_649 = tpu.vector_load_idx %arg9[%add3A_648] : memref<8192xf32, #tpu.memory_space<vmem>>[vector<16xi32>], vector<16xf32>,
      %get3A_650 = arith.constant 464 : index
      %get3A_651 = tpu.vector_load %arg10[%get3A_650] {strides = array<i32>} : memref<512xi32, #tpu.memory_space<vmem>>, vector<16xi32>,
      tpu.vector_store_idx %arg12[%get3A_651], %gather3A_649 : memref<512xf32, #tpu.memory_space<vmem>>[vector<16xi32>], vector<16xf32>,
      %sub3A_652 = arith.constant 511 : i32
      %sub3A_653 = vector.broadcast %sub3A_652 : i32 to vector<16xi32>
      %sub3A_654 = arith.subi %sub3A_653, %add3A_644 : vector<16xi32>
      %shift_right_arithmetic3A_655 = arith.constant 6 : i32
      %shift_right_arithmetic3A_656 = vector.broadcast %shift_right_arithmetic3A_655 : i32 to vector<16xi32>
      %shift_right_arithmetic3A_657 = arith.shrsi %sub3A_654, %shift_right_arithmetic3A_656 : vector<16xi32>
      %add3A_658 = arith.constant 1 : i32
      %add3A_659 = vector.broadcast %add3A_658 : i32 to vector<16xi32>
      %add3A_660 = arith.addi %shift_right_arithmetic3A_657, %add3A_659 : vector<16xi32>
      %get3A_661 = arith.constant 464 : index
      %get3A_662 = tpu.vector_load %arg11[%get3A_661] {strides = array<i32>} : memref<512xi32, #tpu.memory_space<vmem>>, vector<16xi32>,
      tpu.vector_store_idx %arg13[%get3A_662], %add3A_660 : memref<512xi32, #tpu.memory_space<vmem>>[vector<16xi32>], vector<16xi32>,
      %add3A_663 = arith.constant 480 : i32
      %add3A_664 = vector.broadcast %add3A_663 : i32 to vector<16xi32>
      %add3A_665 = arith.addi %add3A_664, %iota3A : vector<16xi32>
      %mul3A_666 = arith.constant 16 : i32
      %mul3A_667 = vector.broadcast %mul3A_666 : i32 to vector<16xi32>
      %mul3A_668 = arith.muli %add3A_665, %mul3A_667 : vector<16xi32>
      %add3A_669 = arith.addi %mul3A_668, %broadcast_in_dim3A_34 : vector<16xi32>
      %gather3A_670 = tpu.vector_load_idx %arg9[%add3A_669] : memref<8192xf32, #tpu.memory_space<vmem>>[vector<16xi32>], vector<16xf32>,
      %get3A_671 = arith.constant 480 : index
      %get3A_672 = tpu.vector_load %arg10[%get3A_671] {strides = array<i32>} : memref<512xi32, #tpu.memory_space<vmem>>, vector<16xi32>,
      tpu.vector_store_idx %arg12[%get3A_672], %gather3A_670 : memref<512xf32, #tpu.memory_space<vmem>>[vector<16xi32>], vector<16xf32>,
      %sub3A_673 = arith.constant 511 : i32
      %sub3A_674 = vector.broadcast %sub3A_673 : i32 to vector<16xi32>
      %sub3A_675 = arith.subi %sub3A_674, %add3A_665 : vector<16xi32>
      %shift_right_arithmetic3A_676 = arith.constant 6 : i32
      %shift_right_arithmetic3A_677 = vector.broadcast %shift_right_arithmetic3A_676 : i32 to vector<16xi32>
      %shift_right_arithmetic3A_678 = arith.shrsi %sub3A_675, %shift_right_arithmetic3A_677 : vector<16xi32>
      %add3A_679 = arith.constant 1 : i32
      %add3A_680 = vector.broadcast %add3A_679 : i32 to vector<16xi32>
      %add3A_681 = arith.addi %shift_right_arithmetic3A_678, %add3A_680 : vector<16xi32>
      %get3A_682 = arith.constant 480 : index
      %get3A_683 = tpu.vector_load %arg11[%get3A_682] {strides = array<i32>} : memref<512xi32, #tpu.memory_space<vmem>>, vector<16xi32>,
      tpu.vector_store_idx %arg13[%get3A_683], %add3A_681 : memref<512xi32, #tpu.memory_space<vmem>>[vector<16xi32>], vector<16xi32>,
      %add3A_684 = arith.constant 496 : i32
      %add3A_685 = vector.broadcast %add3A_684 : i32 to vector<16xi32>
      %add3A_686 = arith.addi %add3A_685, %iota3A : vector<16xi32>
      %mul3A_687 = arith.constant 16 : i32
      %mul3A_688 = vector.broadcast %mul3A_687 : i32 to vector<16xi32>
      %mul3A_689 = arith.muli %add3A_686, %mul3A_688 : vector<16xi32>
      %add3A_690 = arith.addi %mul3A_689, %broadcast_in_dim3A_34 : vector<16xi32>
      %gather3A_691 = tpu.vector_load_idx %arg9[%add3A_690] : memref<8192xf32, #tpu.memory_space<vmem>>[vector<16xi32>], vector<16xf32>,
      %get3A_692 = arith.constant 496 : index
      %get3A_693 = tpu.vector_load %arg10[%get3A_692] {strides = array<i32>} : memref<512xi32, #tpu.memory_space<vmem>>, vector<16xi32>,
      tpu.vector_store_idx %arg12[%get3A_693], %gather3A_691 : memref<512xf32, #tpu.memory_space<vmem>>[vector<16xi32>], vector<16xf32>,
      %sub3A_694 = arith.constant 511 : i32
      %sub3A_695 = vector.broadcast %sub3A_694 : i32 to vector<16xi32>
      %sub3A_696 = arith.subi %sub3A_695, %add3A_686 : vector<16xi32>
      %shift_right_arithmetic3A_697 = arith.constant 6 : i32
      %shift_right_arithmetic3A_698 = vector.broadcast %shift_right_arithmetic3A_697 : i32 to vector<16xi32>
      %shift_right_arithmetic3A_699 = arith.shrsi %sub3A_696, %shift_right_arithmetic3A_698 : vector<16xi32>
      %add3A_700 = arith.constant 1 : i32
      %add3A_701 = vector.broadcast %add3A_700 : i32 to vector<16xi32>
      %add3A_702 = arith.addi %shift_right_arithmetic3A_699, %add3A_701 : vector<16xi32>
      %get3A_703 = arith.constant 496 : index
      %get3A_704 = tpu.vector_load %arg11[%get3A_703] {strides = array<i32>} : memref<512xi32, #tpu.memory_space<vmem>>, vector<16xi32>,
      tpu.vector_store_idx %arg13[%get3A_704], %add3A_702 : memref<512xi32, #tpu.memory_space<vmem>>[vector<16xi32>], vector<16xi32>,
      "tpu.region"() ({
        %run_scoped3A_705 = tpu.sem_alloc : memref<!tpu.dma_semaphore, #tpu.memory_space<semaphore_mem>>
        %dma_start3A = arith.constant 0 : i32
        %dma_start3A_706 = tpu.memref_slice %arg4[%add3A, %dma_start3A] : memref<16x512xf32, #tpu.memory_space<hbm>> -> memref<1x512xf32, #tpu.memory_space<hbm>>
        %dma_start3A_707 = tpu.memref_squeeze %dma_start3A_706 : memref<1x512xf32, #tpu.memory_space<hbm>> -> memref<512xf32, #tpu.memory_space<hbm>>
        %dma_start3A_708 = arith.constant 0 : i32
        %dma_start3A_709 = tpu.memref_slice %arg4[%add3A, %dma_start3A_708] : memref<16x512xf32, #tpu.memory_space<hbm>> -> memref<1x512xf32, #tpu.memory_space<hbm>>
        %dma_start3A_710 = tpu.memref_squeeze %dma_start3A_709 : memref<1x512xf32, #tpu.memory_space<hbm>> -> memref<512xf32, #tpu.memory_space<hbm>>
        tpu.enqueue_dma source(%arg12 : memref<512xf32, #tpu.memory_space<vmem>>) target(%dma_start3A_710 : memref<512xf32, #tpu.memory_space<hbm>>) target_semaphore(%run_scoped3A_705 : memref<!tpu.dma_semaphore, #tpu.memory_space<semaphore_mem>>)
        %dma_wait3A = arith.constant 0 : i32
        %dma_wait3A_711 = tpu.memref_slice %arg4[%add3A, %dma_wait3A] : memref<16x512xf32, #tpu.memory_space<hbm>> -> memref<1x512xf32, #tpu.memory_space<hbm>>
        %dma_wait3A_712 = tpu.memref_squeeze %dma_wait3A_711 : memref<1x512xf32, #tpu.memory_space<hbm>> -> memref<512xf32, #tpu.memory_space<hbm>>
        %dma_wait3A_713 = arith.constant 0 : i32
        %dma_wait3A_714 = tpu.memref_slice %arg4[%add3A, %dma_wait3A_713] : memref<16x512xf32, #tpu.memory_space<hbm>> -> memref<1x512xf32, #tpu.memory_space<hbm>>
        %dma_wait3A_715 = tpu.memref_squeeze %dma_wait3A_714 : memref<1x512xf32, #tpu.memory_space<hbm>> -> memref<512xf32, #tpu.memory_space<hbm>>
        tpu.wait_dma2 semaphore(%run_scoped3A_705 : memref<!tpu.dma_semaphore, #tpu.memory_space<semaphore_mem>>) src(%arg12 : memref<512xf32, #tpu.memory_space<vmem>>) dst(%dma_wait3A_715 : memref<512xf32, #tpu.memory_space<hbm>>)
        tpu.yield
      }) : () -> ()
      "tpu.region"() ({
        %run_scoped3A_705 = tpu.sem_alloc : memref<!tpu.dma_semaphore, #tpu.memory_space<semaphore_mem>>
        %dma_start3A = arith.constant 0 : i32
        %dma_start3A_706 = tpu.memref_slice %arg5[%add3A, %dma_start3A] : memref<16x512xi32, #tpu.memory_space<hbm>> -> memref<1x512xi32, #tpu.memory_space<hbm>>
        %dma_start3A_707 = tpu.memref_squeeze %dma_start3A_706 : memref<1x512xi32, #tpu.memory_space<hbm>> -> memref<512xi32, #tpu.memory_space<hbm>>
        %dma_start3A_708 = arith.constant 0 : i32
        %dma_start3A_709 = tpu.memref_slice %arg5[%add3A, %dma_start3A_708] : memref<16x512xi32, #tpu.memory_space<hbm>> -> memref<1x512xi32, #tpu.memory_space<hbm>>
        %dma_start3A_710 = tpu.memref_squeeze %dma_start3A_709 : memref<1x512xi32, #tpu.memory_space<hbm>> -> memref<512xi32, #tpu.memory_space<hbm>>
        tpu.enqueue_dma source(%arg13 : memref<512xi32, #tpu.memory_space<vmem>>) target(%dma_start3A_710 : memref<512xi32, #tpu.memory_space<hbm>>) target_semaphore(%run_scoped3A_705 : memref<!tpu.dma_semaphore, #tpu.memory_space<semaphore_mem>>)
        %dma_wait3A = arith.constant 0 : i32
        %dma_wait3A_711 = tpu.memref_slice %arg5[%add3A, %dma_wait3A] : memref<16x512xi32, #tpu.memory_space<hbm>> -> memref<1x512xi32, #tpu.memory_space<hbm>>
        %dma_wait3A_712 = tpu.memref_squeeze %dma_wait3A_711 : memref<1x512xi32, #tpu.memory_space<hbm>> -> memref<512xi32, #tpu.memory_space<hbm>>
        %dma_wait3A_713 = arith.constant 0 : i32
        %dma_wait3A_714 = tpu.memref_slice %arg5[%add3A, %dma_wait3A_713] : memref<16x512xi32, #tpu.memory_space<hbm>> -> memref<1x512xi32, #tpu.memory_space<hbm>>
        %dma_wait3A_715 = tpu.memref_squeeze %dma_wait3A_714 : memref<1x512xi32, #tpu.memory_space<hbm>> -> memref<512xi32, #tpu.memory_space<hbm>>
        tpu.wait_dma2 semaphore(%run_scoped3A_705 : memref<!tpu.dma_semaphore, #tpu.memory_space<semaphore_mem>>) src(%arg13 : memref<512xi32, #tpu.memory_space<vmem>>) dst(%dma_wait3A_715 : memref<512xi32, #tpu.memory_space<hbm>>)
        tpu.yield
      }) : () -> ()
    } else {
    }
    return
  }
}

module attributes {stable_mosaic.version = 14 : i64} {
  func.func @_score_body(%arg0: i32, %arg1: memref<1x512x1664xf32, #tpu.memory_space<vmem>>, %arg2: memref<1x1664xf32, #tpu.memory_space<vmem>>, %arg3: memref<1x1664xf32, #tpu.memory_space<vmem>>, %arg4: memref<16x1664xf32, #tpu.memory_space<vmem>>, %arg5: memref<1x16xf32, #tpu.memory_space<vmem>>, %arg6: memref<1x16xf32, #tpu.memory_space<vmem>>, %arg7: memref<1x16xf32, #tpu.memory_space<vmem>>, %arg8: memref<1x16xf32, #tpu.memory_space<vmem>>, %arg9: memref<1x1xf32, #tpu.memory_space<vmem>>, %arg10: memref<1x1x512xf32, #tpu.memory_space<vmem>>) attributes {dimension_semantics = [#tpu.dimension_semantics<arbitrary>], iteration_bounds = array<i64: 16>, scalar_prefetch = 0 : i64, scratch_operands = 0 : i64, tpu.core_type = #tpu.core_type<tc>, window_params = [{transform_indices = @transform_0, window_bounds = array<i64: 1, 512, 1664>}, {pipeline_mode = #tpu.pipeline_mode<synchronous>, transform_indices = @transform_1, window_bounds = array<i64: 1, 1664>}, {pipeline_mode = #tpu.pipeline_mode<synchronous>, transform_indices = @transform_2, window_bounds = array<i64: 1, 1664>}, {pipeline_mode = #tpu.pipeline_mode<synchronous>, transform_indices = @transform_3, window_bounds = array<i64: 16, 1664>}, {pipeline_mode = #tpu.pipeline_mode<synchronous>, transform_indices = @transform_4, window_bounds = array<i64: 1, 16>}, {pipeline_mode = #tpu.pipeline_mode<synchronous>, transform_indices = @transform_5, window_bounds = array<i64: 1, 16>}, {pipeline_mode = #tpu.pipeline_mode<synchronous>, transform_indices = @transform_6, window_bounds = array<i64: 1, 16>}, {pipeline_mode = #tpu.pipeline_mode<synchronous>, transform_indices = @transform_7, window_bounds = array<i64: 1, 16>}, {pipeline_mode = #tpu.pipeline_mode<synchronous>, transform_indices = @transform_8, window_bounds = array<i64: 1, 1>}, {transform_indices = @transform_9, window_bounds = array<i64: 1, 1, 512>}]} {
    %get3A = arith.constant 0 : index
    %get3A_0 = arith.constant 0 : index
    %get3A_1 = arith.constant 0 : index
    %get3A_2 = vector.load %arg1[%get3A, %get3A_0, %get3A_1] : memref<1x512x1664xf32, #tpu.memory_space<vmem>>, vector<1x512x1664xf32>
    %get3A_3 = vector.shape_cast %get3A_2 : vector<1x512x1664xf32> to vector<512x1664xf32>
    %reduce_sum3A = arith.constant dense<0.000000e+00> : vector<512xf32>
    %reduce_sum3A_4 = vector.multi_reduction <add>, %get3A_3, %reduce_sum3A [1] : vector<512x1664xf32> to vector<512xf32>
    %broadcast_in_dim3A = vector.shape_cast %reduce_sum3A_4 : vector<512xf32> to vector<512x1xf32>
    %div3A = arith.constant 1.664000e+03 : f32
    %div3A_5 = vector.broadcast %div3A : f32 to vector<512x1xf32>
    %div3A_6 = arith.divf %broadcast_in_dim3A, %div3A_5 : vector<512x1xf32>
    %sub3A = vector.broadcast %div3A_6 : vector<512x1xf32> to vector<512x1664xf32>
    %sub3A_7 = arith.subf %get3A_3, %sub3A : vector<512x1664xf32>
    %integer_pow3A = arith.mulf %sub3A_7, %sub3A_7 : vector<512x1664xf32>
    %reduce_sum3A_8 = arith.constant dense<0.000000e+00> : vector<512xf32>
    %reduce_sum3A_9 = vector.multi_reduction <add>, %integer_pow3A, %reduce_sum3A_8 [1] : vector<512x1664xf32> to vector<512xf32>
    %broadcast_in_dim3A_10 = vector.shape_cast %reduce_sum3A_9 : vector<512xf32> to vector<512x1xf32>
    %div3A_11 = arith.constant 1.664000e+03 : f32
    %div3A_12 = vector.broadcast %div3A_11 : f32 to vector<512x1xf32>
    %div3A_13 = arith.divf %broadcast_in_dim3A_10, %div3A_12 : vector<512x1xf32>
    %sub3A_14 = vector.broadcast %div3A_6 : vector<512x1xf32> to vector<512x1664xf32>
    %sub3A_15 = arith.subf %get3A_3, %sub3A_14 : vector<512x1664xf32>
    %add3A = arith.constant 9.99999974E-6 : f32
    %add3A_16 = vector.broadcast %add3A : f32 to vector<512x1xf32>
    %add3A_17 = arith.addf %div3A_13, %add3A_16 : vector<512x1xf32>
    %rsqrt3A = math.rsqrt %add3A_17 : vector<512x1xf32>
    %mul3A = vector.broadcast %rsqrt3A : vector<512x1xf32> to vector<512x1664xf32>
    %mul3A_18 = arith.mulf %sub3A_15, %mul3A : vector<512x1664xf32>
    %get3A_19 = arith.constant 0 : index
    %get3A_20 = arith.constant 0 : index
    %get3A_21 = vector.load %arg2[%get3A_19, %get3A_20] : memref<1x1664xf32, #tpu.memory_space<vmem>>, vector<1x1664xf32>
    %get3A_22 = vector.shape_cast %get3A_21 : vector<1x1664xf32> to vector<1664xf32>
    %broadcast_in_dim3A_23 = vector.shape_cast %get3A_22 : vector<1664xf32> to vector<1x1664xf32>
    %mul3A_24 = vector.broadcast %broadcast_in_dim3A_23 : vector<1x1664xf32> to vector<512x1664xf32>
    %mul3A_25 = arith.mulf %mul3A_18, %mul3A_24 : vector<512x1664xf32>
    %get3A_26 = arith.constant 0 : index
    %get3A_27 = arith.constant 0 : index
    %get3A_28 = vector.load %arg3[%get3A_26, %get3A_27] : memref<1x1664xf32, #tpu.memory_space<vmem>>, vector<1x1664xf32>
    %get3A_29 = vector.shape_cast %get3A_28 : vector<1x1664xf32> to vector<1664xf32>
    %broadcast_in_dim3A_30 = vector.shape_cast %get3A_29 : vector<1664xf32> to vector<1x1664xf32>
    %add3A_31 = vector.broadcast %broadcast_in_dim3A_30 : vector<1x1664xf32> to vector<512x1664xf32>
    %add3A_32 = arith.addf %mul3A_25, %add3A_31 : vector<512x1664xf32>
    %get3A_33 = arith.constant 0 : index
    %get3A_34 = arith.constant 0 : index
    %get3A_35 = vector.load %arg4[%get3A_33, %get3A_34] : memref<16x1664xf32, #tpu.memory_space<vmem>>, vector<16x1664xf32>
    %dot_general3A = arith.constant dense<0.000000e+00> : vector<512x16xf32>
    %dot_general3A_36 = tpu.matmul %add3A_32, %get3A_35, %dot_general3A {dimension_numbers = #tpu.dot_dimension_numbers<[1], [1], [0], [0], [0, 0, 1, 0], [], []>, transpose_lhs_hint = false} : vector<512x1664xf32>, vector<16x1664xf32>, vector<512x16xf32> -> vector<512x16xf32>
    %get3A_37 = arith.constant 0 : index
    %get3A_38 = arith.constant 0 : index
    %get3A_39 = vector.load %arg5[%get3A_37, %get3A_38] : memref<1x16xf32, #tpu.memory_space<vmem>>, vector<1x16xf32>
    %get3A_40 = vector.shape_cast %get3A_39 : vector<1x16xf32> to vector<16xf32>
    %broadcast_in_dim3A_41 = vector.shape_cast %get3A_40 : vector<16xf32> to vector<1x16xf32>
    %add3A_42 = vector.broadcast %broadcast_in_dim3A_41 : vector<1x16xf32> to vector<512x16xf32>
    %add3A_43 = arith.addf %dot_general3A_36, %add3A_42 : vector<512x16xf32>
    %max3A = arith.constant 0.000000e+00 : f32
    %max3A_44 = vector.broadcast %max3A : f32 to vector<512x16xf32>
    %max3A_45 = arith.maximumf %add3A_43, %max3A_44 : vector<512x16xf32>
    %reduce_sum3A_46 = arith.constant dense<0.000000e+00> : vector<512xf32>
    %reduce_sum3A_47 = vector.multi_reduction <add>, %max3A_45, %reduce_sum3A_46 [1] : vector<512x16xf32> to vector<512xf32>
    %broadcast_in_dim3A_48 = vector.shape_cast %reduce_sum3A_47 : vector<512xf32> to vector<512x1xf32>
    %div3A_49 = arith.constant 1.600000e+01 : f32
    %div3A_50 = vector.broadcast %div3A_49 : f32 to vector<512x1xf32>
    %div3A_51 = arith.divf %broadcast_in_dim3A_48, %div3A_50 : vector<512x1xf32>
    %sub3A_52 = vector.broadcast %div3A_51 : vector<512x1xf32> to vector<512x16xf32>
    %sub3A_53 = arith.subf %max3A_45, %sub3A_52 : vector<512x16xf32>
    %integer_pow3A_54 = arith.mulf %sub3A_53, %sub3A_53 : vector<512x16xf32>
    %reduce_sum3A_55 = arith.constant dense<0.000000e+00> : vector<512xf32>
    %reduce_sum3A_56 = vector.multi_reduction <add>, %integer_pow3A_54, %reduce_sum3A_55 [1] : vector<512x16xf32> to vector<512xf32>
    %broadcast_in_dim3A_57 = vector.shape_cast %reduce_sum3A_56 : vector<512xf32> to vector<512x1xf32>
    %div3A_58 = arith.constant 1.600000e+01 : f32
    %div3A_59 = vector.broadcast %div3A_58 : f32 to vector<512x1xf32>
    %div3A_60 = arith.divf %broadcast_in_dim3A_57, %div3A_59 : vector<512x1xf32>
    %sub3A_61 = vector.broadcast %div3A_51 : vector<512x1xf32> to vector<512x16xf32>
    %sub3A_62 = arith.subf %max3A_45, %sub3A_61 : vector<512x16xf32>
    %add3A_63 = arith.constant 9.99999974E-6 : f32
    %add3A_64 = vector.broadcast %add3A_63 : f32 to vector<512x1xf32>
    %add3A_65 = arith.addf %div3A_60, %add3A_64 : vector<512x1xf32>
    %rsqrt3A_66 = math.rsqrt %add3A_65 : vector<512x1xf32>
    %mul3A_67 = vector.broadcast %rsqrt3A_66 : vector<512x1xf32> to vector<512x16xf32>
    %mul3A_68 = arith.mulf %sub3A_62, %mul3A_67 : vector<512x16xf32>
    %get3A_69 = arith.constant 0 : index
    %get3A_70 = arith.constant 0 : index
    %get3A_71 = vector.load %arg6[%get3A_69, %get3A_70] : memref<1x16xf32, #tpu.memory_space<vmem>>, vector<1x16xf32>
    %get3A_72 = vector.shape_cast %get3A_71 : vector<1x16xf32> to vector<16xf32>
    %broadcast_in_dim3A_73 = vector.shape_cast %get3A_72 : vector<16xf32> to vector<1x16xf32>
    %mul3A_74 = vector.broadcast %broadcast_in_dim3A_73 : vector<1x16xf32> to vector<512x16xf32>
    %mul3A_75 = arith.mulf %mul3A_68, %mul3A_74 : vector<512x16xf32>
    %get3A_76 = arith.constant 0 : index
    %get3A_77 = arith.constant 0 : index
    %get3A_78 = vector.load %arg7[%get3A_76, %get3A_77] : memref<1x16xf32, #tpu.memory_space<vmem>>, vector<1x16xf32>
    %get3A_79 = vector.shape_cast %get3A_78 : vector<1x16xf32> to vector<16xf32>
    %broadcast_in_dim3A_80 = vector.shape_cast %get3A_79 : vector<16xf32> to vector<1x16xf32>
    %add3A_81 = vector.broadcast %broadcast_in_dim3A_80 : vector<1x16xf32> to vector<512x16xf32>
    %add3A_82 = arith.addf %mul3A_75, %add3A_81 : vector<512x16xf32>
    %get3A_83 = arith.constant 0 : index
    %get3A_84 = arith.constant 0 : index
    %get3A_85 = vector.load %arg8[%get3A_83, %get3A_84] : memref<1x16xf32, #tpu.memory_space<vmem>>, vector<1x16xf32>
    %get3A_86 = vector.shape_cast %get3A_85 : vector<1x16xf32> to vector<16xf32>
    %broadcast_in_dim3A_87 = vector.shape_cast %get3A_86 : vector<16xf32> to vector<1x16xf32>
    %mul3A_88 = vector.broadcast %broadcast_in_dim3A_87 : vector<1x16xf32> to vector<512x16xf32>
    %mul3A_89 = arith.mulf %add3A_82, %mul3A_88 : vector<512x16xf32>
    %reduce_sum3A_90 = arith.constant dense<0.000000e+00> : vector<512xf32>
    %reduce_sum3A_91 = vector.multi_reduction <add>, %mul3A_89, %reduce_sum3A_90 [1] : vector<512x16xf32> to vector<512xf32>
    %get3A_92 = arith.constant 0 : index
    %get3A_93 = arith.constant 0 : index
    %get3A_94 = vector.load %arg9[%get3A_92, %get3A_93] : memref<1x1xf32, #tpu.memory_space<vmem>>, vector<1x1xf32>
    %get3A_95 = vector.extract %get3A_94[0, 0] : f32 from vector<1x1xf32>
    %add3A_96 = vector.broadcast %get3A_95 : f32 to vector<512xf32>
    %add3A_97 = arith.addf %reduce_sum3A_91, %add3A_96 : vector<512xf32>
    %swap3A = arith.constant 0 : index
    %swap3A_98 = arith.constant 0 : index
    %swap3A_99 = arith.constant 0 : index
    %swap3A_100 = vector.load %arg10[%swap3A, %swap3A_98, %swap3A_99] : memref<1x1x512xf32, #tpu.memory_space<vmem>>, vector<1x1x512xf32>
    %swap3A_101 = vector.shape_cast %swap3A_100 : vector<1x1x512xf32> to vector<512xf32>
    %swap3A_102 = vector.shape_cast %add3A_97 : vector<512xf32> to vector<1x1x512xf32>
    tpu.vector_store %arg10[%swap3A, %swap3A_98, %swap3A_99], %swap3A_102 {strides = array<i32>} : memref<1x1x512xf32, #tpu.memory_space<vmem>>, vector<1x1x512xf32>,
    return
  }
  func.func @transform_0(%arg0: i32) -> (i32, i32, i32) {
    %c0_i32 = arith.constant 0 : i32
    %c0_i32_0 = arith.constant 0 : i32
    %c0_i32_1 = arith.constant 0 : i32
    return %arg0, %c0_i32, %c0_i32_0 : i32, i32, i32
  }
  func.func @transform_1(%arg0: i32) -> (i32, i32) {
    %c0_i32 = arith.constant 0 : i32
    %c0_i32_0 = arith.constant 0 : i32
    %c0_i32_1 = arith.constant 0 : i32
    return %c0_i32, %c0_i32_0 : i32, i32
  }
  func.func @transform_2(%arg0: i32) -> (i32, i32) {
    %c0_i32 = arith.constant 0 : i32
    %c0_i32_0 = arith.constant 0 : i32
    %c0_i32_1 = arith.constant 0 : i32
    return %c0_i32, %c0_i32_0 : i32, i32
  }
  func.func @transform_3(%arg0: i32) -> (i32, i32) {
    %c0_i32 = arith.constant 0 : i32
    %c0_i32_0 = arith.constant 0 : i32
    %c0_i32_1 = arith.constant 0 : i32
    return %c0_i32, %c0_i32_0 : i32, i32
  }
  func.func @transform_4(%arg0: i32) -> (i32, i32) {
    %c0_i32 = arith.constant 0 : i32
    %c0_i32_0 = arith.constant 0 : i32
    %c0_i32_1 = arith.constant 0 : i32
    return %c0_i32, %c0_i32_0 : i32, i32
  }
  func.func @transform_5(%arg0: i32) -> (i32, i32) {
    %c0_i32 = arith.constant 0 : i32
    %c0_i32_0 = arith.constant 0 : i32
    %c0_i32_1 = arith.constant 0 : i32
    return %c0_i32, %c0_i32_0 : i32, i32
  }
  func.func @transform_6(%arg0: i32) -> (i32, i32) {
    %c0_i32 = arith.constant 0 : i32
    %c0_i32_0 = arith.constant 0 : i32
    %c0_i32_1 = arith.constant 0 : i32
    return %c0_i32, %c0_i32_0 : i32, i32
  }
  func.func @transform_7(%arg0: i32) -> (i32, i32) {
    %c0_i32 = arith.constant 0 : i32
    %c0_i32_0 = arith.constant 0 : i32
    %c0_i32_1 = arith.constant 0 : i32
    return %c0_i32, %c0_i32_0 : i32, i32
  }
  func.func @transform_8(%arg0: i32) -> (i32, i32) {
    %c0_i32 = arith.constant 0 : i32
    %c0_i32_0 = arith.constant 0 : i32
    %c0_i32_1 = arith.constant 0 : i32
    return %c0_i32, %c0_i32_0 : i32, i32
  }
  func.func @transform_9(%arg0: i32) -> (i32, i32, i32) {
    %c0_i32 = arith.constant 0 : i32
    %c0_i32_0 = arith.constant 0 : i32
    %c0_i32_1 = arith.constant 0 : i32
    return %arg0, %c0_i32, %c0_i32_0 : i32, i32, i32
  }
}

module attributes {stable_mosaic.version = 14 : i64} {
  func.func @_sort_body(%arg0: memref<16x512xf32, #tpu.memory_space<vmem>>, %arg1: memref<512x16xf32, #tpu.memory_space<vmem>>, %arg2: memref<16x512xi32, #tpu.memory_space<vmem>>) attributes {dimension_semantics = [], scalar_prefetch = 0 : i64, scratch_operands = 0 : i64, tpu.core_type = #tpu.core_type<tc>} {
    %get3A = arith.constant 0 : index
    %get3A_0 = arith.constant 0 : index
    %get3A_1 = vector.load %arg0[%get3A, %get3A_0] : memref<16x512xf32, #tpu.memory_space<vmem>>, vector<16x512xf32>
    %reduce_min3A = arith.constant dense<0x7F800000> : vector<16xf32>
    %reduce_min3A_2 = vector.multi_reduction <minimumf>, %get3A_1, %reduce_min3A [1] : vector<16x512xf32> to vector<16xf32>
    %broadcast_in_dim3A = vector.shape_cast %reduce_min3A_2 : vector<16xf32> to vector<16x1xf32>
    %reduce_max3A = arith.constant dense<0xFF800000> : vector<16xf32>
    %reduce_max3A_3 = vector.multi_reduction <maximumf>, %get3A_1, %reduce_max3A [1] : vector<16x512xf32> to vector<16xf32>
    %broadcast_in_dim3A_4 = vector.shape_cast %reduce_max3A_3 : vector<16xf32> to vector<16x1xf32>
    %sub3A = vector.broadcast %broadcast_in_dim3A : vector<16x1xf32> to vector<16x512xf32>
    %sub3A_5 = arith.subf %get3A_1, %sub3A : vector<16x512xf32>
    %sub3A_6 = arith.subf %broadcast_in_dim3A_4, %broadcast_in_dim3A : vector<16x1xf32>
    %div3A = vector.broadcast %sub3A_6 : vector<16x1xf32> to vector<16x512xf32>
    %div3A_7 = arith.divf %sub3A_5, %div3A : vector<16x512xf32>
    %mul3A = arith.constant 1.000000e+04 : f32
    %mul3A_8 = vector.broadcast %mul3A : f32 to vector<16x512xf32>
    %mul3A_9 = arith.mulf %div3A_7, %mul3A_8 : vector<16x512xf32>
    %iota3A = tpu.iota {dimensions = array<i32: 1>} : vector<16x512xi32>
    %and3A = arith.constant 1 : i32
    %and3A_10 = vector.broadcast %and3A : i32 to vector<16x512xi32>
    %and3A_11 = arith.andi %iota3A, %and3A_10 : vector<16x512xi32>
    %eq3A = arith.constant 0 : i32
    %eq3A_12 = vector.broadcast %eq3A : i32 to vector<16x512xi32>
    %eq3A_13 = arith.cmpi eq, %and3A_11, %eq3A_12 : vector<16x512xi32>
    %slice3A = vector.extract_strided_slice %mul3A_9 {offsets = [0, 1], sizes = [16, 511], strides = [1, 1]} : vector<16x512xf32> to vector<16x511xf32>
    %slice3A_14 = vector.extract_strided_slice %mul3A_9 {offsets = [0, 0], sizes = [16, 1], strides = [1, 1]} : vector<16x512xf32> to vector<16x1xf32>
    %concatenate3A = tpu.concatenate %slice3A, %slice3A_14 in 1 : vector<16x511xf32>, vector<16x1xf32> -> vector<16x512xf32>
    %slice3A_15 = vector.extract_strided_slice %mul3A_9 {offsets = [0, 511], sizes = [16, 1], strides = [1, 1]} : vector<16x512xf32> to vector<16x1xf32>
    %slice3A_16 = vector.extract_strided_slice %mul3A_9 {offsets = [0, 0], sizes = [16, 511], strides = [1, 1]} : vector<16x512xf32> to vector<16x511xf32>
    %concatenate3A_17 = tpu.concatenate %slice3A_15, %slice3A_16 in 1 : vector<16x1xf32>, vector<16x511xf32> -> vector<16x512xf32>
    %select_n3A = arith.select %eq3A_13, %concatenate3A, %concatenate3A_17 : vector<16x512xi1>, vector<16x512xf32>
    %slice3A_18 = vector.extract_strided_slice %iota3A {offsets = [0, 1], sizes = [16, 511], strides = [1, 1]} : vector<16x512xi32> to vector<16x511xi32>
    %slice3A_19 = vector.extract_strided_slice %iota3A {offsets = [0, 0], sizes = [16, 1], strides = [1, 1]} : vector<16x512xi32> to vector<16x1xi32>
    %concatenate3A_20 = tpu.concatenate %slice3A_18, %slice3A_19 in 1 : vector<16x511xi32>, vector<16x1xi32> -> vector<16x512xi32>
    %slice3A_21 = vector.extract_strided_slice %iota3A {offsets = [0, 511], sizes = [16, 1], strides = [1, 1]} : vector<16x512xi32> to vector<16x1xi32>
    %slice3A_22 = vector.extract_strided_slice %iota3A {offsets = [0, 0], sizes = [16, 511], strides = [1, 1]} : vector<16x512xi32> to vector<16x511xi32>
    %concatenate3A_23 = tpu.concatenate %slice3A_21, %slice3A_22 in 1 : vector<16x1xi32>, vector<16x511xi32> -> vector<16x512xi32>
    %select_n3A_24 = arith.select %eq3A_13, %concatenate3A_20, %concatenate3A_23 : vector<16x512xi1>, vector<16x512xi32>
    %and3A_25 = arith.constant 2 : i32
    %and3A_26 = vector.broadcast %and3A_25 : i32 to vector<16x512xi32>
    %and3A_27 = arith.andi %iota3A, %and3A_26 : vector<16x512xi32>
    %ne3A = arith.constant 0 : i32
    %ne3A_28 = vector.broadcast %ne3A : i32 to vector<16x512xi32>
    %ne3A_29 = arith.cmpi ne, %and3A_27, %ne3A_28 : vector<16x512xi32>
    %and3A_30 = arith.andi %ne3A_29, %eq3A_13 : vector<16x512xi1>
    %not3A = arith.constant dense<true> : vector<16x512xi1>
    %not3A_31 = arith.xori %ne3A_29, %not3A : vector<16x512xi1>
    %not3A_32 = arith.constant dense<true> : vector<16x512xi1>
    %not3A_33 = arith.xori %eq3A_13, %not3A_32 : vector<16x512xi1>
    %and3A_34 = arith.andi %not3A_31, %not3A_33 : vector<16x512xi1>
    %or3A = arith.ori %and3A_30, %and3A_34 : vector<16x512xi1>
    %le3A = arith.cmpf ole, %mul3A_9, %select_n3A : vector<16x512xf32>
    %lt3A = arith.cmpf olt, %mul3A_9, %select_n3A : vector<16x512xf32>
    %and3A_35 = arith.andi %eq3A_13, %le3A : vector<16x512xi1>
    %not3A_36 = arith.constant dense<true> : vector<16x512xi1>
    %not3A_37 = arith.xori %eq3A_13, %not3A_36 : vector<16x512xi1>
    %and3A_38 = arith.andi %not3A_37, %lt3A : vector<16x512xi1>
    %or3A_39 = arith.ori %and3A_35, %and3A_38 : vector<16x512xi1>
    %not3A_40 = arith.constant dense<true> : vector<16x512xi1>
    %not3A_41 = arith.xori %le3A, %not3A_40 : vector<16x512xi1>
    %and3A_42 = arith.andi %eq3A_13, %not3A_41 : vector<16x512xi1>
    %not3A_43 = arith.constant dense<true> : vector<16x512xi1>
    %not3A_44 = arith.xori %eq3A_13, %not3A_43 : vector<16x512xi1>
    %not3A_45 = arith.constant dense<true> : vector<16x512xi1>
    %not3A_46 = arith.xori %lt3A, %not3A_45 : vector<16x512xi1>
    %and3A_47 = arith.andi %not3A_44, %not3A_46 : vector<16x512xi1>
    %or3A_48 = arith.ori %and3A_42, %and3A_47 : vector<16x512xi1>
    %and3A_49 = arith.andi %or3A, %or3A_39 : vector<16x512xi1>
    %not3A_50 = arith.constant dense<true> : vector<16x512xi1>
    %not3A_51 = arith.xori %or3A, %not3A_50 : vector<16x512xi1>
    %and3A_52 = arith.andi %not3A_51, %or3A_48 : vector<16x512xi1>
    %or3A_53 = arith.ori %and3A_49, %and3A_52 : vector<16x512xi1>
    %select_n3A_54 = arith.select %or3A_53, %mul3A_9, %select_n3A : vector<16x512xi1>, vector<16x512xf32>
    %select_n3A_55 = arith.select %or3A_53, %iota3A, %select_n3A_24 : vector<16x512xi1>, vector<16x512xi32>
    %and3A_56 = arith.constant 2 : i32
    %and3A_57 = vector.broadcast %and3A_56 : i32 to vector<16x512xi32>
    %and3A_58 = arith.andi %iota3A, %and3A_57 : vector<16x512xi32>
    %eq3A_59 = arith.constant 0 : i32
    %eq3A_60 = vector.broadcast %eq3A_59 : i32 to vector<16x512xi32>
    %eq3A_61 = arith.cmpi eq, %and3A_58, %eq3A_60 : vector<16x512xi32>
    %slice3A_62 = vector.extract_strided_slice %select_n3A_54 {offsets = [0, 2], sizes = [16, 510], strides = [1, 1]} : vector<16x512xf32> to vector<16x510xf32>
    %slice3A_63 = vector.extract_strided_slice %select_n3A_54 {offsets = [0, 0], sizes = [16, 2], strides = [1, 1]} : vector<16x512xf32> to vector<16x2xf32>
    %concatenate3A_64 = tpu.concatenate %slice3A_62, %slice3A_63 in 1 : vector<16x510xf32>, vector<16x2xf32> -> vector<16x512xf32>
    %slice3A_65 = vector.extract_strided_slice %select_n3A_54 {offsets = [0, 510], sizes = [16, 2], strides = [1, 1]} : vector<16x512xf32> to vector<16x2xf32>
    %slice3A_66 = vector.extract_strided_slice %select_n3A_54 {offsets = [0, 0], sizes = [16, 510], strides = [1, 1]} : vector<16x512xf32> to vector<16x510xf32>
    %concatenate3A_67 = tpu.concatenate %slice3A_65, %slice3A_66 in 1 : vector<16x2xf32>, vector<16x510xf32> -> vector<16x512xf32>
    %select_n3A_68 = arith.select %eq3A_61, %concatenate3A_64, %concatenate3A_67 : vector<16x512xi1>, vector<16x512xf32>
    %slice3A_69 = vector.extract_strided_slice %select_n3A_55 {offsets = [0, 2], sizes = [16, 510], strides = [1, 1]} : vector<16x512xi32> to vector<16x510xi32>
    %slice3A_70 = vector.extract_strided_slice %select_n3A_55 {offsets = [0, 0], sizes = [16, 2], strides = [1, 1]} : vector<16x512xi32> to vector<16x2xi32>
    %concatenate3A_71 = tpu.concatenate %slice3A_69, %slice3A_70 in 1 : vector<16x510xi32>, vector<16x2xi32> -> vector<16x512xi32>
    %slice3A_72 = vector.extract_strided_slice %select_n3A_55 {offsets = [0, 510], sizes = [16, 2], strides = [1, 1]} : vector<16x512xi32> to vector<16x2xi32>
    %slice3A_73 = vector.extract_strided_slice %select_n3A_55 {offsets = [0, 0], sizes = [16, 510], strides = [1, 1]} : vector<16x512xi32> to vector<16x510xi32>
    %concatenate3A_74 = tpu.concatenate %slice3A_72, %slice3A_73 in 1 : vector<16x2xi32>, vector<16x510xi32> -> vector<16x512xi32>
    %select_n3A_75 = arith.select %eq3A_61, %concatenate3A_71, %concatenate3A_74 : vector<16x512xi1>, vector<16x512xi32>
    %and3A_76 = arith.constant 4 : i32
    %and3A_77 = vector.broadcast %and3A_76 : i32 to vector<16x512xi32>
    %and3A_78 = arith.andi %iota3A, %and3A_77 : vector<16x512xi32>
    %ne3A_79 = arith.constant 0 : i32
    %ne3A_80 = vector.broadcast %ne3A_79 : i32 to vector<16x512xi32>
    %ne3A_81 = arith.cmpi ne, %and3A_78, %ne3A_80 : vector<16x512xi32>
    %and3A_82 = arith.andi %ne3A_81, %eq3A_61 : vector<16x512xi1>
    %not3A_83 = arith.constant dense<true> : vector<16x512xi1>
    %not3A_84 = arith.xori %ne3A_81, %not3A_83 : vector<16x512xi1>
    %not3A_85 = arith.constant dense<true> : vector<16x512xi1>
    %not3A_86 = arith.xori %eq3A_61, %not3A_85 : vector<16x512xi1>
    %and3A_87 = arith.andi %not3A_84, %not3A_86 : vector<16x512xi1>
    %or3A_88 = arith.ori %and3A_82, %and3A_87 : vector<16x512xi1>
    %le3A_89 = arith.cmpf ole, %select_n3A_54, %select_n3A_68 : vector<16x512xf32>
    %lt3A_90 = arith.cmpf olt, %select_n3A_54, %select_n3A_68 : vector<16x512xf32>
    %and3A_91 = arith.andi %eq3A_61, %le3A_89 : vector<16x512xi1>
    %not3A_92 = arith.constant dense<true> : vector<16x512xi1>
    %not3A_93 = arith.xori %eq3A_61, %not3A_92 : vector<16x512xi1>
    %and3A_94 = arith.andi %not3A_93, %lt3A_90 : vector<16x512xi1>
    %or3A_95 = arith.ori %and3A_91, %and3A_94 : vector<16x512xi1>
    %not3A_96 = arith.constant dense<true> : vector<16x512xi1>
    %not3A_97 = arith.xori %le3A_89, %not3A_96 : vector<16x512xi1>
    %and3A_98 = arith.andi %eq3A_61, %not3A_97 : vector<16x512xi1>
    %not3A_99 = arith.constant dense<true> : vector<16x512xi1>
    %not3A_100 = arith.xori %eq3A_61, %not3A_99 : vector<16x512xi1>
    %not3A_101 = arith.constant dense<true> : vector<16x512xi1>
    %not3A_102 = arith.xori %lt3A_90, %not3A_101 : vector<16x512xi1>
    %and3A_103 = arith.andi %not3A_100, %not3A_102 : vector<16x512xi1>
    %or3A_104 = arith.ori %and3A_98, %and3A_103 : vector<16x512xi1>
    %and3A_105 = arith.andi %or3A_88, %or3A_95 : vector<16x512xi1>
    %not3A_106 = arith.constant dense<true> : vector<16x512xi1>
    %not3A_107 = arith.xori %or3A_88, %not3A_106 : vector<16x512xi1>
    %and3A_108 = arith.andi %not3A_107, %or3A_104 : vector<16x512xi1>
    %or3A_109 = arith.ori %and3A_105, %and3A_108 : vector<16x512xi1>
    %select_n3A_110 = arith.select %or3A_109, %select_n3A_54, %select_n3A_68 : vector<16x512xi1>, vector<16x512xf32>
    %select_n3A_111 = arith.select %or3A_109, %select_n3A_55, %select_n3A_75 : vector<16x512xi1>, vector<16x512xi32>
    %and3A_112 = arith.constant 1 : i32
    %and3A_113 = vector.broadcast %and3A_112 : i32 to vector<16x512xi32>
    %and3A_114 = arith.andi %iota3A, %and3A_113 : vector<16x512xi32>
    %eq3A_115 = arith.constant 0 : i32
    %eq3A_116 = vector.broadcast %eq3A_115 : i32 to vector<16x512xi32>
    %eq3A_117 = arith.cmpi eq, %and3A_114, %eq3A_116 : vector<16x512xi32>
    %slice3A_118 = vector.extract_strided_slice %select_n3A_110 {offsets = [0, 1], sizes = [16, 511], strides = [1, 1]} : vector<16x512xf32> to vector<16x511xf32>
    %slice3A_119 = vector.extract_strided_slice %select_n3A_110 {offsets = [0, 0], sizes = [16, 1], strides = [1, 1]} : vector<16x512xf32> to vector<16x1xf32>
    %concatenate3A_120 = tpu.concatenate %slice3A_118, %slice3A_119 in 1 : vector<16x511xf32>, vector<16x1xf32> -> vector<16x512xf32>
    %slice3A_121 = vector.extract_strided_slice %select_n3A_110 {offsets = [0, 511], sizes = [16, 1], strides = [1, 1]} : vector<16x512xf32> to vector<16x1xf32>
    %slice3A_122 = vector.extract_strided_slice %select_n3A_110 {offsets = [0, 0], sizes = [16, 511], strides = [1, 1]} : vector<16x512xf32> to vector<16x511xf32>
    %concatenate3A_123 = tpu.concatenate %slice3A_121, %slice3A_122 in 1 : vector<16x1xf32>, vector<16x511xf32> -> vector<16x512xf32>
    %select_n3A_124 = arith.select %eq3A_117, %concatenate3A_120, %concatenate3A_123 : vector<16x512xi1>, vector<16x512xf32>
    %slice3A_125 = vector.extract_strided_slice %select_n3A_111 {offsets = [0, 1], sizes = [16, 511], strides = [1, 1]} : vector<16x512xi32> to vector<16x511xi32>
    %slice3A_126 = vector.extract_strided_slice %select_n3A_111 {offsets = [0, 0], sizes = [16, 1], strides = [1, 1]} : vector<16x512xi32> to vector<16x1xi32>
    %concatenate3A_127 = tpu.concatenate %slice3A_125, %slice3A_126 in 1 : vector<16x511xi32>, vector<16x1xi32> -> vector<16x512xi32>
    %slice3A_128 = vector.extract_strided_slice %select_n3A_111 {offsets = [0, 511], sizes = [16, 1], strides = [1, 1]} : vector<16x512xi32> to vector<16x1xi32>
    %slice3A_129 = vector.extract_strided_slice %select_n3A_111 {offsets = [0, 0], sizes = [16, 511], strides = [1, 1]} : vector<16x512xi32> to vector<16x511xi32>
    %concatenate3A_130 = tpu.concatenate %slice3A_128, %slice3A_129 in 1 : vector<16x1xi32>, vector<16x511xi32> -> vector<16x512xi32>
    %select_n3A_131 = arith.select %eq3A_117, %concatenate3A_127, %concatenate3A_130 : vector<16x512xi1>, vector<16x512xi32>
    %and3A_132 = arith.constant 4 : i32
    %and3A_133 = vector.broadcast %and3A_132 : i32 to vector<16x512xi32>
    %and3A_134 = arith.andi %iota3A, %and3A_133 : vector<16x512xi32>
    %ne3A_135 = arith.constant 0 : i32
    %ne3A_136 = vector.broadcast %ne3A_135 : i32 to vector<16x512xi32>
    %ne3A_137 = arith.cmpi ne, %and3A_134, %ne3A_136 : vector<16x512xi32>
    %and3A_138 = arith.andi %ne3A_137, %eq3A_117 : vector<16x512xi1>
    %not3A_139 = arith.constant dense<true> : vector<16x512xi1>
    %not3A_140 = arith.xori %ne3A_137, %not3A_139 : vector<16x512xi1>
    %not3A_141 = arith.constant dense<true> : vector<16x512xi1>
    %not3A_142 = arith.xori %eq3A_117, %not3A_141 : vector<16x512xi1>
    %and3A_143 = arith.andi %not3A_140, %not3A_142 : vector<16x512xi1>
    %or3A_144 = arith.ori %and3A_138, %and3A_143 : vector<16x512xi1>
    %le3A_145 = arith.cmpf ole, %select_n3A_110, %select_n3A_124 : vector<16x512xf32>
    %lt3A_146 = arith.cmpf olt, %select_n3A_110, %select_n3A_124 : vector<16x512xf32>
    %and3A_147 = arith.andi %eq3A_117, %le3A_145 : vector<16x512xi1>
    %not3A_148 = arith.constant dense<true> : vector<16x512xi1>
    %not3A_149 = arith.xori %eq3A_117, %not3A_148 : vector<16x512xi1>
    %and3A_150 = arith.andi %not3A_149, %lt3A_146 : vector<16x512xi1>
    %or3A_151 = arith.ori %and3A_147, %and3A_150 : vector<16x512xi1>
    %not3A_152 = arith.constant dense<true> : vector<16x512xi1>
    %not3A_153 = arith.xori %le3A_145, %not3A_152 : vector<16x512xi1>
    %and3A_154 = arith.andi %eq3A_117, %not3A_153 : vector<16x512xi1>
    %not3A_155 = arith.constant dense<true> : vector<16x512xi1>
    %not3A_156 = arith.xori %eq3A_117, %not3A_155 : vector<16x512xi1>
    %not3A_157 = arith.constant dense<true> : vector<16x512xi1>
    %not3A_158 = arith.xori %lt3A_146, %not3A_157 : vector<16x512xi1>
    %and3A_159 = arith.andi %not3A_156, %not3A_158 : vector<16x512xi1>
    %or3A_160 = arith.ori %and3A_154, %and3A_159 : vector<16x512xi1>
    %and3A_161 = arith.andi %or3A_144, %or3A_151 : vector<16x512xi1>
    %not3A_162 = arith.constant dense<true> : vector<16x512xi1>
    %not3A_163 = arith.xori %or3A_144, %not3A_162 : vector<16x512xi1>
    %and3A_164 = arith.andi %not3A_163, %or3A_160 : vector<16x512xi1>
    %or3A_165 = arith.ori %and3A_161, %and3A_164 : vector<16x512xi1>
    %select_n3A_166 = arith.select %or3A_165, %select_n3A_110, %select_n3A_124 : vector<16x512xi1>, vector<16x512xf32>
    %select_n3A_167 = arith.select %or3A_165, %select_n3A_111, %select_n3A_131 : vector<16x512xi1>, vector<16x512xi32>
    %and3A_168 = arith.constant 4 : i32
    %and3A_169 = vector.broadcast %and3A_168 : i32 to vector<16x512xi32>
    %and3A_170 = arith.andi %iota3A, %and3A_169 : vector<16x512xi32>
    %eq3A_171 = arith.constant 0 : i32
    %eq3A_172 = vector.broadcast %eq3A_171 : i32 to vector<16x512xi32>
    %eq3A_173 = arith.cmpi eq, %and3A_170, %eq3A_172 : vector<16x512xi32>
    %slice3A_174 = vector.extract_strided_slice %select_n3A_166 {offsets = [0, 4], sizes = [16, 508], strides = [1, 1]} : vector<16x512xf32> to vector<16x508xf32>
    %slice3A_175 = vector.extract_strided_slice %select_n3A_166 {offsets = [0, 0], sizes = [16, 4], strides = [1, 1]} : vector<16x512xf32> to vector<16x4xf32>
    %concatenate3A_176 = tpu.concatenate %slice3A_174, %slice3A_175 in 1 : vector<16x508xf32>, vector<16x4xf32> -> vector<16x512xf32>
    %slice3A_177 = vector.extract_strided_slice %select_n3A_166 {offsets = [0, 508], sizes = [16, 4], strides = [1, 1]} : vector<16x512xf32> to vector<16x4xf32>
    %slice3A_178 = vector.extract_strided_slice %select_n3A_166 {offsets = [0, 0], sizes = [16, 508], strides = [1, 1]} : vector<16x512xf32> to vector<16x508xf32>
    %concatenate3A_179 = tpu.concatenate %slice3A_177, %slice3A_178 in 1 : vector<16x4xf32>, vector<16x508xf32> -> vector<16x512xf32>
    %select_n3A_180 = arith.select %eq3A_173, %concatenate3A_176, %concatenate3A_179 : vector<16x512xi1>, vector<16x512xf32>
    %slice3A_181 = vector.extract_strided_slice %select_n3A_167 {offsets = [0, 4], sizes = [16, 508], strides = [1, 1]} : vector<16x512xi32> to vector<16x508xi32>
    %slice3A_182 = vector.extract_strided_slice %select_n3A_167 {offsets = [0, 0], sizes = [16, 4], strides = [1, 1]} : vector<16x512xi32> to vector<16x4xi32>
    %concatenate3A_183 = tpu.concatenate %slice3A_181, %slice3A_182 in 1 : vector<16x508xi32>, vector<16x4xi32> -> vector<16x512xi32>
    %slice3A_184 = vector.extract_strided_slice %select_n3A_167 {offsets = [0, 508], sizes = [16, 4], strides = [1, 1]} : vector<16x512xi32> to vector<16x4xi32>
    %slice3A_185 = vector.extract_strided_slice %select_n3A_167 {offsets = [0, 0], sizes = [16, 508], strides = [1, 1]} : vector<16x512xi32> to vector<16x508xi32>
    %concatenate3A_186 = tpu.concatenate %slice3A_184, %slice3A_185 in 1 : vector<16x4xi32>, vector<16x508xi32> -> vector<16x512xi32>
    %select_n3A_187 = arith.select %eq3A_173, %concatenate3A_183, %concatenate3A_186 : vector<16x512xi1>, vector<16x512xi32>
    %and3A_188 = arith.constant 8 : i32
    %and3A_189 = vector.broadcast %and3A_188 : i32 to vector<16x512xi32>
    %and3A_190 = arith.andi %iota3A, %and3A_189 : vector<16x512xi32>
    %ne3A_191 = arith.constant 0 : i32
    %ne3A_192 = vector.broadcast %ne3A_191 : i32 to vector<16x512xi32>
    %ne3A_193 = arith.cmpi ne, %and3A_190, %ne3A_192 : vector<16x512xi32>
    %and3A_194 = arith.andi %ne3A_193, %eq3A_173 : vector<16x512xi1>
    %not3A_195 = arith.constant dense<true> : vector<16x512xi1>
    %not3A_196 = arith.xori %ne3A_193, %not3A_195 : vector<16x512xi1>
    %not3A_197 = arith.constant dense<true> : vector<16x512xi1>
    %not3A_198 = arith.xori %eq3A_173, %not3A_197 : vector<16x512xi1>
    %and3A_199 = arith.andi %not3A_196, %not3A_198 : vector<16x512xi1>
    %or3A_200 = arith.ori %and3A_194, %and3A_199 : vector<16x512xi1>
    %le3A_201 = arith.cmpf ole, %select_n3A_166, %select_n3A_180 : vector<16x512xf32>
    %lt3A_202 = arith.cmpf olt, %select_n3A_166, %select_n3A_180 : vector<16x512xf32>
    %and3A_203 = arith.andi %eq3A_173, %le3A_201 : vector<16x512xi1>
    %not3A_204 = arith.constant dense<true> : vector<16x512xi1>
    %not3A_205 = arith.xori %eq3A_173, %not3A_204 : vector<16x512xi1>
    %and3A_206 = arith.andi %not3A_205, %lt3A_202 : vector<16x512xi1>
    %or3A_207 = arith.ori %and3A_203, %and3A_206 : vector<16x512xi1>
    %not3A_208 = arith.constant dense<true> : vector<16x512xi1>
    %not3A_209 = arith.xori %le3A_201, %not3A_208 : vector<16x512xi1>
    %and3A_210 = arith.andi %eq3A_173, %not3A_209 : vector<16x512xi1>
    %not3A_211 = arith.constant dense<true> : vector<16x512xi1>
    %not3A_212 = arith.xori %eq3A_173, %not3A_211 : vector<16x512xi1>
    %not3A_213 = arith.constant dense<true> : vector<16x512xi1>
    %not3A_214 = arith.xori %lt3A_202, %not3A_213 : vector<16x512xi1>
    %and3A_215 = arith.andi %not3A_212, %not3A_214 : vector<16x512xi1>
    %or3A_216 = arith.ori %and3A_210, %and3A_215 : vector<16x512xi1>
    %and3A_217 = arith.andi %or3A_200, %or3A_207 : vector<16x512xi1>
    %not3A_218 = arith.constant dense<true> : vector<16x512xi1>
    %not3A_219 = arith.xori %or3A_200, %not3A_218 : vector<16x512xi1>
    %and3A_220 = arith.andi %not3A_219, %or3A_216 : vector<16x512xi1>
    %or3A_221 = arith.ori %and3A_217, %and3A_220 : vector<16x512xi1>
    %select_n3A_222 = arith.select %or3A_221, %select_n3A_166, %select_n3A_180 : vector<16x512xi1>, vector<16x512xf32>
    %select_n3A_223 = arith.select %or3A_221, %select_n3A_167, %select_n3A_187 : vector<16x512xi1>, vector<16x512xi32>
    %and3A_224 = arith.constant 2 : i32
    %and3A_225 = vector.broadcast %and3A_224 : i32 to vector<16x512xi32>
    %and3A_226 = arith.andi %iota3A, %and3A_225 : vector<16x512xi32>
    %eq3A_227 = arith.constant 0 : i32
    %eq3A_228 = vector.broadcast %eq3A_227 : i32 to vector<16x512xi32>
    %eq3A_229 = arith.cmpi eq, %and3A_226, %eq3A_228 : vector<16x512xi32>
    %slice3A_230 = vector.extract_strided_slice %select_n3A_222 {offsets = [0, 2], sizes = [16, 510], strides = [1, 1]} : vector<16x512xf32> to vector<16x510xf32>
    %slice3A_231 = vector.extract_strided_slice %select_n3A_222 {offsets = [0, 0], sizes = [16, 2], strides = [1, 1]} : vector<16x512xf32> to vector<16x2xf32>
    %concatenate3A_232 = tpu.concatenate %slice3A_230, %slice3A_231 in 1 : vector<16x510xf32>, vector<16x2xf32> -> vector<16x512xf32>
    %slice3A_233 = vector.extract_strided_slice %select_n3A_222 {offsets = [0, 510], sizes = [16, 2], strides = [1, 1]} : vector<16x512xf32> to vector<16x2xf32>
    %slice3A_234 = vector.extract_strided_slice %select_n3A_222 {offsets = [0, 0], sizes = [16, 510], strides = [1, 1]} : vector<16x512xf32> to vector<16x510xf32>
    %concatenate3A_235 = tpu.concatenate %slice3A_233, %slice3A_234 in 1 : vector<16x2xf32>, vector<16x510xf32> -> vector<16x512xf32>
    %select_n3A_236 = arith.select %eq3A_229, %concatenate3A_232, %concatenate3A_235 : vector<16x512xi1>, vector<16x512xf32>
    %slice3A_237 = vector.extract_strided_slice %select_n3A_223 {offsets = [0, 2], sizes = [16, 510], strides = [1, 1]} : vector<16x512xi32> to vector<16x510xi32>
    %slice3A_238 = vector.extract_strided_slice %select_n3A_223 {offsets = [0, 0], sizes = [16, 2], strides = [1, 1]} : vector<16x512xi32> to vector<16x2xi32>
    %concatenate3A_239 = tpu.concatenate %slice3A_237, %slice3A_238 in 1 : vector<16x510xi32>, vector<16x2xi32> -> vector<16x512xi32>
    %slice3A_240 = vector.extract_strided_slice %select_n3A_223 {offsets = [0, 510], sizes = [16, 2], strides = [1, 1]} : vector<16x512xi32> to vector<16x2xi32>
    %slice3A_241 = vector.extract_strided_slice %select_n3A_223 {offsets = [0, 0], sizes = [16, 510], strides = [1, 1]} : vector<16x512xi32> to vector<16x510xi32>
    %concatenate3A_242 = tpu.concatenate %slice3A_240, %slice3A_241 in 1 : vector<16x2xi32>, vector<16x510xi32> -> vector<16x512xi32>
    %select_n3A_243 = arith.select %eq3A_229, %concatenate3A_239, %concatenate3A_242 : vector<16x512xi1>, vector<16x512xi32>
    %and3A_244 = arith.constant 8 : i32
    %and3A_245 = vector.broadcast %and3A_244 : i32 to vector<16x512xi32>
    %and3A_246 = arith.andi %iota3A, %and3A_245 : vector<16x512xi32>
    %ne3A_247 = arith.constant 0 : i32
    %ne3A_248 = vector.broadcast %ne3A_247 : i32 to vector<16x512xi32>
    %ne3A_249 = arith.cmpi ne, %and3A_246, %ne3A_248 : vector<16x512xi32>
    %and3A_250 = arith.andi %ne3A_249, %eq3A_229 : vector<16x512xi1>
    %not3A_251 = arith.constant dense<true> : vector<16x512xi1>
    %not3A_252 = arith.xori %ne3A_249, %not3A_251 : vector<16x512xi1>
    %not3A_253 = arith.constant dense<true> : vector<16x512xi1>
    %not3A_254 = arith.xori %eq3A_229, %not3A_253 : vector<16x512xi1>
    %and3A_255 = arith.andi %not3A_252, %not3A_254 : vector<16x512xi1>
    %or3A_256 = arith.ori %and3A_250, %and3A_255 : vector<16x512xi1>
    %le3A_257 = arith.cmpf ole, %select_n3A_222, %select_n3A_236 : vector<16x512xf32>
    %lt3A_258 = arith.cmpf olt, %select_n3A_222, %select_n3A_236 : vector<16x512xf32>
    %and3A_259 = arith.andi %eq3A_229, %le3A_257 : vector<16x512xi1>
    %not3A_260 = arith.constant dense<true> : vector<16x512xi1>
    %not3A_261 = arith.xori %eq3A_229, %not3A_260 : vector<16x512xi1>
    %and3A_262 = arith.andi %not3A_261, %lt3A_258 : vector<16x512xi1>
    %or3A_263 = arith.ori %and3A_259, %and3A_262 : vector<16x512xi1>
    %not3A_264 = arith.constant dense<true> : vector<16x512xi1>
    %not3A_265 = arith.xori %le3A_257, %not3A_264 : vector<16x512xi1>
    %and3A_266 = arith.andi %eq3A_229, %not3A_265 : vector<16x512xi1>
    %not3A_267 = arith.constant dense<true> : vector<16x512xi1>
    %not3A_268 = arith.xori %eq3A_229, %not3A_267 : vector<16x512xi1>
    %not3A_269 = arith.constant dense<true> : vector<16x512xi1>
    %not3A_270 = arith.xori %lt3A_258, %not3A_269 : vector<16x512xi1>
    %and3A_271 = arith.andi %not3A_268, %not3A_270 : vector<16x512xi1>
    %or3A_272 = arith.ori %and3A_266, %and3A_271 : vector<16x512xi1>
    %and3A_273 = arith.andi %or3A_256, %or3A_263 : vector<16x512xi1>
    %not3A_274 = arith.constant dense<true> : vector<16x512xi1>
    %not3A_275 = arith.xori %or3A_256, %not3A_274 : vector<16x512xi1>
    %and3A_276 = arith.andi %not3A_275, %or3A_272 : vector<16x512xi1>
    %or3A_277 = arith.ori %and3A_273, %and3A_276 : vector<16x512xi1>
    %select_n3A_278 = arith.select %or3A_277, %select_n3A_222, %select_n3A_236 : vector<16x512xi1>, vector<16x512xf32>
    %select_n3A_279 = arith.select %or3A_277, %select_n3A_223, %select_n3A_243 : vector<16x512xi1>, vector<16x512xi32>
    %and3A_280 = arith.constant 1 : i32
    %and3A_281 = vector.broadcast %and3A_280 : i32 to vector<16x512xi32>
    %and3A_282 = arith.andi %iota3A, %and3A_281 : vector<16x512xi32>
    %eq3A_283 = arith.constant 0 : i32
    %eq3A_284 = vector.broadcast %eq3A_283 : i32 to vector<16x512xi32>
    %eq3A_285 = arith.cmpi eq, %and3A_282, %eq3A_284 : vector<16x512xi32>
    %slice3A_286 = vector.extract_strided_slice %select_n3A_278 {offsets = [0, 1], sizes = [16, 511], strides = [1, 1]} : vector<16x512xf32> to vector<16x511xf32>
    %slice3A_287 = vector.extract_strided_slice %select_n3A_278 {offsets = [0, 0], sizes = [16, 1], strides = [1, 1]} : vector<16x512xf32> to vector<16x1xf32>
    %concatenate3A_288 = tpu.concatenate %slice3A_286, %slice3A_287 in 1 : vector<16x511xf32>, vector<16x1xf32> -> vector<16x512xf32>
    %slice3A_289 = vector.extract_strided_slice %select_n3A_278 {offsets = [0, 511], sizes = [16, 1], strides = [1, 1]} : vector<16x512xf32> to vector<16x1xf32>
    %slice3A_290 = vector.extract_strided_slice %select_n3A_278 {offsets = [0, 0], sizes = [16, 511], strides = [1, 1]} : vector<16x512xf32> to vector<16x511xf32>
    %concatenate3A_291 = tpu.concatenate %slice3A_289, %slice3A_290 in 1 : vector<16x1xf32>, vector<16x511xf32> -> vector<16x512xf32>
    %select_n3A_292 = arith.select %eq3A_285, %concatenate3A_288, %concatenate3A_291 : vector<16x512xi1>, vector<16x512xf32>
    %slice3A_293 = vector.extract_strided_slice %select_n3A_279 {offsets = [0, 1], sizes = [16, 511], strides = [1, 1]} : vector<16x512xi32> to vector<16x511xi32>
    %slice3A_294 = vector.extract_strided_slice %select_n3A_279 {offsets = [0, 0], sizes = [16, 1], strides = [1, 1]} : vector<16x512xi32> to vector<16x1xi32>
    %concatenate3A_295 = tpu.concatenate %slice3A_293, %slice3A_294 in 1 : vector<16x511xi32>, vector<16x1xi32> -> vector<16x512xi32>
    %slice3A_296 = vector.extract_strided_slice %select_n3A_279 {offsets = [0, 511], sizes = [16, 1], strides = [1, 1]} : vector<16x512xi32> to vector<16x1xi32>
    %slice3A_297 = vector.extract_strided_slice %select_n3A_279 {offsets = [0, 0], sizes = [16, 511], strides = [1, 1]} : vector<16x512xi32> to vector<16x511xi32>
    %concatenate3A_298 = tpu.concatenate %slice3A_296, %slice3A_297 in 1 : vector<16x1xi32>, vector<16x511xi32> -> vector<16x512xi32>
    %select_n3A_299 = arith.select %eq3A_285, %concatenate3A_295, %concatenate3A_298 : vector<16x512xi1>, vector<16x512xi32>
    %and3A_300 = arith.constant 8 : i32
    %and3A_301 = vector.broadcast %and3A_300 : i32 to vector<16x512xi32>
    %and3A_302 = arith.andi %iota3A, %and3A_301 : vector<16x512xi32>
    %ne3A_303 = arith.constant 0 : i32
    %ne3A_304 = vector.broadcast %ne3A_303 : i32 to vector<16x512xi32>
    %ne3A_305 = arith.cmpi ne, %and3A_302, %ne3A_304 : vector<16x512xi32>
    %and3A_306 = arith.andi %ne3A_305, %eq3A_285 : vector<16x512xi1>
    %not3A_307 = arith.constant dense<true> : vector<16x512xi1>
    %not3A_308 = arith.xori %ne3A_305, %not3A_307 : vector<16x512xi1>
    %not3A_309 = arith.constant dense<true> : vector<16x512xi1>
    %not3A_310 = arith.xori %eq3A_285, %not3A_309 : vector<16x512xi1>
    %and3A_311 = arith.andi %not3A_308, %not3A_310 : vector<16x512xi1>
    %or3A_312 = arith.ori %and3A_306, %and3A_311 : vector<16x512xi1>
    %le3A_313 = arith.cmpf ole, %select_n3A_278, %select_n3A_292 : vector<16x512xf32>
    %lt3A_314 = arith.cmpf olt, %select_n3A_278, %select_n3A_292 : vector<16x512xf32>
    %and3A_315 = arith.andi %eq3A_285, %le3A_313 : vector<16x512xi1>
    %not3A_316 = arith.constant dense<true> : vector<16x512xi1>
    %not3A_317 = arith.xori %eq3A_285, %not3A_316 : vector<16x512xi1>
    %and3A_318 = arith.andi %not3A_317, %lt3A_314 : vector<16x512xi1>
    %or3A_319 = arith.ori %and3A_315, %and3A_318 : vector<16x512xi1>
    %not3A_320 = arith.constant dense<true> : vector<16x512xi1>
    %not3A_321 = arith.xori %le3A_313, %not3A_320 : vector<16x512xi1>
    %and3A_322 = arith.andi %eq3A_285, %not3A_321 : vector<16x512xi1>
    %not3A_323 = arith.constant dense<true> : vector<16x512xi1>
    %not3A_324 = arith.xori %eq3A_285, %not3A_323 : vector<16x512xi1>
    %not3A_325 = arith.constant dense<true> : vector<16x512xi1>
    %not3A_326 = arith.xori %lt3A_314, %not3A_325 : vector<16x512xi1>
    %and3A_327 = arith.andi %not3A_324, %not3A_326 : vector<16x512xi1>
    %or3A_328 = arith.ori %and3A_322, %and3A_327 : vector<16x512xi1>
    %and3A_329 = arith.andi %or3A_312, %or3A_319 : vector<16x512xi1>
    %not3A_330 = arith.constant dense<true> : vector<16x512xi1>
    %not3A_331 = arith.xori %or3A_312, %not3A_330 : vector<16x512xi1>
    %and3A_332 = arith.andi %not3A_331, %or3A_328 : vector<16x512xi1>
    %or3A_333 = arith.ori %and3A_329, %and3A_332 : vector<16x512xi1>
    %select_n3A_334 = arith.select %or3A_333, %select_n3A_278, %select_n3A_292 : vector<16x512xi1>, vector<16x512xf32>
    %select_n3A_335 = arith.select %or3A_333, %select_n3A_279, %select_n3A_299 : vector<16x512xi1>, vector<16x512xi32>
    %and3A_336 = arith.constant 8 : i32
    %and3A_337 = vector.broadcast %and3A_336 : i32 to vector<16x512xi32>
    %and3A_338 = arith.andi %iota3A, %and3A_337 : vector<16x512xi32>
    %eq3A_339 = arith.constant 0 : i32
    %eq3A_340 = vector.broadcast %eq3A_339 : i32 to vector<16x512xi32>
    %eq3A_341 = arith.cmpi eq, %and3A_338, %eq3A_340 : vector<16x512xi32>
    %slice3A_342 = vector.extract_strided_slice %select_n3A_334 {offsets = [0, 8], sizes = [16, 504], strides = [1, 1]} : vector<16x512xf32> to vector<16x504xf32>
    %slice3A_343 = vector.extract_strided_slice %select_n3A_334 {offsets = [0, 0], sizes = [16, 8], strides = [1, 1]} : vector<16x512xf32> to vector<16x8xf32>
    %concatenate3A_344 = tpu.concatenate %slice3A_342, %slice3A_343 in 1 : vector<16x504xf32>, vector<16x8xf32> -> vector<16x512xf32>
    %slice3A_345 = vector.extract_strided_slice %select_n3A_334 {offsets = [0, 504], sizes = [16, 8], strides = [1, 1]} : vector<16x512xf32> to vector<16x8xf32>
    %slice3A_346 = vector.extract_strided_slice %select_n3A_334 {offsets = [0, 0], sizes = [16, 504], strides = [1, 1]} : vector<16x512xf32> to vector<16x504xf32>
    %concatenate3A_347 = tpu.concatenate %slice3A_345, %slice3A_346 in 1 : vector<16x8xf32>, vector<16x504xf32> -> vector<16x512xf32>
    %select_n3A_348 = arith.select %eq3A_341, %concatenate3A_344, %concatenate3A_347 : vector<16x512xi1>, vector<16x512xf32>
    %slice3A_349 = vector.extract_strided_slice %select_n3A_335 {offsets = [0, 8], sizes = [16, 504], strides = [1, 1]} : vector<16x512xi32> to vector<16x504xi32>
    %slice3A_350 = vector.extract_strided_slice %select_n3A_335 {offsets = [0, 0], sizes = [16, 8], strides = [1, 1]} : vector<16x512xi32> to vector<16x8xi32>
    %concatenate3A_351 = tpu.concatenate %slice3A_349, %slice3A_350 in 1 : vector<16x504xi32>, vector<16x8xi32> -> vector<16x512xi32>
    %slice3A_352 = vector.extract_strided_slice %select_n3A_335 {offsets = [0, 504], sizes = [16, 8], strides = [1, 1]} : vector<16x512xi32> to vector<16x8xi32>
    %slice3A_353 = vector.extract_strided_slice %select_n3A_335 {offsets = [0, 0], sizes = [16, 504], strides = [1, 1]} : vector<16x512xi32> to vector<16x504xi32>
    %concatenate3A_354 = tpu.concatenate %slice3A_352, %slice3A_353 in 1 : vector<16x8xi32>, vector<16x504xi32> -> vector<16x512xi32>
    %select_n3A_355 = arith.select %eq3A_341, %concatenate3A_351, %concatenate3A_354 : vector<16x512xi1>, vector<16x512xi32>
    %and3A_356 = arith.constant 16 : i32
    %and3A_357 = vector.broadcast %and3A_356 : i32 to vector<16x512xi32>
    %and3A_358 = arith.andi %iota3A, %and3A_357 : vector<16x512xi32>
    %ne3A_359 = arith.constant 0 : i32
    %ne3A_360 = vector.broadcast %ne3A_359 : i32 to vector<16x512xi32>
    %ne3A_361 = arith.cmpi ne, %and3A_358, %ne3A_360 : vector<16x512xi32>
    %and3A_362 = arith.andi %ne3A_361, %eq3A_341 : vector<16x512xi1>
    %not3A_363 = arith.constant dense<true> : vector<16x512xi1>
    %not3A_364 = arith.xori %ne3A_361, %not3A_363 : vector<16x512xi1>
    %not3A_365 = arith.constant dense<true> : vector<16x512xi1>
    %not3A_366 = arith.xori %eq3A_341, %not3A_365 : vector<16x512xi1>
    %and3A_367 = arith.andi %not3A_364, %not3A_366 : vector<16x512xi1>
    %or3A_368 = arith.ori %and3A_362, %and3A_367 : vector<16x512xi1>
    %le3A_369 = arith.cmpf ole, %select_n3A_334, %select_n3A_348 : vector<16x512xf32>
    %lt3A_370 = arith.cmpf olt, %select_n3A_334, %select_n3A_348 : vector<16x512xf32>
    %and3A_371 = arith.andi %eq3A_341, %le3A_369 : vector<16x512xi1>
    %not3A_372 = arith.constant dense<true> : vector<16x512xi1>
    %not3A_373 = arith.xori %eq3A_341, %not3A_372 : vector<16x512xi1>
    %and3A_374 = arith.andi %not3A_373, %lt3A_370 : vector<16x512xi1>
    %or3A_375 = arith.ori %and3A_371, %and3A_374 : vector<16x512xi1>
    %not3A_376 = arith.constant dense<true> : vector<16x512xi1>
    %not3A_377 = arith.xori %le3A_369, %not3A_376 : vector<16x512xi1>
    %and3A_378 = arith.andi %eq3A_341, %not3A_377 : vector<16x512xi1>
    %not3A_379 = arith.constant dense<true> : vector<16x512xi1>
    %not3A_380 = arith.xori %eq3A_341, %not3A_379 : vector<16x512xi1>
    %not3A_381 = arith.constant dense<true> : vector<16x512xi1>
    %not3A_382 = arith.xori %lt3A_370, %not3A_381 : vector<16x512xi1>
    %and3A_383 = arith.andi %not3A_380, %not3A_382 : vector<16x512xi1>
    %or3A_384 = arith.ori %and3A_378, %and3A_383 : vector<16x512xi1>
    %and3A_385 = arith.andi %or3A_368, %or3A_375 : vector<16x512xi1>
    %not3A_386 = arith.constant dense<true> : vector<16x512xi1>
    %not3A_387 = arith.xori %or3A_368, %not3A_386 : vector<16x512xi1>
    %and3A_388 = arith.andi %not3A_387, %or3A_384 : vector<16x512xi1>
    %or3A_389 = arith.ori %and3A_385, %and3A_388 : vector<16x512xi1>
    %select_n3A_390 = arith.select %or3A_389, %select_n3A_334, %select_n3A_348 : vector<16x512xi1>, vector<16x512xf32>
    %select_n3A_391 = arith.select %or3A_389, %select_n3A_335, %select_n3A_355 : vector<16x512xi1>, vector<16x512xi32>
    %and3A_392 = arith.constant 4 : i32
    %and3A_393 = vector.broadcast %and3A_392 : i32 to vector<16x512xi32>
    %and3A_394 = arith.andi %iota3A, %and3A_393 : vector<16x512xi32>
    %eq3A_395 = arith.constant 0 : i32
    %eq3A_396 = vector.broadcast %eq3A_395 : i32 to vector<16x512xi32>
    %eq3A_397 = arith.cmpi eq, %and3A_394, %eq3A_396 : vector<16x512xi32>
    %slice3A_398 = vector.extract_strided_slice %select_n3A_390 {offsets = [0, 4], sizes = [16, 508], strides = [1, 1]} : vector<16x512xf32> to vector<16x508xf32>
    %slice3A_399 = vector.extract_strided_slice %select_n3A_390 {offsets = [0, 0], sizes = [16, 4], strides = [1, 1]} : vector<16x512xf32> to vector<16x4xf32>
    %concatenate3A_400 = tpu.concatenate %slice3A_398, %slice3A_399 in 1 : vector<16x508xf32>, vector<16x4xf32> -> vector<16x512xf32>
    %slice3A_401 = vector.extract_strided_slice %select_n3A_390 {offsets = [0, 508], sizes = [16, 4], strides = [1, 1]} : vector<16x512xf32> to vector<16x4xf32>
    %slice3A_402 = vector.extract_strided_slice %select_n3A_390 {offsets = [0, 0], sizes = [16, 508], strides = [1, 1]} : vector<16x512xf32> to vector<16x508xf32>
    %concatenate3A_403 = tpu.concatenate %slice3A_401, %slice3A_402 in 1 : vector<16x4xf32>, vector<16x508xf32> -> vector<16x512xf32>
    %select_n3A_404 = arith.select %eq3A_397, %concatenate3A_400, %concatenate3A_403 : vector<16x512xi1>, vector<16x512xf32>
    %slice3A_405 = vector.extract_strided_slice %select_n3A_391 {offsets = [0, 4], sizes = [16, 508], strides = [1, 1]} : vector<16x512xi32> to vector<16x508xi32>
    %slice3A_406 = vector.extract_strided_slice %select_n3A_391 {offsets = [0, 0], sizes = [16, 4], strides = [1, 1]} : vector<16x512xi32> to vector<16x4xi32>
    %concatenate3A_407 = tpu.concatenate %slice3A_405, %slice3A_406 in 1 : vector<16x508xi32>, vector<16x4xi32> -> vector<16x512xi32>
    %slice3A_408 = vector.extract_strided_slice %select_n3A_391 {offsets = [0, 508], sizes = [16, 4], strides = [1, 1]} : vector<16x512xi32> to vector<16x4xi32>
    %slice3A_409 = vector.extract_strided_slice %select_n3A_391 {offsets = [0, 0], sizes = [16, 508], strides = [1, 1]} : vector<16x512xi32> to vector<16x508xi32>
    %concatenate3A_410 = tpu.concatenate %slice3A_408, %slice3A_409 in 1 : vector<16x4xi32>, vector<16x508xi32> -> vector<16x512xi32>
    %select_n3A_411 = arith.select %eq3A_397, %concatenate3A_407, %concatenate3A_410 : vector<16x512xi1>, vector<16x512xi32>
    %and3A_412 = arith.constant 16 : i32
    %and3A_413 = vector.broadcast %and3A_412 : i32 to vector<16x512xi32>
    %and3A_414 = arith.andi %iota3A, %and3A_413 : vector<16x512xi32>
    %ne3A_415 = arith.constant 0 : i32
    %ne3A_416 = vector.broadcast %ne3A_415 : i32 to vector<16x512xi32>
    %ne3A_417 = arith.cmpi ne, %and3A_414, %ne3A_416 : vector<16x512xi32>
    %and3A_418 = arith.andi %ne3A_417, %eq3A_397 : vector<16x512xi1>
    %not3A_419 = arith.constant dense<true> : vector<16x512xi1>
    %not3A_420 = arith.xori %ne3A_417, %not3A_419 : vector<16x512xi1>
    %not3A_421 = arith.constant dense<true> : vector<16x512xi1>
    %not3A_422 = arith.xori %eq3A_397, %not3A_421 : vector<16x512xi1>
    %and3A_423 = arith.andi %not3A_420, %not3A_422 : vector<16x512xi1>
    %or3A_424 = arith.ori %and3A_418, %and3A_423 : vector<16x512xi1>
    %le3A_425 = arith.cmpf ole, %select_n3A_390, %select_n3A_404 : vector<16x512xf32>
    %lt3A_426 = arith.cmpf olt, %select_n3A_390, %select_n3A_404 : vector<16x512xf32>
    %and3A_427 = arith.andi %eq3A_397, %le3A_425 : vector<16x512xi1>
    %not3A_428 = arith.constant dense<true> : vector<16x512xi1>
    %not3A_429 = arith.xori %eq3A_397, %not3A_428 : vector<16x512xi1>
    %and3A_430 = arith.andi %not3A_429, %lt3A_426 : vector<16x512xi1>
    %or3A_431 = arith.ori %and3A_427, %and3A_430 : vector<16x512xi1>
    %not3A_432 = arith.constant dense<true> : vector<16x512xi1>
    %not3A_433 = arith.xori %le3A_425, %not3A_432 : vector<16x512xi1>
    %and3A_434 = arith.andi %eq3A_397, %not3A_433 : vector<16x512xi1>
    %not3A_435 = arith.constant dense<true> : vector<16x512xi1>
    %not3A_436 = arith.xori %eq3A_397, %not3A_435 : vector<16x512xi1>
    %not3A_437 = arith.constant dense<true> : vector<16x512xi1>
    %not3A_438 = arith.xori %lt3A_426, %not3A_437 : vector<16x512xi1>
    %and3A_439 = arith.andi %not3A_436, %not3A_438 : vector<16x512xi1>
    %or3A_440 = arith.ori %and3A_434, %and3A_439 : vector<16x512xi1>
    %and3A_441 = arith.andi %or3A_424, %or3A_431 : vector<16x512xi1>
    %not3A_442 = arith.constant dense<true> : vector<16x512xi1>
    %not3A_443 = arith.xori %or3A_424, %not3A_442 : vector<16x512xi1>
    %and3A_444 = arith.andi %not3A_443, %or3A_440 : vector<16x512xi1>
    %or3A_445 = arith.ori %and3A_441, %and3A_444 : vector<16x512xi1>
    %select_n3A_446 = arith.select %or3A_445, %select_n3A_390, %select_n3A_404 : vector<16x512xi1>, vector<16x512xf32>
    %select_n3A_447 = arith.select %or3A_445, %select_n3A_391, %select_n3A_411 : vector<16x512xi1>, vector<16x512xi32>
    %and3A_448 = arith.constant 2 : i32
    %and3A_449 = vector.broadcast %and3A_448 : i32 to vector<16x512xi32>
    %and3A_450 = arith.andi %iota3A, %and3A_449 : vector<16x512xi32>
    %eq3A_451 = arith.constant 0 : i32
    %eq3A_452 = vector.broadcast %eq3A_451 : i32 to vector<16x512xi32>
    %eq3A_453 = arith.cmpi eq, %and3A_450, %eq3A_452 : vector<16x512xi32>
    %slice3A_454 = vector.extract_strided_slice %select_n3A_446 {offsets = [0, 2], sizes = [16, 510], strides = [1, 1]} : vector<16x512xf32> to vector<16x510xf32>
    %slice3A_455 = vector.extract_strided_slice %select_n3A_446 {offsets = [0, 0], sizes = [16, 2], strides = [1, 1]} : vector<16x512xf32> to vector<16x2xf32>
    %concatenate3A_456 = tpu.concatenate %slice3A_454, %slice3A_455 in 1 : vector<16x510xf32>, vector<16x2xf32> -> vector<16x512xf32>
    %slice3A_457 = vector.extract_strided_slice %select_n3A_446 {offsets = [0, 510], sizes = [16, 2], strides = [1, 1]} : vector<16x512xf32> to vector<16x2xf32>
    %slice3A_458 = vector.extract_strided_slice %select_n3A_446 {offsets = [0, 0], sizes = [16, 510], strides = [1, 1]} : vector<16x512xf32> to vector<16x510xf32>
    %concatenate3A_459 = tpu.concatenate %slice3A_457, %slice3A_458 in 1 : vector<16x2xf32>, vector<16x510xf32> -> vector<16x512xf32>
    %select_n3A_460 = arith.select %eq3A_453, %concatenate3A_456, %concatenate3A_459 : vector<16x512xi1>, vector<16x512xf32>
    %slice3A_461 = vector.extract_strided_slice %select_n3A_447 {offsets = [0, 2], sizes = [16, 510], strides = [1, 1]} : vector<16x512xi32> to vector<16x510xi32>
    %slice3A_462 = vector.extract_strided_slice %select_n3A_447 {offsets = [0, 0], sizes = [16, 2], strides = [1, 1]} : vector<16x512xi32> to vector<16x2xi32>
    %concatenate3A_463 = tpu.concatenate %slice3A_461, %slice3A_462 in 1 : vector<16x510xi32>, vector<16x2xi32> -> vector<16x512xi32>
    %slice3A_464 = vector.extract_strided_slice %select_n3A_447 {offsets = [0, 510], sizes = [16, 2], strides = [1, 1]} : vector<16x512xi32> to vector<16x2xi32>
    %slice3A_465 = vector.extract_strided_slice %select_n3A_447 {offsets = [0, 0], sizes = [16, 510], strides = [1, 1]} : vector<16x512xi32> to vector<16x510xi32>
    %concatenate3A_466 = tpu.concatenate %slice3A_464, %slice3A_465 in 1 : vector<16x2xi32>, vector<16x510xi32> -> vector<16x512xi32>
    %select_n3A_467 = arith.select %eq3A_453, %concatenate3A_463, %concatenate3A_466 : vector<16x512xi1>, vector<16x512xi32>
    %and3A_468 = arith.constant 16 : i32
    %and3A_469 = vector.broadcast %and3A_468 : i32 to vector<16x512xi32>
    %and3A_470 = arith.andi %iota3A, %and3A_469 : vector<16x512xi32>
    %ne3A_471 = arith.constant 0 : i32
    %ne3A_472 = vector.broadcast %ne3A_471 : i32 to vector<16x512xi32>
    %ne3A_473 = arith.cmpi ne, %and3A_470, %ne3A_472 : vector<16x512xi32>
    %and3A_474 = arith.andi %ne3A_473, %eq3A_453 : vector<16x512xi1>
    %not3A_475 = arith.constant dense<true> : vector<16x512xi1>
    %not3A_476 = arith.xori %ne3A_473, %not3A_475 : vector<16x512xi1>
    %not3A_477 = arith.constant dense<true> : vector<16x512xi1>
    %not3A_478 = arith.xori %eq3A_453, %not3A_477 : vector<16x512xi1>
    %and3A_479 = arith.andi %not3A_476, %not3A_478 : vector<16x512xi1>
    %or3A_480 = arith.ori %and3A_474, %and3A_479 : vector<16x512xi1>
    %le3A_481 = arith.cmpf ole, %select_n3A_446, %select_n3A_460 : vector<16x512xf32>
    %lt3A_482 = arith.cmpf olt, %select_n3A_446, %select_n3A_460 : vector<16x512xf32>
    %and3A_483 = arith.andi %eq3A_453, %le3A_481 : vector<16x512xi1>
    %not3A_484 = arith.constant dense<true> : vector<16x512xi1>
    %not3A_485 = arith.xori %eq3A_453, %not3A_484 : vector<16x512xi1>
    %and3A_486 = arith.andi %not3A_485, %lt3A_482 : vector<16x512xi1>
    %or3A_487 = arith.ori %and3A_483, %and3A_486 : vector<16x512xi1>
    %not3A_488 = arith.constant dense<true> : vector<16x512xi1>
    %not3A_489 = arith.xori %le3A_481, %not3A_488 : vector<16x512xi1>
    %and3A_490 = arith.andi %eq3A_453, %not3A_489 : vector<16x512xi1>
    %not3A_491 = arith.constant dense<true> : vector<16x512xi1>
    %not3A_492 = arith.xori %eq3A_453, %not3A_491 : vector<16x512xi1>
    %not3A_493 = arith.constant dense<true> : vector<16x512xi1>
    %not3A_494 = arith.xori %lt3A_482, %not3A_493 : vector<16x512xi1>
    %and3A_495 = arith.andi %not3A_492, %not3A_494 : vector<16x512xi1>
    %or3A_496 = arith.ori %and3A_490, %and3A_495 : vector<16x512xi1>
    %and3A_497 = arith.andi %or3A_480, %or3A_487 : vector<16x512xi1>
    %not3A_498 = arith.constant dense<true> : vector<16x512xi1>
    %not3A_499 = arith.xori %or3A_480, %not3A_498 : vector<16x512xi1>
    %and3A_500 = arith.andi %not3A_499, %or3A_496 : vector<16x512xi1>
    %or3A_501 = arith.ori %and3A_497, %and3A_500 : vector<16x512xi1>
    %select_n3A_502 = arith.select %or3A_501, %select_n3A_446, %select_n3A_460 : vector<16x512xi1>, vector<16x512xf32>
    %select_n3A_503 = arith.select %or3A_501, %select_n3A_447, %select_n3A_467 : vector<16x512xi1>, vector<16x512xi32>
    %and3A_504 = arith.constant 1 : i32
    %and3A_505 = vector.broadcast %and3A_504 : i32 to vector<16x512xi32>
    %and3A_506 = arith.andi %iota3A, %and3A_505 : vector<16x512xi32>
    %eq3A_507 = arith.constant 0 : i32
    %eq3A_508 = vector.broadcast %eq3A_507 : i32 to vector<16x512xi32>
    %eq3A_509 = arith.cmpi eq, %and3A_506, %eq3A_508 : vector<16x512xi32>
    %slice3A_510 = vector.extract_strided_slice %select_n3A_502 {offsets = [0, 1], sizes = [16, 511], strides = [1, 1]} : vector<16x512xf32> to vector<16x511xf32>
    %slice3A_511 = vector.extract_strided_slice %select_n3A_502 {offsets = [0, 0], sizes = [16, 1], strides = [1, 1]} : vector<16x512xf32> to vector<16x1xf32>
    %concatenate3A_512 = tpu.concatenate %slice3A_510, %slice3A_511 in 1 : vector<16x511xf32>, vector<16x1xf32> -> vector<16x512xf32>
    %slice3A_513 = vector.extract_strided_slice %select_n3A_502 {offsets = [0, 511], sizes = [16, 1], strides = [1, 1]} : vector<16x512xf32> to vector<16x1xf32>
    %slice3A_514 = vector.extract_strided_slice %select_n3A_502 {offsets = [0, 0], sizes = [16, 511], strides = [1, 1]} : vector<16x512xf32> to vector<16x511xf32>
    %concatenate3A_515 = tpu.concatenate %slice3A_513, %slice3A_514 in 1 : vector<16x1xf32>, vector<16x511xf32> -> vector<16x512xf32>
    %select_n3A_516 = arith.select %eq3A_509, %concatenate3A_512, %concatenate3A_515 : vector<16x512xi1>, vector<16x512xf32>
    %slice3A_517 = vector.extract_strided_slice %select_n3A_503 {offsets = [0, 1], sizes = [16, 511], strides = [1, 1]} : vector<16x512xi32> to vector<16x511xi32>
    %slice3A_518 = vector.extract_strided_slice %select_n3A_503 {offsets = [0, 0], sizes = [16, 1], strides = [1, 1]} : vector<16x512xi32> to vector<16x1xi32>
    %concatenate3A_519 = tpu.concatenate %slice3A_517, %slice3A_518 in 1 : vector<16x511xi32>, vector<16x1xi32> -> vector<16x512xi32>
    %slice3A_520 = vector.extract_strided_slice %select_n3A_503 {offsets = [0, 511], sizes = [16, 1], strides = [1, 1]} : vector<16x512xi32> to vector<16x1xi32>
    %slice3A_521 = vector.extract_strided_slice %select_n3A_503 {offsets = [0, 0], sizes = [16, 511], strides = [1, 1]} : vector<16x512xi32> to vector<16x511xi32>
    %concatenate3A_522 = tpu.concatenate %slice3A_520, %slice3A_521 in 1 : vector<16x1xi32>, vector<16x511xi32> -> vector<16x512xi32>
    %select_n3A_523 = arith.select %eq3A_509, %concatenate3A_519, %concatenate3A_522 : vector<16x512xi1>, vector<16x512xi32>
    %and3A_524 = arith.constant 16 : i32
    %and3A_525 = vector.broadcast %and3A_524 : i32 to vector<16x512xi32>
    %and3A_526 = arith.andi %iota3A, %and3A_525 : vector<16x512xi32>
    %ne3A_527 = arith.constant 0 : i32
    %ne3A_528 = vector.broadcast %ne3A_527 : i32 to vector<16x512xi32>
    %ne3A_529 = arith.cmpi ne, %and3A_526, %ne3A_528 : vector<16x512xi32>
    %and3A_530 = arith.andi %ne3A_529, %eq3A_509 : vector<16x512xi1>
    %not3A_531 = arith.constant dense<true> : vector<16x512xi1>
    %not3A_532 = arith.xori %ne3A_529, %not3A_531 : vector<16x512xi1>
    %not3A_533 = arith.constant dense<true> : vector<16x512xi1>
    %not3A_534 = arith.xori %eq3A_509, %not3A_533 : vector<16x512xi1>
    %and3A_535 = arith.andi %not3A_532, %not3A_534 : vector<16x512xi1>
    %or3A_536 = arith.ori %and3A_530, %and3A_535 : vector<16x512xi1>
    %le3A_537 = arith.cmpf ole, %select_n3A_502, %select_n3A_516 : vector<16x512xf32>
    %lt3A_538 = arith.cmpf olt, %select_n3A_502, %select_n3A_516 : vector<16x512xf32>
    %and3A_539 = arith.andi %eq3A_509, %le3A_537 : vector<16x512xi1>
    %not3A_540 = arith.constant dense<true> : vector<16x512xi1>
    %not3A_541 = arith.xori %eq3A_509, %not3A_540 : vector<16x512xi1>
    %and3A_542 = arith.andi %not3A_541, %lt3A_538 : vector<16x512xi1>
    %or3A_543 = arith.ori %and3A_539, %and3A_542 : vector<16x512xi1>
    %not3A_544 = arith.constant dense<true> : vector<16x512xi1>
    %not3A_545 = arith.xori %le3A_537, %not3A_544 : vector<16x512xi1>
    %and3A_546 = arith.andi %eq3A_509, %not3A_545 : vector<16x512xi1>
    %not3A_547 = arith.constant dense<true> : vector<16x512xi1>
    %not3A_548 = arith.xori %eq3A_509, %not3A_547 : vector<16x512xi1>
    %not3A_549 = arith.constant dense<true> : vector<16x512xi1>
    %not3A_550 = arith.xori %lt3A_538, %not3A_549 : vector<16x512xi1>
    %and3A_551 = arith.andi %not3A_548, %not3A_550 : vector<16x512xi1>
    %or3A_552 = arith.ori %and3A_546, %and3A_551 : vector<16x512xi1>
    %and3A_553 = arith.andi %or3A_536, %or3A_543 : vector<16x512xi1>
    %not3A_554 = arith.constant dense<true> : vector<16x512xi1>
    %not3A_555 = arith.xori %or3A_536, %not3A_554 : vector<16x512xi1>
    %and3A_556 = arith.andi %not3A_555, %or3A_552 : vector<16x512xi1>
    %or3A_557 = arith.ori %and3A_553, %and3A_556 : vector<16x512xi1>
    %select_n3A_558 = arith.select %or3A_557, %select_n3A_502, %select_n3A_516 : vector<16x512xi1>, vector<16x512xf32>
    %select_n3A_559 = arith.select %or3A_557, %select_n3A_503, %select_n3A_523 : vector<16x512xi1>, vector<16x512xi32>
    %and3A_560 = arith.constant 16 : i32
    %and3A_561 = vector.broadcast %and3A_560 : i32 to vector<16x512xi32>
    %and3A_562 = arith.andi %iota3A, %and3A_561 : vector<16x512xi32>
    %eq3A_563 = arith.constant 0 : i32
    %eq3A_564 = vector.broadcast %eq3A_563 : i32 to vector<16x512xi32>
    %eq3A_565 = arith.cmpi eq, %and3A_562, %eq3A_564 : vector<16x512xi32>
    %slice3A_566 = vector.extract_strided_slice %select_n3A_558 {offsets = [0, 16], sizes = [16, 496], strides = [1, 1]} : vector<16x512xf32> to vector<16x496xf32>
    %slice3A_567 = vector.extract_strided_slice %select_n3A_558 {offsets = [0, 0], sizes = [16, 16], strides = [1, 1]} : vector<16x512xf32> to vector<16x16xf32>
    %concatenate3A_568 = tpu.concatenate %slice3A_566, %slice3A_567 in 1 : vector<16x496xf32>, vector<16x16xf32> -> vector<16x512xf32>
    %slice3A_569 = vector.extract_strided_slice %select_n3A_558 {offsets = [0, 496], sizes = [16, 16], strides = [1, 1]} : vector<16x512xf32> to vector<16x16xf32>
    %slice3A_570 = vector.extract_strided_slice %select_n3A_558 {offsets = [0, 0], sizes = [16, 496], strides = [1, 1]} : vector<16x512xf32> to vector<16x496xf32>
    %concatenate3A_571 = tpu.concatenate %slice3A_569, %slice3A_570 in 1 : vector<16x16xf32>, vector<16x496xf32> -> vector<16x512xf32>
    %select_n3A_572 = arith.select %eq3A_565, %concatenate3A_568, %concatenate3A_571 : vector<16x512xi1>, vector<16x512xf32>
    %slice3A_573 = vector.extract_strided_slice %select_n3A_559 {offsets = [0, 16], sizes = [16, 496], strides = [1, 1]} : vector<16x512xi32> to vector<16x496xi32>
    %slice3A_574 = vector.extract_strided_slice %select_n3A_559 {offsets = [0, 0], sizes = [16, 16], strides = [1, 1]} : vector<16x512xi32> to vector<16x16xi32>
    %concatenate3A_575 = tpu.concatenate %slice3A_573, %slice3A_574 in 1 : vector<16x496xi32>, vector<16x16xi32> -> vector<16x512xi32>
    %slice3A_576 = vector.extract_strided_slice %select_n3A_559 {offsets = [0, 496], sizes = [16, 16], strides = [1, 1]} : vector<16x512xi32> to vector<16x16xi32>
    %slice3A_577 = vector.extract_strided_slice %select_n3A_559 {offsets = [0, 0], sizes = [16, 496], strides = [1, 1]} : vector<16x512xi32> to vector<16x496xi32>
    %concatenate3A_578 = tpu.concatenate %slice3A_576, %slice3A_577 in 1 : vector<16x16xi32>, vector<16x496xi32> -> vector<16x512xi32>
    %select_n3A_579 = arith.select %eq3A_565, %concatenate3A_575, %concatenate3A_578 : vector<16x512xi1>, vector<16x512xi32>
    %and3A_580 = arith.constant 32 : i32
    %and3A_581 = vector.broadcast %and3A_580 : i32 to vector<16x512xi32>
    %and3A_582 = arith.andi %iota3A, %and3A_581 : vector<16x512xi32>
    %ne3A_583 = arith.constant 0 : i32
    %ne3A_584 = vector.broadcast %ne3A_583 : i32 to vector<16x512xi32>
    %ne3A_585 = arith.cmpi ne, %and3A_582, %ne3A_584 : vector<16x512xi32>
    %and3A_586 = arith.andi %ne3A_585, %eq3A_565 : vector<16x512xi1>
    %not3A_587 = arith.constant dense<true> : vector<16x512xi1>
    %not3A_588 = arith.xori %ne3A_585, %not3A_587 : vector<16x512xi1>
    %not3A_589 = arith.constant dense<true> : vector<16x512xi1>
    %not3A_590 = arith.xori %eq3A_565, %not3A_589 : vector<16x512xi1>
    %and3A_591 = arith.andi %not3A_588, %not3A_590 : vector<16x512xi1>
    %or3A_592 = arith.ori %and3A_586, %and3A_591 : vector<16x512xi1>
    %le3A_593 = arith.cmpf ole, %select_n3A_558, %select_n3A_572 : vector<16x512xf32>
    %lt3A_594 = arith.cmpf olt, %select_n3A_558, %select_n3A_572 : vector<16x512xf32>
    %and3A_595 = arith.andi %eq3A_565, %le3A_593 : vector<16x512xi1>
    %not3A_596 = arith.constant dense<true> : vector<16x512xi1>
    %not3A_597 = arith.xori %eq3A_565, %not3A_596 : vector<16x512xi1>
    %and3A_598 = arith.andi %not3A_597, %lt3A_594 : vector<16x512xi1>
    %or3A_599 = arith.ori %and3A_595, %and3A_598 : vector<16x512xi1>
    %not3A_600 = arith.constant dense<true> : vector<16x512xi1>
    %not3A_601 = arith.xori %le3A_593, %not3A_600 : vector<16x512xi1>
    %and3A_602 = arith.andi %eq3A_565, %not3A_601 : vector<16x512xi1>
    %not3A_603 = arith.constant dense<true> : vector<16x512xi1>
    %not3A_604 = arith.xori %eq3A_565, %not3A_603 : vector<16x512xi1>
    %not3A_605 = arith.constant dense<true> : vector<16x512xi1>
    %not3A_606 = arith.xori %lt3A_594, %not3A_605 : vector<16x512xi1>
    %and3A_607 = arith.andi %not3A_604, %not3A_606 : vector<16x512xi1>
    %or3A_608 = arith.ori %and3A_602, %and3A_607 : vector<16x512xi1>
    %and3A_609 = arith.andi %or3A_592, %or3A_599 : vector<16x512xi1>
    %not3A_610 = arith.constant dense<true> : vector<16x512xi1>
    %not3A_611 = arith.xori %or3A_592, %not3A_610 : vector<16x512xi1>
    %and3A_612 = arith.andi %not3A_611, %or3A_608 : vector<16x512xi1>
    %or3A_613 = arith.ori %and3A_609, %and3A_612 : vector<16x512xi1>
    %select_n3A_614 = arith.select %or3A_613, %select_n3A_558, %select_n3A_572 : vector<16x512xi1>, vector<16x512xf32>
    %select_n3A_615 = arith.select %or3A_613, %select_n3A_559, %select_n3A_579 : vector<16x512xi1>, vector<16x512xi32>
    %and3A_616 = arith.constant 8 : i32
    %and3A_617 = vector.broadcast %and3A_616 : i32 to vector<16x512xi32>
    %and3A_618 = arith.andi %iota3A, %and3A_617 : vector<16x512xi32>
    %eq3A_619 = arith.constant 0 : i32
    %eq3A_620 = vector.broadcast %eq3A_619 : i32 to vector<16x512xi32>
    %eq3A_621 = arith.cmpi eq, %and3A_618, %eq3A_620 : vector<16x512xi32>
    %slice3A_622 = vector.extract_strided_slice %select_n3A_614 {offsets = [0, 8], sizes = [16, 504], strides = [1, 1]} : vector<16x512xf32> to vector<16x504xf32>
    %slice3A_623 = vector.extract_strided_slice %select_n3A_614 {offsets = [0, 0], sizes = [16, 8], strides = [1, 1]} : vector<16x512xf32> to vector<16x8xf32>
    %concatenate3A_624 = tpu.concatenate %slice3A_622, %slice3A_623 in 1 : vector<16x504xf32>, vector<16x8xf32> -> vector<16x512xf32>
    %slice3A_625 = vector.extract_strided_slice %select_n3A_614 {offsets = [0, 504], sizes = [16, 8], strides = [1, 1]} : vector<16x512xf32> to vector<16x8xf32>
    %slice3A_626 = vector.extract_strided_slice %select_n3A_614 {offsets = [0, 0], sizes = [16, 504], strides = [1, 1]} : vector<16x512xf32> to vector<16x504xf32>
    %concatenate3A_627 = tpu.concatenate %slice3A_625, %slice3A_626 in 1 : vector<16x8xf32>, vector<16x504xf32> -> vector<16x512xf32>
    %select_n3A_628 = arith.select %eq3A_621, %concatenate3A_624, %concatenate3A_627 : vector<16x512xi1>, vector<16x512xf32>
    %slice3A_629 = vector.extract_strided_slice %select_n3A_615 {offsets = [0, 8], sizes = [16, 504], strides = [1, 1]} : vector<16x512xi32> to vector<16x504xi32>
    %slice3A_630 = vector.extract_strided_slice %select_n3A_615 {offsets = [0, 0], sizes = [16, 8], strides = [1, 1]} : vector<16x512xi32> to vector<16x8xi32>
    %concatenate3A_631 = tpu.concatenate %slice3A_629, %slice3A_630 in 1 : vector<16x504xi32>, vector<16x8xi32> -> vector<16x512xi32>
    %slice3A_632 = vector.extract_strided_slice %select_n3A_615 {offsets = [0, 504], sizes = [16, 8], strides = [1, 1]} : vector<16x512xi32> to vector<16x8xi32>
    %slice3A_633 = vector.extract_strided_slice %select_n3A_615 {offsets = [0, 0], sizes = [16, 504], strides = [1, 1]} : vector<16x512xi32> to vector<16x504xi32>
    %concatenate3A_634 = tpu.concatenate %slice3A_632, %slice3A_633 in 1 : vector<16x8xi32>, vector<16x504xi32> -> vector<16x512xi32>
    %select_n3A_635 = arith.select %eq3A_621, %concatenate3A_631, %concatenate3A_634 : vector<16x512xi1>, vector<16x512xi32>
    %and3A_636 = arith.constant 32 : i32
    %and3A_637 = vector.broadcast %and3A_636 : i32 to vector<16x512xi32>
    %and3A_638 = arith.andi %iota3A, %and3A_637 : vector<16x512xi32>
    %ne3A_639 = arith.constant 0 : i32
    %ne3A_640 = vector.broadcast %ne3A_639 : i32 to vector<16x512xi32>
    %ne3A_641 = arith.cmpi ne, %and3A_638, %ne3A_640 : vector<16x512xi32>
    %and3A_642 = arith.andi %ne3A_641, %eq3A_621 : vector<16x512xi1>
    %not3A_643 = arith.constant dense<true> : vector<16x512xi1>
    %not3A_644 = arith.xori %ne3A_641, %not3A_643 : vector<16x512xi1>
    %not3A_645 = arith.constant dense<true> : vector<16x512xi1>
    %not3A_646 = arith.xori %eq3A_621, %not3A_645 : vector<16x512xi1>
    %and3A_647 = arith.andi %not3A_644, %not3A_646 : vector<16x512xi1>
    %or3A_648 = arith.ori %and3A_642, %and3A_647 : vector<16x512xi1>
    %le3A_649 = arith.cmpf ole, %select_n3A_614, %select_n3A_628 : vector<16x512xf32>
    %lt3A_650 = arith.cmpf olt, %select_n3A_614, %select_n3A_628 : vector<16x512xf32>
    %and3A_651 = arith.andi %eq3A_621, %le3A_649 : vector<16x512xi1>
    %not3A_652 = arith.constant dense<true> : vector<16x512xi1>
    %not3A_653 = arith.xori %eq3A_621, %not3A_652 : vector<16x512xi1>
    %and3A_654 = arith.andi %not3A_653, %lt3A_650 : vector<16x512xi1>
    %or3A_655 = arith.ori %and3A_651, %and3A_654 : vector<16x512xi1>
    %not3A_656 = arith.constant dense<true> : vector<16x512xi1>
    %not3A_657 = arith.xori %le3A_649, %not3A_656 : vector<16x512xi1>
    %and3A_658 = arith.andi %eq3A_621, %not3A_657 : vector<16x512xi1>
    %not3A_659 = arith.constant dense<true> : vector<16x512xi1>
    %not3A_660 = arith.xori %eq3A_621, %not3A_659 : vector<16x512xi1>
    %not3A_661 = arith.constant dense<true> : vector<16x512xi1>
    %not3A_662 = arith.xori %lt3A_650, %not3A_661 : vector<16x512xi1>
    %and3A_663 = arith.andi %not3A_660, %not3A_662 : vector<16x512xi1>
    %or3A_664 = arith.ori %and3A_658, %and3A_663 : vector<16x512xi1>
    %and3A_665 = arith.andi %or3A_648, %or3A_655 : vector<16x512xi1>
    %not3A_666 = arith.constant dense<true> : vector<16x512xi1>
    %not3A_667 = arith.xori %or3A_648, %not3A_666 : vector<16x512xi1>
    %and3A_668 = arith.andi %not3A_667, %or3A_664 : vector<16x512xi1>
    %or3A_669 = arith.ori %and3A_665, %and3A_668 : vector<16x512xi1>
    %select_n3A_670 = arith.select %or3A_669, %select_n3A_614, %select_n3A_628 : vector<16x512xi1>, vector<16x512xf32>
    %select_n3A_671 = arith.select %or3A_669, %select_n3A_615, %select_n3A_635 : vector<16x512xi1>, vector<16x512xi32>
    %and3A_672 = arith.constant 4 : i32
    %and3A_673 = vector.broadcast %and3A_672 : i32 to vector<16x512xi32>
    %and3A_674 = arith.andi %iota3A, %and3A_673 : vector<16x512xi32>
    %eq3A_675 = arith.constant 0 : i32
    %eq3A_676 = vector.broadcast %eq3A_675 : i32 to vector<16x512xi32>
    %eq3A_677 = arith.cmpi eq, %and3A_674, %eq3A_676 : vector<16x512xi32>
    %slice3A_678 = vector.extract_strided_slice %select_n3A_670 {offsets = [0, 4], sizes = [16, 508], strides = [1, 1]} : vector<16x512xf32> to vector<16x508xf32>
    %slice3A_679 = vector.extract_strided_slice %select_n3A_670 {offsets = [0, 0], sizes = [16, 4], strides = [1, 1]} : vector<16x512xf32> to vector<16x4xf32>
    %concatenate3A_680 = tpu.concatenate %slice3A_678, %slice3A_679 in 1 : vector<16x508xf32>, vector<16x4xf32> -> vector<16x512xf32>
    %slice3A_681 = vector.extract_strided_slice %select_n3A_670 {offsets = [0, 508], sizes = [16, 4], strides = [1, 1]} : vector<16x512xf32> to vector<16x4xf32>
    %slice3A_682 = vector.extract_strided_slice %select_n3A_670 {offsets = [0, 0], sizes = [16, 508], strides = [1, 1]} : vector<16x512xf32> to vector<16x508xf32>
    %concatenate3A_683 = tpu.concatenate %slice3A_681, %slice3A_682 in 1 : vector<16x4xf32>, vector<16x508xf32> -> vector<16x512xf32>
    %select_n3A_684 = arith.select %eq3A_677, %concatenate3A_680, %concatenate3A_683 : vector<16x512xi1>, vector<16x512xf32>
    %slice3A_685 = vector.extract_strided_slice %select_n3A_671 {offsets = [0, 4], sizes = [16, 508], strides = [1, 1]} : vector<16x512xi32> to vector<16x508xi32>
    %slice3A_686 = vector.extract_strided_slice %select_n3A_671 {offsets = [0, 0], sizes = [16, 4], strides = [1, 1]} : vector<16x512xi32> to vector<16x4xi32>
    %concatenate3A_687 = tpu.concatenate %slice3A_685, %slice3A_686 in 1 : vector<16x508xi32>, vector<16x4xi32> -> vector<16x512xi32>
    %slice3A_688 = vector.extract_strided_slice %select_n3A_671 {offsets = [0, 508], sizes = [16, 4], strides = [1, 1]} : vector<16x512xi32> to vector<16x4xi32>
    %slice3A_689 = vector.extract_strided_slice %select_n3A_671 {offsets = [0, 0], sizes = [16, 508], strides = [1, 1]} : vector<16x512xi32> to vector<16x508xi32>
    %concatenate3A_690 = tpu.concatenate %slice3A_688, %slice3A_689 in 1 : vector<16x4xi32>, vector<16x508xi32> -> vector<16x512xi32>
    %select_n3A_691 = arith.select %eq3A_677, %concatenate3A_687, %concatenate3A_690 : vector<16x512xi1>, vector<16x512xi32>
    %and3A_692 = arith.constant 32 : i32
    %and3A_693 = vector.broadcast %and3A_692 : i32 to vector<16x512xi32>
    %and3A_694 = arith.andi %iota3A, %and3A_693 : vector<16x512xi32>
    %ne3A_695 = arith.constant 0 : i32
    %ne3A_696 = vector.broadcast %ne3A_695 : i32 to vector<16x512xi32>
    %ne3A_697 = arith.cmpi ne, %and3A_694, %ne3A_696 : vector<16x512xi32>
    %and3A_698 = arith.andi %ne3A_697, %eq3A_677 : vector<16x512xi1>
    %not3A_699 = arith.constant dense<true> : vector<16x512xi1>
    %not3A_700 = arith.xori %ne3A_697, %not3A_699 : vector<16x512xi1>
    %not3A_701 = arith.constant dense<true> : vector<16x512xi1>
    %not3A_702 = arith.xori %eq3A_677, %not3A_701 : vector<16x512xi1>
    %and3A_703 = arith.andi %not3A_700, %not3A_702 : vector<16x512xi1>
    %or3A_704 = arith.ori %and3A_698, %and3A_703 : vector<16x512xi1>
    %le3A_705 = arith.cmpf ole, %select_n3A_670, %select_n3A_684 : vector<16x512xf32>
    %lt3A_706 = arith.cmpf olt, %select_n3A_670, %select_n3A_684 : vector<16x512xf32>
    %and3A_707 = arith.andi %eq3A_677, %le3A_705 : vector<16x512xi1>
    %not3A_708 = arith.constant dense<true> : vector<16x512xi1>
    %not3A_709 = arith.xori %eq3A_677, %not3A_708 : vector<16x512xi1>
    %and3A_710 = arith.andi %not3A_709, %lt3A_706 : vector<16x512xi1>
    %or3A_711 = arith.ori %and3A_707, %and3A_710 : vector<16x512xi1>
    %not3A_712 = arith.constant dense<true> : vector<16x512xi1>
    %not3A_713 = arith.xori %le3A_705, %not3A_712 : vector<16x512xi1>
    %and3A_714 = arith.andi %eq3A_677, %not3A_713 : vector<16x512xi1>
    %not3A_715 = arith.constant dense<true> : vector<16x512xi1>
    %not3A_716 = arith.xori %eq3A_677, %not3A_715 : vector<16x512xi1>
    %not3A_717 = arith.constant dense<true> : vector<16x512xi1>
    %not3A_718 = arith.xori %lt3A_706, %not3A_717 : vector<16x512xi1>
    %and3A_719 = arith.andi %not3A_716, %not3A_718 : vector<16x512xi1>
    %or3A_720 = arith.ori %and3A_714, %and3A_719 : vector<16x512xi1>
    %and3A_721 = arith.andi %or3A_704, %or3A_711 : vector<16x512xi1>
    %not3A_722 = arith.constant dense<true> : vector<16x512xi1>
    %not3A_723 = arith.xori %or3A_704, %not3A_722 : vector<16x512xi1>
    %and3A_724 = arith.andi %not3A_723, %or3A_720 : vector<16x512xi1>
    %or3A_725 = arith.ori %and3A_721, %and3A_724 : vector<16x512xi1>
    %select_n3A_726 = arith.select %or3A_725, %select_n3A_670, %select_n3A_684 : vector<16x512xi1>, vector<16x512xf32>
    %select_n3A_727 = arith.select %or3A_725, %select_n3A_671, %select_n3A_691 : vector<16x512xi1>, vector<16x512xi32>
    %and3A_728 = arith.constant 2 : i32
    %and3A_729 = vector.broadcast %and3A_728 : i32 to vector<16x512xi32>
    %and3A_730 = arith.andi %iota3A, %and3A_729 : vector<16x512xi32>
    %eq3A_731 = arith.constant 0 : i32
    %eq3A_732 = vector.broadcast %eq3A_731 : i32 to vector<16x512xi32>
    %eq3A_733 = arith.cmpi eq, %and3A_730, %eq3A_732 : vector<16x512xi32>
    %slice3A_734 = vector.extract_strided_slice %select_n3A_726 {offsets = [0, 2], sizes = [16, 510], strides = [1, 1]} : vector<16x512xf32> to vector<16x510xf32>
    %slice3A_735 = vector.extract_strided_slice %select_n3A_726 {offsets = [0, 0], sizes = [16, 2], strides = [1, 1]} : vector<16x512xf32> to vector<16x2xf32>
    %concatenate3A_736 = tpu.concatenate %slice3A_734, %slice3A_735 in 1 : vector<16x510xf32>, vector<16x2xf32> -> vector<16x512xf32>
    %slice3A_737 = vector.extract_strided_slice %select_n3A_726 {offsets = [0, 510], sizes = [16, 2], strides = [1, 1]} : vector<16x512xf32> to vector<16x2xf32>
    %slice3A_738 = vector.extract_strided_slice %select_n3A_726 {offsets = [0, 0], sizes = [16, 510], strides = [1, 1]} : vector<16x512xf32> to vector<16x510xf32>
    %concatenate3A_739 = tpu.concatenate %slice3A_737, %slice3A_738 in 1 : vector<16x2xf32>, vector<16x510xf32> -> vector<16x512xf32>
    %select_n3A_740 = arith.select %eq3A_733, %concatenate3A_736, %concatenate3A_739 : vector<16x512xi1>, vector<16x512xf32>
    %slice3A_741 = vector.extract_strided_slice %select_n3A_727 {offsets = [0, 2], sizes = [16, 510], strides = [1, 1]} : vector<16x512xi32> to vector<16x510xi32>
    %slice3A_742 = vector.extract_strided_slice %select_n3A_727 {offsets = [0, 0], sizes = [16, 2], strides = [1, 1]} : vector<16x512xi32> to vector<16x2xi32>
    %concatenate3A_743 = tpu.concatenate %slice3A_741, %slice3A_742 in 1 : vector<16x510xi32>, vector<16x2xi32> -> vector<16x512xi32>
    %slice3A_744 = vector.extract_strided_slice %select_n3A_727 {offsets = [0, 510], sizes = [16, 2], strides = [1, 1]} : vector<16x512xi32> to vector<16x2xi32>
    %slice3A_745 = vector.extract_strided_slice %select_n3A_727 {offsets = [0, 0], sizes = [16, 510], strides = [1, 1]} : vector<16x512xi32> to vector<16x510xi32>
    %concatenate3A_746 = tpu.concatenate %slice3A_744, %slice3A_745 in 1 : vector<16x2xi32>, vector<16x510xi32> -> vector<16x512xi32>
    %select_n3A_747 = arith.select %eq3A_733, %concatenate3A_743, %concatenate3A_746 : vector<16x512xi1>, vector<16x512xi32>
    %and3A_748 = arith.constant 32 : i32
    %and3A_749 = vector.broadcast %and3A_748 : i32 to vector<16x512xi32>
    %and3A_750 = arith.andi %iota3A, %and3A_749 : vector<16x512xi32>
    %ne3A_751 = arith.constant 0 : i32
    %ne3A_752 = vector.broadcast %ne3A_751 : i32 to vector<16x512xi32>
    %ne3A_753 = arith.cmpi ne, %and3A_750, %ne3A_752 : vector<16x512xi32>
    %and3A_754 = arith.andi %ne3A_753, %eq3A_733 : vector<16x512xi1>
    %not3A_755 = arith.constant dense<true> : vector<16x512xi1>
    %not3A_756 = arith.xori %ne3A_753, %not3A_755 : vector<16x512xi1>
    %not3A_757 = arith.constant dense<true> : vector<16x512xi1>
    %not3A_758 = arith.xori %eq3A_733, %not3A_757 : vector<16x512xi1>
    %and3A_759 = arith.andi %not3A_756, %not3A_758 : vector<16x512xi1>
    %or3A_760 = arith.ori %and3A_754, %and3A_759 : vector<16x512xi1>
    %le3A_761 = arith.cmpf ole, %select_n3A_726, %select_n3A_740 : vector<16x512xf32>
    %lt3A_762 = arith.cmpf olt, %select_n3A_726, %select_n3A_740 : vector<16x512xf32>
    %and3A_763 = arith.andi %eq3A_733, %le3A_761 : vector<16x512xi1>
    %not3A_764 = arith.constant dense<true> : vector<16x512xi1>
    %not3A_765 = arith.xori %eq3A_733, %not3A_764 : vector<16x512xi1>
    %and3A_766 = arith.andi %not3A_765, %lt3A_762 : vector<16x512xi1>
    %or3A_767 = arith.ori %and3A_763, %and3A_766 : vector<16x512xi1>
    %not3A_768 = arith.constant dense<true> : vector<16x512xi1>
    %not3A_769 = arith.xori %le3A_761, %not3A_768 : vector<16x512xi1>
    %and3A_770 = arith.andi %eq3A_733, %not3A_769 : vector<16x512xi1>
    %not3A_771 = arith.constant dense<true> : vector<16x512xi1>
    %not3A_772 = arith.xori %eq3A_733, %not3A_771 : vector<16x512xi1>
    %not3A_773 = arith.constant dense<true> : vector<16x512xi1>
    %not3A_774 = arith.xori %lt3A_762, %not3A_773 : vector<16x512xi1>
    %and3A_775 = arith.andi %not3A_772, %not3A_774 : vector<16x512xi1>
    %or3A_776 = arith.ori %and3A_770, %and3A_775 : vector<16x512xi1>
    %and3A_777 = arith.andi %or3A_760, %or3A_767 : vector<16x512xi1>
    %not3A_778 = arith.constant dense<true> : vector<16x512xi1>
    %not3A_779 = arith.xori %or3A_760, %not3A_778 : vector<16x512xi1>
    %and3A_780 = arith.andi %not3A_779, %or3A_776 : vector<16x512xi1>
    %or3A_781 = arith.ori %and3A_777, %and3A_780 : vector<16x512xi1>
    %select_n3A_782 = arith.select %or3A_781, %select_n3A_726, %select_n3A_740 : vector<16x512xi1>, vector<16x512xf32>
    %select_n3A_783 = arith.select %or3A_781, %select_n3A_727, %select_n3A_747 : vector<16x512xi1>, vector<16x512xi32>
    %and3A_784 = arith.constant 1 : i32
    %and3A_785 = vector.broadcast %and3A_784 : i32 to vector<16x512xi32>
    %and3A_786 = arith.andi %iota3A, %and3A_785 : vector<16x512xi32>
    %eq3A_787 = arith.constant 0 : i32
    %eq3A_788 = vector.broadcast %eq3A_787 : i32 to vector<16x512xi32>
    %eq3A_789 = arith.cmpi eq, %and3A_786, %eq3A_788 : vector<16x512xi32>
    %slice3A_790 = vector.extract_strided_slice %select_n3A_782 {offsets = [0, 1], sizes = [16, 511], strides = [1, 1]} : vector<16x512xf32> to vector<16x511xf32>
    %slice3A_791 = vector.extract_strided_slice %select_n3A_782 {offsets = [0, 0], sizes = [16, 1], strides = [1, 1]} : vector<16x512xf32> to vector<16x1xf32>
    %concatenate3A_792 = tpu.concatenate %slice3A_790, %slice3A_791 in 1 : vector<16x511xf32>, vector<16x1xf32> -> vector<16x512xf32>
    %slice3A_793 = vector.extract_strided_slice %select_n3A_782 {offsets = [0, 511], sizes = [16, 1], strides = [1, 1]} : vector<16x512xf32> to vector<16x1xf32>
    %slice3A_794 = vector.extract_strided_slice %select_n3A_782 {offsets = [0, 0], sizes = [16, 511], strides = [1, 1]} : vector<16x512xf32> to vector<16x511xf32>
    %concatenate3A_795 = tpu.concatenate %slice3A_793, %slice3A_794 in 1 : vector<16x1xf32>, vector<16x511xf32> -> vector<16x512xf32>
    %select_n3A_796 = arith.select %eq3A_789, %concatenate3A_792, %concatenate3A_795 : vector<16x512xi1>, vector<16x512xf32>
    %slice3A_797 = vector.extract_strided_slice %select_n3A_783 {offsets = [0, 1], sizes = [16, 511], strides = [1, 1]} : vector<16x512xi32> to vector<16x511xi32>
    %slice3A_798 = vector.extract_strided_slice %select_n3A_783 {offsets = [0, 0], sizes = [16, 1], strides = [1, 1]} : vector<16x512xi32> to vector<16x1xi32>
    %concatenate3A_799 = tpu.concatenate %slice3A_797, %slice3A_798 in 1 : vector<16x511xi32>, vector<16x1xi32> -> vector<16x512xi32>
    %slice3A_800 = vector.extract_strided_slice %select_n3A_783 {offsets = [0, 511], sizes = [16, 1], strides = [1, 1]} : vector<16x512xi32> to vector<16x1xi32>
    %slice3A_801 = vector.extract_strided_slice %select_n3A_783 {offsets = [0, 0], sizes = [16, 511], strides = [1, 1]} : vector<16x512xi32> to vector<16x511xi32>
    %concatenate3A_802 = tpu.concatenate %slice3A_800, %slice3A_801 in 1 : vector<16x1xi32>, vector<16x511xi32> -> vector<16x512xi32>
    %select_n3A_803 = arith.select %eq3A_789, %concatenate3A_799, %concatenate3A_802 : vector<16x512xi1>, vector<16x512xi32>
    %and3A_804 = arith.constant 32 : i32
    %and3A_805 = vector.broadcast %and3A_804 : i32 to vector<16x512xi32>
    %and3A_806 = arith.andi %iota3A, %and3A_805 : vector<16x512xi32>
    %ne3A_807 = arith.constant 0 : i32
    %ne3A_808 = vector.broadcast %ne3A_807 : i32 to vector<16x512xi32>
    %ne3A_809 = arith.cmpi ne, %and3A_806, %ne3A_808 : vector<16x512xi32>
    %and3A_810 = arith.andi %ne3A_809, %eq3A_789 : vector<16x512xi1>
    %not3A_811 = arith.constant dense<true> : vector<16x512xi1>
    %not3A_812 = arith.xori %ne3A_809, %not3A_811 : vector<16x512xi1>
    %not3A_813 = arith.constant dense<true> : vector<16x512xi1>
    %not3A_814 = arith.xori %eq3A_789, %not3A_813 : vector<16x512xi1>
    %and3A_815 = arith.andi %not3A_812, %not3A_814 : vector<16x512xi1>
    %or3A_816 = arith.ori %and3A_810, %and3A_815 : vector<16x512xi1>
    %le3A_817 = arith.cmpf ole, %select_n3A_782, %select_n3A_796 : vector<16x512xf32>
    %lt3A_818 = arith.cmpf olt, %select_n3A_782, %select_n3A_796 : vector<16x512xf32>
    %and3A_819 = arith.andi %eq3A_789, %le3A_817 : vector<16x512xi1>
    %not3A_820 = arith.constant dense<true> : vector<16x512xi1>
    %not3A_821 = arith.xori %eq3A_789, %not3A_820 : vector<16x512xi1>
    %and3A_822 = arith.andi %not3A_821, %lt3A_818 : vector<16x512xi1>
    %or3A_823 = arith.ori %and3A_819, %and3A_822 : vector<16x512xi1>
    %not3A_824 = arith.constant dense<true> : vector<16x512xi1>
    %not3A_825 = arith.xori %le3A_817, %not3A_824 : vector<16x512xi1>
    %and3A_826 = arith.andi %eq3A_789, %not3A_825 : vector<16x512xi1>
    %not3A_827 = arith.constant dense<true> : vector<16x512xi1>
    %not3A_828 = arith.xori %eq3A_789, %not3A_827 : vector<16x512xi1>
    %not3A_829 = arith.constant dense<true> : vector<16x512xi1>
    %not3A_830 = arith.xori %lt3A_818, %not3A_829 : vector<16x512xi1>
    %and3A_831 = arith.andi %not3A_828, %not3A_830 : vector<16x512xi1>
    %or3A_832 = arith.ori %and3A_826, %and3A_831 : vector<16x512xi1>
    %and3A_833 = arith.andi %or3A_816, %or3A_823 : vector<16x512xi1>
    %not3A_834 = arith.constant dense<true> : vector<16x512xi1>
    %not3A_835 = arith.xori %or3A_816, %not3A_834 : vector<16x512xi1>
    %and3A_836 = arith.andi %not3A_835, %or3A_832 : vector<16x512xi1>
    %or3A_837 = arith.ori %and3A_833, %and3A_836 : vector<16x512xi1>
    %select_n3A_838 = arith.select %or3A_837, %select_n3A_782, %select_n3A_796 : vector<16x512xi1>, vector<16x512xf32>
    %select_n3A_839 = arith.select %or3A_837, %select_n3A_783, %select_n3A_803 : vector<16x512xi1>, vector<16x512xi32>
    %and3A_840 = arith.constant 32 : i32
    %and3A_841 = vector.broadcast %and3A_840 : i32 to vector<16x512xi32>
    %and3A_842 = arith.andi %iota3A, %and3A_841 : vector<16x512xi32>
    %eq3A_843 = arith.constant 0 : i32
    %eq3A_844 = vector.broadcast %eq3A_843 : i32 to vector<16x512xi32>
    %eq3A_845 = arith.cmpi eq, %and3A_842, %eq3A_844 : vector<16x512xi32>
    %slice3A_846 = vector.extract_strided_slice %select_n3A_838 {offsets = [0, 32], sizes = [16, 480], strides = [1, 1]} : vector<16x512xf32> to vector<16x480xf32>
    %slice3A_847 = vector.extract_strided_slice %select_n3A_838 {offsets = [0, 0], sizes = [16, 32], strides = [1, 1]} : vector<16x512xf32> to vector<16x32xf32>
    %concatenate3A_848 = tpu.concatenate %slice3A_846, %slice3A_847 in 1 : vector<16x480xf32>, vector<16x32xf32> -> vector<16x512xf32>
    %slice3A_849 = vector.extract_strided_slice %select_n3A_838 {offsets = [0, 480], sizes = [16, 32], strides = [1, 1]} : vector<16x512xf32> to vector<16x32xf32>
    %slice3A_850 = vector.extract_strided_slice %select_n3A_838 {offsets = [0, 0], sizes = [16, 480], strides = [1, 1]} : vector<16x512xf32> to vector<16x480xf32>
    %concatenate3A_851 = tpu.concatenate %slice3A_849, %slice3A_850 in 1 : vector<16x32xf32>, vector<16x480xf32> -> vector<16x512xf32>
    %select_n3A_852 = arith.select %eq3A_845, %concatenate3A_848, %concatenate3A_851 : vector<16x512xi1>, vector<16x512xf32>
    %slice3A_853 = vector.extract_strided_slice %select_n3A_839 {offsets = [0, 32], sizes = [16, 480], strides = [1, 1]} : vector<16x512xi32> to vector<16x480xi32>
    %slice3A_854 = vector.extract_strided_slice %select_n3A_839 {offsets = [0, 0], sizes = [16, 32], strides = [1, 1]} : vector<16x512xi32> to vector<16x32xi32>
    %concatenate3A_855 = tpu.concatenate %slice3A_853, %slice3A_854 in 1 : vector<16x480xi32>, vector<16x32xi32> -> vector<16x512xi32>
    %slice3A_856 = vector.extract_strided_slice %select_n3A_839 {offsets = [0, 480], sizes = [16, 32], strides = [1, 1]} : vector<16x512xi32> to vector<16x32xi32>
    %slice3A_857 = vector.extract_strided_slice %select_n3A_839 {offsets = [0, 0], sizes = [16, 480], strides = [1, 1]} : vector<16x512xi32> to vector<16x480xi32>
    %concatenate3A_858 = tpu.concatenate %slice3A_856, %slice3A_857 in 1 : vector<16x32xi32>, vector<16x480xi32> -> vector<16x512xi32>
    %select_n3A_859 = arith.select %eq3A_845, %concatenate3A_855, %concatenate3A_858 : vector<16x512xi1>, vector<16x512xi32>
    %and3A_860 = arith.constant 64 : i32
    %and3A_861 = vector.broadcast %and3A_860 : i32 to vector<16x512xi32>
    %and3A_862 = arith.andi %iota3A, %and3A_861 : vector<16x512xi32>
    %ne3A_863 = arith.constant 0 : i32
    %ne3A_864 = vector.broadcast %ne3A_863 : i32 to vector<16x512xi32>
    %ne3A_865 = arith.cmpi ne, %and3A_862, %ne3A_864 : vector<16x512xi32>
    %and3A_866 = arith.andi %ne3A_865, %eq3A_845 : vector<16x512xi1>
    %not3A_867 = arith.constant dense<true> : vector<16x512xi1>
    %not3A_868 = arith.xori %ne3A_865, %not3A_867 : vector<16x512xi1>
    %not3A_869 = arith.constant dense<true> : vector<16x512xi1>
    %not3A_870 = arith.xori %eq3A_845, %not3A_869 : vector<16x512xi1>
    %and3A_871 = arith.andi %not3A_868, %not3A_870 : vector<16x512xi1>
    %or3A_872 = arith.ori %and3A_866, %and3A_871 : vector<16x512xi1>
    %le3A_873 = arith.cmpf ole, %select_n3A_838, %select_n3A_852 : vector<16x512xf32>
    %lt3A_874 = arith.cmpf olt, %select_n3A_838, %select_n3A_852 : vector<16x512xf32>
    %and3A_875 = arith.andi %eq3A_845, %le3A_873 : vector<16x512xi1>
    %not3A_876 = arith.constant dense<true> : vector<16x512xi1>
    %not3A_877 = arith.xori %eq3A_845, %not3A_876 : vector<16x512xi1>
    %and3A_878 = arith.andi %not3A_877, %lt3A_874 : vector<16x512xi1>
    %or3A_879 = arith.ori %and3A_875, %and3A_878 : vector<16x512xi1>
    %not3A_880 = arith.constant dense<true> : vector<16x512xi1>
    %not3A_881 = arith.xori %le3A_873, %not3A_880 : vector<16x512xi1>
    %and3A_882 = arith.andi %eq3A_845, %not3A_881 : vector<16x512xi1>
    %not3A_883 = arith.constant dense<true> : vector<16x512xi1>
    %not3A_884 = arith.xori %eq3A_845, %not3A_883 : vector<16x512xi1>
    %not3A_885 = arith.constant dense<true> : vector<16x512xi1>
    %not3A_886 = arith.xori %lt3A_874, %not3A_885 : vector<16x512xi1>
    %and3A_887 = arith.andi %not3A_884, %not3A_886 : vector<16x512xi1>
    %or3A_888 = arith.ori %and3A_882, %and3A_887 : vector<16x512xi1>
    %and3A_889 = arith.andi %or3A_872, %or3A_879 : vector<16x512xi1>
    %not3A_890 = arith.constant dense<true> : vector<16x512xi1>
    %not3A_891 = arith.xori %or3A_872, %not3A_890 : vector<16x512xi1>
    %and3A_892 = arith.andi %not3A_891, %or3A_888 : vector<16x512xi1>
    %or3A_893 = arith.ori %and3A_889, %and3A_892 : vector<16x512xi1>
    %select_n3A_894 = arith.select %or3A_893, %select_n3A_838, %select_n3A_852 : vector<16x512xi1>, vector<16x512xf32>
    %select_n3A_895 = arith.select %or3A_893, %select_n3A_839, %select_n3A_859 : vector<16x512xi1>, vector<16x512xi32>
    %and3A_896 = arith.constant 16 : i32
    %and3A_897 = vector.broadcast %and3A_896 : i32 to vector<16x512xi32>
    %and3A_898 = arith.andi %iota3A, %and3A_897 : vector<16x512xi32>
    %eq3A_899 = arith.constant 0 : i32
    %eq3A_900 = vector.broadcast %eq3A_899 : i32 to vector<16x512xi32>
    %eq3A_901 = arith.cmpi eq, %and3A_898, %eq3A_900 : vector<16x512xi32>
    %slice3A_902 = vector.extract_strided_slice %select_n3A_894 {offsets = [0, 16], sizes = [16, 496], strides = [1, 1]} : vector<16x512xf32> to vector<16x496xf32>
    %slice3A_903 = vector.extract_strided_slice %select_n3A_894 {offsets = [0, 0], sizes = [16, 16], strides = [1, 1]} : vector<16x512xf32> to vector<16x16xf32>
    %concatenate3A_904 = tpu.concatenate %slice3A_902, %slice3A_903 in 1 : vector<16x496xf32>, vector<16x16xf32> -> vector<16x512xf32>
    %slice3A_905 = vector.extract_strided_slice %select_n3A_894 {offsets = [0, 496], sizes = [16, 16], strides = [1, 1]} : vector<16x512xf32> to vector<16x16xf32>
    %slice3A_906 = vector.extract_strided_slice %select_n3A_894 {offsets = [0, 0], sizes = [16, 496], strides = [1, 1]} : vector<16x512xf32> to vector<16x496xf32>
    %concatenate3A_907 = tpu.concatenate %slice3A_905, %slice3A_906 in 1 : vector<16x16xf32>, vector<16x496xf32> -> vector<16x512xf32>
    %select_n3A_908 = arith.select %eq3A_901, %concatenate3A_904, %concatenate3A_907 : vector<16x512xi1>, vector<16x512xf32>
    %slice3A_909 = vector.extract_strided_slice %select_n3A_895 {offsets = [0, 16], sizes = [16, 496], strides = [1, 1]} : vector<16x512xi32> to vector<16x496xi32>
    %slice3A_910 = vector.extract_strided_slice %select_n3A_895 {offsets = [0, 0], sizes = [16, 16], strides = [1, 1]} : vector<16x512xi32> to vector<16x16xi32>
    %concatenate3A_911 = tpu.concatenate %slice3A_909, %slice3A_910 in 1 : vector<16x496xi32>, vector<16x16xi32> -> vector<16x512xi32>
    %slice3A_912 = vector.extract_strided_slice %select_n3A_895 {offsets = [0, 496], sizes = [16, 16], strides = [1, 1]} : vector<16x512xi32> to vector<16x16xi32>
    %slice3A_913 = vector.extract_strided_slice %select_n3A_895 {offsets = [0, 0], sizes = [16, 496], strides = [1, 1]} : vector<16x512xi32> to vector<16x496xi32>
    %concatenate3A_914 = tpu.concatenate %slice3A_912, %slice3A_913 in 1 : vector<16x16xi32>, vector<16x496xi32> -> vector<16x512xi32>
    %select_n3A_915 = arith.select %eq3A_901, %concatenate3A_911, %concatenate3A_914 : vector<16x512xi1>, vector<16x512xi32>
    %and3A_916 = arith.constant 64 : i32
    %and3A_917 = vector.broadcast %and3A_916 : i32 to vector<16x512xi32>
    %and3A_918 = arith.andi %iota3A, %and3A_917 : vector<16x512xi32>
    %ne3A_919 = arith.constant 0 : i32
    %ne3A_920 = vector.broadcast %ne3A_919 : i32 to vector<16x512xi32>
    %ne3A_921 = arith.cmpi ne, %and3A_918, %ne3A_920 : vector<16x512xi32>
    %and3A_922 = arith.andi %ne3A_921, %eq3A_901 : vector<16x512xi1>
    %not3A_923 = arith.constant dense<true> : vector<16x512xi1>
    %not3A_924 = arith.xori %ne3A_921, %not3A_923 : vector<16x512xi1>
    %not3A_925 = arith.constant dense<true> : vector<16x512xi1>
    %not3A_926 = arith.xori %eq3A_901, %not3A_925 : vector<16x512xi1>
    %and3A_927 = arith.andi %not3A_924, %not3A_926 : vector<16x512xi1>
    %or3A_928 = arith.ori %and3A_922, %and3A_927 : vector<16x512xi1>
    %le3A_929 = arith.cmpf ole, %select_n3A_894, %select_n3A_908 : vector<16x512xf32>
    %lt3A_930 = arith.cmpf olt, %select_n3A_894, %select_n3A_908 : vector<16x512xf32>
    %and3A_931 = arith.andi %eq3A_901, %le3A_929 : vector<16x512xi1>
    %not3A_932 = arith.constant dense<true> : vector<16x512xi1>
    %not3A_933 = arith.xori %eq3A_901, %not3A_932 : vector<16x512xi1>
    %and3A_934 = arith.andi %not3A_933, %lt3A_930 : vector<16x512xi1>
    %or3A_935 = arith.ori %and3A_931, %and3A_934 : vector<16x512xi1>
    %not3A_936 = arith.constant dense<true> : vector<16x512xi1>
    %not3A_937 = arith.xori %le3A_929, %not3A_936 : vector<16x512xi1>
    %and3A_938 = arith.andi %eq3A_901, %not3A_937 : vector<16x512xi1>
    %not3A_939 = arith.constant dense<true> : vector<16x512xi1>
    %not3A_940 = arith.xori %eq3A_901, %not3A_939 : vector<16x512xi1>
    %not3A_941 = arith.constant dense<true> : vector<16x512xi1>
    %not3A_942 = arith.xori %lt3A_930, %not3A_941 : vector<16x512xi1>
    %and3A_943 = arith.andi %not3A_940, %not3A_942 : vector<16x512xi1>
    %or3A_944 = arith.ori %and3A_938, %and3A_943 : vector<16x512xi1>
    %and3A_945 = arith.andi %or3A_928, %or3A_935 : vector<16x512xi1>
    %not3A_946 = arith.constant dense<true> : vector<16x512xi1>
    %not3A_947 = arith.xori %or3A_928, %not3A_946 : vector<16x512xi1>
    %and3A_948 = arith.andi %not3A_947, %or3A_944 : vector<16x512xi1>
    %or3A_949 = arith.ori %and3A_945, %and3A_948 : vector<16x512xi1>
    %select_n3A_950 = arith.select %or3A_949, %select_n3A_894, %select_n3A_908 : vector<16x512xi1>, vector<16x512xf32>
    %select_n3A_951 = arith.select %or3A_949, %select_n3A_895, %select_n3A_915 : vector<16x512xi1>, vector<16x512xi32>
    %and3A_952 = arith.constant 8 : i32
    %and3A_953 = vector.broadcast %and3A_952 : i32 to vector<16x512xi32>
    %and3A_954 = arith.andi %iota3A, %and3A_953 : vector<16x512xi32>
    %eq3A_955 = arith.constant 0 : i32
    %eq3A_956 = vector.broadcast %eq3A_955 : i32 to vector<16x512xi32>
    %eq3A_957 = arith.cmpi eq, %and3A_954, %eq3A_956 : vector<16x512xi32>
    %slice3A_958 = vector.extract_strided_slice %select_n3A_950 {offsets = [0, 8], sizes = [16, 504], strides = [1, 1]} : vector<16x512xf32> to vector<16x504xf32>
    %slice3A_959 = vector.extract_strided_slice %select_n3A_950 {offsets = [0, 0], sizes = [16, 8], strides = [1, 1]} : vector<16x512xf32> to vector<16x8xf32>
    %concatenate3A_960 = tpu.concatenate %slice3A_958, %slice3A_959 in 1 : vector<16x504xf32>, vector<16x8xf32> -> vector<16x512xf32>
    %slice3A_961 = vector.extract_strided_slice %select_n3A_950 {offsets = [0, 504], sizes = [16, 8], strides = [1, 1]} : vector<16x512xf32> to vector<16x8xf32>
    %slice3A_962 = vector.extract_strided_slice %select_n3A_950 {offsets = [0, 0], sizes = [16, 504], strides = [1, 1]} : vector<16x512xf32> to vector<16x504xf32>
    %concatenate3A_963 = tpu.concatenate %slice3A_961, %slice3A_962 in 1 : vector<16x8xf32>, vector<16x504xf32> -> vector<16x512xf32>
    %select_n3A_964 = arith.select %eq3A_957, %concatenate3A_960, %concatenate3A_963 : vector<16x512xi1>, vector<16x512xf32>
    %slice3A_965 = vector.extract_strided_slice %select_n3A_951 {offsets = [0, 8], sizes = [16, 504], strides = [1, 1]} : vector<16x512xi32> to vector<16x504xi32>
    %slice3A_966 = vector.extract_strided_slice %select_n3A_951 {offsets = [0, 0], sizes = [16, 8], strides = [1, 1]} : vector<16x512xi32> to vector<16x8xi32>
    %concatenate3A_967 = tpu.concatenate %slice3A_965, %slice3A_966 in 1 : vector<16x504xi32>, vector<16x8xi32> -> vector<16x512xi32>
    %slice3A_968 = vector.extract_strided_slice %select_n3A_951 {offsets = [0, 504], sizes = [16, 8], strides = [1, 1]} : vector<16x512xi32> to vector<16x8xi32>
    %slice3A_969 = vector.extract_strided_slice %select_n3A_951 {offsets = [0, 0], sizes = [16, 504], strides = [1, 1]} : vector<16x512xi32> to vector<16x504xi32>
    %concatenate3A_970 = tpu.concatenate %slice3A_968, %slice3A_969 in 1 : vector<16x8xi32>, vector<16x504xi32> -> vector<16x512xi32>
    %select_n3A_971 = arith.select %eq3A_957, %concatenate3A_967, %concatenate3A_970 : vector<16x512xi1>, vector<16x512xi32>
    %and3A_972 = arith.constant 64 : i32
    %and3A_973 = vector.broadcast %and3A_972 : i32 to vector<16x512xi32>
    %and3A_974 = arith.andi %iota3A, %and3A_973 : vector<16x512xi32>
    %ne3A_975 = arith.constant 0 : i32
    %ne3A_976 = vector.broadcast %ne3A_975 : i32 to vector<16x512xi32>
    %ne3A_977 = arith.cmpi ne, %and3A_974, %ne3A_976 : vector<16x512xi32>
    %and3A_978 = arith.andi %ne3A_977, %eq3A_957 : vector<16x512xi1>
    %not3A_979 = arith.constant dense<true> : vector<16x512xi1>
    %not3A_980 = arith.xori %ne3A_977, %not3A_979 : vector<16x512xi1>
    %not3A_981 = arith.constant dense<true> : vector<16x512xi1>
    %not3A_982 = arith.xori %eq3A_957, %not3A_981 : vector<16x512xi1>
    %and3A_983 = arith.andi %not3A_980, %not3A_982 : vector<16x512xi1>
    %or3A_984 = arith.ori %and3A_978, %and3A_983 : vector<16x512xi1>
    %le3A_985 = arith.cmpf ole, %select_n3A_950, %select_n3A_964 : vector<16x512xf32>
    %lt3A_986 = arith.cmpf olt, %select_n3A_950, %select_n3A_964 : vector<16x512xf32>
    %and3A_987 = arith.andi %eq3A_957, %le3A_985 : vector<16x512xi1>
    %not3A_988 = arith.constant dense<true> : vector<16x512xi1>
    %not3A_989 = arith.xori %eq3A_957, %not3A_988 : vector<16x512xi1>
    %and3A_990 = arith.andi %not3A_989, %lt3A_986 : vector<16x512xi1>
    %or3A_991 = arith.ori %and3A_987, %and3A_990 : vector<16x512xi1>
    %not3A_992 = arith.constant dense<true> : vector<16x512xi1>
    %not3A_993 = arith.xori %le3A_985, %not3A_992 : vector<16x512xi1>
    %and3A_994 = arith.andi %eq3A_957, %not3A_993 : vector<16x512xi1>
    %not3A_995 = arith.constant dense<true> : vector<16x512xi1>
    %not3A_996 = arith.xori %eq3A_957, %not3A_995 : vector<16x512xi1>
    %not3A_997 = arith.constant dense<true> : vector<16x512xi1>
    %not3A_998 = arith.xori %lt3A_986, %not3A_997 : vector<16x512xi1>
    %and3A_999 = arith.andi %not3A_996, %not3A_998 : vector<16x512xi1>
    %or3A_1000 = arith.ori %and3A_994, %and3A_999 : vector<16x512xi1>
    %and3A_1001 = arith.andi %or3A_984, %or3A_991 : vector<16x512xi1>
    %not3A_1002 = arith.constant dense<true> : vector<16x512xi1>
    %not3A_1003 = arith.xori %or3A_984, %not3A_1002 : vector<16x512xi1>
    %and3A_1004 = arith.andi %not3A_1003, %or3A_1000 : vector<16x512xi1>
    %or3A_1005 = arith.ori %and3A_1001, %and3A_1004 : vector<16x512xi1>
    %select_n3A_1006 = arith.select %or3A_1005, %select_n3A_950, %select_n3A_964 : vector<16x512xi1>, vector<16x512xf32>
    %select_n3A_1007 = arith.select %or3A_1005, %select_n3A_951, %select_n3A_971 : vector<16x512xi1>, vector<16x512xi32>
    %and3A_1008 = arith.constant 4 : i32
    %and3A_1009 = vector.broadcast %and3A_1008 : i32 to vector<16x512xi32>
    %and3A_1010 = arith.andi %iota3A, %and3A_1009 : vector<16x512xi32>
    %eq3A_1011 = arith.constant 0 : i32
    %eq3A_1012 = vector.broadcast %eq3A_1011 : i32 to vector<16x512xi32>
    %eq3A_1013 = arith.cmpi eq, %and3A_1010, %eq3A_1012 : vector<16x512xi32>
    %slice3A_1014 = vector.extract_strided_slice %select_n3A_1006 {offsets = [0, 4], sizes = [16, 508], strides = [1, 1]} : vector<16x512xf32> to vector<16x508xf32>
    %slice3A_1015 = vector.extract_strided_slice %select_n3A_1006 {offsets = [0, 0], sizes = [16, 4], strides = [1, 1]} : vector<16x512xf32> to vector<16x4xf32>
    %concatenate3A_1016 = tpu.concatenate %slice3A_1014, %slice3A_1015 in 1 : vector<16x508xf32>, vector<16x4xf32> -> vector<16x512xf32>
    %slice3A_1017 = vector.extract_strided_slice %select_n3A_1006 {offsets = [0, 508], sizes = [16, 4], strides = [1, 1]} : vector<16x512xf32> to vector<16x4xf32>
    %slice3A_1018 = vector.extract_strided_slice %select_n3A_1006 {offsets = [0, 0], sizes = [16, 508], strides = [1, 1]} : vector<16x512xf32> to vector<16x508xf32>
    %concatenate3A_1019 = tpu.concatenate %slice3A_1017, %slice3A_1018 in 1 : vector<16x4xf32>, vector<16x508xf32> -> vector<16x512xf32>
    %select_n3A_1020 = arith.select %eq3A_1013, %concatenate3A_1016, %concatenate3A_1019 : vector<16x512xi1>, vector<16x512xf32>
    %slice3A_1021 = vector.extract_strided_slice %select_n3A_1007 {offsets = [0, 4], sizes = [16, 508], strides = [1, 1]} : vector<16x512xi32> to vector<16x508xi32>
    %slice3A_1022 = vector.extract_strided_slice %select_n3A_1007 {offsets = [0, 0], sizes = [16, 4], strides = [1, 1]} : vector<16x512xi32> to vector<16x4xi32>
    %concatenate3A_1023 = tpu.concatenate %slice3A_1021, %slice3A_1022 in 1 : vector<16x508xi32>, vector<16x4xi32> -> vector<16x512xi32>
    %slice3A_1024 = vector.extract_strided_slice %select_n3A_1007 {offsets = [0, 508], sizes = [16, 4], strides = [1, 1]} : vector<16x512xi32> to vector<16x4xi32>
    %slice3A_1025 = vector.extract_strided_slice %select_n3A_1007 {offsets = [0, 0], sizes = [16, 508], strides = [1, 1]} : vector<16x512xi32> to vector<16x508xi32>
    %concatenate3A_1026 = tpu.concatenate %slice3A_1024, %slice3A_1025 in 1 : vector<16x4xi32>, vector<16x508xi32> -> vector<16x512xi32>
    %select_n3A_1027 = arith.select %eq3A_1013, %concatenate3A_1023, %concatenate3A_1026 : vector<16x512xi1>, vector<16x512xi32>
    %and3A_1028 = arith.constant 64 : i32
    %and3A_1029 = vector.broadcast %and3A_1028 : i32 to vector<16x512xi32>
    %and3A_1030 = arith.andi %iota3A, %and3A_1029 : vector<16x512xi32>
    %ne3A_1031 = arith.constant 0 : i32
    %ne3A_1032 = vector.broadcast %ne3A_1031 : i32 to vector<16x512xi32>
    %ne3A_1033 = arith.cmpi ne, %and3A_1030, %ne3A_1032 : vector<16x512xi32>
    %and3A_1034 = arith.andi %ne3A_1033, %eq3A_1013 : vector<16x512xi1>
    %not3A_1035 = arith.constant dense<true> : vector<16x512xi1>
    %not3A_1036 = arith.xori %ne3A_1033, %not3A_1035 : vector<16x512xi1>
    %not3A_1037 = arith.constant dense<true> : vector<16x512xi1>
    %not3A_1038 = arith.xori %eq3A_1013, %not3A_1037 : vector<16x512xi1>
    %and3A_1039 = arith.andi %not3A_1036, %not3A_1038 : vector<16x512xi1>
    %or3A_1040 = arith.ori %and3A_1034, %and3A_1039 : vector<16x512xi1>
    %le3A_1041 = arith.cmpf ole, %select_n3A_1006, %select_n3A_1020 : vector<16x512xf32>
    %lt3A_1042 = arith.cmpf olt, %select_n3A_1006, %select_n3A_1020 : vector<16x512xf32>
    %and3A_1043 = arith.andi %eq3A_1013, %le3A_1041 : vector<16x512xi1>
    %not3A_1044 = arith.constant dense<true> : vector<16x512xi1>
    %not3A_1045 = arith.xori %eq3A_1013, %not3A_1044 : vector<16x512xi1>
    %and3A_1046 = arith.andi %not3A_1045, %lt3A_1042 : vector<16x512xi1>
    %or3A_1047 = arith.ori %and3A_1043, %and3A_1046 : vector<16x512xi1>
    %not3A_1048 = arith.constant dense<true> : vector<16x512xi1>
    %not3A_1049 = arith.xori %le3A_1041, %not3A_1048 : vector<16x512xi1>
    %and3A_1050 = arith.andi %eq3A_1013, %not3A_1049 : vector<16x512xi1>
    %not3A_1051 = arith.constant dense<true> : vector<16x512xi1>
    %not3A_1052 = arith.xori %eq3A_1013, %not3A_1051 : vector<16x512xi1>
    %not3A_1053 = arith.constant dense<true> : vector<16x512xi1>
    %not3A_1054 = arith.xori %lt3A_1042, %not3A_1053 : vector<16x512xi1>
    %and3A_1055 = arith.andi %not3A_1052, %not3A_1054 : vector<16x512xi1>
    %or3A_1056 = arith.ori %and3A_1050, %and3A_1055 : vector<16x512xi1>
    %and3A_1057 = arith.andi %or3A_1040, %or3A_1047 : vector<16x512xi1>
    %not3A_1058 = arith.constant dense<true> : vector<16x512xi1>
    %not3A_1059 = arith.xori %or3A_1040, %not3A_1058 : vector<16x512xi1>
    %and3A_1060 = arith.andi %not3A_1059, %or3A_1056 : vector<16x512xi1>
    %or3A_1061 = arith.ori %and3A_1057, %and3A_1060 : vector<16x512xi1>
    %select_n3A_1062 = arith.select %or3A_1061, %select_n3A_1006, %select_n3A_1020 : vector<16x512xi1>, vector<16x512xf32>
    %select_n3A_1063 = arith.select %or3A_1061, %select_n3A_1007, %select_n3A_1027 : vector<16x512xi1>, vector<16x512xi32>
    %and3A_1064 = arith.constant 2 : i32
    %and3A_1065 = vector.broadcast %and3A_1064 : i32 to vector<16x512xi32>
    %and3A_1066 = arith.andi %iota3A, %and3A_1065 : vector<16x512xi32>
    %eq3A_1067 = arith.constant 0 : i32
    %eq3A_1068 = vector.broadcast %eq3A_1067 : i32 to vector<16x512xi32>
    %eq3A_1069 = arith.cmpi eq, %and3A_1066, %eq3A_1068 : vector<16x512xi32>
    %slice3A_1070 = vector.extract_strided_slice %select_n3A_1062 {offsets = [0, 2], sizes = [16, 510], strides = [1, 1]} : vector<16x512xf32> to vector<16x510xf32>
    %slice3A_1071 = vector.extract_strided_slice %select_n3A_1062 {offsets = [0, 0], sizes = [16, 2], strides = [1, 1]} : vector<16x512xf32> to vector<16x2xf32>
    %concatenate3A_1072 = tpu.concatenate %slice3A_1070, %slice3A_1071 in 1 : vector<16x510xf32>, vector<16x2xf32> -> vector<16x512xf32>
    %slice3A_1073 = vector.extract_strided_slice %select_n3A_1062 {offsets = [0, 510], sizes = [16, 2], strides = [1, 1]} : vector<16x512xf32> to vector<16x2xf32>
    %slice3A_1074 = vector.extract_strided_slice %select_n3A_1062 {offsets = [0, 0], sizes = [16, 510], strides = [1, 1]} : vector<16x512xf32> to vector<16x510xf32>
    %concatenate3A_1075 = tpu.concatenate %slice3A_1073, %slice3A_1074 in 1 : vector<16x2xf32>, vector<16x510xf32> -> vector<16x512xf32>
    %select_n3A_1076 = arith.select %eq3A_1069, %concatenate3A_1072, %concatenate3A_1075 : vector<16x512xi1>, vector<16x512xf32>
    %slice3A_1077 = vector.extract_strided_slice %select_n3A_1063 {offsets = [0, 2], sizes = [16, 510], strides = [1, 1]} : vector<16x512xi32> to vector<16x510xi32>
    %slice3A_1078 = vector.extract_strided_slice %select_n3A_1063 {offsets = [0, 0], sizes = [16, 2], strides = [1, 1]} : vector<16x512xi32> to vector<16x2xi32>
    %concatenate3A_1079 = tpu.concatenate %slice3A_1077, %slice3A_1078 in 1 : vector<16x510xi32>, vector<16x2xi32> -> vector<16x512xi32>
    %slice3A_1080 = vector.extract_strided_slice %select_n3A_1063 {offsets = [0, 510], sizes = [16, 2], strides = [1, 1]} : vector<16x512xi32> to vector<16x2xi32>
    %slice3A_1081 = vector.extract_strided_slice %select_n3A_1063 {offsets = [0, 0], sizes = [16, 510], strides = [1, 1]} : vector<16x512xi32> to vector<16x510xi32>
    %concatenate3A_1082 = tpu.concatenate %slice3A_1080, %slice3A_1081 in 1 : vector<16x2xi32>, vector<16x510xi32> -> vector<16x512xi32>
    %select_n3A_1083 = arith.select %eq3A_1069, %concatenate3A_1079, %concatenate3A_1082 : vector<16x512xi1>, vector<16x512xi32>
    %and3A_1084 = arith.constant 64 : i32
    %and3A_1085 = vector.broadcast %and3A_1084 : i32 to vector<16x512xi32>
    %and3A_1086 = arith.andi %iota3A, %and3A_1085 : vector<16x512xi32>
    %ne3A_1087 = arith.constant 0 : i32
    %ne3A_1088 = vector.broadcast %ne3A_1087 : i32 to vector<16x512xi32>
    %ne3A_1089 = arith.cmpi ne, %and3A_1086, %ne3A_1088 : vector<16x512xi32>
    %and3A_1090 = arith.andi %ne3A_1089, %eq3A_1069 : vector<16x512xi1>
    %not3A_1091 = arith.constant dense<true> : vector<16x512xi1>
    %not3A_1092 = arith.xori %ne3A_1089, %not3A_1091 : vector<16x512xi1>
    %not3A_1093 = arith.constant dense<true> : vector<16x512xi1>
    %not3A_1094 = arith.xori %eq3A_1069, %not3A_1093 : vector<16x512xi1>
    %and3A_1095 = arith.andi %not3A_1092, %not3A_1094 : vector<16x512xi1>
    %or3A_1096 = arith.ori %and3A_1090, %and3A_1095 : vector<16x512xi1>
    %le3A_1097 = arith.cmpf ole, %select_n3A_1062, %select_n3A_1076 : vector<16x512xf32>
    %lt3A_1098 = arith.cmpf olt, %select_n3A_1062, %select_n3A_1076 : vector<16x512xf32>
    %and3A_1099 = arith.andi %eq3A_1069, %le3A_1097 : vector<16x512xi1>
    %not3A_1100 = arith.constant dense<true> : vector<16x512xi1>
    %not3A_1101 = arith.xori %eq3A_1069, %not3A_1100 : vector<16x512xi1>
    %and3A_1102 = arith.andi %not3A_1101, %lt3A_1098 : vector<16x512xi1>
    %or3A_1103 = arith.ori %and3A_1099, %and3A_1102 : vector<16x512xi1>
    %not3A_1104 = arith.constant dense<true> : vector<16x512xi1>
    %not3A_1105 = arith.xori %le3A_1097, %not3A_1104 : vector<16x512xi1>
    %and3A_1106 = arith.andi %eq3A_1069, %not3A_1105 : vector<16x512xi1>
    %not3A_1107 = arith.constant dense<true> : vector<16x512xi1>
    %not3A_1108 = arith.xori %eq3A_1069, %not3A_1107 : vector<16x512xi1>
    %not3A_1109 = arith.constant dense<true> : vector<16x512xi1>
    %not3A_1110 = arith.xori %lt3A_1098, %not3A_1109 : vector<16x512xi1>
    %and3A_1111 = arith.andi %not3A_1108, %not3A_1110 : vector<16x512xi1>
    %or3A_1112 = arith.ori %and3A_1106, %and3A_1111 : vector<16x512xi1>
    %and3A_1113 = arith.andi %or3A_1096, %or3A_1103 : vector<16x512xi1>
    %not3A_1114 = arith.constant dense<true> : vector<16x512xi1>
    %not3A_1115 = arith.xori %or3A_1096, %not3A_1114 : vector<16x512xi1>
    %and3A_1116 = arith.andi %not3A_1115, %or3A_1112 : vector<16x512xi1>
    %or3A_1117 = arith.ori %and3A_1113, %and3A_1116 : vector<16x512xi1>
    %select_n3A_1118 = arith.select %or3A_1117, %select_n3A_1062, %select_n3A_1076 : vector<16x512xi1>, vector<16x512xf32>
    %select_n3A_1119 = arith.select %or3A_1117, %select_n3A_1063, %select_n3A_1083 : vector<16x512xi1>, vector<16x512xi32>
    %and3A_1120 = arith.constant 1 : i32
    %and3A_1121 = vector.broadcast %and3A_1120 : i32 to vector<16x512xi32>
    %and3A_1122 = arith.andi %iota3A, %and3A_1121 : vector<16x512xi32>
    %eq3A_1123 = arith.constant 0 : i32
    %eq3A_1124 = vector.broadcast %eq3A_1123 : i32 to vector<16x512xi32>
    %eq3A_1125 = arith.cmpi eq, %and3A_1122, %eq3A_1124 : vector<16x512xi32>
    %slice3A_1126 = vector.extract_strided_slice %select_n3A_1118 {offsets = [0, 1], sizes = [16, 511], strides = [1, 1]} : vector<16x512xf32> to vector<16x511xf32>
    %slice3A_1127 = vector.extract_strided_slice %select_n3A_1118 {offsets = [0, 0], sizes = [16, 1], strides = [1, 1]} : vector<16x512xf32> to vector<16x1xf32>
    %concatenate3A_1128 = tpu.concatenate %slice3A_1126, %slice3A_1127 in 1 : vector<16x511xf32>, vector<16x1xf32> -> vector<16x512xf32>
    %slice3A_1129 = vector.extract_strided_slice %select_n3A_1118 {offsets = [0, 511], sizes = [16, 1], strides = [1, 1]} : vector<16x512xf32> to vector<16x1xf32>
    %slice3A_1130 = vector.extract_strided_slice %select_n3A_1118 {offsets = [0, 0], sizes = [16, 511], strides = [1, 1]} : vector<16x512xf32> to vector<16x511xf32>
    %concatenate3A_1131 = tpu.concatenate %slice3A_1129, %slice3A_1130 in 1 : vector<16x1xf32>, vector<16x511xf32> -> vector<16x512xf32>
    %select_n3A_1132 = arith.select %eq3A_1125, %concatenate3A_1128, %concatenate3A_1131 : vector<16x512xi1>, vector<16x512xf32>
    %slice3A_1133 = vector.extract_strided_slice %select_n3A_1119 {offsets = [0, 1], sizes = [16, 511], strides = [1, 1]} : vector<16x512xi32> to vector<16x511xi32>
    %slice3A_1134 = vector.extract_strided_slice %select_n3A_1119 {offsets = [0, 0], sizes = [16, 1], strides = [1, 1]} : vector<16x512xi32> to vector<16x1xi32>
    %concatenate3A_1135 = tpu.concatenate %slice3A_1133, %slice3A_1134 in 1 : vector<16x511xi32>, vector<16x1xi32> -> vector<16x512xi32>
    %slice3A_1136 = vector.extract_strided_slice %select_n3A_1119 {offsets = [0, 511], sizes = [16, 1], strides = [1, 1]} : vector<16x512xi32> to vector<16x1xi32>
    %slice3A_1137 = vector.extract_strided_slice %select_n3A_1119 {offsets = [0, 0], sizes = [16, 511], strides = [1, 1]} : vector<16x512xi32> to vector<16x511xi32>
    %concatenate3A_1138 = tpu.concatenate %slice3A_1136, %slice3A_1137 in 1 : vector<16x1xi32>, vector<16x511xi32> -> vector<16x512xi32>
    %select_n3A_1139 = arith.select %eq3A_1125, %concatenate3A_1135, %concatenate3A_1138 : vector<16x512xi1>, vector<16x512xi32>
    %and3A_1140 = arith.constant 64 : i32
    %and3A_1141 = vector.broadcast %and3A_1140 : i32 to vector<16x512xi32>
    %and3A_1142 = arith.andi %iota3A, %and3A_1141 : vector<16x512xi32>
    %ne3A_1143 = arith.constant 0 : i32
    %ne3A_1144 = vector.broadcast %ne3A_1143 : i32 to vector<16x512xi32>
    %ne3A_1145 = arith.cmpi ne, %and3A_1142, %ne3A_1144 : vector<16x512xi32>
    %and3A_1146 = arith.andi %ne3A_1145, %eq3A_1125 : vector<16x512xi1>
    %not3A_1147 = arith.constant dense<true> : vector<16x512xi1>
    %not3A_1148 = arith.xori %ne3A_1145, %not3A_1147 : vector<16x512xi1>
    %not3A_1149 = arith.constant dense<true> : vector<16x512xi1>
    %not3A_1150 = arith.xori %eq3A_1125, %not3A_1149 : vector<16x512xi1>
    %and3A_1151 = arith.andi %not3A_1148, %not3A_1150 : vector<16x512xi1>
    %or3A_1152 = arith.ori %and3A_1146, %and3A_1151 : vector<16x512xi1>
    %le3A_1153 = arith.cmpf ole, %select_n3A_1118, %select_n3A_1132 : vector<16x512xf32>
    %lt3A_1154 = arith.cmpf olt, %select_n3A_1118, %select_n3A_1132 : vector<16x512xf32>
    %and3A_1155 = arith.andi %eq3A_1125, %le3A_1153 : vector<16x512xi1>
    %not3A_1156 = arith.constant dense<true> : vector<16x512xi1>
    %not3A_1157 = arith.xori %eq3A_1125, %not3A_1156 : vector<16x512xi1>
    %and3A_1158 = arith.andi %not3A_1157, %lt3A_1154 : vector<16x512xi1>
    %or3A_1159 = arith.ori %and3A_1155, %and3A_1158 : vector<16x512xi1>
    %not3A_1160 = arith.constant dense<true> : vector<16x512xi1>
    %not3A_1161 = arith.xori %le3A_1153, %not3A_1160 : vector<16x512xi1>
    %and3A_1162 = arith.andi %eq3A_1125, %not3A_1161 : vector<16x512xi1>
    %not3A_1163 = arith.constant dense<true> : vector<16x512xi1>
    %not3A_1164 = arith.xori %eq3A_1125, %not3A_1163 : vector<16x512xi1>
    %not3A_1165 = arith.constant dense<true> : vector<16x512xi1>
    %not3A_1166 = arith.xori %lt3A_1154, %not3A_1165 : vector<16x512xi1>
    %and3A_1167 = arith.andi %not3A_1164, %not3A_1166 : vector<16x512xi1>
    %or3A_1168 = arith.ori %and3A_1162, %and3A_1167 : vector<16x512xi1>
    %and3A_1169 = arith.andi %or3A_1152, %or3A_1159 : vector<16x512xi1>
    %not3A_1170 = arith.constant dense<true> : vector<16x512xi1>
    %not3A_1171 = arith.xori %or3A_1152, %not3A_1170 : vector<16x512xi1>
    %and3A_1172 = arith.andi %not3A_1171, %or3A_1168 : vector<16x512xi1>
    %or3A_1173 = arith.ori %and3A_1169, %and3A_1172 : vector<16x512xi1>
    %select_n3A_1174 = arith.select %or3A_1173, %select_n3A_1118, %select_n3A_1132 : vector<16x512xi1>, vector<16x512xf32>
    %select_n3A_1175 = arith.select %or3A_1173, %select_n3A_1119, %select_n3A_1139 : vector<16x512xi1>, vector<16x512xi32>
    %and3A_1176 = arith.constant 64 : i32
    %and3A_1177 = vector.broadcast %and3A_1176 : i32 to vector<16x512xi32>
    %and3A_1178 = arith.andi %iota3A, %and3A_1177 : vector<16x512xi32>
    %eq3A_1179 = arith.constant 0 : i32
    %eq3A_1180 = vector.broadcast %eq3A_1179 : i32 to vector<16x512xi32>
    %eq3A_1181 = arith.cmpi eq, %and3A_1178, %eq3A_1180 : vector<16x512xi32>
    %slice3A_1182 = vector.extract_strided_slice %select_n3A_1174 {offsets = [0, 64], sizes = [16, 448], strides = [1, 1]} : vector<16x512xf32> to vector<16x448xf32>
    %slice3A_1183 = vector.extract_strided_slice %select_n3A_1174 {offsets = [0, 0], sizes = [16, 64], strides = [1, 1]} : vector<16x512xf32> to vector<16x64xf32>
    %concatenate3A_1184 = tpu.concatenate %slice3A_1182, %slice3A_1183 in 1 : vector<16x448xf32>, vector<16x64xf32> -> vector<16x512xf32>
    %slice3A_1185 = vector.extract_strided_slice %select_n3A_1174 {offsets = [0, 448], sizes = [16, 64], strides = [1, 1]} : vector<16x512xf32> to vector<16x64xf32>
    %slice3A_1186 = vector.extract_strided_slice %select_n3A_1174 {offsets = [0, 0], sizes = [16, 448], strides = [1, 1]} : vector<16x512xf32> to vector<16x448xf32>
    %concatenate3A_1187 = tpu.concatenate %slice3A_1185, %slice3A_1186 in 1 : vector<16x64xf32>, vector<16x448xf32> -> vector<16x512xf32>
    %select_n3A_1188 = arith.select %eq3A_1181, %concatenate3A_1184, %concatenate3A_1187 : vector<16x512xi1>, vector<16x512xf32>
    %slice3A_1189 = vector.extract_strided_slice %select_n3A_1175 {offsets = [0, 64], sizes = [16, 448], strides = [1, 1]} : vector<16x512xi32> to vector<16x448xi32>
    %slice3A_1190 = vector.extract_strided_slice %select_n3A_1175 {offsets = [0, 0], sizes = [16, 64], strides = [1, 1]} : vector<16x512xi32> to vector<16x64xi32>
    %concatenate3A_1191 = tpu.concatenate %slice3A_1189, %slice3A_1190 in 1 : vector<16x448xi32>, vector<16x64xi32> -> vector<16x512xi32>
    %slice3A_1192 = vector.extract_strided_slice %select_n3A_1175 {offsets = [0, 448], sizes = [16, 64], strides = [1, 1]} : vector<16x512xi32> to vector<16x64xi32>
    %slice3A_1193 = vector.extract_strided_slice %select_n3A_1175 {offsets = [0, 0], sizes = [16, 448], strides = [1, 1]} : vector<16x512xi32> to vector<16x448xi32>
    %concatenate3A_1194 = tpu.concatenate %slice3A_1192, %slice3A_1193 in 1 : vector<16x64xi32>, vector<16x448xi32> -> vector<16x512xi32>
    %select_n3A_1195 = arith.select %eq3A_1181, %concatenate3A_1191, %concatenate3A_1194 : vector<16x512xi1>, vector<16x512xi32>
    %and3A_1196 = arith.constant 128 : i32
    %and3A_1197 = vector.broadcast %and3A_1196 : i32 to vector<16x512xi32>
    %and3A_1198 = arith.andi %iota3A, %and3A_1197 : vector<16x512xi32>
    %ne3A_1199 = arith.constant 0 : i32
    %ne3A_1200 = vector.broadcast %ne3A_1199 : i32 to vector<16x512xi32>
    %ne3A_1201 = arith.cmpi ne, %and3A_1198, %ne3A_1200 : vector<16x512xi32>
    %and3A_1202 = arith.andi %ne3A_1201, %eq3A_1181 : vector<16x512xi1>
    %not3A_1203 = arith.constant dense<true> : vector<16x512xi1>
    %not3A_1204 = arith.xori %ne3A_1201, %not3A_1203 : vector<16x512xi1>
    %not3A_1205 = arith.constant dense<true> : vector<16x512xi1>
    %not3A_1206 = arith.xori %eq3A_1181, %not3A_1205 : vector<16x512xi1>
    %and3A_1207 = arith.andi %not3A_1204, %not3A_1206 : vector<16x512xi1>
    %or3A_1208 = arith.ori %and3A_1202, %and3A_1207 : vector<16x512xi1>
    %le3A_1209 = arith.cmpf ole, %select_n3A_1174, %select_n3A_1188 : vector<16x512xf32>
    %lt3A_1210 = arith.cmpf olt, %select_n3A_1174, %select_n3A_1188 : vector<16x512xf32>
    %and3A_1211 = arith.andi %eq3A_1181, %le3A_1209 : vector<16x512xi1>
    %not3A_1212 = arith.constant dense<true> : vector<16x512xi1>
    %not3A_1213 = arith.xori %eq3A_1181, %not3A_1212 : vector<16x512xi1>
    %and3A_1214 = arith.andi %not3A_1213, %lt3A_1210 : vector<16x512xi1>
    %or3A_1215 = arith.ori %and3A_1211, %and3A_1214 : vector<16x512xi1>
    %not3A_1216 = arith.constant dense<true> : vector<16x512xi1>
    %not3A_1217 = arith.xori %le3A_1209, %not3A_1216 : vector<16x512xi1>
    %and3A_1218 = arith.andi %eq3A_1181, %not3A_1217 : vector<16x512xi1>
    %not3A_1219 = arith.constant dense<true> : vector<16x512xi1>
    %not3A_1220 = arith.xori %eq3A_1181, %not3A_1219 : vector<16x512xi1>
    %not3A_1221 = arith.constant dense<true> : vector<16x512xi1>
    %not3A_1222 = arith.xori %lt3A_1210, %not3A_1221 : vector<16x512xi1>
    %and3A_1223 = arith.andi %not3A_1220, %not3A_1222 : vector<16x512xi1>
    %or3A_1224 = arith.ori %and3A_1218, %and3A_1223 : vector<16x512xi1>
    %and3A_1225 = arith.andi %or3A_1208, %or3A_1215 : vector<16x512xi1>
    %not3A_1226 = arith.constant dense<true> : vector<16x512xi1>
    %not3A_1227 = arith.xori %or3A_1208, %not3A_1226 : vector<16x512xi1>
    %and3A_1228 = arith.andi %not3A_1227, %or3A_1224 : vector<16x512xi1>
    %or3A_1229 = arith.ori %and3A_1225, %and3A_1228 : vector<16x512xi1>
    %select_n3A_1230 = arith.select %or3A_1229, %select_n3A_1174, %select_n3A_1188 : vector<16x512xi1>, vector<16x512xf32>
    %select_n3A_1231 = arith.select %or3A_1229, %select_n3A_1175, %select_n3A_1195 : vector<16x512xi1>, vector<16x512xi32>
    %and3A_1232 = arith.constant 32 : i32
    %and3A_1233 = vector.broadcast %and3A_1232 : i32 to vector<16x512xi32>
    %and3A_1234 = arith.andi %iota3A, %and3A_1233 : vector<16x512xi32>
    %eq3A_1235 = arith.constant 0 : i32
    %eq3A_1236 = vector.broadcast %eq3A_1235 : i32 to vector<16x512xi32>
    %eq3A_1237 = arith.cmpi eq, %and3A_1234, %eq3A_1236 : vector<16x512xi32>
    %slice3A_1238 = vector.extract_strided_slice %select_n3A_1230 {offsets = [0, 32], sizes = [16, 480], strides = [1, 1]} : vector<16x512xf32> to vector<16x480xf32>
    %slice3A_1239 = vector.extract_strided_slice %select_n3A_1230 {offsets = [0, 0], sizes = [16, 32], strides = [1, 1]} : vector<16x512xf32> to vector<16x32xf32>
    %concatenate3A_1240 = tpu.concatenate %slice3A_1238, %slice3A_1239 in 1 : vector<16x480xf32>, vector<16x32xf32> -> vector<16x512xf32>
    %slice3A_1241 = vector.extract_strided_slice %select_n3A_1230 {offsets = [0, 480], sizes = [16, 32], strides = [1, 1]} : vector<16x512xf32> to vector<16x32xf32>
    %slice3A_1242 = vector.extract_strided_slice %select_n3A_1230 {offsets = [0, 0], sizes = [16, 480], strides = [1, 1]} : vector<16x512xf32> to vector<16x480xf32>
    %concatenate3A_1243 = tpu.concatenate %slice3A_1241, %slice3A_1242 in 1 : vector<16x32xf32>, vector<16x480xf32> -> vector<16x512xf32>
    %select_n3A_1244 = arith.select %eq3A_1237, %concatenate3A_1240, %concatenate3A_1243 : vector<16x512xi1>, vector<16x512xf32>
    %slice3A_1245 = vector.extract_strided_slice %select_n3A_1231 {offsets = [0, 32], sizes = [16, 480], strides = [1, 1]} : vector<16x512xi32> to vector<16x480xi32>
    %slice3A_1246 = vector.extract_strided_slice %select_n3A_1231 {offsets = [0, 0], sizes = [16, 32], strides = [1, 1]} : vector<16x512xi32> to vector<16x32xi32>
    %concatenate3A_1247 = tpu.concatenate %slice3A_1245, %slice3A_1246 in 1 : vector<16x480xi32>, vector<16x32xi32> -> vector<16x512xi32>
    %slice3A_1248 = vector.extract_strided_slice %select_n3A_1231 {offsets = [0, 480], sizes = [16, 32], strides = [1, 1]} : vector<16x512xi32> to vector<16x32xi32>
    %slice3A_1249 = vector.extract_strided_slice %select_n3A_1231 {offsets = [0, 0], sizes = [16, 480], strides = [1, 1]} : vector<16x512xi32> to vector<16x480xi32>
    %concatenate3A_1250 = tpu.concatenate %slice3A_1248, %slice3A_1249 in 1 : vector<16x32xi32>, vector<16x480xi32> -> vector<16x512xi32>
    %select_n3A_1251 = arith.select %eq3A_1237, %concatenate3A_1247, %concatenate3A_1250 : vector<16x512xi1>, vector<16x512xi32>
    %and3A_1252 = arith.constant 128 : i32
    %and3A_1253 = vector.broadcast %and3A_1252 : i32 to vector<16x512xi32>
    %and3A_1254 = arith.andi %iota3A, %and3A_1253 : vector<16x512xi32>
    %ne3A_1255 = arith.constant 0 : i32
    %ne3A_1256 = vector.broadcast %ne3A_1255 : i32 to vector<16x512xi32>
    %ne3A_1257 = arith.cmpi ne, %and3A_1254, %ne3A_1256 : vector<16x512xi32>
    %and3A_1258 = arith.andi %ne3A_1257, %eq3A_1237 : vector<16x512xi1>
    %not3A_1259 = arith.constant dense<true> : vector<16x512xi1>
    %not3A_1260 = arith.xori %ne3A_1257, %not3A_1259 : vector<16x512xi1>
    %not3A_1261 = arith.constant dense<true> : vector<16x512xi1>
    %not3A_1262 = arith.xori %eq3A_1237, %not3A_1261 : vector<16x512xi1>
    %and3A_1263 = arith.andi %not3A_1260, %not3A_1262 : vector<16x512xi1>
    %or3A_1264 = arith.ori %and3A_1258, %and3A_1263 : vector<16x512xi1>
    %le3A_1265 = arith.cmpf ole, %select_n3A_1230, %select_n3A_1244 : vector<16x512xf32>
    %lt3A_1266 = arith.cmpf olt, %select_n3A_1230, %select_n3A_1244 : vector<16x512xf32>
    %and3A_1267 = arith.andi %eq3A_1237, %le3A_1265 : vector<16x512xi1>
    %not3A_1268 = arith.constant dense<true> : vector<16x512xi1>
    %not3A_1269 = arith.xori %eq3A_1237, %not3A_1268 : vector<16x512xi1>
    %and3A_1270 = arith.andi %not3A_1269, %lt3A_1266 : vector<16x512xi1>
    %or3A_1271 = arith.ori %and3A_1267, %and3A_1270 : vector<16x512xi1>
    %not3A_1272 = arith.constant dense<true> : vector<16x512xi1>
    %not3A_1273 = arith.xori %le3A_1265, %not3A_1272 : vector<16x512xi1>
    %and3A_1274 = arith.andi %eq3A_1237, %not3A_1273 : vector<16x512xi1>
    %not3A_1275 = arith.constant dense<true> : vector<16x512xi1>
    %not3A_1276 = arith.xori %eq3A_1237, %not3A_1275 : vector<16x512xi1>
    %not3A_1277 = arith.constant dense<true> : vector<16x512xi1>
    %not3A_1278 = arith.xori %lt3A_1266, %not3A_1277 : vector<16x512xi1>
    %and3A_1279 = arith.andi %not3A_1276, %not3A_1278 : vector<16x512xi1>
    %or3A_1280 = arith.ori %and3A_1274, %and3A_1279 : vector<16x512xi1>
    %and3A_1281 = arith.andi %or3A_1264, %or3A_1271 : vector<16x512xi1>
    %not3A_1282 = arith.constant dense<true> : vector<16x512xi1>
    %not3A_1283 = arith.xori %or3A_1264, %not3A_1282 : vector<16x512xi1>
    %and3A_1284 = arith.andi %not3A_1283, %or3A_1280 : vector<16x512xi1>
    %or3A_1285 = arith.ori %and3A_1281, %and3A_1284 : vector<16x512xi1>
    %select_n3A_1286 = arith.select %or3A_1285, %select_n3A_1230, %select_n3A_1244 : vector<16x512xi1>, vector<16x512xf32>
    %select_n3A_1287 = arith.select %or3A_1285, %select_n3A_1231, %select_n3A_1251 : vector<16x512xi1>, vector<16x512xi32>
    %and3A_1288 = arith.constant 16 : i32
    %and3A_1289 = vector.broadcast %and3A_1288 : i32 to vector<16x512xi32>
    %and3A_1290 = arith.andi %iota3A, %and3A_1289 : vector<16x512xi32>
    %eq3A_1291 = arith.constant 0 : i32
    %eq3A_1292 = vector.broadcast %eq3A_1291 : i32 to vector<16x512xi32>
    %eq3A_1293 = arith.cmpi eq, %and3A_1290, %eq3A_1292 : vector<16x512xi32>
    %slice3A_1294 = vector.extract_strided_slice %select_n3A_1286 {offsets = [0, 16], sizes = [16, 496], strides = [1, 1]} : vector<16x512xf32> to vector<16x496xf32>
    %slice3A_1295 = vector.extract_strided_slice %select_n3A_1286 {offsets = [0, 0], sizes = [16, 16], strides = [1, 1]} : vector<16x512xf32> to vector<16x16xf32>
    %concatenate3A_1296 = tpu.concatenate %slice3A_1294, %slice3A_1295 in 1 : vector<16x496xf32>, vector<16x16xf32> -> vector<16x512xf32>
    %slice3A_1297 = vector.extract_strided_slice %select_n3A_1286 {offsets = [0, 496], sizes = [16, 16], strides = [1, 1]} : vector<16x512xf32> to vector<16x16xf32>
    %slice3A_1298 = vector.extract_strided_slice %select_n3A_1286 {offsets = [0, 0], sizes = [16, 496], strides = [1, 1]} : vector<16x512xf32> to vector<16x496xf32>
    %concatenate3A_1299 = tpu.concatenate %slice3A_1297, %slice3A_1298 in 1 : vector<16x16xf32>, vector<16x496xf32> -> vector<16x512xf32>
    %select_n3A_1300 = arith.select %eq3A_1293, %concatenate3A_1296, %concatenate3A_1299 : vector<16x512xi1>, vector<16x512xf32>
    %slice3A_1301 = vector.extract_strided_slice %select_n3A_1287 {offsets = [0, 16], sizes = [16, 496], strides = [1, 1]} : vector<16x512xi32> to vector<16x496xi32>
    %slice3A_1302 = vector.extract_strided_slice %select_n3A_1287 {offsets = [0, 0], sizes = [16, 16], strides = [1, 1]} : vector<16x512xi32> to vector<16x16xi32>
    %concatenate3A_1303 = tpu.concatenate %slice3A_1301, %slice3A_1302 in 1 : vector<16x496xi32>, vector<16x16xi32> -> vector<16x512xi32>
    %slice3A_1304 = vector.extract_strided_slice %select_n3A_1287 {offsets = [0, 496], sizes = [16, 16], strides = [1, 1]} : vector<16x512xi32> to vector<16x16xi32>
    %slice3A_1305 = vector.extract_strided_slice %select_n3A_1287 {offsets = [0, 0], sizes = [16, 496], strides = [1, 1]} : vector<16x512xi32> to vector<16x496xi32>
    %concatenate3A_1306 = tpu.concatenate %slice3A_1304, %slice3A_1305 in 1 : vector<16x16xi32>, vector<16x496xi32> -> vector<16x512xi32>
    %select_n3A_1307 = arith.select %eq3A_1293, %concatenate3A_1303, %concatenate3A_1306 : vector<16x512xi1>, vector<16x512xi32>
    %and3A_1308 = arith.constant 128 : i32
    %and3A_1309 = vector.broadcast %and3A_1308 : i32 to vector<16x512xi32>
    %and3A_1310 = arith.andi %iota3A, %and3A_1309 : vector<16x512xi32>
    %ne3A_1311 = arith.constant 0 : i32
    %ne3A_1312 = vector.broadcast %ne3A_1311 : i32 to vector<16x512xi32>
    %ne3A_1313 = arith.cmpi ne, %and3A_1310, %ne3A_1312 : vector<16x512xi32>
    %and3A_1314 = arith.andi %ne3A_1313, %eq3A_1293 : vector<16x512xi1>
    %not3A_1315 = arith.constant dense<true> : vector<16x512xi1>
    %not3A_1316 = arith.xori %ne3A_1313, %not3A_1315 : vector<16x512xi1>
    %not3A_1317 = arith.constant dense<true> : vector<16x512xi1>
    %not3A_1318 = arith.xori %eq3A_1293, %not3A_1317 : vector<16x512xi1>
    %and3A_1319 = arith.andi %not3A_1316, %not3A_1318 : vector<16x512xi1>
    %or3A_1320 = arith.ori %and3A_1314, %and3A_1319 : vector<16x512xi1>
    %le3A_1321 = arith.cmpf ole, %select_n3A_1286, %select_n3A_1300 : vector<16x512xf32>
    %lt3A_1322 = arith.cmpf olt, %select_n3A_1286, %select_n3A_1300 : vector<16x512xf32>
    %and3A_1323 = arith.andi %eq3A_1293, %le3A_1321 : vector<16x512xi1>
    %not3A_1324 = arith.constant dense<true> : vector<16x512xi1>
    %not3A_1325 = arith.xori %eq3A_1293, %not3A_1324 : vector<16x512xi1>
    %and3A_1326 = arith.andi %not3A_1325, %lt3A_1322 : vector<16x512xi1>
    %or3A_1327 = arith.ori %and3A_1323, %and3A_1326 : vector<16x512xi1>
    %not3A_1328 = arith.constant dense<true> : vector<16x512xi1>
    %not3A_1329 = arith.xori %le3A_1321, %not3A_1328 : vector<16x512xi1>
    %and3A_1330 = arith.andi %eq3A_1293, %not3A_1329 : vector<16x512xi1>
    %not3A_1331 = arith.constant dense<true> : vector<16x512xi1>
    %not3A_1332 = arith.xori %eq3A_1293, %not3A_1331 : vector<16x512xi1>
    %not3A_1333 = arith.constant dense<true> : vector<16x512xi1>
    %not3A_1334 = arith.xori %lt3A_1322, %not3A_1333 : vector<16x512xi1>
    %and3A_1335 = arith.andi %not3A_1332, %not3A_1334 : vector<16x512xi1>
    %or3A_1336 = arith.ori %and3A_1330, %and3A_1335 : vector<16x512xi1>
    %and3A_1337 = arith.andi %or3A_1320, %or3A_1327 : vector<16x512xi1>
    %not3A_1338 = arith.constant dense<true> : vector<16x512xi1>
    %not3A_1339 = arith.xori %or3A_1320, %not3A_1338 : vector<16x512xi1>
    %and3A_1340 = arith.andi %not3A_1339, %or3A_1336 : vector<16x512xi1>
    %or3A_1341 = arith.ori %and3A_1337, %and3A_1340 : vector<16x512xi1>
    %select_n3A_1342 = arith.select %or3A_1341, %select_n3A_1286, %select_n3A_1300 : vector<16x512xi1>, vector<16x512xf32>
    %select_n3A_1343 = arith.select %or3A_1341, %select_n3A_1287, %select_n3A_1307 : vector<16x512xi1>, vector<16x512xi32>
    %and3A_1344 = arith.constant 8 : i32
    %and3A_1345 = vector.broadcast %and3A_1344 : i32 to vector<16x512xi32>
    %and3A_1346 = arith.andi %iota3A, %and3A_1345 : vector<16x512xi32>
    %eq3A_1347 = arith.constant 0 : i32
    %eq3A_1348 = vector.broadcast %eq3A_1347 : i32 to vector<16x512xi32>
    %eq3A_1349 = arith.cmpi eq, %and3A_1346, %eq3A_1348 : vector<16x512xi32>
    %slice3A_1350 = vector.extract_strided_slice %select_n3A_1342 {offsets = [0, 8], sizes = [16, 504], strides = [1, 1]} : vector<16x512xf32> to vector<16x504xf32>
    %slice3A_1351 = vector.extract_strided_slice %select_n3A_1342 {offsets = [0, 0], sizes = [16, 8], strides = [1, 1]} : vector<16x512xf32> to vector<16x8xf32>
    %concatenate3A_1352 = tpu.concatenate %slice3A_1350, %slice3A_1351 in 1 : vector<16x504xf32>, vector<16x8xf32> -> vector<16x512xf32>
    %slice3A_1353 = vector.extract_strided_slice %select_n3A_1342 {offsets = [0, 504], sizes = [16, 8], strides = [1, 1]} : vector<16x512xf32> to vector<16x8xf32>
    %slice3A_1354 = vector.extract_strided_slice %select_n3A_1342 {offsets = [0, 0], sizes = [16, 504], strides = [1, 1]} : vector<16x512xf32> to vector<16x504xf32>
    %concatenate3A_1355 = tpu.concatenate %slice3A_1353, %slice3A_1354 in 1 : vector<16x8xf32>, vector<16x504xf32> -> vector<16x512xf32>
    %select_n3A_1356 = arith.select %eq3A_1349, %concatenate3A_1352, %concatenate3A_1355 : vector<16x512xi1>, vector<16x512xf32>
    %slice3A_1357 = vector.extract_strided_slice %select_n3A_1343 {offsets = [0, 8], sizes = [16, 504], strides = [1, 1]} : vector<16x512xi32> to vector<16x504xi32>
    %slice3A_1358 = vector.extract_strided_slice %select_n3A_1343 {offsets = [0, 0], sizes = [16, 8], strides = [1, 1]} : vector<16x512xi32> to vector<16x8xi32>
    %concatenate3A_1359 = tpu.concatenate %slice3A_1357, %slice3A_1358 in 1 : vector<16x504xi32>, vector<16x8xi32> -> vector<16x512xi32>
    %slice3A_1360 = vector.extract_strided_slice %select_n3A_1343 {offsets = [0, 504], sizes = [16, 8], strides = [1, 1]} : vector<16x512xi32> to vector<16x8xi32>
    %slice3A_1361 = vector.extract_strided_slice %select_n3A_1343 {offsets = [0, 0], sizes = [16, 504], strides = [1, 1]} : vector<16x512xi32> to vector<16x504xi32>
    %concatenate3A_1362 = tpu.concatenate %slice3A_1360, %slice3A_1361 in 1 : vector<16x8xi32>, vector<16x504xi32> -> vector<16x512xi32>
    %select_n3A_1363 = arith.select %eq3A_1349, %concatenate3A_1359, %concatenate3A_1362 : vector<16x512xi1>, vector<16x512xi32>
    %and3A_1364 = arith.constant 128 : i32
    %and3A_1365 = vector.broadcast %and3A_1364 : i32 to vector<16x512xi32>
    %and3A_1366 = arith.andi %iota3A, %and3A_1365 : vector<16x512xi32>
    %ne3A_1367 = arith.constant 0 : i32
    %ne3A_1368 = vector.broadcast %ne3A_1367 : i32 to vector<16x512xi32>
    %ne3A_1369 = arith.cmpi ne, %and3A_1366, %ne3A_1368 : vector<16x512xi32>
    %and3A_1370 = arith.andi %ne3A_1369, %eq3A_1349 : vector<16x512xi1>
    %not3A_1371 = arith.constant dense<true> : vector<16x512xi1>
    %not3A_1372 = arith.xori %ne3A_1369, %not3A_1371 : vector<16x512xi1>
    %not3A_1373 = arith.constant dense<true> : vector<16x512xi1>
    %not3A_1374 = arith.xori %eq3A_1349, %not3A_1373 : vector<16x512xi1>
    %and3A_1375 = arith.andi %not3A_1372, %not3A_1374 : vector<16x512xi1>
    %or3A_1376 = arith.ori %and3A_1370, %and3A_1375 : vector<16x512xi1>
    %le3A_1377 = arith.cmpf ole, %select_n3A_1342, %select_n3A_1356 : vector<16x512xf32>
    %lt3A_1378 = arith.cmpf olt, %select_n3A_1342, %select_n3A_1356 : vector<16x512xf32>
    %and3A_1379 = arith.andi %eq3A_1349, %le3A_1377 : vector<16x512xi1>
    %not3A_1380 = arith.constant dense<true> : vector<16x512xi1>
    %not3A_1381 = arith.xori %eq3A_1349, %not3A_1380 : vector<16x512xi1>
    %and3A_1382 = arith.andi %not3A_1381, %lt3A_1378 : vector<16x512xi1>
    %or3A_1383 = arith.ori %and3A_1379, %and3A_1382 : vector<16x512xi1>
    %not3A_1384 = arith.constant dense<true> : vector<16x512xi1>
    %not3A_1385 = arith.xori %le3A_1377, %not3A_1384 : vector<16x512xi1>
    %and3A_1386 = arith.andi %eq3A_1349, %not3A_1385 : vector<16x512xi1>
    %not3A_1387 = arith.constant dense<true> : vector<16x512xi1>
    %not3A_1388 = arith.xori %eq3A_1349, %not3A_1387 : vector<16x512xi1>
    %not3A_1389 = arith.constant dense<true> : vector<16x512xi1>
    %not3A_1390 = arith.xori %lt3A_1378, %not3A_1389 : vector<16x512xi1>
    %and3A_1391 = arith.andi %not3A_1388, %not3A_1390 : vector<16x512xi1>
    %or3A_1392 = arith.ori %and3A_1386, %and3A_1391 : vector<16x512xi1>
    %and3A_1393 = arith.andi %or3A_1376, %or3A_1383 : vector<16x512xi1>
    %not3A_1394 = arith.constant dense<true> : vector<16x512xi1>
    %not3A_1395 = arith.xori %or3A_1376, %not3A_1394 : vector<16x512xi1>
    %and3A_1396 = arith.andi %not3A_1395, %or3A_1392 : vector<16x512xi1>
    %or3A_1397 = arith.ori %and3A_1393, %and3A_1396 : vector<16x512xi1>
    %select_n3A_1398 = arith.select %or3A_1397, %select_n3A_1342, %select_n3A_1356 : vector<16x512xi1>, vector<16x512xf32>
    %select_n3A_1399 = arith.select %or3A_1397, %select_n3A_1343, %select_n3A_1363 : vector<16x512xi1>, vector<16x512xi32>
    %and3A_1400 = arith.constant 4 : i32
    %and3A_1401 = vector.broadcast %and3A_1400 : i32 to vector<16x512xi32>
    %and3A_1402 = arith.andi %iota3A, %and3A_1401 : vector<16x512xi32>
    %eq3A_1403 = arith.constant 0 : i32
    %eq3A_1404 = vector.broadcast %eq3A_1403 : i32 to vector<16x512xi32>
    %eq3A_1405 = arith.cmpi eq, %and3A_1402, %eq3A_1404 : vector<16x512xi32>
    %slice3A_1406 = vector.extract_strided_slice %select_n3A_1398 {offsets = [0, 4], sizes = [16, 508], strides = [1, 1]} : vector<16x512xf32> to vector<16x508xf32>
    %slice3A_1407 = vector.extract_strided_slice %select_n3A_1398 {offsets = [0, 0], sizes = [16, 4], strides = [1, 1]} : vector<16x512xf32> to vector<16x4xf32>
    %concatenate3A_1408 = tpu.concatenate %slice3A_1406, %slice3A_1407 in 1 : vector<16x508xf32>, vector<16x4xf32> -> vector<16x512xf32>
    %slice3A_1409 = vector.extract_strided_slice %select_n3A_1398 {offsets = [0, 508], sizes = [16, 4], strides = [1, 1]} : vector<16x512xf32> to vector<16x4xf32>
    %slice3A_1410 = vector.extract_strided_slice %select_n3A_1398 {offsets = [0, 0], sizes = [16, 508], strides = [1, 1]} : vector<16x512xf32> to vector<16x508xf32>
    %concatenate3A_1411 = tpu.concatenate %slice3A_1409, %slice3A_1410 in 1 : vector<16x4xf32>, vector<16x508xf32> -> vector<16x512xf32>
    %select_n3A_1412 = arith.select %eq3A_1405, %concatenate3A_1408, %concatenate3A_1411 : vector<16x512xi1>, vector<16x512xf32>
    %slice3A_1413 = vector.extract_strided_slice %select_n3A_1399 {offsets = [0, 4], sizes = [16, 508], strides = [1, 1]} : vector<16x512xi32> to vector<16x508xi32>
    %slice3A_1414 = vector.extract_strided_slice %select_n3A_1399 {offsets = [0, 0], sizes = [16, 4], strides = [1, 1]} : vector<16x512xi32> to vector<16x4xi32>
    %concatenate3A_1415 = tpu.concatenate %slice3A_1413, %slice3A_1414 in 1 : vector<16x508xi32>, vector<16x4xi32> -> vector<16x512xi32>
    %slice3A_1416 = vector.extract_strided_slice %select_n3A_1399 {offsets = [0, 508], sizes = [16, 4], strides = [1, 1]} : vector<16x512xi32> to vector<16x4xi32>
    %slice3A_1417 = vector.extract_strided_slice %select_n3A_1399 {offsets = [0, 0], sizes = [16, 508], strides = [1, 1]} : vector<16x512xi32> to vector<16x508xi32>
    %concatenate3A_1418 = tpu.concatenate %slice3A_1416, %slice3A_1417 in 1 : vector<16x4xi32>, vector<16x508xi32> -> vector<16x512xi32>
    %select_n3A_1419 = arith.select %eq3A_1405, %concatenate3A_1415, %concatenate3A_1418 : vector<16x512xi1>, vector<16x512xi32>
    %and3A_1420 = arith.constant 128 : i32
    %and3A_1421 = vector.broadcast %and3A_1420 : i32 to vector<16x512xi32>
    %and3A_1422 = arith.andi %iota3A, %and3A_1421 : vector<16x512xi32>
    %ne3A_1423 = arith.constant 0 : i32
    %ne3A_1424 = vector.broadcast %ne3A_1423 : i32 to vector<16x512xi32>
    %ne3A_1425 = arith.cmpi ne, %and3A_1422, %ne3A_1424 : vector<16x512xi32>
    %and3A_1426 = arith.andi %ne3A_1425, %eq3A_1405 : vector<16x512xi1>
    %not3A_1427 = arith.constant dense<true> : vector<16x512xi1>
    %not3A_1428 = arith.xori %ne3A_1425, %not3A_1427 : vector<16x512xi1>
    %not3A_1429 = arith.constant dense<true> : vector<16x512xi1>
    %not3A_1430 = arith.xori %eq3A_1405, %not3A_1429 : vector<16x512xi1>
    %and3A_1431 = arith.andi %not3A_1428, %not3A_1430 : vector<16x512xi1>
    %or3A_1432 = arith.ori %and3A_1426, %and3A_1431 : vector<16x512xi1>
    %le3A_1433 = arith.cmpf ole, %select_n3A_1398, %select_n3A_1412 : vector<16x512xf32>
    %lt3A_1434 = arith.cmpf olt, %select_n3A_1398, %select_n3A_1412 : vector<16x512xf32>
    %and3A_1435 = arith.andi %eq3A_1405, %le3A_1433 : vector<16x512xi1>
    %not3A_1436 = arith.constant dense<true> : vector<16x512xi1>
    %not3A_1437 = arith.xori %eq3A_1405, %not3A_1436 : vector<16x512xi1>
    %and3A_1438 = arith.andi %not3A_1437, %lt3A_1434 : vector<16x512xi1>
    %or3A_1439 = arith.ori %and3A_1435, %and3A_1438 : vector<16x512xi1>
    %not3A_1440 = arith.constant dense<true> : vector<16x512xi1>
    %not3A_1441 = arith.xori %le3A_1433, %not3A_1440 : vector<16x512xi1>
    %and3A_1442 = arith.andi %eq3A_1405, %not3A_1441 : vector<16x512xi1>
    %not3A_1443 = arith.constant dense<true> : vector<16x512xi1>
    %not3A_1444 = arith.xori %eq3A_1405, %not3A_1443 : vector<16x512xi1>
    %not3A_1445 = arith.constant dense<true> : vector<16x512xi1>
    %not3A_1446 = arith.xori %lt3A_1434, %not3A_1445 : vector<16x512xi1>
    %and3A_1447 = arith.andi %not3A_1444, %not3A_1446 : vector<16x512xi1>
    %or3A_1448 = arith.ori %and3A_1442, %and3A_1447 : vector<16x512xi1>
    %and3A_1449 = arith.andi %or3A_1432, %or3A_1439 : vector<16x512xi1>
    %not3A_1450 = arith.constant dense<true> : vector<16x512xi1>
    %not3A_1451 = arith.xori %or3A_1432, %not3A_1450 : vector<16x512xi1>
    %and3A_1452 = arith.andi %not3A_1451, %or3A_1448 : vector<16x512xi1>
    %or3A_1453 = arith.ori %and3A_1449, %and3A_1452 : vector<16x512xi1>
    %select_n3A_1454 = arith.select %or3A_1453, %select_n3A_1398, %select_n3A_1412 : vector<16x512xi1>, vector<16x512xf32>
    %select_n3A_1455 = arith.select %or3A_1453, %select_n3A_1399, %select_n3A_1419 : vector<16x512xi1>, vector<16x512xi32>
    %and3A_1456 = arith.constant 2 : i32
    %and3A_1457 = vector.broadcast %and3A_1456 : i32 to vector<16x512xi32>
    %and3A_1458 = arith.andi %iota3A, %and3A_1457 : vector<16x512xi32>
    %eq3A_1459 = arith.constant 0 : i32
    %eq3A_1460 = vector.broadcast %eq3A_1459 : i32 to vector<16x512xi32>
    %eq3A_1461 = arith.cmpi eq, %and3A_1458, %eq3A_1460 : vector<16x512xi32>
    %slice3A_1462 = vector.extract_strided_slice %select_n3A_1454 {offsets = [0, 2], sizes = [16, 510], strides = [1, 1]} : vector<16x512xf32> to vector<16x510xf32>
    %slice3A_1463 = vector.extract_strided_slice %select_n3A_1454 {offsets = [0, 0], sizes = [16, 2], strides = [1, 1]} : vector<16x512xf32> to vector<16x2xf32>
    %concatenate3A_1464 = tpu.concatenate %slice3A_1462, %slice3A_1463 in 1 : vector<16x510xf32>, vector<16x2xf32> -> vector<16x512xf32>
    %slice3A_1465 = vector.extract_strided_slice %select_n3A_1454 {offsets = [0, 510], sizes = [16, 2], strides = [1, 1]} : vector<16x512xf32> to vector<16x2xf32>
    %slice3A_1466 = vector.extract_strided_slice %select_n3A_1454 {offsets = [0, 0], sizes = [16, 510], strides = [1, 1]} : vector<16x512xf32> to vector<16x510xf32>
    %concatenate3A_1467 = tpu.concatenate %slice3A_1465, %slice3A_1466 in 1 : vector<16x2xf32>, vector<16x510xf32> -> vector<16x512xf32>
    %select_n3A_1468 = arith.select %eq3A_1461, %concatenate3A_1464, %concatenate3A_1467 : vector<16x512xi1>, vector<16x512xf32>
    %slice3A_1469 = vector.extract_strided_slice %select_n3A_1455 {offsets = [0, 2], sizes = [16, 510], strides = [1, 1]} : vector<16x512xi32> to vector<16x510xi32>
    %slice3A_1470 = vector.extract_strided_slice %select_n3A_1455 {offsets = [0, 0], sizes = [16, 2], strides = [1, 1]} : vector<16x512xi32> to vector<16x2xi32>
    %concatenate3A_1471 = tpu.concatenate %slice3A_1469, %slice3A_1470 in 1 : vector<16x510xi32>, vector<16x2xi32> -> vector<16x512xi32>
    %slice3A_1472 = vector.extract_strided_slice %select_n3A_1455 {offsets = [0, 510], sizes = [16, 2], strides = [1, 1]} : vector<16x512xi32> to vector<16x2xi32>
    %slice3A_1473 = vector.extract_strided_slice %select_n3A_1455 {offsets = [0, 0], sizes = [16, 510], strides = [1, 1]} : vector<16x512xi32> to vector<16x510xi32>
    %concatenate3A_1474 = tpu.concatenate %slice3A_1472, %slice3A_1473 in 1 : vector<16x2xi32>, vector<16x510xi32> -> vector<16x512xi32>
    %select_n3A_1475 = arith.select %eq3A_1461, %concatenate3A_1471, %concatenate3A_1474 : vector<16x512xi1>, vector<16x512xi32>
    %and3A_1476 = arith.constant 128 : i32
    %and3A_1477 = vector.broadcast %and3A_1476 : i32 to vector<16x512xi32>
    %and3A_1478 = arith.andi %iota3A, %and3A_1477 : vector<16x512xi32>
    %ne3A_1479 = arith.constant 0 : i32
    %ne3A_1480 = vector.broadcast %ne3A_1479 : i32 to vector<16x512xi32>
    %ne3A_1481 = arith.cmpi ne, %and3A_1478, %ne3A_1480 : vector<16x512xi32>
    %and3A_1482 = arith.andi %ne3A_1481, %eq3A_1461 : vector<16x512xi1>
    %not3A_1483 = arith.constant dense<true> : vector<16x512xi1>
    %not3A_1484 = arith.xori %ne3A_1481, %not3A_1483 : vector<16x512xi1>
    %not3A_1485 = arith.constant dense<true> : vector<16x512xi1>
    %not3A_1486 = arith.xori %eq3A_1461, %not3A_1485 : vector<16x512xi1>
    %and3A_1487 = arith.andi %not3A_1484, %not3A_1486 : vector<16x512xi1>
    %or3A_1488 = arith.ori %and3A_1482, %and3A_1487 : vector<16x512xi1>
    %le3A_1489 = arith.cmpf ole, %select_n3A_1454, %select_n3A_1468 : vector<16x512xf32>
    %lt3A_1490 = arith.cmpf olt, %select_n3A_1454, %select_n3A_1468 : vector<16x512xf32>
    %and3A_1491 = arith.andi %eq3A_1461, %le3A_1489 : vector<16x512xi1>
    %not3A_1492 = arith.constant dense<true> : vector<16x512xi1>
    %not3A_1493 = arith.xori %eq3A_1461, %not3A_1492 : vector<16x512xi1>
    %and3A_1494 = arith.andi %not3A_1493, %lt3A_1490 : vector<16x512xi1>
    %or3A_1495 = arith.ori %and3A_1491, %and3A_1494 : vector<16x512xi1>
    %not3A_1496 = arith.constant dense<true> : vector<16x512xi1>
    %not3A_1497 = arith.xori %le3A_1489, %not3A_1496 : vector<16x512xi1>
    %and3A_1498 = arith.andi %eq3A_1461, %not3A_1497 : vector<16x512xi1>
    %not3A_1499 = arith.constant dense<true> : vector<16x512xi1>
    %not3A_1500 = arith.xori %eq3A_1461, %not3A_1499 : vector<16x512xi1>
    %not3A_1501 = arith.constant dense<true> : vector<16x512xi1>
    %not3A_1502 = arith.xori %lt3A_1490, %not3A_1501 : vector<16x512xi1>
    %and3A_1503 = arith.andi %not3A_1500, %not3A_1502 : vector<16x512xi1>
    %or3A_1504 = arith.ori %and3A_1498, %and3A_1503 : vector<16x512xi1>
    %and3A_1505 = arith.andi %or3A_1488, %or3A_1495 : vector<16x512xi1>
    %not3A_1506 = arith.constant dense<true> : vector<16x512xi1>
    %not3A_1507 = arith.xori %or3A_1488, %not3A_1506 : vector<16x512xi1>
    %and3A_1508 = arith.andi %not3A_1507, %or3A_1504 : vector<16x512xi1>
    %or3A_1509 = arith.ori %and3A_1505, %and3A_1508 : vector<16x512xi1>
    %select_n3A_1510 = arith.select %or3A_1509, %select_n3A_1454, %select_n3A_1468 : vector<16x512xi1>, vector<16x512xf32>
    %select_n3A_1511 = arith.select %or3A_1509, %select_n3A_1455, %select_n3A_1475 : vector<16x512xi1>, vector<16x512xi32>
    %and3A_1512 = arith.constant 1 : i32
    %and3A_1513 = vector.broadcast %and3A_1512 : i32 to vector<16x512xi32>
    %and3A_1514 = arith.andi %iota3A, %and3A_1513 : vector<16x512xi32>
    %eq3A_1515 = arith.constant 0 : i32
    %eq3A_1516 = vector.broadcast %eq3A_1515 : i32 to vector<16x512xi32>
    %eq3A_1517 = arith.cmpi eq, %and3A_1514, %eq3A_1516 : vector<16x512xi32>
    %slice3A_1518 = vector.extract_strided_slice %select_n3A_1510 {offsets = [0, 1], sizes = [16, 511], strides = [1, 1]} : vector<16x512xf32> to vector<16x511xf32>
    %slice3A_1519 = vector.extract_strided_slice %select_n3A_1510 {offsets = [0, 0], sizes = [16, 1], strides = [1, 1]} : vector<16x512xf32> to vector<16x1xf32>
    %concatenate3A_1520 = tpu.concatenate %slice3A_1518, %slice3A_1519 in 1 : vector<16x511xf32>, vector<16x1xf32> -> vector<16x512xf32>
    %slice3A_1521 = vector.extract_strided_slice %select_n3A_1510 {offsets = [0, 511], sizes = [16, 1], strides = [1, 1]} : vector<16x512xf32> to vector<16x1xf32>
    %slice3A_1522 = vector.extract_strided_slice %select_n3A_1510 {offsets = [0, 0], sizes = [16, 511], strides = [1, 1]} : vector<16x512xf32> to vector<16x511xf32>
    %concatenate3A_1523 = tpu.concatenate %slice3A_1521, %slice3A_1522 in 1 : vector<16x1xf32>, vector<16x511xf32> -> vector<16x512xf32>
    %select_n3A_1524 = arith.select %eq3A_1517, %concatenate3A_1520, %concatenate3A_1523 : vector<16x512xi1>, vector<16x512xf32>
    %slice3A_1525 = vector.extract_strided_slice %select_n3A_1511 {offsets = [0, 1], sizes = [16, 511], strides = [1, 1]} : vector<16x512xi32> to vector<16x511xi32>
    %slice3A_1526 = vector.extract_strided_slice %select_n3A_1511 {offsets = [0, 0], sizes = [16, 1], strides = [1, 1]} : vector<16x512xi32> to vector<16x1xi32>
    %concatenate3A_1527 = tpu.concatenate %slice3A_1525, %slice3A_1526 in 1 : vector<16x511xi32>, vector<16x1xi32> -> vector<16x512xi32>
    %slice3A_1528 = vector.extract_strided_slice %select_n3A_1511 {offsets = [0, 511], sizes = [16, 1], strides = [1, 1]} : vector<16x512xi32> to vector<16x1xi32>
    %slice3A_1529 = vector.extract_strided_slice %select_n3A_1511 {offsets = [0, 0], sizes = [16, 511], strides = [1, 1]} : vector<16x512xi32> to vector<16x511xi32>
    %concatenate3A_1530 = tpu.concatenate %slice3A_1528, %slice3A_1529 in 1 : vector<16x1xi32>, vector<16x511xi32> -> vector<16x512xi32>
    %select_n3A_1531 = arith.select %eq3A_1517, %concatenate3A_1527, %concatenate3A_1530 : vector<16x512xi1>, vector<16x512xi32>
    %and3A_1532 = arith.constant 128 : i32
    %and3A_1533 = vector.broadcast %and3A_1532 : i32 to vector<16x512xi32>
    %and3A_1534 = arith.andi %iota3A, %and3A_1533 : vector<16x512xi32>
    %ne3A_1535 = arith.constant 0 : i32
    %ne3A_1536 = vector.broadcast %ne3A_1535 : i32 to vector<16x512xi32>
    %ne3A_1537 = arith.cmpi ne, %and3A_1534, %ne3A_1536 : vector<16x512xi32>
    %and3A_1538 = arith.andi %ne3A_1537, %eq3A_1517 : vector<16x512xi1>
    %not3A_1539 = arith.constant dense<true> : vector<16x512xi1>
    %not3A_1540 = arith.xori %ne3A_1537, %not3A_1539 : vector<16x512xi1>
    %not3A_1541 = arith.constant dense<true> : vector<16x512xi1>
    %not3A_1542 = arith.xori %eq3A_1517, %not3A_1541 : vector<16x512xi1>
    %and3A_1543 = arith.andi %not3A_1540, %not3A_1542 : vector<16x512xi1>
    %or3A_1544 = arith.ori %and3A_1538, %and3A_1543 : vector<16x512xi1>
    %le3A_1545 = arith.cmpf ole, %select_n3A_1510, %select_n3A_1524 : vector<16x512xf32>
    %lt3A_1546 = arith.cmpf olt, %select_n3A_1510, %select_n3A_1524 : vector<16x512xf32>
    %and3A_1547 = arith.andi %eq3A_1517, %le3A_1545 : vector<16x512xi1>
    %not3A_1548 = arith.constant dense<true> : vector<16x512xi1>
    %not3A_1549 = arith.xori %eq3A_1517, %not3A_1548 : vector<16x512xi1>
    %and3A_1550 = arith.andi %not3A_1549, %lt3A_1546 : vector<16x512xi1>
    %or3A_1551 = arith.ori %and3A_1547, %and3A_1550 : vector<16x512xi1>
    %not3A_1552 = arith.constant dense<true> : vector<16x512xi1>
    %not3A_1553 = arith.xori %le3A_1545, %not3A_1552 : vector<16x512xi1>
    %and3A_1554 = arith.andi %eq3A_1517, %not3A_1553 : vector<16x512xi1>
    %not3A_1555 = arith.constant dense<true> : vector<16x512xi1>
    %not3A_1556 = arith.xori %eq3A_1517, %not3A_1555 : vector<16x512xi1>
    %not3A_1557 = arith.constant dense<true> : vector<16x512xi1>
    %not3A_1558 = arith.xori %lt3A_1546, %not3A_1557 : vector<16x512xi1>
    %and3A_1559 = arith.andi %not3A_1556, %not3A_1558 : vector<16x512xi1>
    %or3A_1560 = arith.ori %and3A_1554, %and3A_1559 : vector<16x512xi1>
    %and3A_1561 = arith.andi %or3A_1544, %or3A_1551 : vector<16x512xi1>
    %not3A_1562 = arith.constant dense<true> : vector<16x512xi1>
    %not3A_1563 = arith.xori %or3A_1544, %not3A_1562 : vector<16x512xi1>
    %and3A_1564 = arith.andi %not3A_1563, %or3A_1560 : vector<16x512xi1>
    %or3A_1565 = arith.ori %and3A_1561, %and3A_1564 : vector<16x512xi1>
    %select_n3A_1566 = arith.select %or3A_1565, %select_n3A_1510, %select_n3A_1524 : vector<16x512xi1>, vector<16x512xf32>
    %select_n3A_1567 = arith.select %or3A_1565, %select_n3A_1511, %select_n3A_1531 : vector<16x512xi1>, vector<16x512xi32>
    %and3A_1568 = arith.constant 128 : i32
    %and3A_1569 = vector.broadcast %and3A_1568 : i32 to vector<16x512xi32>
    %and3A_1570 = arith.andi %iota3A, %and3A_1569 : vector<16x512xi32>
    %eq3A_1571 = arith.constant 0 : i32
    %eq3A_1572 = vector.broadcast %eq3A_1571 : i32 to vector<16x512xi32>
    %eq3A_1573 = arith.cmpi eq, %and3A_1570, %eq3A_1572 : vector<16x512xi32>
    %slice3A_1574 = vector.extract_strided_slice %select_n3A_1566 {offsets = [0, 128], sizes = [16, 384], strides = [1, 1]} : vector<16x512xf32> to vector<16x384xf32>
    %slice3A_1575 = vector.extract_strided_slice %select_n3A_1566 {offsets = [0, 0], sizes = [16, 128], strides = [1, 1]} : vector<16x512xf32> to vector<16x128xf32>
    %concatenate3A_1576 = tpu.concatenate %slice3A_1574, %slice3A_1575 in 1 : vector<16x384xf32>, vector<16x128xf32> -> vector<16x512xf32>
    %slice3A_1577 = vector.extract_strided_slice %select_n3A_1566 {offsets = [0, 384], sizes = [16, 128], strides = [1, 1]} : vector<16x512xf32> to vector<16x128xf32>
    %slice3A_1578 = vector.extract_strided_slice %select_n3A_1566 {offsets = [0, 0], sizes = [16, 384], strides = [1, 1]} : vector<16x512xf32> to vector<16x384xf32>
    %concatenate3A_1579 = tpu.concatenate %slice3A_1577, %slice3A_1578 in 1 : vector<16x128xf32>, vector<16x384xf32> -> vector<16x512xf32>
    %select_n3A_1580 = arith.select %eq3A_1573, %concatenate3A_1576, %concatenate3A_1579 : vector<16x512xi1>, vector<16x512xf32>
    %slice3A_1581 = vector.extract_strided_slice %select_n3A_1567 {offsets = [0, 128], sizes = [16, 384], strides = [1, 1]} : vector<16x512xi32> to vector<16x384xi32>
    %slice3A_1582 = vector.extract_strided_slice %select_n3A_1567 {offsets = [0, 0], sizes = [16, 128], strides = [1, 1]} : vector<16x512xi32> to vector<16x128xi32>
    %concatenate3A_1583 = tpu.concatenate %slice3A_1581, %slice3A_1582 in 1 : vector<16x384xi32>, vector<16x128xi32> -> vector<16x512xi32>
    %slice3A_1584 = vector.extract_strided_slice %select_n3A_1567 {offsets = [0, 384], sizes = [16, 128], strides = [1, 1]} : vector<16x512xi32> to vector<16x128xi32>
    %slice3A_1585 = vector.extract_strided_slice %select_n3A_1567 {offsets = [0, 0], sizes = [16, 384], strides = [1, 1]} : vector<16x512xi32> to vector<16x384xi32>
    %concatenate3A_1586 = tpu.concatenate %slice3A_1584, %slice3A_1585 in 1 : vector<16x128xi32>, vector<16x384xi32> -> vector<16x512xi32>
    %select_n3A_1587 = arith.select %eq3A_1573, %concatenate3A_1583, %concatenate3A_1586 : vector<16x512xi1>, vector<16x512xi32>
    %and3A_1588 = arith.constant 256 : i32
    %and3A_1589 = vector.broadcast %and3A_1588 : i32 to vector<16x512xi32>
    %and3A_1590 = arith.andi %iota3A, %and3A_1589 : vector<16x512xi32>
    %ne3A_1591 = arith.constant 0 : i32
    %ne3A_1592 = vector.broadcast %ne3A_1591 : i32 to vector<16x512xi32>
    %ne3A_1593 = arith.cmpi ne, %and3A_1590, %ne3A_1592 : vector<16x512xi32>
    %and3A_1594 = arith.andi %ne3A_1593, %eq3A_1573 : vector<16x512xi1>
    %not3A_1595 = arith.constant dense<true> : vector<16x512xi1>
    %not3A_1596 = arith.xori %ne3A_1593, %not3A_1595 : vector<16x512xi1>
    %not3A_1597 = arith.constant dense<true> : vector<16x512xi1>
    %not3A_1598 = arith.xori %eq3A_1573, %not3A_1597 : vector<16x512xi1>
    %and3A_1599 = arith.andi %not3A_1596, %not3A_1598 : vector<16x512xi1>
    %or3A_1600 = arith.ori %and3A_1594, %and3A_1599 : vector<16x512xi1>
    %le3A_1601 = arith.cmpf ole, %select_n3A_1566, %select_n3A_1580 : vector<16x512xf32>
    %lt3A_1602 = arith.cmpf olt, %select_n3A_1566, %select_n3A_1580 : vector<16x512xf32>
    %and3A_1603 = arith.andi %eq3A_1573, %le3A_1601 : vector<16x512xi1>
    %not3A_1604 = arith.constant dense<true> : vector<16x512xi1>
    %not3A_1605 = arith.xori %eq3A_1573, %not3A_1604 : vector<16x512xi1>
    %and3A_1606 = arith.andi %not3A_1605, %lt3A_1602 : vector<16x512xi1>
    %or3A_1607 = arith.ori %and3A_1603, %and3A_1606 : vector<16x512xi1>
    %not3A_1608 = arith.constant dense<true> : vector<16x512xi1>
    %not3A_1609 = arith.xori %le3A_1601, %not3A_1608 : vector<16x512xi1>
    %and3A_1610 = arith.andi %eq3A_1573, %not3A_1609 : vector<16x512xi1>
    %not3A_1611 = arith.constant dense<true> : vector<16x512xi1>
    %not3A_1612 = arith.xori %eq3A_1573, %not3A_1611 : vector<16x512xi1>
    %not3A_1613 = arith.constant dense<true> : vector<16x512xi1>
    %not3A_1614 = arith.xori %lt3A_1602, %not3A_1613 : vector<16x512xi1>
    %and3A_1615 = arith.andi %not3A_1612, %not3A_1614 : vector<16x512xi1>
    %or3A_1616 = arith.ori %and3A_1610, %and3A_1615 : vector<16x512xi1>
    %and3A_1617 = arith.andi %or3A_1600, %or3A_1607 : vector<16x512xi1>
    %not3A_1618 = arith.constant dense<true> : vector<16x512xi1>
    %not3A_1619 = arith.xori %or3A_1600, %not3A_1618 : vector<16x512xi1>
    %and3A_1620 = arith.andi %not3A_1619, %or3A_1616 : vector<16x512xi1>
    %or3A_1621 = arith.ori %and3A_1617, %and3A_1620 : vector<16x512xi1>
    %select_n3A_1622 = arith.select %or3A_1621, %select_n3A_1566, %select_n3A_1580 : vector<16x512xi1>, vector<16x512xf32>
    %select_n3A_1623 = arith.select %or3A_1621, %select_n3A_1567, %select_n3A_1587 : vector<16x512xi1>, vector<16x512xi32>
    %and3A_1624 = arith.constant 64 : i32
    %and3A_1625 = vector.broadcast %and3A_1624 : i32 to vector<16x512xi32>
    %and3A_1626 = arith.andi %iota3A, %and3A_1625 : vector<16x512xi32>
    %eq3A_1627 = arith.constant 0 : i32
    %eq3A_1628 = vector.broadcast %eq3A_1627 : i32 to vector<16x512xi32>
    %eq3A_1629 = arith.cmpi eq, %and3A_1626, %eq3A_1628 : vector<16x512xi32>
    %slice3A_1630 = vector.extract_strided_slice %select_n3A_1622 {offsets = [0, 64], sizes = [16, 448], strides = [1, 1]} : vector<16x512xf32> to vector<16x448xf32>
    %slice3A_1631 = vector.extract_strided_slice %select_n3A_1622 {offsets = [0, 0], sizes = [16, 64], strides = [1, 1]} : vector<16x512xf32> to vector<16x64xf32>
    %concatenate3A_1632 = tpu.concatenate %slice3A_1630, %slice3A_1631 in 1 : vector<16x448xf32>, vector<16x64xf32> -> vector<16x512xf32>
    %slice3A_1633 = vector.extract_strided_slice %select_n3A_1622 {offsets = [0, 448], sizes = [16, 64], strides = [1, 1]} : vector<16x512xf32> to vector<16x64xf32>
    %slice3A_1634 = vector.extract_strided_slice %select_n3A_1622 {offsets = [0, 0], sizes = [16, 448], strides = [1, 1]} : vector<16x512xf32> to vector<16x448xf32>
    %concatenate3A_1635 = tpu.concatenate %slice3A_1633, %slice3A_1634 in 1 : vector<16x64xf32>, vector<16x448xf32> -> vector<16x512xf32>
    %select_n3A_1636 = arith.select %eq3A_1629, %concatenate3A_1632, %concatenate3A_1635 : vector<16x512xi1>, vector<16x512xf32>
    %slice3A_1637 = vector.extract_strided_slice %select_n3A_1623 {offsets = [0, 64], sizes = [16, 448], strides = [1, 1]} : vector<16x512xi32> to vector<16x448xi32>
    %slice3A_1638 = vector.extract_strided_slice %select_n3A_1623 {offsets = [0, 0], sizes = [16, 64], strides = [1, 1]} : vector<16x512xi32> to vector<16x64xi32>
    %concatenate3A_1639 = tpu.concatenate %slice3A_1637, %slice3A_1638 in 1 : vector<16x448xi32>, vector<16x64xi32> -> vector<16x512xi32>
    %slice3A_1640 = vector.extract_strided_slice %select_n3A_1623 {offsets = [0, 448], sizes = [16, 64], strides = [1, 1]} : vector<16x512xi32> to vector<16x64xi32>
    %slice3A_1641 = vector.extract_strided_slice %select_n3A_1623 {offsets = [0, 0], sizes = [16, 448], strides = [1, 1]} : vector<16x512xi32> to vector<16x448xi32>
    %concatenate3A_1642 = tpu.concatenate %slice3A_1640, %slice3A_1641 in 1 : vector<16x64xi32>, vector<16x448xi32> -> vector<16x512xi32>
    %select_n3A_1643 = arith.select %eq3A_1629, %concatenate3A_1639, %concatenate3A_1642 : vector<16x512xi1>, vector<16x512xi32>
    %and3A_1644 = arith.constant 256 : i32
    %and3A_1645 = vector.broadcast %and3A_1644 : i32 to vector<16x512xi32>
    %and3A_1646 = arith.andi %iota3A, %and3A_1645 : vector<16x512xi32>
    %ne3A_1647 = arith.constant 0 : i32
    %ne3A_1648 = vector.broadcast %ne3A_1647 : i32 to vector<16x512xi32>
    %ne3A_1649 = arith.cmpi ne, %and3A_1646, %ne3A_1648 : vector<16x512xi32>
    %and3A_1650 = arith.andi %ne3A_1649, %eq3A_1629 : vector<16x512xi1>
    %not3A_1651 = arith.constant dense<true> : vector<16x512xi1>
    %not3A_1652 = arith.xori %ne3A_1649, %not3A_1651 : vector<16x512xi1>
    %not3A_1653 = arith.constant dense<true> : vector<16x512xi1>
    %not3A_1654 = arith.xori %eq3A_1629, %not3A_1653 : vector<16x512xi1>
    %and3A_1655 = arith.andi %not3A_1652, %not3A_1654 : vector<16x512xi1>
    %or3A_1656 = arith.ori %and3A_1650, %and3A_1655 : vector<16x512xi1>
    %le3A_1657 = arith.cmpf ole, %select_n3A_1622, %select_n3A_1636 : vector<16x512xf32>
    %lt3A_1658 = arith.cmpf olt, %select_n3A_1622, %select_n3A_1636 : vector<16x512xf32>
    %and3A_1659 = arith.andi %eq3A_1629, %le3A_1657 : vector<16x512xi1>
    %not3A_1660 = arith.constant dense<true> : vector<16x512xi1>
    %not3A_1661 = arith.xori %eq3A_1629, %not3A_1660 : vector<16x512xi1>
    %and3A_1662 = arith.andi %not3A_1661, %lt3A_1658 : vector<16x512xi1>
    %or3A_1663 = arith.ori %and3A_1659, %and3A_1662 : vector<16x512xi1>
    %not3A_1664 = arith.constant dense<true> : vector<16x512xi1>
    %not3A_1665 = arith.xori %le3A_1657, %not3A_1664 : vector<16x512xi1>
    %and3A_1666 = arith.andi %eq3A_1629, %not3A_1665 : vector<16x512xi1>
    %not3A_1667 = arith.constant dense<true> : vector<16x512xi1>
    %not3A_1668 = arith.xori %eq3A_1629, %not3A_1667 : vector<16x512xi1>
    %not3A_1669 = arith.constant dense<true> : vector<16x512xi1>
    %not3A_1670 = arith.xori %lt3A_1658, %not3A_1669 : vector<16x512xi1>
    %and3A_1671 = arith.andi %not3A_1668, %not3A_1670 : vector<16x512xi1>
    %or3A_1672 = arith.ori %and3A_1666, %and3A_1671 : vector<16x512xi1>
    %and3A_1673 = arith.andi %or3A_1656, %or3A_1663 : vector<16x512xi1>
    %not3A_1674 = arith.constant dense<true> : vector<16x512xi1>
    %not3A_1675 = arith.xori %or3A_1656, %not3A_1674 : vector<16x512xi1>
    %and3A_1676 = arith.andi %not3A_1675, %or3A_1672 : vector<16x512xi1>
    %or3A_1677 = arith.ori %and3A_1673, %and3A_1676 : vector<16x512xi1>
    %select_n3A_1678 = arith.select %or3A_1677, %select_n3A_1622, %select_n3A_1636 : vector<16x512xi1>, vector<16x512xf32>
    %select_n3A_1679 = arith.select %or3A_1677, %select_n3A_1623, %select_n3A_1643 : vector<16x512xi1>, vector<16x512xi32>
    %and3A_1680 = arith.constant 32 : i32
    %and3A_1681 = vector.broadcast %and3A_1680 : i32 to vector<16x512xi32>
    %and3A_1682 = arith.andi %iota3A, %and3A_1681 : vector<16x512xi32>
    %eq3A_1683 = arith.constant 0 : i32
    %eq3A_1684 = vector.broadcast %eq3A_1683 : i32 to vector<16x512xi32>
    %eq3A_1685 = arith.cmpi eq, %and3A_1682, %eq3A_1684 : vector<16x512xi32>
    %slice3A_1686 = vector.extract_strided_slice %select_n3A_1678 {offsets = [0, 32], sizes = [16, 480], strides = [1, 1]} : vector<16x512xf32> to vector<16x480xf32>
    %slice3A_1687 = vector.extract_strided_slice %select_n3A_1678 {offsets = [0, 0], sizes = [16, 32], strides = [1, 1]} : vector<16x512xf32> to vector<16x32xf32>
    %concatenate3A_1688 = tpu.concatenate %slice3A_1686, %slice3A_1687 in 1 : vector<16x480xf32>, vector<16x32xf32> -> vector<16x512xf32>
    %slice3A_1689 = vector.extract_strided_slice %select_n3A_1678 {offsets = [0, 480], sizes = [16, 32], strides = [1, 1]} : vector<16x512xf32> to vector<16x32xf32>
    %slice3A_1690 = vector.extract_strided_slice %select_n3A_1678 {offsets = [0, 0], sizes = [16, 480], strides = [1, 1]} : vector<16x512xf32> to vector<16x480xf32>
    %concatenate3A_1691 = tpu.concatenate %slice3A_1689, %slice3A_1690 in 1 : vector<16x32xf32>, vector<16x480xf32> -> vector<16x512xf32>
    %select_n3A_1692 = arith.select %eq3A_1685, %concatenate3A_1688, %concatenate3A_1691 : vector<16x512xi1>, vector<16x512xf32>
    %slice3A_1693 = vector.extract_strided_slice %select_n3A_1679 {offsets = [0, 32], sizes = [16, 480], strides = [1, 1]} : vector<16x512xi32> to vector<16x480xi32>
    %slice3A_1694 = vector.extract_strided_slice %select_n3A_1679 {offsets = [0, 0], sizes = [16, 32], strides = [1, 1]} : vector<16x512xi32> to vector<16x32xi32>
    %concatenate3A_1695 = tpu.concatenate %slice3A_1693, %slice3A_1694 in 1 : vector<16x480xi32>, vector<16x32xi32> -> vector<16x512xi32>
    %slice3A_1696 = vector.extract_strided_slice %select_n3A_1679 {offsets = [0, 480], sizes = [16, 32], strides = [1, 1]} : vector<16x512xi32> to vector<16x32xi32>
    %slice3A_1697 = vector.extract_strided_slice %select_n3A_1679 {offsets = [0, 0], sizes = [16, 480], strides = [1, 1]} : vector<16x512xi32> to vector<16x480xi32>
    %concatenate3A_1698 = tpu.concatenate %slice3A_1696, %slice3A_1697 in 1 : vector<16x32xi32>, vector<16x480xi32> -> vector<16x512xi32>
    %select_n3A_1699 = arith.select %eq3A_1685, %concatenate3A_1695, %concatenate3A_1698 : vector<16x512xi1>, vector<16x512xi32>
    %and3A_1700 = arith.constant 256 : i32
    %and3A_1701 = vector.broadcast %and3A_1700 : i32 to vector<16x512xi32>
    %and3A_1702 = arith.andi %iota3A, %and3A_1701 : vector<16x512xi32>
    %ne3A_1703 = arith.constant 0 : i32
    %ne3A_1704 = vector.broadcast %ne3A_1703 : i32 to vector<16x512xi32>
    %ne3A_1705 = arith.cmpi ne, %and3A_1702, %ne3A_1704 : vector<16x512xi32>
    %and3A_1706 = arith.andi %ne3A_1705, %eq3A_1685 : vector<16x512xi1>
    %not3A_1707 = arith.constant dense<true> : vector<16x512xi1>
    %not3A_1708 = arith.xori %ne3A_1705, %not3A_1707 : vector<16x512xi1>
    %not3A_1709 = arith.constant dense<true> : vector<16x512xi1>
    %not3A_1710 = arith.xori %eq3A_1685, %not3A_1709 : vector<16x512xi1>
    %and3A_1711 = arith.andi %not3A_1708, %not3A_1710 : vector<16x512xi1>
    %or3A_1712 = arith.ori %and3A_1706, %and3A_1711 : vector<16x512xi1>
    %le3A_1713 = arith.cmpf ole, %select_n3A_1678, %select_n3A_1692 : vector<16x512xf32>
    %lt3A_1714 = arith.cmpf olt, %select_n3A_1678, %select_n3A_1692 : vector<16x512xf32>
    %and3A_1715 = arith.andi %eq3A_1685, %le3A_1713 : vector<16x512xi1>
    %not3A_1716 = arith.constant dense<true> : vector<16x512xi1>
    %not3A_1717 = arith.xori %eq3A_1685, %not3A_1716 : vector<16x512xi1>
    %and3A_1718 = arith.andi %not3A_1717, %lt3A_1714 : vector<16x512xi1>
    %or3A_1719 = arith.ori %and3A_1715, %and3A_1718 : vector<16x512xi1>
    %not3A_1720 = arith.constant dense<true> : vector<16x512xi1>
    %not3A_1721 = arith.xori %le3A_1713, %not3A_1720 : vector<16x512xi1>
    %and3A_1722 = arith.andi %eq3A_1685, %not3A_1721 : vector<16x512xi1>
    %not3A_1723 = arith.constant dense<true> : vector<16x512xi1>
    %not3A_1724 = arith.xori %eq3A_1685, %not3A_1723 : vector<16x512xi1>
    %not3A_1725 = arith.constant dense<true> : vector<16x512xi1>
    %not3A_1726 = arith.xori %lt3A_1714, %not3A_1725 : vector<16x512xi1>
    %and3A_1727 = arith.andi %not3A_1724, %not3A_1726 : vector<16x512xi1>
    %or3A_1728 = arith.ori %and3A_1722, %and3A_1727 : vector<16x512xi1>
    %and3A_1729 = arith.andi %or3A_1712, %or3A_1719 : vector<16x512xi1>
    %not3A_1730 = arith.constant dense<true> : vector<16x512xi1>
    %not3A_1731 = arith.xori %or3A_1712, %not3A_1730 : vector<16x512xi1>
    %and3A_1732 = arith.andi %not3A_1731, %or3A_1728 : vector<16x512xi1>
    %or3A_1733 = arith.ori %and3A_1729, %and3A_1732 : vector<16x512xi1>
    %select_n3A_1734 = arith.select %or3A_1733, %select_n3A_1678, %select_n3A_1692 : vector<16x512xi1>, vector<16x512xf32>
    %select_n3A_1735 = arith.select %or3A_1733, %select_n3A_1679, %select_n3A_1699 : vector<16x512xi1>, vector<16x512xi32>
    %and3A_1736 = arith.constant 16 : i32
    %and3A_1737 = vector.broadcast %and3A_1736 : i32 to vector<16x512xi32>
    %and3A_1738 = arith.andi %iota3A, %and3A_1737 : vector<16x512xi32>
    %eq3A_1739 = arith.constant 0 : i32
    %eq3A_1740 = vector.broadcast %eq3A_1739 : i32 to vector<16x512xi32>
    %eq3A_1741 = arith.cmpi eq, %and3A_1738, %eq3A_1740 : vector<16x512xi32>
    %slice3A_1742 = vector.extract_strided_slice %select_n3A_1734 {offsets = [0, 16], sizes = [16, 496], strides = [1, 1]} : vector<16x512xf32> to vector<16x496xf32>
    %slice3A_1743 = vector.extract_strided_slice %select_n3A_1734 {offsets = [0, 0], sizes = [16, 16], strides = [1, 1]} : vector<16x512xf32> to vector<16x16xf32>
    %concatenate3A_1744 = tpu.concatenate %slice3A_1742, %slice3A_1743 in 1 : vector<16x496xf32>, vector<16x16xf32> -> vector<16x512xf32>
    %slice3A_1745 = vector.extract_strided_slice %select_n3A_1734 {offsets = [0, 496], sizes = [16, 16], strides = [1, 1]} : vector<16x512xf32> to vector<16x16xf32>
    %slice3A_1746 = vector.extract_strided_slice %select_n3A_1734 {offsets = [0, 0], sizes = [16, 496], strides = [1, 1]} : vector<16x512xf32> to vector<16x496xf32>
    %concatenate3A_1747 = tpu.concatenate %slice3A_1745, %slice3A_1746 in 1 : vector<16x16xf32>, vector<16x496xf32> -> vector<16x512xf32>
    %select_n3A_1748 = arith.select %eq3A_1741, %concatenate3A_1744, %concatenate3A_1747 : vector<16x512xi1>, vector<16x512xf32>
    %slice3A_1749 = vector.extract_strided_slice %select_n3A_1735 {offsets = [0, 16], sizes = [16, 496], strides = [1, 1]} : vector<16x512xi32> to vector<16x496xi32>
    %slice3A_1750 = vector.extract_strided_slice %select_n3A_1735 {offsets = [0, 0], sizes = [16, 16], strides = [1, 1]} : vector<16x512xi32> to vector<16x16xi32>
    %concatenate3A_1751 = tpu.concatenate %slice3A_1749, %slice3A_1750 in 1 : vector<16x496xi32>, vector<16x16xi32> -> vector<16x512xi32>
    %slice3A_1752 = vector.extract_strided_slice %select_n3A_1735 {offsets = [0, 496], sizes = [16, 16], strides = [1, 1]} : vector<16x512xi32> to vector<16x16xi32>
    %slice3A_1753 = vector.extract_strided_slice %select_n3A_1735 {offsets = [0, 0], sizes = [16, 496], strides = [1, 1]} : vector<16x512xi32> to vector<16x496xi32>
    %concatenate3A_1754 = tpu.concatenate %slice3A_1752, %slice3A_1753 in 1 : vector<16x16xi32>, vector<16x496xi32> -> vector<16x512xi32>
    %select_n3A_1755 = arith.select %eq3A_1741, %concatenate3A_1751, %concatenate3A_1754 : vector<16x512xi1>, vector<16x512xi32>
    %and3A_1756 = arith.constant 256 : i32
    %and3A_1757 = vector.broadcast %and3A_1756 : i32 to vector<16x512xi32>
    %and3A_1758 = arith.andi %iota3A, %and3A_1757 : vector<16x512xi32>
    %ne3A_1759 = arith.constant 0 : i32
    %ne3A_1760 = vector.broadcast %ne3A_1759 : i32 to vector<16x512xi32>
    %ne3A_1761 = arith.cmpi ne, %and3A_1758, %ne3A_1760 : vector<16x512xi32>
    %and3A_1762 = arith.andi %ne3A_1761, %eq3A_1741 : vector<16x512xi1>
    %not3A_1763 = arith.constant dense<true> : vector<16x512xi1>
    %not3A_1764 = arith.xori %ne3A_1761, %not3A_1763 : vector<16x512xi1>
    %not3A_1765 = arith.constant dense<true> : vector<16x512xi1>
    %not3A_1766 = arith.xori %eq3A_1741, %not3A_1765 : vector<16x512xi1>
    %and3A_1767 = arith.andi %not3A_1764, %not3A_1766 : vector<16x512xi1>
    %or3A_1768 = arith.ori %and3A_1762, %and3A_1767 : vector<16x512xi1>
    %le3A_1769 = arith.cmpf ole, %select_n3A_1734, %select_n3A_1748 : vector<16x512xf32>
    %lt3A_1770 = arith.cmpf olt, %select_n3A_1734, %select_n3A_1748 : vector<16x512xf32>
    %and3A_1771 = arith.andi %eq3A_1741, %le3A_1769 : vector<16x512xi1>
    %not3A_1772 = arith.constant dense<true> : vector<16x512xi1>
    %not3A_1773 = arith.xori %eq3A_1741, %not3A_1772 : vector<16x512xi1>
    %and3A_1774 = arith.andi %not3A_1773, %lt3A_1770 : vector<16x512xi1>
    %or3A_1775 = arith.ori %and3A_1771, %and3A_1774 : vector<16x512xi1>
    %not3A_1776 = arith.constant dense<true> : vector<16x512xi1>
    %not3A_1777 = arith.xori %le3A_1769, %not3A_1776 : vector<16x512xi1>
    %and3A_1778 = arith.andi %eq3A_1741, %not3A_1777 : vector<16x512xi1>
    %not3A_1779 = arith.constant dense<true> : vector<16x512xi1>
    %not3A_1780 = arith.xori %eq3A_1741, %not3A_1779 : vector<16x512xi1>
    %not3A_1781 = arith.constant dense<true> : vector<16x512xi1>
    %not3A_1782 = arith.xori %lt3A_1770, %not3A_1781 : vector<16x512xi1>
    %and3A_1783 = arith.andi %not3A_1780, %not3A_1782 : vector<16x512xi1>
    %or3A_1784 = arith.ori %and3A_1778, %and3A_1783 : vector<16x512xi1>
    %and3A_1785 = arith.andi %or3A_1768, %or3A_1775 : vector<16x512xi1>
    %not3A_1786 = arith.constant dense<true> : vector<16x512xi1>
    %not3A_1787 = arith.xori %or3A_1768, %not3A_1786 : vector<16x512xi1>
    %and3A_1788 = arith.andi %not3A_1787, %or3A_1784 : vector<16x512xi1>
    %or3A_1789 = arith.ori %and3A_1785, %and3A_1788 : vector<16x512xi1>
    %select_n3A_1790 = arith.select %or3A_1789, %select_n3A_1734, %select_n3A_1748 : vector<16x512xi1>, vector<16x512xf32>
    %select_n3A_1791 = arith.select %or3A_1789, %select_n3A_1735, %select_n3A_1755 : vector<16x512xi1>, vector<16x512xi32>
    %and3A_1792 = arith.constant 8 : i32
    %and3A_1793 = vector.broadcast %and3A_1792 : i32 to vector<16x512xi32>
    %and3A_1794 = arith.andi %iota3A, %and3A_1793 : vector<16x512xi32>
    %eq3A_1795 = arith.constant 0 : i32
    %eq3A_1796 = vector.broadcast %eq3A_1795 : i32 to vector<16x512xi32>
    %eq3A_1797 = arith.cmpi eq, %and3A_1794, %eq3A_1796 : vector<16x512xi32>
    %slice3A_1798 = vector.extract_strided_slice %select_n3A_1790 {offsets = [0, 8], sizes = [16, 504], strides = [1, 1]} : vector<16x512xf32> to vector<16x504xf32>
    %slice3A_1799 = vector.extract_strided_slice %select_n3A_1790 {offsets = [0, 0], sizes = [16, 8], strides = [1, 1]} : vector<16x512xf32> to vector<16x8xf32>
    %concatenate3A_1800 = tpu.concatenate %slice3A_1798, %slice3A_1799 in 1 : vector<16x504xf32>, vector<16x8xf32> -> vector<16x512xf32>
    %slice3A_1801 = vector.extract_strided_slice %select_n3A_1790 {offsets = [0, 504], sizes = [16, 8], strides = [1, 1]} : vector<16x512xf32> to vector<16x8xf32>
    %slice3A_1802 = vector.extract_strided_slice %select_n3A_1790 {offsets = [0, 0], sizes = [16, 504], strides = [1, 1]} : vector<16x512xf32> to vector<16x504xf32>
    %concatenate3A_1803 = tpu.concatenate %slice3A_1801, %slice3A_1802 in 1 : vector<16x8xf32>, vector<16x504xf32> -> vector<16x512xf32>
    %select_n3A_1804 = arith.select %eq3A_1797, %concatenate3A_1800, %concatenate3A_1803 : vector<16x512xi1>, vector<16x512xf32>
    %slice3A_1805 = vector.extract_strided_slice %select_n3A_1791 {offsets = [0, 8], sizes = [16, 504], strides = [1, 1]} : vector<16x512xi32> to vector<16x504xi32>
    %slice3A_1806 = vector.extract_strided_slice %select_n3A_1791 {offsets = [0, 0], sizes = [16, 8], strides = [1, 1]} : vector<16x512xi32> to vector<16x8xi32>
    %concatenate3A_1807 = tpu.concatenate %slice3A_1805, %slice3A_1806 in 1 : vector<16x504xi32>, vector<16x8xi32> -> vector<16x512xi32>
    %slice3A_1808 = vector.extract_strided_slice %select_n3A_1791 {offsets = [0, 504], sizes = [16, 8], strides = [1, 1]} : vector<16x512xi32> to vector<16x8xi32>
    %slice3A_1809 = vector.extract_strided_slice %select_n3A_1791 {offsets = [0, 0], sizes = [16, 504], strides = [1, 1]} : vector<16x512xi32> to vector<16x504xi32>
    %concatenate3A_1810 = tpu.concatenate %slice3A_1808, %slice3A_1809 in 1 : vector<16x8xi32>, vector<16x504xi32> -> vector<16x512xi32>
    %select_n3A_1811 = arith.select %eq3A_1797, %concatenate3A_1807, %concatenate3A_1810 : vector<16x512xi1>, vector<16x512xi32>
    %and3A_1812 = arith.constant 256 : i32
    %and3A_1813 = vector.broadcast %and3A_1812 : i32 to vector<16x512xi32>
    %and3A_1814 = arith.andi %iota3A, %and3A_1813 : vector<16x512xi32>
    %ne3A_1815 = arith.constant 0 : i32
    %ne3A_1816 = vector.broadcast %ne3A_1815 : i32 to vector<16x512xi32>
    %ne3A_1817 = arith.cmpi ne, %and3A_1814, %ne3A_1816 : vector<16x512xi32>
    %and3A_1818 = arith.andi %ne3A_1817, %eq3A_1797 : vector<16x512xi1>
    %not3A_1819 = arith.constant dense<true> : vector<16x512xi1>
    %not3A_1820 = arith.xori %ne3A_1817, %not3A_1819 : vector<16x512xi1>
    %not3A_1821 = arith.constant dense<true> : vector<16x512xi1>
    %not3A_1822 = arith.xori %eq3A_1797, %not3A_1821 : vector<16x512xi1>
    %and3A_1823 = arith.andi %not3A_1820, %not3A_1822 : vector<16x512xi1>
    %or3A_1824 = arith.ori %and3A_1818, %and3A_1823 : vector<16x512xi1>
    %le3A_1825 = arith.cmpf ole, %select_n3A_1790, %select_n3A_1804 : vector<16x512xf32>
    %lt3A_1826 = arith.cmpf olt, %select_n3A_1790, %select_n3A_1804 : vector<16x512xf32>
    %and3A_1827 = arith.andi %eq3A_1797, %le3A_1825 : vector<16x512xi1>
    %not3A_1828 = arith.constant dense<true> : vector<16x512xi1>
    %not3A_1829 = arith.xori %eq3A_1797, %not3A_1828 : vector<16x512xi1>
    %and3A_1830 = arith.andi %not3A_1829, %lt3A_1826 : vector<16x512xi1>
    %or3A_1831 = arith.ori %and3A_1827, %and3A_1830 : vector<16x512xi1>
    %not3A_1832 = arith.constant dense<true> : vector<16x512xi1>
    %not3A_1833 = arith.xori %le3A_1825, %not3A_1832 : vector<16x512xi1>
    %and3A_1834 = arith.andi %eq3A_1797, %not3A_1833 : vector<16x512xi1>
    %not3A_1835 = arith.constant dense<true> : vector<16x512xi1>
    %not3A_1836 = arith.xori %eq3A_1797, %not3A_1835 : vector<16x512xi1>
    %not3A_1837 = arith.constant dense<true> : vector<16x512xi1>
    %not3A_1838 = arith.xori %lt3A_1826, %not3A_1837 : vector<16x512xi1>
    %and3A_1839 = arith.andi %not3A_1836, %not3A_1838 : vector<16x512xi1>
    %or3A_1840 = arith.ori %and3A_1834, %and3A_1839 : vector<16x512xi1>
    %and3A_1841 = arith.andi %or3A_1824, %or3A_1831 : vector<16x512xi1>
    %not3A_1842 = arith.constant dense<true> : vector<16x512xi1>
    %not3A_1843 = arith.xori %or3A_1824, %not3A_1842 : vector<16x512xi1>
    %and3A_1844 = arith.andi %not3A_1843, %or3A_1840 : vector<16x512xi1>
    %or3A_1845 = arith.ori %and3A_1841, %and3A_1844 : vector<16x512xi1>
    %select_n3A_1846 = arith.select %or3A_1845, %select_n3A_1790, %select_n3A_1804 : vector<16x512xi1>, vector<16x512xf32>
    %select_n3A_1847 = arith.select %or3A_1845, %select_n3A_1791, %select_n3A_1811 : vector<16x512xi1>, vector<16x512xi32>
    %and3A_1848 = arith.constant 4 : i32
    %and3A_1849 = vector.broadcast %and3A_1848 : i32 to vector<16x512xi32>
    %and3A_1850 = arith.andi %iota3A, %and3A_1849 : vector<16x512xi32>
    %eq3A_1851 = arith.constant 0 : i32
    %eq3A_1852 = vector.broadcast %eq3A_1851 : i32 to vector<16x512xi32>
    %eq3A_1853 = arith.cmpi eq, %and3A_1850, %eq3A_1852 : vector<16x512xi32>
    %slice3A_1854 = vector.extract_strided_slice %select_n3A_1846 {offsets = [0, 4], sizes = [16, 508], strides = [1, 1]} : vector<16x512xf32> to vector<16x508xf32>
    %slice3A_1855 = vector.extract_strided_slice %select_n3A_1846 {offsets = [0, 0], sizes = [16, 4], strides = [1, 1]} : vector<16x512xf32> to vector<16x4xf32>
    %concatenate3A_1856 = tpu.concatenate %slice3A_1854, %slice3A_1855 in 1 : vector<16x508xf32>, vector<16x4xf32> -> vector<16x512xf32>
    %slice3A_1857 = vector.extract_strided_slice %select_n3A_1846 {offsets = [0, 508], sizes = [16, 4], strides = [1, 1]} : vector<16x512xf32> to vector<16x4xf32>
    %slice3A_1858 = vector.extract_strided_slice %select_n3A_1846 {offsets = [0, 0], sizes = [16, 508], strides = [1, 1]} : vector<16x512xf32> to vector<16x508xf32>
    %concatenate3A_1859 = tpu.concatenate %slice3A_1857, %slice3A_1858 in 1 : vector<16x4xf32>, vector<16x508xf32> -> vector<16x512xf32>
    %select_n3A_1860 = arith.select %eq3A_1853, %concatenate3A_1856, %concatenate3A_1859 : vector<16x512xi1>, vector<16x512xf32>
    %slice3A_1861 = vector.extract_strided_slice %select_n3A_1847 {offsets = [0, 4], sizes = [16, 508], strides = [1, 1]} : vector<16x512xi32> to vector<16x508xi32>
    %slice3A_1862 = vector.extract_strided_slice %select_n3A_1847 {offsets = [0, 0], sizes = [16, 4], strides = [1, 1]} : vector<16x512xi32> to vector<16x4xi32>
    %concatenate3A_1863 = tpu.concatenate %slice3A_1861, %slice3A_1862 in 1 : vector<16x508xi32>, vector<16x4xi32> -> vector<16x512xi32>
    %slice3A_1864 = vector.extract_strided_slice %select_n3A_1847 {offsets = [0, 508], sizes = [16, 4], strides = [1, 1]} : vector<16x512xi32> to vector<16x4xi32>
    %slice3A_1865 = vector.extract_strided_slice %select_n3A_1847 {offsets = [0, 0], sizes = [16, 508], strides = [1, 1]} : vector<16x512xi32> to vector<16x508xi32>
    %concatenate3A_1866 = tpu.concatenate %slice3A_1864, %slice3A_1865 in 1 : vector<16x4xi32>, vector<16x508xi32> -> vector<16x512xi32>
    %select_n3A_1867 = arith.select %eq3A_1853, %concatenate3A_1863, %concatenate3A_1866 : vector<16x512xi1>, vector<16x512xi32>
    %and3A_1868 = arith.constant 256 : i32
    %and3A_1869 = vector.broadcast %and3A_1868 : i32 to vector<16x512xi32>
    %and3A_1870 = arith.andi %iota3A, %and3A_1869 : vector<16x512xi32>
    %ne3A_1871 = arith.constant 0 : i32
    %ne3A_1872 = vector.broadcast %ne3A_1871 : i32 to vector<16x512xi32>
    %ne3A_1873 = arith.cmpi ne, %and3A_1870, %ne3A_1872 : vector<16x512xi32>
    %and3A_1874 = arith.andi %ne3A_1873, %eq3A_1853 : vector<16x512xi1>
    %not3A_1875 = arith.constant dense<true> : vector<16x512xi1>
    %not3A_1876 = arith.xori %ne3A_1873, %not3A_1875 : vector<16x512xi1>
    %not3A_1877 = arith.constant dense<true> : vector<16x512xi1>
    %not3A_1878 = arith.xori %eq3A_1853, %not3A_1877 : vector<16x512xi1>
    %and3A_1879 = arith.andi %not3A_1876, %not3A_1878 : vector<16x512xi1>
    %or3A_1880 = arith.ori %and3A_1874, %and3A_1879 : vector<16x512xi1>
    %le3A_1881 = arith.cmpf ole, %select_n3A_1846, %select_n3A_1860 : vector<16x512xf32>
    %lt3A_1882 = arith.cmpf olt, %select_n3A_1846, %select_n3A_1860 : vector<16x512xf32>
    %and3A_1883 = arith.andi %eq3A_1853, %le3A_1881 : vector<16x512xi1>
    %not3A_1884 = arith.constant dense<true> : vector<16x512xi1>
    %not3A_1885 = arith.xori %eq3A_1853, %not3A_1884 : vector<16x512xi1>
    %and3A_1886 = arith.andi %not3A_1885, %lt3A_1882 : vector<16x512xi1>
    %or3A_1887 = arith.ori %and3A_1883, %and3A_1886 : vector<16x512xi1>
    %not3A_1888 = arith.constant dense<true> : vector<16x512xi1>
    %not3A_1889 = arith.xori %le3A_1881, %not3A_1888 : vector<16x512xi1>
    %and3A_1890 = arith.andi %eq3A_1853, %not3A_1889 : vector<16x512xi1>
    %not3A_1891 = arith.constant dense<true> : vector<16x512xi1>
    %not3A_1892 = arith.xori %eq3A_1853, %not3A_1891 : vector<16x512xi1>
    %not3A_1893 = arith.constant dense<true> : vector<16x512xi1>
    %not3A_1894 = arith.xori %lt3A_1882, %not3A_1893 : vector<16x512xi1>
    %and3A_1895 = arith.andi %not3A_1892, %not3A_1894 : vector<16x512xi1>
    %or3A_1896 = arith.ori %and3A_1890, %and3A_1895 : vector<16x512xi1>
    %and3A_1897 = arith.andi %or3A_1880, %or3A_1887 : vector<16x512xi1>
    %not3A_1898 = arith.constant dense<true> : vector<16x512xi1>
    %not3A_1899 = arith.xori %or3A_1880, %not3A_1898 : vector<16x512xi1>
    %and3A_1900 = arith.andi %not3A_1899, %or3A_1896 : vector<16x512xi1>
    %or3A_1901 = arith.ori %and3A_1897, %and3A_1900 : vector<16x512xi1>
    %select_n3A_1902 = arith.select %or3A_1901, %select_n3A_1846, %select_n3A_1860 : vector<16x512xi1>, vector<16x512xf32>
    %select_n3A_1903 = arith.select %or3A_1901, %select_n3A_1847, %select_n3A_1867 : vector<16x512xi1>, vector<16x512xi32>
    %and3A_1904 = arith.constant 2 : i32
    %and3A_1905 = vector.broadcast %and3A_1904 : i32 to vector<16x512xi32>
    %and3A_1906 = arith.andi %iota3A, %and3A_1905 : vector<16x512xi32>
    %eq3A_1907 = arith.constant 0 : i32
    %eq3A_1908 = vector.broadcast %eq3A_1907 : i32 to vector<16x512xi32>
    %eq3A_1909 = arith.cmpi eq, %and3A_1906, %eq3A_1908 : vector<16x512xi32>
    %slice3A_1910 = vector.extract_strided_slice %select_n3A_1902 {offsets = [0, 2], sizes = [16, 510], strides = [1, 1]} : vector<16x512xf32> to vector<16x510xf32>
    %slice3A_1911 = vector.extract_strided_slice %select_n3A_1902 {offsets = [0, 0], sizes = [16, 2], strides = [1, 1]} : vector<16x512xf32> to vector<16x2xf32>
    %concatenate3A_1912 = tpu.concatenate %slice3A_1910, %slice3A_1911 in 1 : vector<16x510xf32>, vector<16x2xf32> -> vector<16x512xf32>
    %slice3A_1913 = vector.extract_strided_slice %select_n3A_1902 {offsets = [0, 510], sizes = [16, 2], strides = [1, 1]} : vector<16x512xf32> to vector<16x2xf32>
    %slice3A_1914 = vector.extract_strided_slice %select_n3A_1902 {offsets = [0, 0], sizes = [16, 510], strides = [1, 1]} : vector<16x512xf32> to vector<16x510xf32>
    %concatenate3A_1915 = tpu.concatenate %slice3A_1913, %slice3A_1914 in 1 : vector<16x2xf32>, vector<16x510xf32> -> vector<16x512xf32>
    %select_n3A_1916 = arith.select %eq3A_1909, %concatenate3A_1912, %concatenate3A_1915 : vector<16x512xi1>, vector<16x512xf32>
    %slice3A_1917 = vector.extract_strided_slice %select_n3A_1903 {offsets = [0, 2], sizes = [16, 510], strides = [1, 1]} : vector<16x512xi32> to vector<16x510xi32>
    %slice3A_1918 = vector.extract_strided_slice %select_n3A_1903 {offsets = [0, 0], sizes = [16, 2], strides = [1, 1]} : vector<16x512xi32> to vector<16x2xi32>
    %concatenate3A_1919 = tpu.concatenate %slice3A_1917, %slice3A_1918 in 1 : vector<16x510xi32>, vector<16x2xi32> -> vector<16x512xi32>
    %slice3A_1920 = vector.extract_strided_slice %select_n3A_1903 {offsets = [0, 510], sizes = [16, 2], strides = [1, 1]} : vector<16x512xi32> to vector<16x2xi32>
    %slice3A_1921 = vector.extract_strided_slice %select_n3A_1903 {offsets = [0, 0], sizes = [16, 510], strides = [1, 1]} : vector<16x512xi32> to vector<16x510xi32>
    %concatenate3A_1922 = tpu.concatenate %slice3A_1920, %slice3A_1921 in 1 : vector<16x2xi32>, vector<16x510xi32> -> vector<16x512xi32>
    %select_n3A_1923 = arith.select %eq3A_1909, %concatenate3A_1919, %concatenate3A_1922 : vector<16x512xi1>, vector<16x512xi32>
    %and3A_1924 = arith.constant 256 : i32
    %and3A_1925 = vector.broadcast %and3A_1924 : i32 to vector<16x512xi32>
    %and3A_1926 = arith.andi %iota3A, %and3A_1925 : vector<16x512xi32>
    %ne3A_1927 = arith.constant 0 : i32
    %ne3A_1928 = vector.broadcast %ne3A_1927 : i32 to vector<16x512xi32>
    %ne3A_1929 = arith.cmpi ne, %and3A_1926, %ne3A_1928 : vector<16x512xi32>
    %and3A_1930 = arith.andi %ne3A_1929, %eq3A_1909 : vector<16x512xi1>
    %not3A_1931 = arith.constant dense<true> : vector<16x512xi1>
    %not3A_1932 = arith.xori %ne3A_1929, %not3A_1931 : vector<16x512xi1>
    %not3A_1933 = arith.constant dense<true> : vector<16x512xi1>
    %not3A_1934 = arith.xori %eq3A_1909, %not3A_1933 : vector<16x512xi1>
    %and3A_1935 = arith.andi %not3A_1932, %not3A_1934 : vector<16x512xi1>
    %or3A_1936 = arith.ori %and3A_1930, %and3A_1935 : vector<16x512xi1>
    %le3A_1937 = arith.cmpf ole, %select_n3A_1902, %select_n3A_1916 : vector<16x512xf32>
    %lt3A_1938 = arith.cmpf olt, %select_n3A_1902, %select_n3A_1916 : vector<16x512xf32>
    %and3A_1939 = arith.andi %eq3A_1909, %le3A_1937 : vector<16x512xi1>
    %not3A_1940 = arith.constant dense<true> : vector<16x512xi1>
    %not3A_1941 = arith.xori %eq3A_1909, %not3A_1940 : vector<16x512xi1>
    %and3A_1942 = arith.andi %not3A_1941, %lt3A_1938 : vector<16x512xi1>
    %or3A_1943 = arith.ori %and3A_1939, %and3A_1942 : vector<16x512xi1>
    %not3A_1944 = arith.constant dense<true> : vector<16x512xi1>
    %not3A_1945 = arith.xori %le3A_1937, %not3A_1944 : vector<16x512xi1>
    %and3A_1946 = arith.andi %eq3A_1909, %not3A_1945 : vector<16x512xi1>
    %not3A_1947 = arith.constant dense<true> : vector<16x512xi1>
    %not3A_1948 = arith.xori %eq3A_1909, %not3A_1947 : vector<16x512xi1>
    %not3A_1949 = arith.constant dense<true> : vector<16x512xi1>
    %not3A_1950 = arith.xori %lt3A_1938, %not3A_1949 : vector<16x512xi1>
    %and3A_1951 = arith.andi %not3A_1948, %not3A_1950 : vector<16x512xi1>
    %or3A_1952 = arith.ori %and3A_1946, %and3A_1951 : vector<16x512xi1>
    %and3A_1953 = arith.andi %or3A_1936, %or3A_1943 : vector<16x512xi1>
    %not3A_1954 = arith.constant dense<true> : vector<16x512xi1>
    %not3A_1955 = arith.xori %or3A_1936, %not3A_1954 : vector<16x512xi1>
    %and3A_1956 = arith.andi %not3A_1955, %or3A_1952 : vector<16x512xi1>
    %or3A_1957 = arith.ori %and3A_1953, %and3A_1956 : vector<16x512xi1>
    %select_n3A_1958 = arith.select %or3A_1957, %select_n3A_1902, %select_n3A_1916 : vector<16x512xi1>, vector<16x512xf32>
    %select_n3A_1959 = arith.select %or3A_1957, %select_n3A_1903, %select_n3A_1923 : vector<16x512xi1>, vector<16x512xi32>
    %and3A_1960 = arith.constant 1 : i32
    %and3A_1961 = vector.broadcast %and3A_1960 : i32 to vector<16x512xi32>
    %and3A_1962 = arith.andi %iota3A, %and3A_1961 : vector<16x512xi32>
    %eq3A_1963 = arith.constant 0 : i32
    %eq3A_1964 = vector.broadcast %eq3A_1963 : i32 to vector<16x512xi32>
    %eq3A_1965 = arith.cmpi eq, %and3A_1962, %eq3A_1964 : vector<16x512xi32>
    %slice3A_1966 = vector.extract_strided_slice %select_n3A_1958 {offsets = [0, 1], sizes = [16, 511], strides = [1, 1]} : vector<16x512xf32> to vector<16x511xf32>
    %slice3A_1967 = vector.extract_strided_slice %select_n3A_1958 {offsets = [0, 0], sizes = [16, 1], strides = [1, 1]} : vector<16x512xf32> to vector<16x1xf32>
    %concatenate3A_1968 = tpu.concatenate %slice3A_1966, %slice3A_1967 in 1 : vector<16x511xf32>, vector<16x1xf32> -> vector<16x512xf32>
    %slice3A_1969 = vector.extract_strided_slice %select_n3A_1958 {offsets = [0, 511], sizes = [16, 1], strides = [1, 1]} : vector<16x512xf32> to vector<16x1xf32>
    %slice3A_1970 = vector.extract_strided_slice %select_n3A_1958 {offsets = [0, 0], sizes = [16, 511], strides = [1, 1]} : vector<16x512xf32> to vector<16x511xf32>
    %concatenate3A_1971 = tpu.concatenate %slice3A_1969, %slice3A_1970 in 1 : vector<16x1xf32>, vector<16x511xf32> -> vector<16x512xf32>
    %select_n3A_1972 = arith.select %eq3A_1965, %concatenate3A_1968, %concatenate3A_1971 : vector<16x512xi1>, vector<16x512xf32>
    %slice3A_1973 = vector.extract_strided_slice %select_n3A_1959 {offsets = [0, 1], sizes = [16, 511], strides = [1, 1]} : vector<16x512xi32> to vector<16x511xi32>
    %slice3A_1974 = vector.extract_strided_slice %select_n3A_1959 {offsets = [0, 0], sizes = [16, 1], strides = [1, 1]} : vector<16x512xi32> to vector<16x1xi32>
    %concatenate3A_1975 = tpu.concatenate %slice3A_1973, %slice3A_1974 in 1 : vector<16x511xi32>, vector<16x1xi32> -> vector<16x512xi32>
    %slice3A_1976 = vector.extract_strided_slice %select_n3A_1959 {offsets = [0, 511], sizes = [16, 1], strides = [1, 1]} : vector<16x512xi32> to vector<16x1xi32>
    %slice3A_1977 = vector.extract_strided_slice %select_n3A_1959 {offsets = [0, 0], sizes = [16, 511], strides = [1, 1]} : vector<16x512xi32> to vector<16x511xi32>
    %concatenate3A_1978 = tpu.concatenate %slice3A_1976, %slice3A_1977 in 1 : vector<16x1xi32>, vector<16x511xi32> -> vector<16x512xi32>
    %select_n3A_1979 = arith.select %eq3A_1965, %concatenate3A_1975, %concatenate3A_1978 : vector<16x512xi1>, vector<16x512xi32>
    %and3A_1980 = arith.constant 256 : i32
    %and3A_1981 = vector.broadcast %and3A_1980 : i32 to vector<16x512xi32>
    %and3A_1982 = arith.andi %iota3A, %and3A_1981 : vector<16x512xi32>
    %ne3A_1983 = arith.constant 0 : i32
    %ne3A_1984 = vector.broadcast %ne3A_1983 : i32 to vector<16x512xi32>
    %ne3A_1985 = arith.cmpi ne, %and3A_1982, %ne3A_1984 : vector<16x512xi32>
    %and3A_1986 = arith.andi %ne3A_1985, %eq3A_1965 : vector<16x512xi1>
    %not3A_1987 = arith.constant dense<true> : vector<16x512xi1>
    %not3A_1988 = arith.xori %ne3A_1985, %not3A_1987 : vector<16x512xi1>
    %not3A_1989 = arith.constant dense<true> : vector<16x512xi1>
    %not3A_1990 = arith.xori %eq3A_1965, %not3A_1989 : vector<16x512xi1>
    %and3A_1991 = arith.andi %not3A_1988, %not3A_1990 : vector<16x512xi1>
    %or3A_1992 = arith.ori %and3A_1986, %and3A_1991 : vector<16x512xi1>
    %le3A_1993 = arith.cmpf ole, %select_n3A_1958, %select_n3A_1972 : vector<16x512xf32>
    %lt3A_1994 = arith.cmpf olt, %select_n3A_1958, %select_n3A_1972 : vector<16x512xf32>
    %and3A_1995 = arith.andi %eq3A_1965, %le3A_1993 : vector<16x512xi1>
    %not3A_1996 = arith.constant dense<true> : vector<16x512xi1>
    %not3A_1997 = arith.xori %eq3A_1965, %not3A_1996 : vector<16x512xi1>
    %and3A_1998 = arith.andi %not3A_1997, %lt3A_1994 : vector<16x512xi1>
    %or3A_1999 = arith.ori %and3A_1995, %and3A_1998 : vector<16x512xi1>
    %not3A_2000 = arith.constant dense<true> : vector<16x512xi1>
    %not3A_2001 = arith.xori %le3A_1993, %not3A_2000 : vector<16x512xi1>
    %and3A_2002 = arith.andi %eq3A_1965, %not3A_2001 : vector<16x512xi1>
    %not3A_2003 = arith.constant dense<true> : vector<16x512xi1>
    %not3A_2004 = arith.xori %eq3A_1965, %not3A_2003 : vector<16x512xi1>
    %not3A_2005 = arith.constant dense<true> : vector<16x512xi1>
    %not3A_2006 = arith.xori %lt3A_1994, %not3A_2005 : vector<16x512xi1>
    %and3A_2007 = arith.andi %not3A_2004, %not3A_2006 : vector<16x512xi1>
    %or3A_2008 = arith.ori %and3A_2002, %and3A_2007 : vector<16x512xi1>
    %and3A_2009 = arith.andi %or3A_1992, %or3A_1999 : vector<16x512xi1>
    %not3A_2010 = arith.constant dense<true> : vector<16x512xi1>
    %not3A_2011 = arith.xori %or3A_1992, %not3A_2010 : vector<16x512xi1>
    %and3A_2012 = arith.andi %not3A_2011, %or3A_2008 : vector<16x512xi1>
    %or3A_2013 = arith.ori %and3A_2009, %and3A_2012 : vector<16x512xi1>
    %select_n3A_2014 = arith.select %or3A_2013, %select_n3A_1958, %select_n3A_1972 : vector<16x512xi1>, vector<16x512xf32>
    %select_n3A_2015 = arith.select %or3A_2013, %select_n3A_1959, %select_n3A_1979 : vector<16x512xi1>, vector<16x512xi32>
    %and3A_2016 = arith.constant 256 : i32
    %and3A_2017 = vector.broadcast %and3A_2016 : i32 to vector<16x512xi32>
    %and3A_2018 = arith.andi %iota3A, %and3A_2017 : vector<16x512xi32>
    %eq3A_2019 = arith.constant 0 : i32
    %eq3A_2020 = vector.broadcast %eq3A_2019 : i32 to vector<16x512xi32>
    %eq3A_2021 = arith.cmpi eq, %and3A_2018, %eq3A_2020 : vector<16x512xi32>
    %slice3A_2022 = vector.extract_strided_slice %select_n3A_2014 {offsets = [0, 256], sizes = [16, 256], strides = [1, 1]} : vector<16x512xf32> to vector<16x256xf32>
    %slice3A_2023 = vector.extract_strided_slice %select_n3A_2014 {offsets = [0, 0], sizes = [16, 256], strides = [1, 1]} : vector<16x512xf32> to vector<16x256xf32>
    %concatenate3A_2024 = tpu.concatenate %slice3A_2022, %slice3A_2023 in 1 : vector<16x256xf32>, vector<16x256xf32> -> vector<16x512xf32>
    %slice3A_2025 = vector.extract_strided_slice %select_n3A_2014 {offsets = [0, 256], sizes = [16, 256], strides = [1, 1]} : vector<16x512xf32> to vector<16x256xf32>
    %slice3A_2026 = vector.extract_strided_slice %select_n3A_2014 {offsets = [0, 0], sizes = [16, 256], strides = [1, 1]} : vector<16x512xf32> to vector<16x256xf32>
    %concatenate3A_2027 = tpu.concatenate %slice3A_2025, %slice3A_2026 in 1 : vector<16x256xf32>, vector<16x256xf32> -> vector<16x512xf32>
    %select_n3A_2028 = arith.select %eq3A_2021, %concatenate3A_2024, %concatenate3A_2027 : vector<16x512xi1>, vector<16x512xf32>
    %slice3A_2029 = vector.extract_strided_slice %select_n3A_2015 {offsets = [0, 256], sizes = [16, 256], strides = [1, 1]} : vector<16x512xi32> to vector<16x256xi32>
    %slice3A_2030 = vector.extract_strided_slice %select_n3A_2015 {offsets = [0, 0], sizes = [16, 256], strides = [1, 1]} : vector<16x512xi32> to vector<16x256xi32>
    %concatenate3A_2031 = tpu.concatenate %slice3A_2029, %slice3A_2030 in 1 : vector<16x256xi32>, vector<16x256xi32> -> vector<16x512xi32>
    %slice3A_2032 = vector.extract_strided_slice %select_n3A_2015 {offsets = [0, 256], sizes = [16, 256], strides = [1, 1]} : vector<16x512xi32> to vector<16x256xi32>
    %slice3A_2033 = vector.extract_strided_slice %select_n3A_2015 {offsets = [0, 0], sizes = [16, 256], strides = [1, 1]} : vector<16x512xi32> to vector<16x256xi32>
    %concatenate3A_2034 = tpu.concatenate %slice3A_2032, %slice3A_2033 in 1 : vector<16x256xi32>, vector<16x256xi32> -> vector<16x512xi32>
    %select_n3A_2035 = arith.select %eq3A_2021, %concatenate3A_2031, %concatenate3A_2034 : vector<16x512xi1>, vector<16x512xi32>
    %and3A_2036 = arith.constant 512 : i32
    %and3A_2037 = vector.broadcast %and3A_2036 : i32 to vector<16x512xi32>
    %and3A_2038 = arith.andi %iota3A, %and3A_2037 : vector<16x512xi32>
    %ne3A_2039 = arith.constant 0 : i32
    %ne3A_2040 = vector.broadcast %ne3A_2039 : i32 to vector<16x512xi32>
    %ne3A_2041 = arith.cmpi ne, %and3A_2038, %ne3A_2040 : vector<16x512xi32>
    %and3A_2042 = arith.andi %ne3A_2041, %eq3A_2021 : vector<16x512xi1>
    %not3A_2043 = arith.constant dense<true> : vector<16x512xi1>
    %not3A_2044 = arith.xori %ne3A_2041, %not3A_2043 : vector<16x512xi1>
    %not3A_2045 = arith.constant dense<true> : vector<16x512xi1>
    %not3A_2046 = arith.xori %eq3A_2021, %not3A_2045 : vector<16x512xi1>
    %and3A_2047 = arith.andi %not3A_2044, %not3A_2046 : vector<16x512xi1>
    %or3A_2048 = arith.ori %and3A_2042, %and3A_2047 : vector<16x512xi1>
    %le3A_2049 = arith.cmpf ole, %select_n3A_2014, %select_n3A_2028 : vector<16x512xf32>
    %lt3A_2050 = arith.cmpf olt, %select_n3A_2014, %select_n3A_2028 : vector<16x512xf32>
    %and3A_2051 = arith.andi %eq3A_2021, %le3A_2049 : vector<16x512xi1>
    %not3A_2052 = arith.constant dense<true> : vector<16x512xi1>
    %not3A_2053 = arith.xori %eq3A_2021, %not3A_2052 : vector<16x512xi1>
    %and3A_2054 = arith.andi %not3A_2053, %lt3A_2050 : vector<16x512xi1>
    %or3A_2055 = arith.ori %and3A_2051, %and3A_2054 : vector<16x512xi1>
    %not3A_2056 = arith.constant dense<true> : vector<16x512xi1>
    %not3A_2057 = arith.xori %le3A_2049, %not3A_2056 : vector<16x512xi1>
    %and3A_2058 = arith.andi %eq3A_2021, %not3A_2057 : vector<16x512xi1>
    %not3A_2059 = arith.constant dense<true> : vector<16x512xi1>
    %not3A_2060 = arith.xori %eq3A_2021, %not3A_2059 : vector<16x512xi1>
    %not3A_2061 = arith.constant dense<true> : vector<16x512xi1>
    %not3A_2062 = arith.xori %lt3A_2050, %not3A_2061 : vector<16x512xi1>
    %and3A_2063 = arith.andi %not3A_2060, %not3A_2062 : vector<16x512xi1>
    %or3A_2064 = arith.ori %and3A_2058, %and3A_2063 : vector<16x512xi1>
    %and3A_2065 = arith.andi %or3A_2048, %or3A_2055 : vector<16x512xi1>
    %not3A_2066 = arith.constant dense<true> : vector<16x512xi1>
    %not3A_2067 = arith.xori %or3A_2048, %not3A_2066 : vector<16x512xi1>
    %and3A_2068 = arith.andi %not3A_2067, %or3A_2064 : vector<16x512xi1>
    %or3A_2069 = arith.ori %and3A_2065, %and3A_2068 : vector<16x512xi1>
    %select_n3A_2070 = arith.select %or3A_2069, %select_n3A_2014, %select_n3A_2028 : vector<16x512xi1>, vector<16x512xf32>
    %select_n3A_2071 = arith.select %or3A_2069, %select_n3A_2015, %select_n3A_2035 : vector<16x512xi1>, vector<16x512xi32>
    %and3A_2072 = arith.constant 128 : i32
    %and3A_2073 = vector.broadcast %and3A_2072 : i32 to vector<16x512xi32>
    %and3A_2074 = arith.andi %iota3A, %and3A_2073 : vector<16x512xi32>
    %eq3A_2075 = arith.constant 0 : i32
    %eq3A_2076 = vector.broadcast %eq3A_2075 : i32 to vector<16x512xi32>
    %eq3A_2077 = arith.cmpi eq, %and3A_2074, %eq3A_2076 : vector<16x512xi32>
    %slice3A_2078 = vector.extract_strided_slice %select_n3A_2070 {offsets = [0, 128], sizes = [16, 384], strides = [1, 1]} : vector<16x512xf32> to vector<16x384xf32>
    %slice3A_2079 = vector.extract_strided_slice %select_n3A_2070 {offsets = [0, 0], sizes = [16, 128], strides = [1, 1]} : vector<16x512xf32> to vector<16x128xf32>
    %concatenate3A_2080 = tpu.concatenate %slice3A_2078, %slice3A_2079 in 1 : vector<16x384xf32>, vector<16x128xf32> -> vector<16x512xf32>
    %slice3A_2081 = vector.extract_strided_slice %select_n3A_2070 {offsets = [0, 384], sizes = [16, 128], strides = [1, 1]} : vector<16x512xf32> to vector<16x128xf32>
    %slice3A_2082 = vector.extract_strided_slice %select_n3A_2070 {offsets = [0, 0], sizes = [16, 384], strides = [1, 1]} : vector<16x512xf32> to vector<16x384xf32>
    %concatenate3A_2083 = tpu.concatenate %slice3A_2081, %slice3A_2082 in 1 : vector<16x128xf32>, vector<16x384xf32> -> vector<16x512xf32>
    %select_n3A_2084 = arith.select %eq3A_2077, %concatenate3A_2080, %concatenate3A_2083 : vector<16x512xi1>, vector<16x512xf32>
    %slice3A_2085 = vector.extract_strided_slice %select_n3A_2071 {offsets = [0, 128], sizes = [16, 384], strides = [1, 1]} : vector<16x512xi32> to vector<16x384xi32>
    %slice3A_2086 = vector.extract_strided_slice %select_n3A_2071 {offsets = [0, 0], sizes = [16, 128], strides = [1, 1]} : vector<16x512xi32> to vector<16x128xi32>
    %concatenate3A_2087 = tpu.concatenate %slice3A_2085, %slice3A_2086 in 1 : vector<16x384xi32>, vector<16x128xi32> -> vector<16x512xi32>
    %slice3A_2088 = vector.extract_strided_slice %select_n3A_2071 {offsets = [0, 384], sizes = [16, 128], strides = [1, 1]} : vector<16x512xi32> to vector<16x128xi32>
    %slice3A_2089 = vector.extract_strided_slice %select_n3A_2071 {offsets = [0, 0], sizes = [16, 384], strides = [1, 1]} : vector<16x512xi32> to vector<16x384xi32>
    %concatenate3A_2090 = tpu.concatenate %slice3A_2088, %slice3A_2089 in 1 : vector<16x128xi32>, vector<16x384xi32> -> vector<16x512xi32>
    %select_n3A_2091 = arith.select %eq3A_2077, %concatenate3A_2087, %concatenate3A_2090 : vector<16x512xi1>, vector<16x512xi32>
    %and3A_2092 = arith.constant 512 : i32
    %and3A_2093 = vector.broadcast %and3A_2092 : i32 to vector<16x512xi32>
    %and3A_2094 = arith.andi %iota3A, %and3A_2093 : vector<16x512xi32>
    %ne3A_2095 = arith.constant 0 : i32
    %ne3A_2096 = vector.broadcast %ne3A_2095 : i32 to vector<16x512xi32>
    %ne3A_2097 = arith.cmpi ne, %and3A_2094, %ne3A_2096 : vector<16x512xi32>
    %and3A_2098 = arith.andi %ne3A_2097, %eq3A_2077 : vector<16x512xi1>
    %not3A_2099 = arith.constant dense<true> : vector<16x512xi1>
    %not3A_2100 = arith.xori %ne3A_2097, %not3A_2099 : vector<16x512xi1>
    %not3A_2101 = arith.constant dense<true> : vector<16x512xi1>
    %not3A_2102 = arith.xori %eq3A_2077, %not3A_2101 : vector<16x512xi1>
    %and3A_2103 = arith.andi %not3A_2100, %not3A_2102 : vector<16x512xi1>
    %or3A_2104 = arith.ori %and3A_2098, %and3A_2103 : vector<16x512xi1>
    %le3A_2105 = arith.cmpf ole, %select_n3A_2070, %select_n3A_2084 : vector<16x512xf32>
    %lt3A_2106 = arith.cmpf olt, %select_n3A_2070, %select_n3A_2084 : vector<16x512xf32>
    %and3A_2107 = arith.andi %eq3A_2077, %le3A_2105 : vector<16x512xi1>
    %not3A_2108 = arith.constant dense<true> : vector<16x512xi1>
    %not3A_2109 = arith.xori %eq3A_2077, %not3A_2108 : vector<16x512xi1>
    %and3A_2110 = arith.andi %not3A_2109, %lt3A_2106 : vector<16x512xi1>
    %or3A_2111 = arith.ori %and3A_2107, %and3A_2110 : vector<16x512xi1>
    %not3A_2112 = arith.constant dense<true> : vector<16x512xi1>
    %not3A_2113 = arith.xori %le3A_2105, %not3A_2112 : vector<16x512xi1>
    %and3A_2114 = arith.andi %eq3A_2077, %not3A_2113 : vector<16x512xi1>
    %not3A_2115 = arith.constant dense<true> : vector<16x512xi1>
    %not3A_2116 = arith.xori %eq3A_2077, %not3A_2115 : vector<16x512xi1>
    %not3A_2117 = arith.constant dense<true> : vector<16x512xi1>
    %not3A_2118 = arith.xori %lt3A_2106, %not3A_2117 : vector<16x512xi1>
    %and3A_2119 = arith.andi %not3A_2116, %not3A_2118 : vector<16x512xi1>
    %or3A_2120 = arith.ori %and3A_2114, %and3A_2119 : vector<16x512xi1>
    %and3A_2121 = arith.andi %or3A_2104, %or3A_2111 : vector<16x512xi1>
    %not3A_2122 = arith.constant dense<true> : vector<16x512xi1>
    %not3A_2123 = arith.xori %or3A_2104, %not3A_2122 : vector<16x512xi1>
    %and3A_2124 = arith.andi %not3A_2123, %or3A_2120 : vector<16x512xi1>
    %or3A_2125 = arith.ori %and3A_2121, %and3A_2124 : vector<16x512xi1>
    %select_n3A_2126 = arith.select %or3A_2125, %select_n3A_2070, %select_n3A_2084 : vector<16x512xi1>, vector<16x512xf32>
    %select_n3A_2127 = arith.select %or3A_2125, %select_n3A_2071, %select_n3A_2091 : vector<16x512xi1>, vector<16x512xi32>
    %and3A_2128 = arith.constant 64 : i32
    %and3A_2129 = vector.broadcast %and3A_2128 : i32 to vector<16x512xi32>
    %and3A_2130 = arith.andi %iota3A, %and3A_2129 : vector<16x512xi32>
    %eq3A_2131 = arith.constant 0 : i32
    %eq3A_2132 = vector.broadcast %eq3A_2131 : i32 to vector<16x512xi32>
    %eq3A_2133 = arith.cmpi eq, %and3A_2130, %eq3A_2132 : vector<16x512xi32>
    %slice3A_2134 = vector.extract_strided_slice %select_n3A_2126 {offsets = [0, 64], sizes = [16, 448], strides = [1, 1]} : vector<16x512xf32> to vector<16x448xf32>
    %slice3A_2135 = vector.extract_strided_slice %select_n3A_2126 {offsets = [0, 0], sizes = [16, 64], strides = [1, 1]} : vector<16x512xf32> to vector<16x64xf32>
    %concatenate3A_2136 = tpu.concatenate %slice3A_2134, %slice3A_2135 in 1 : vector<16x448xf32>, vector<16x64xf32> -> vector<16x512xf32>
    %slice3A_2137 = vector.extract_strided_slice %select_n3A_2126 {offsets = [0, 448], sizes = [16, 64], strides = [1, 1]} : vector<16x512xf32> to vector<16x64xf32>
    %slice3A_2138 = vector.extract_strided_slice %select_n3A_2126 {offsets = [0, 0], sizes = [16, 448], strides = [1, 1]} : vector<16x512xf32> to vector<16x448xf32>
    %concatenate3A_2139 = tpu.concatenate %slice3A_2137, %slice3A_2138 in 1 : vector<16x64xf32>, vector<16x448xf32> -> vector<16x512xf32>
    %select_n3A_2140 = arith.select %eq3A_2133, %concatenate3A_2136, %concatenate3A_2139 : vector<16x512xi1>, vector<16x512xf32>
    %slice3A_2141 = vector.extract_strided_slice %select_n3A_2127 {offsets = [0, 64], sizes = [16, 448], strides = [1, 1]} : vector<16x512xi32> to vector<16x448xi32>
    %slice3A_2142 = vector.extract_strided_slice %select_n3A_2127 {offsets = [0, 0], sizes = [16, 64], strides = [1, 1]} : vector<16x512xi32> to vector<16x64xi32>
    %concatenate3A_2143 = tpu.concatenate %slice3A_2141, %slice3A_2142 in 1 : vector<16x448xi32>, vector<16x64xi32> -> vector<16x512xi32>
    %slice3A_2144 = vector.extract_strided_slice %select_n3A_2127 {offsets = [0, 448], sizes = [16, 64], strides = [1, 1]} : vector<16x512xi32> to vector<16x64xi32>
    %slice3A_2145 = vector.extract_strided_slice %select_n3A_2127 {offsets = [0, 0], sizes = [16, 448], strides = [1, 1]} : vector<16x512xi32> to vector<16x448xi32>
    %concatenate3A_2146 = tpu.concatenate %slice3A_2144, %slice3A_2145 in 1 : vector<16x64xi32>, vector<16x448xi32> -> vector<16x512xi32>
    %select_n3A_2147 = arith.select %eq3A_2133, %concatenate3A_2143, %concatenate3A_2146 : vector<16x512xi1>, vector<16x512xi32>
    %and3A_2148 = arith.constant 512 : i32
    %and3A_2149 = vector.broadcast %and3A_2148 : i32 to vector<16x512xi32>
    %and3A_2150 = arith.andi %iota3A, %and3A_2149 : vector<16x512xi32>
    %ne3A_2151 = arith.constant 0 : i32
    %ne3A_2152 = vector.broadcast %ne3A_2151 : i32 to vector<16x512xi32>
    %ne3A_2153 = arith.cmpi ne, %and3A_2150, %ne3A_2152 : vector<16x512xi32>
    %and3A_2154 = arith.andi %ne3A_2153, %eq3A_2133 : vector<16x512xi1>
    %not3A_2155 = arith.constant dense<true> : vector<16x512xi1>
    %not3A_2156 = arith.xori %ne3A_2153, %not3A_2155 : vector<16x512xi1>
    %not3A_2157 = arith.constant dense<true> : vector<16x512xi1>
    %not3A_2158 = arith.xori %eq3A_2133, %not3A_2157 : vector<16x512xi1>
    %and3A_2159 = arith.andi %not3A_2156, %not3A_2158 : vector<16x512xi1>
    %or3A_2160 = arith.ori %and3A_2154, %and3A_2159 : vector<16x512xi1>
    %le3A_2161 = arith.cmpf ole, %select_n3A_2126, %select_n3A_2140 : vector<16x512xf32>
    %lt3A_2162 = arith.cmpf olt, %select_n3A_2126, %select_n3A_2140 : vector<16x512xf32>
    %and3A_2163 = arith.andi %eq3A_2133, %le3A_2161 : vector<16x512xi1>
    %not3A_2164 = arith.constant dense<true> : vector<16x512xi1>
    %not3A_2165 = arith.xori %eq3A_2133, %not3A_2164 : vector<16x512xi1>
    %and3A_2166 = arith.andi %not3A_2165, %lt3A_2162 : vector<16x512xi1>
    %or3A_2167 = arith.ori %and3A_2163, %and3A_2166 : vector<16x512xi1>
    %not3A_2168 = arith.constant dense<true> : vector<16x512xi1>
    %not3A_2169 = arith.xori %le3A_2161, %not3A_2168 : vector<16x512xi1>
    %and3A_2170 = arith.andi %eq3A_2133, %not3A_2169 : vector<16x512xi1>
    %not3A_2171 = arith.constant dense<true> : vector<16x512xi1>
    %not3A_2172 = arith.xori %eq3A_2133, %not3A_2171 : vector<16x512xi1>
    %not3A_2173 = arith.constant dense<true> : vector<16x512xi1>
    %not3A_2174 = arith.xori %lt3A_2162, %not3A_2173 : vector<16x512xi1>
    %and3A_2175 = arith.andi %not3A_2172, %not3A_2174 : vector<16x512xi1>
    %or3A_2176 = arith.ori %and3A_2170, %and3A_2175 : vector<16x512xi1>
    %and3A_2177 = arith.andi %or3A_2160, %or3A_2167 : vector<16x512xi1>
    %not3A_2178 = arith.constant dense<true> : vector<16x512xi1>
    %not3A_2179 = arith.xori %or3A_2160, %not3A_2178 : vector<16x512xi1>
    %and3A_2180 = arith.andi %not3A_2179, %or3A_2176 : vector<16x512xi1>
    %or3A_2181 = arith.ori %and3A_2177, %and3A_2180 : vector<16x512xi1>
    %select_n3A_2182 = arith.select %or3A_2181, %select_n3A_2126, %select_n3A_2140 : vector<16x512xi1>, vector<16x512xf32>
    %select_n3A_2183 = arith.select %or3A_2181, %select_n3A_2127, %select_n3A_2147 : vector<16x512xi1>, vector<16x512xi32>
    %and3A_2184 = arith.constant 32 : i32
    %and3A_2185 = vector.broadcast %and3A_2184 : i32 to vector<16x512xi32>
    %and3A_2186 = arith.andi %iota3A, %and3A_2185 : vector<16x512xi32>
    %eq3A_2187 = arith.constant 0 : i32
    %eq3A_2188 = vector.broadcast %eq3A_2187 : i32 to vector<16x512xi32>
    %eq3A_2189 = arith.cmpi eq, %and3A_2186, %eq3A_2188 : vector<16x512xi32>
    %slice3A_2190 = vector.extract_strided_slice %select_n3A_2182 {offsets = [0, 32], sizes = [16, 480], strides = [1, 1]} : vector<16x512xf32> to vector<16x480xf32>
    %slice3A_2191 = vector.extract_strided_slice %select_n3A_2182 {offsets = [0, 0], sizes = [16, 32], strides = [1, 1]} : vector<16x512xf32> to vector<16x32xf32>
    %concatenate3A_2192 = tpu.concatenate %slice3A_2190, %slice3A_2191 in 1 : vector<16x480xf32>, vector<16x32xf32> -> vector<16x512xf32>
    %slice3A_2193 = vector.extract_strided_slice %select_n3A_2182 {offsets = [0, 480], sizes = [16, 32], strides = [1, 1]} : vector<16x512xf32> to vector<16x32xf32>
    %slice3A_2194 = vector.extract_strided_slice %select_n3A_2182 {offsets = [0, 0], sizes = [16, 480], strides = [1, 1]} : vector<16x512xf32> to vector<16x480xf32>
    %concatenate3A_2195 = tpu.concatenate %slice3A_2193, %slice3A_2194 in 1 : vector<16x32xf32>, vector<16x480xf32> -> vector<16x512xf32>
    %select_n3A_2196 = arith.select %eq3A_2189, %concatenate3A_2192, %concatenate3A_2195 : vector<16x512xi1>, vector<16x512xf32>
    %slice3A_2197 = vector.extract_strided_slice %select_n3A_2183 {offsets = [0, 32], sizes = [16, 480], strides = [1, 1]} : vector<16x512xi32> to vector<16x480xi32>
    %slice3A_2198 = vector.extract_strided_slice %select_n3A_2183 {offsets = [0, 0], sizes = [16, 32], strides = [1, 1]} : vector<16x512xi32> to vector<16x32xi32>
    %concatenate3A_2199 = tpu.concatenate %slice3A_2197, %slice3A_2198 in 1 : vector<16x480xi32>, vector<16x32xi32> -> vector<16x512xi32>
    %slice3A_2200 = vector.extract_strided_slice %select_n3A_2183 {offsets = [0, 480], sizes = [16, 32], strides = [1, 1]} : vector<16x512xi32> to vector<16x32xi32>
    %slice3A_2201 = vector.extract_strided_slice %select_n3A_2183 {offsets = [0, 0], sizes = [16, 480], strides = [1, 1]} : vector<16x512xi32> to vector<16x480xi32>
    %concatenate3A_2202 = tpu.concatenate %slice3A_2200, %slice3A_2201 in 1 : vector<16x32xi32>, vector<16x480xi32> -> vector<16x512xi32>
    %select_n3A_2203 = arith.select %eq3A_2189, %concatenate3A_2199, %concatenate3A_2202 : vector<16x512xi1>, vector<16x512xi32>
    %and3A_2204 = arith.constant 512 : i32
    %and3A_2205 = vector.broadcast %and3A_2204 : i32 to vector<16x512xi32>
    %and3A_2206 = arith.andi %iota3A, %and3A_2205 : vector<16x512xi32>
    %ne3A_2207 = arith.constant 0 : i32
    %ne3A_2208 = vector.broadcast %ne3A_2207 : i32 to vector<16x512xi32>
    %ne3A_2209 = arith.cmpi ne, %and3A_2206, %ne3A_2208 : vector<16x512xi32>
    %and3A_2210 = arith.andi %ne3A_2209, %eq3A_2189 : vector<16x512xi1>
    %not3A_2211 = arith.constant dense<true> : vector<16x512xi1>
    %not3A_2212 = arith.xori %ne3A_2209, %not3A_2211 : vector<16x512xi1>
    %not3A_2213 = arith.constant dense<true> : vector<16x512xi1>
    %not3A_2214 = arith.xori %eq3A_2189, %not3A_2213 : vector<16x512xi1>
    %and3A_2215 = arith.andi %not3A_2212, %not3A_2214 : vector<16x512xi1>
    %or3A_2216 = arith.ori %and3A_2210, %and3A_2215 : vector<16x512xi1>
    %le3A_2217 = arith.cmpf ole, %select_n3A_2182, %select_n3A_2196 : vector<16x512xf32>
    %lt3A_2218 = arith.cmpf olt, %select_n3A_2182, %select_n3A_2196 : vector<16x512xf32>
    %and3A_2219 = arith.andi %eq3A_2189, %le3A_2217 : vector<16x512xi1>
    %not3A_2220 = arith.constant dense<true> : vector<16x512xi1>
    %not3A_2221 = arith.xori %eq3A_2189, %not3A_2220 : vector<16x512xi1>
    %and3A_2222 = arith.andi %not3A_2221, %lt3A_2218 : vector<16x512xi1>
    %or3A_2223 = arith.ori %and3A_2219, %and3A_2222 : vector<16x512xi1>
    %not3A_2224 = arith.constant dense<true> : vector<16x512xi1>
    %not3A_2225 = arith.xori %le3A_2217, %not3A_2224 : vector<16x512xi1>
    %and3A_2226 = arith.andi %eq3A_2189, %not3A_2225 : vector<16x512xi1>
    %not3A_2227 = arith.constant dense<true> : vector<16x512xi1>
    %not3A_2228 = arith.xori %eq3A_2189, %not3A_2227 : vector<16x512xi1>
    %not3A_2229 = arith.constant dense<true> : vector<16x512xi1>
    %not3A_2230 = arith.xori %lt3A_2218, %not3A_2229 : vector<16x512xi1>
    %and3A_2231 = arith.andi %not3A_2228, %not3A_2230 : vector<16x512xi1>
    %or3A_2232 = arith.ori %and3A_2226, %and3A_2231 : vector<16x512xi1>
    %and3A_2233 = arith.andi %or3A_2216, %or3A_2223 : vector<16x512xi1>
    %not3A_2234 = arith.constant dense<true> : vector<16x512xi1>
    %not3A_2235 = arith.xori %or3A_2216, %not3A_2234 : vector<16x512xi1>
    %and3A_2236 = arith.andi %not3A_2235, %or3A_2232 : vector<16x512xi1>
    %or3A_2237 = arith.ori %and3A_2233, %and3A_2236 : vector<16x512xi1>
    %select_n3A_2238 = arith.select %or3A_2237, %select_n3A_2182, %select_n3A_2196 : vector<16x512xi1>, vector<16x512xf32>
    %select_n3A_2239 = arith.select %or3A_2237, %select_n3A_2183, %select_n3A_2203 : vector<16x512xi1>, vector<16x512xi32>
    %and3A_2240 = arith.constant 16 : i32
    %and3A_2241 = vector.broadcast %and3A_2240 : i32 to vector<16x512xi32>
    %and3A_2242 = arith.andi %iota3A, %and3A_2241 : vector<16x512xi32>
    %eq3A_2243 = arith.constant 0 : i32
    %eq3A_2244 = vector.broadcast %eq3A_2243 : i32 to vector<16x512xi32>
    %eq3A_2245 = arith.cmpi eq, %and3A_2242, %eq3A_2244 : vector<16x512xi32>
    %slice3A_2246 = vector.extract_strided_slice %select_n3A_2238 {offsets = [0, 16], sizes = [16, 496], strides = [1, 1]} : vector<16x512xf32> to vector<16x496xf32>
    %slice3A_2247 = vector.extract_strided_slice %select_n3A_2238 {offsets = [0, 0], sizes = [16, 16], strides = [1, 1]} : vector<16x512xf32> to vector<16x16xf32>
    %concatenate3A_2248 = tpu.concatenate %slice3A_2246, %slice3A_2247 in 1 : vector<16x496xf32>, vector<16x16xf32> -> vector<16x512xf32>
    %slice3A_2249 = vector.extract_strided_slice %select_n3A_2238 {offsets = [0, 496], sizes = [16, 16], strides = [1, 1]} : vector<16x512xf32> to vector<16x16xf32>
    %slice3A_2250 = vector.extract_strided_slice %select_n3A_2238 {offsets = [0, 0], sizes = [16, 496], strides = [1, 1]} : vector<16x512xf32> to vector<16x496xf32>
    %concatenate3A_2251 = tpu.concatenate %slice3A_2249, %slice3A_2250 in 1 : vector<16x16xf32>, vector<16x496xf32> -> vector<16x512xf32>
    %select_n3A_2252 = arith.select %eq3A_2245, %concatenate3A_2248, %concatenate3A_2251 : vector<16x512xi1>, vector<16x512xf32>
    %slice3A_2253 = vector.extract_strided_slice %select_n3A_2239 {offsets = [0, 16], sizes = [16, 496], strides = [1, 1]} : vector<16x512xi32> to vector<16x496xi32>
    %slice3A_2254 = vector.extract_strided_slice %select_n3A_2239 {offsets = [0, 0], sizes = [16, 16], strides = [1, 1]} : vector<16x512xi32> to vector<16x16xi32>
    %concatenate3A_2255 = tpu.concatenate %slice3A_2253, %slice3A_2254 in 1 : vector<16x496xi32>, vector<16x16xi32> -> vector<16x512xi32>
    %slice3A_2256 = vector.extract_strided_slice %select_n3A_2239 {offsets = [0, 496], sizes = [16, 16], strides = [1, 1]} : vector<16x512xi32> to vector<16x16xi32>
    %slice3A_2257 = vector.extract_strided_slice %select_n3A_2239 {offsets = [0, 0], sizes = [16, 496], strides = [1, 1]} : vector<16x512xi32> to vector<16x496xi32>
    %concatenate3A_2258 = tpu.concatenate %slice3A_2256, %slice3A_2257 in 1 : vector<16x16xi32>, vector<16x496xi32> -> vector<16x512xi32>
    %select_n3A_2259 = arith.select %eq3A_2245, %concatenate3A_2255, %concatenate3A_2258 : vector<16x512xi1>, vector<16x512xi32>
    %and3A_2260 = arith.constant 512 : i32
    %and3A_2261 = vector.broadcast %and3A_2260 : i32 to vector<16x512xi32>
    %and3A_2262 = arith.andi %iota3A, %and3A_2261 : vector<16x512xi32>
    %ne3A_2263 = arith.constant 0 : i32
    %ne3A_2264 = vector.broadcast %ne3A_2263 : i32 to vector<16x512xi32>
    %ne3A_2265 = arith.cmpi ne, %and3A_2262, %ne3A_2264 : vector<16x512xi32>
    %and3A_2266 = arith.andi %ne3A_2265, %eq3A_2245 : vector<16x512xi1>
    %not3A_2267 = arith.constant dense<true> : vector<16x512xi1>
    %not3A_2268 = arith.xori %ne3A_2265, %not3A_2267 : vector<16x512xi1>
    %not3A_2269 = arith.constant dense<true> : vector<16x512xi1>
    %not3A_2270 = arith.xori %eq3A_2245, %not3A_2269 : vector<16x512xi1>
    %and3A_2271 = arith.andi %not3A_2268, %not3A_2270 : vector<16x512xi1>
    %or3A_2272 = arith.ori %and3A_2266, %and3A_2271 : vector<16x512xi1>
    %le3A_2273 = arith.cmpf ole, %select_n3A_2238, %select_n3A_2252 : vector<16x512xf32>
    %lt3A_2274 = arith.cmpf olt, %select_n3A_2238, %select_n3A_2252 : vector<16x512xf32>
    %and3A_2275 = arith.andi %eq3A_2245, %le3A_2273 : vector<16x512xi1>
    %not3A_2276 = arith.constant dense<true> : vector<16x512xi1>
    %not3A_2277 = arith.xori %eq3A_2245, %not3A_2276 : vector<16x512xi1>
    %and3A_2278 = arith.andi %not3A_2277, %lt3A_2274 : vector<16x512xi1>
    %or3A_2279 = arith.ori %and3A_2275, %and3A_2278 : vector<16x512xi1>
    %not3A_2280 = arith.constant dense<true> : vector<16x512xi1>
    %not3A_2281 = arith.xori %le3A_2273, %not3A_2280 : vector<16x512xi1>
    %and3A_2282 = arith.andi %eq3A_2245, %not3A_2281 : vector<16x512xi1>
    %not3A_2283 = arith.constant dense<true> : vector<16x512xi1>
    %not3A_2284 = arith.xori %eq3A_2245, %not3A_2283 : vector<16x512xi1>
    %not3A_2285 = arith.constant dense<true> : vector<16x512xi1>
    %not3A_2286 = arith.xori %lt3A_2274, %not3A_2285 : vector<16x512xi1>
    %and3A_2287 = arith.andi %not3A_2284, %not3A_2286 : vector<16x512xi1>
    %or3A_2288 = arith.ori %and3A_2282, %and3A_2287 : vector<16x512xi1>
    %and3A_2289 = arith.andi %or3A_2272, %or3A_2279 : vector<16x512xi1>
    %not3A_2290 = arith.constant dense<true> : vector<16x512xi1>
    %not3A_2291 = arith.xori %or3A_2272, %not3A_2290 : vector<16x512xi1>
    %and3A_2292 = arith.andi %not3A_2291, %or3A_2288 : vector<16x512xi1>
    %or3A_2293 = arith.ori %and3A_2289, %and3A_2292 : vector<16x512xi1>
    %select_n3A_2294 = arith.select %or3A_2293, %select_n3A_2238, %select_n3A_2252 : vector<16x512xi1>, vector<16x512xf32>
    %select_n3A_2295 = arith.select %or3A_2293, %select_n3A_2239, %select_n3A_2259 : vector<16x512xi1>, vector<16x512xi32>
    %and3A_2296 = arith.constant 8 : i32
    %and3A_2297 = vector.broadcast %and3A_2296 : i32 to vector<16x512xi32>
    %and3A_2298 = arith.andi %iota3A, %and3A_2297 : vector<16x512xi32>
    %eq3A_2299 = arith.constant 0 : i32
    %eq3A_2300 = vector.broadcast %eq3A_2299 : i32 to vector<16x512xi32>
    %eq3A_2301 = arith.cmpi eq, %and3A_2298, %eq3A_2300 : vector<16x512xi32>
    %slice3A_2302 = vector.extract_strided_slice %select_n3A_2294 {offsets = [0, 8], sizes = [16, 504], strides = [1, 1]} : vector<16x512xf32> to vector<16x504xf32>
    %slice3A_2303 = vector.extract_strided_slice %select_n3A_2294 {offsets = [0, 0], sizes = [16, 8], strides = [1, 1]} : vector<16x512xf32> to vector<16x8xf32>
    %concatenate3A_2304 = tpu.concatenate %slice3A_2302, %slice3A_2303 in 1 : vector<16x504xf32>, vector<16x8xf32> -> vector<16x512xf32>
    %slice3A_2305 = vector.extract_strided_slice %select_n3A_2294 {offsets = [0, 504], sizes = [16, 8], strides = [1, 1]} : vector<16x512xf32> to vector<16x8xf32>
    %slice3A_2306 = vector.extract_strided_slice %select_n3A_2294 {offsets = [0, 0], sizes = [16, 504], strides = [1, 1]} : vector<16x512xf32> to vector<16x504xf32>
    %concatenate3A_2307 = tpu.concatenate %slice3A_2305, %slice3A_2306 in 1 : vector<16x8xf32>, vector<16x504xf32> -> vector<16x512xf32>
    %select_n3A_2308 = arith.select %eq3A_2301, %concatenate3A_2304, %concatenate3A_2307 : vector<16x512xi1>, vector<16x512xf32>
    %slice3A_2309 = vector.extract_strided_slice %select_n3A_2295 {offsets = [0, 8], sizes = [16, 504], strides = [1, 1]} : vector<16x512xi32> to vector<16x504xi32>
    %slice3A_2310 = vector.extract_strided_slice %select_n3A_2295 {offsets = [0, 0], sizes = [16, 8], strides = [1, 1]} : vector<16x512xi32> to vector<16x8xi32>
    %concatenate3A_2311 = tpu.concatenate %slice3A_2309, %slice3A_2310 in 1 : vector<16x504xi32>, vector<16x8xi32> -> vector<16x512xi32>
    %slice3A_2312 = vector.extract_strided_slice %select_n3A_2295 {offsets = [0, 504], sizes = [16, 8], strides = [1, 1]} : vector<16x512xi32> to vector<16x8xi32>
    %slice3A_2313 = vector.extract_strided_slice %select_n3A_2295 {offsets = [0, 0], sizes = [16, 504], strides = [1, 1]} : vector<16x512xi32> to vector<16x504xi32>
    %concatenate3A_2314 = tpu.concatenate %slice3A_2312, %slice3A_2313 in 1 : vector<16x8xi32>, vector<16x504xi32> -> vector<16x512xi32>
    %select_n3A_2315 = arith.select %eq3A_2301, %concatenate3A_2311, %concatenate3A_2314 : vector<16x512xi1>, vector<16x512xi32>
    %and3A_2316 = arith.constant 512 : i32
    %and3A_2317 = vector.broadcast %and3A_2316 : i32 to vector<16x512xi32>
    %and3A_2318 = arith.andi %iota3A, %and3A_2317 : vector<16x512xi32>
    %ne3A_2319 = arith.constant 0 : i32
    %ne3A_2320 = vector.broadcast %ne3A_2319 : i32 to vector<16x512xi32>
    %ne3A_2321 = arith.cmpi ne, %and3A_2318, %ne3A_2320 : vector<16x512xi32>
    %and3A_2322 = arith.andi %ne3A_2321, %eq3A_2301 : vector<16x512xi1>
    %not3A_2323 = arith.constant dense<true> : vector<16x512xi1>
    %not3A_2324 = arith.xori %ne3A_2321, %not3A_2323 : vector<16x512xi1>
    %not3A_2325 = arith.constant dense<true> : vector<16x512xi1>
    %not3A_2326 = arith.xori %eq3A_2301, %not3A_2325 : vector<16x512xi1>
    %and3A_2327 = arith.andi %not3A_2324, %not3A_2326 : vector<16x512xi1>
    %or3A_2328 = arith.ori %and3A_2322, %and3A_2327 : vector<16x512xi1>
    %le3A_2329 = arith.cmpf ole, %select_n3A_2294, %select_n3A_2308 : vector<16x512xf32>
    %lt3A_2330 = arith.cmpf olt, %select_n3A_2294, %select_n3A_2308 : vector<16x512xf32>
    %and3A_2331 = arith.andi %eq3A_2301, %le3A_2329 : vector<16x512xi1>
    %not3A_2332 = arith.constant dense<true> : vector<16x512xi1>
    %not3A_2333 = arith.xori %eq3A_2301, %not3A_2332 : vector<16x512xi1>
    %and3A_2334 = arith.andi %not3A_2333, %lt3A_2330 : vector<16x512xi1>
    %or3A_2335 = arith.ori %and3A_2331, %and3A_2334 : vector<16x512xi1>
    %not3A_2336 = arith.constant dense<true> : vector<16x512xi1>
    %not3A_2337 = arith.xori %le3A_2329, %not3A_2336 : vector<16x512xi1>
    %and3A_2338 = arith.andi %eq3A_2301, %not3A_2337 : vector<16x512xi1>
    %not3A_2339 = arith.constant dense<true> : vector<16x512xi1>
    %not3A_2340 = arith.xori %eq3A_2301, %not3A_2339 : vector<16x512xi1>
    %not3A_2341 = arith.constant dense<true> : vector<16x512xi1>
    %not3A_2342 = arith.xori %lt3A_2330, %not3A_2341 : vector<16x512xi1>
    %and3A_2343 = arith.andi %not3A_2340, %not3A_2342 : vector<16x512xi1>
    %or3A_2344 = arith.ori %and3A_2338, %and3A_2343 : vector<16x512xi1>
    %and3A_2345 = arith.andi %or3A_2328, %or3A_2335 : vector<16x512xi1>
    %not3A_2346 = arith.constant dense<true> : vector<16x512xi1>
    %not3A_2347 = arith.xori %or3A_2328, %not3A_2346 : vector<16x512xi1>
    %and3A_2348 = arith.andi %not3A_2347, %or3A_2344 : vector<16x512xi1>
    %or3A_2349 = arith.ori %and3A_2345, %and3A_2348 : vector<16x512xi1>
    %select_n3A_2350 = arith.select %or3A_2349, %select_n3A_2294, %select_n3A_2308 : vector<16x512xi1>, vector<16x512xf32>
    %select_n3A_2351 = arith.select %or3A_2349, %select_n3A_2295, %select_n3A_2315 : vector<16x512xi1>, vector<16x512xi32>
    %and3A_2352 = arith.constant 4 : i32
    %and3A_2353 = vector.broadcast %and3A_2352 : i32 to vector<16x512xi32>
    %and3A_2354 = arith.andi %iota3A, %and3A_2353 : vector<16x512xi32>
    %eq3A_2355 = arith.constant 0 : i32
    %eq3A_2356 = vector.broadcast %eq3A_2355 : i32 to vector<16x512xi32>
    %eq3A_2357 = arith.cmpi eq, %and3A_2354, %eq3A_2356 : vector<16x512xi32>
    %slice3A_2358 = vector.extract_strided_slice %select_n3A_2350 {offsets = [0, 4], sizes = [16, 508], strides = [1, 1]} : vector<16x512xf32> to vector<16x508xf32>
    %slice3A_2359 = vector.extract_strided_slice %select_n3A_2350 {offsets = [0, 0], sizes = [16, 4], strides = [1, 1]} : vector<16x512xf32> to vector<16x4xf32>
    %concatenate3A_2360 = tpu.concatenate %slice3A_2358, %slice3A_2359 in 1 : vector<16x508xf32>, vector<16x4xf32> -> vector<16x512xf32>
    %slice3A_2361 = vector.extract_strided_slice %select_n3A_2350 {offsets = [0, 508], sizes = [16, 4], strides = [1, 1]} : vector<16x512xf32> to vector<16x4xf32>
    %slice3A_2362 = vector.extract_strided_slice %select_n3A_2350 {offsets = [0, 0], sizes = [16, 508], strides = [1, 1]} : vector<16x512xf32> to vector<16x508xf32>
    %concatenate3A_2363 = tpu.concatenate %slice3A_2361, %slice3A_2362 in 1 : vector<16x4xf32>, vector<16x508xf32> -> vector<16x512xf32>
    %select_n3A_2364 = arith.select %eq3A_2357, %concatenate3A_2360, %concatenate3A_2363 : vector<16x512xi1>, vector<16x512xf32>
    %slice3A_2365 = vector.extract_strided_slice %select_n3A_2351 {offsets = [0, 4], sizes = [16, 508], strides = [1, 1]} : vector<16x512xi32> to vector<16x508xi32>
    %slice3A_2366 = vector.extract_strided_slice %select_n3A_2351 {offsets = [0, 0], sizes = [16, 4], strides = [1, 1]} : vector<16x512xi32> to vector<16x4xi32>
    %concatenate3A_2367 = tpu.concatenate %slice3A_2365, %slice3A_2366 in 1 : vector<16x508xi32>, vector<16x4xi32> -> vector<16x512xi32>
    %slice3A_2368 = vector.extract_strided_slice %select_n3A_2351 {offsets = [0, 508], sizes = [16, 4], strides = [1, 1]} : vector<16x512xi32> to vector<16x4xi32>
    %slice3A_2369 = vector.extract_strided_slice %select_n3A_2351 {offsets = [0, 0], sizes = [16, 508], strides = [1, 1]} : vector<16x512xi32> to vector<16x508xi32>
    %concatenate3A_2370 = tpu.concatenate %slice3A_2368, %slice3A_2369 in 1 : vector<16x4xi32>, vector<16x508xi32> -> vector<16x512xi32>
    %select_n3A_2371 = arith.select %eq3A_2357, %concatenate3A_2367, %concatenate3A_2370 : vector<16x512xi1>, vector<16x512xi32>
    %and3A_2372 = arith.constant 512 : i32
    %and3A_2373 = vector.broadcast %and3A_2372 : i32 to vector<16x512xi32>
    %and3A_2374 = arith.andi %iota3A, %and3A_2373 : vector<16x512xi32>
    %ne3A_2375 = arith.constant 0 : i32
    %ne3A_2376 = vector.broadcast %ne3A_2375 : i32 to vector<16x512xi32>
    %ne3A_2377 = arith.cmpi ne, %and3A_2374, %ne3A_2376 : vector<16x512xi32>
    %and3A_2378 = arith.andi %ne3A_2377, %eq3A_2357 : vector<16x512xi1>
    %not3A_2379 = arith.constant dense<true> : vector<16x512xi1>
    %not3A_2380 = arith.xori %ne3A_2377, %not3A_2379 : vector<16x512xi1>
    %not3A_2381 = arith.constant dense<true> : vector<16x512xi1>
    %not3A_2382 = arith.xori %eq3A_2357, %not3A_2381 : vector<16x512xi1>
    %and3A_2383 = arith.andi %not3A_2380, %not3A_2382 : vector<16x512xi1>
    %or3A_2384 = arith.ori %and3A_2378, %and3A_2383 : vector<16x512xi1>
    %le3A_2385 = arith.cmpf ole, %select_n3A_2350, %select_n3A_2364 : vector<16x512xf32>
    %lt3A_2386 = arith.cmpf olt, %select_n3A_2350, %select_n3A_2364 : vector<16x512xf32>
    %and3A_2387 = arith.andi %eq3A_2357, %le3A_2385 : vector<16x512xi1>
    %not3A_2388 = arith.constant dense<true> : vector<16x512xi1>
    %not3A_2389 = arith.xori %eq3A_2357, %not3A_2388 : vector<16x512xi1>
    %and3A_2390 = arith.andi %not3A_2389, %lt3A_2386 : vector<16x512xi1>
    %or3A_2391 = arith.ori %and3A_2387, %and3A_2390 : vector<16x512xi1>
    %not3A_2392 = arith.constant dense<true> : vector<16x512xi1>
    %not3A_2393 = arith.xori %le3A_2385, %not3A_2392 : vector<16x512xi1>
    %and3A_2394 = arith.andi %eq3A_2357, %not3A_2393 : vector<16x512xi1>
    %not3A_2395 = arith.constant dense<true> : vector<16x512xi1>
    %not3A_2396 = arith.xori %eq3A_2357, %not3A_2395 : vector<16x512xi1>
    %not3A_2397 = arith.constant dense<true> : vector<16x512xi1>
    %not3A_2398 = arith.xori %lt3A_2386, %not3A_2397 : vector<16x512xi1>
    %and3A_2399 = arith.andi %not3A_2396, %not3A_2398 : vector<16x512xi1>
    %or3A_2400 = arith.ori %and3A_2394, %and3A_2399 : vector<16x512xi1>
    %and3A_2401 = arith.andi %or3A_2384, %or3A_2391 : vector<16x512xi1>
    %not3A_2402 = arith.constant dense<true> : vector<16x512xi1>
    %not3A_2403 = arith.xori %or3A_2384, %not3A_2402 : vector<16x512xi1>
    %and3A_2404 = arith.andi %not3A_2403, %or3A_2400 : vector<16x512xi1>
    %or3A_2405 = arith.ori %and3A_2401, %and3A_2404 : vector<16x512xi1>
    %select_n3A_2406 = arith.select %or3A_2405, %select_n3A_2350, %select_n3A_2364 : vector<16x512xi1>, vector<16x512xf32>
    %select_n3A_2407 = arith.select %or3A_2405, %select_n3A_2351, %select_n3A_2371 : vector<16x512xi1>, vector<16x512xi32>
    %and3A_2408 = arith.constant 2 : i32
    %and3A_2409 = vector.broadcast %and3A_2408 : i32 to vector<16x512xi32>
    %and3A_2410 = arith.andi %iota3A, %and3A_2409 : vector<16x512xi32>
    %eq3A_2411 = arith.constant 0 : i32
    %eq3A_2412 = vector.broadcast %eq3A_2411 : i32 to vector<16x512xi32>
    %eq3A_2413 = arith.cmpi eq, %and3A_2410, %eq3A_2412 : vector<16x512xi32>
    %slice3A_2414 = vector.extract_strided_slice %select_n3A_2406 {offsets = [0, 2], sizes = [16, 510], strides = [1, 1]} : vector<16x512xf32> to vector<16x510xf32>
    %slice3A_2415 = vector.extract_strided_slice %select_n3A_2406 {offsets = [0, 0], sizes = [16, 2], strides = [1, 1]} : vector<16x512xf32> to vector<16x2xf32>
    %concatenate3A_2416 = tpu.concatenate %slice3A_2414, %slice3A_2415 in 1 : vector<16x510xf32>, vector<16x2xf32> -> vector<16x512xf32>
    %slice3A_2417 = vector.extract_strided_slice %select_n3A_2406 {offsets = [0, 510], sizes = [16, 2], strides = [1, 1]} : vector<16x512xf32> to vector<16x2xf32>
    %slice3A_2418 = vector.extract_strided_slice %select_n3A_2406 {offsets = [0, 0], sizes = [16, 510], strides = [1, 1]} : vector<16x512xf32> to vector<16x510xf32>
    %concatenate3A_2419 = tpu.concatenate %slice3A_2417, %slice3A_2418 in 1 : vector<16x2xf32>, vector<16x510xf32> -> vector<16x512xf32>
    %select_n3A_2420 = arith.select %eq3A_2413, %concatenate3A_2416, %concatenate3A_2419 : vector<16x512xi1>, vector<16x512xf32>
    %slice3A_2421 = vector.extract_strided_slice %select_n3A_2407 {offsets = [0, 2], sizes = [16, 510], strides = [1, 1]} : vector<16x512xi32> to vector<16x510xi32>
    %slice3A_2422 = vector.extract_strided_slice %select_n3A_2407 {offsets = [0, 0], sizes = [16, 2], strides = [1, 1]} : vector<16x512xi32> to vector<16x2xi32>
    %concatenate3A_2423 = tpu.concatenate %slice3A_2421, %slice3A_2422 in 1 : vector<16x510xi32>, vector<16x2xi32> -> vector<16x512xi32>
    %slice3A_2424 = vector.extract_strided_slice %select_n3A_2407 {offsets = [0, 510], sizes = [16, 2], strides = [1, 1]} : vector<16x512xi32> to vector<16x2xi32>
    %slice3A_2425 = vector.extract_strided_slice %select_n3A_2407 {offsets = [0, 0], sizes = [16, 510], strides = [1, 1]} : vector<16x512xi32> to vector<16x510xi32>
    %concatenate3A_2426 = tpu.concatenate %slice3A_2424, %slice3A_2425 in 1 : vector<16x2xi32>, vector<16x510xi32> -> vector<16x512xi32>
    %select_n3A_2427 = arith.select %eq3A_2413, %concatenate3A_2423, %concatenate3A_2426 : vector<16x512xi1>, vector<16x512xi32>
    %and3A_2428 = arith.constant 512 : i32
    %and3A_2429 = vector.broadcast %and3A_2428 : i32 to vector<16x512xi32>
    %and3A_2430 = arith.andi %iota3A, %and3A_2429 : vector<16x512xi32>
    %ne3A_2431 = arith.constant 0 : i32
    %ne3A_2432 = vector.broadcast %ne3A_2431 : i32 to vector<16x512xi32>
    %ne3A_2433 = arith.cmpi ne, %and3A_2430, %ne3A_2432 : vector<16x512xi32>
    %and3A_2434 = arith.andi %ne3A_2433, %eq3A_2413 : vector<16x512xi1>
    %not3A_2435 = arith.constant dense<true> : vector<16x512xi1>
    %not3A_2436 = arith.xori %ne3A_2433, %not3A_2435 : vector<16x512xi1>
    %not3A_2437 = arith.constant dense<true> : vector<16x512xi1>
    %not3A_2438 = arith.xori %eq3A_2413, %not3A_2437 : vector<16x512xi1>
    %and3A_2439 = arith.andi %not3A_2436, %not3A_2438 : vector<16x512xi1>
    %or3A_2440 = arith.ori %and3A_2434, %and3A_2439 : vector<16x512xi1>
    %le3A_2441 = arith.cmpf ole, %select_n3A_2406, %select_n3A_2420 : vector<16x512xf32>
    %lt3A_2442 = arith.cmpf olt, %select_n3A_2406, %select_n3A_2420 : vector<16x512xf32>
    %and3A_2443 = arith.andi %eq3A_2413, %le3A_2441 : vector<16x512xi1>
    %not3A_2444 = arith.constant dense<true> : vector<16x512xi1>
    %not3A_2445 = arith.xori %eq3A_2413, %not3A_2444 : vector<16x512xi1>
    %and3A_2446 = arith.andi %not3A_2445, %lt3A_2442 : vector<16x512xi1>
    %or3A_2447 = arith.ori %and3A_2443, %and3A_2446 : vector<16x512xi1>
    %not3A_2448 = arith.constant dense<true> : vector<16x512xi1>
    %not3A_2449 = arith.xori %le3A_2441, %not3A_2448 : vector<16x512xi1>
    %and3A_2450 = arith.andi %eq3A_2413, %not3A_2449 : vector<16x512xi1>
    %not3A_2451 = arith.constant dense<true> : vector<16x512xi1>
    %not3A_2452 = arith.xori %eq3A_2413, %not3A_2451 : vector<16x512xi1>
    %not3A_2453 = arith.constant dense<true> : vector<16x512xi1>
    %not3A_2454 = arith.xori %lt3A_2442, %not3A_2453 : vector<16x512xi1>
    %and3A_2455 = arith.andi %not3A_2452, %not3A_2454 : vector<16x512xi1>
    %or3A_2456 = arith.ori %and3A_2450, %and3A_2455 : vector<16x512xi1>
    %and3A_2457 = arith.andi %or3A_2440, %or3A_2447 : vector<16x512xi1>
    %not3A_2458 = arith.constant dense<true> : vector<16x512xi1>
    %not3A_2459 = arith.xori %or3A_2440, %not3A_2458 : vector<16x512xi1>
    %and3A_2460 = arith.andi %not3A_2459, %or3A_2456 : vector<16x512xi1>
    %or3A_2461 = arith.ori %and3A_2457, %and3A_2460 : vector<16x512xi1>
    %select_n3A_2462 = arith.select %or3A_2461, %select_n3A_2406, %select_n3A_2420 : vector<16x512xi1>, vector<16x512xf32>
    %select_n3A_2463 = arith.select %or3A_2461, %select_n3A_2407, %select_n3A_2427 : vector<16x512xi1>, vector<16x512xi32>
    %and3A_2464 = arith.constant 1 : i32
    %and3A_2465 = vector.broadcast %and3A_2464 : i32 to vector<16x512xi32>
    %and3A_2466 = arith.andi %iota3A, %and3A_2465 : vector<16x512xi32>
    %eq3A_2467 = arith.constant 0 : i32
    %eq3A_2468 = vector.broadcast %eq3A_2467 : i32 to vector<16x512xi32>
    %eq3A_2469 = arith.cmpi eq, %and3A_2466, %eq3A_2468 : vector<16x512xi32>
    %slice3A_2470 = vector.extract_strided_slice %select_n3A_2462 {offsets = [0, 1], sizes = [16, 511], strides = [1, 1]} : vector<16x512xf32> to vector<16x511xf32>
    %slice3A_2471 = vector.extract_strided_slice %select_n3A_2462 {offsets = [0, 0], sizes = [16, 1], strides = [1, 1]} : vector<16x512xf32> to vector<16x1xf32>
    %concatenate3A_2472 = tpu.concatenate %slice3A_2470, %slice3A_2471 in 1 : vector<16x511xf32>, vector<16x1xf32> -> vector<16x512xf32>
    %slice3A_2473 = vector.extract_strided_slice %select_n3A_2462 {offsets = [0, 511], sizes = [16, 1], strides = [1, 1]} : vector<16x512xf32> to vector<16x1xf32>
    %slice3A_2474 = vector.extract_strided_slice %select_n3A_2462 {offsets = [0, 0], sizes = [16, 511], strides = [1, 1]} : vector<16x512xf32> to vector<16x511xf32>
    %concatenate3A_2475 = tpu.concatenate %slice3A_2473, %slice3A_2474 in 1 : vector<16x1xf32>, vector<16x511xf32> -> vector<16x512xf32>
    %select_n3A_2476 = arith.select %eq3A_2469, %concatenate3A_2472, %concatenate3A_2475 : vector<16x512xi1>, vector<16x512xf32>
    %slice3A_2477 = vector.extract_strided_slice %select_n3A_2463 {offsets = [0, 1], sizes = [16, 511], strides = [1, 1]} : vector<16x512xi32> to vector<16x511xi32>
    %slice3A_2478 = vector.extract_strided_slice %select_n3A_2463 {offsets = [0, 0], sizes = [16, 1], strides = [1, 1]} : vector<16x512xi32> to vector<16x1xi32>
    %concatenate3A_2479 = tpu.concatenate %slice3A_2477, %slice3A_2478 in 1 : vector<16x511xi32>, vector<16x1xi32> -> vector<16x512xi32>
    %slice3A_2480 = vector.extract_strided_slice %select_n3A_2463 {offsets = [0, 511], sizes = [16, 1], strides = [1, 1]} : vector<16x512xi32> to vector<16x1xi32>
    %slice3A_2481 = vector.extract_strided_slice %select_n3A_2463 {offsets = [0, 0], sizes = [16, 511], strides = [1, 1]} : vector<16x512xi32> to vector<16x511xi32>
    %concatenate3A_2482 = tpu.concatenate %slice3A_2480, %slice3A_2481 in 1 : vector<16x1xi32>, vector<16x511xi32> -> vector<16x512xi32>
    %select_n3A_2483 = arith.select %eq3A_2469, %concatenate3A_2479, %concatenate3A_2482 : vector<16x512xi1>, vector<16x512xi32>
    %and3A_2484 = arith.constant 512 : i32
    %and3A_2485 = vector.broadcast %and3A_2484 : i32 to vector<16x512xi32>
    %and3A_2486 = arith.andi %iota3A, %and3A_2485 : vector<16x512xi32>
    %ne3A_2487 = arith.constant 0 : i32
    %ne3A_2488 = vector.broadcast %ne3A_2487 : i32 to vector<16x512xi32>
    %ne3A_2489 = arith.cmpi ne, %and3A_2486, %ne3A_2488 : vector<16x512xi32>
    %and3A_2490 = arith.andi %ne3A_2489, %eq3A_2469 : vector<16x512xi1>
    %not3A_2491 = arith.constant dense<true> : vector<16x512xi1>
    %not3A_2492 = arith.xori %ne3A_2489, %not3A_2491 : vector<16x512xi1>
    %not3A_2493 = arith.constant dense<true> : vector<16x512xi1>
    %not3A_2494 = arith.xori %eq3A_2469, %not3A_2493 : vector<16x512xi1>
    %and3A_2495 = arith.andi %not3A_2492, %not3A_2494 : vector<16x512xi1>
    %or3A_2496 = arith.ori %and3A_2490, %and3A_2495 : vector<16x512xi1>
    %le3A_2497 = arith.cmpf ole, %select_n3A_2462, %select_n3A_2476 : vector<16x512xf32>
    %lt3A_2498 = arith.cmpf olt, %select_n3A_2462, %select_n3A_2476 : vector<16x512xf32>
    %and3A_2499 = arith.andi %eq3A_2469, %le3A_2497 : vector<16x512xi1>
    %not3A_2500 = arith.constant dense<true> : vector<16x512xi1>
    %not3A_2501 = arith.xori %eq3A_2469, %not3A_2500 : vector<16x512xi1>
    %and3A_2502 = arith.andi %not3A_2501, %lt3A_2498 : vector<16x512xi1>
    %or3A_2503 = arith.ori %and3A_2499, %and3A_2502 : vector<16x512xi1>
    %not3A_2504 = arith.constant dense<true> : vector<16x512xi1>
    %not3A_2505 = arith.xori %le3A_2497, %not3A_2504 : vector<16x512xi1>
    %and3A_2506 = arith.andi %eq3A_2469, %not3A_2505 : vector<16x512xi1>
    %not3A_2507 = arith.constant dense<true> : vector<16x512xi1>
    %not3A_2508 = arith.xori %eq3A_2469, %not3A_2507 : vector<16x512xi1>
    %not3A_2509 = arith.constant dense<true> : vector<16x512xi1>
    %not3A_2510 = arith.xori %lt3A_2498, %not3A_2509 : vector<16x512xi1>
    %and3A_2511 = arith.andi %not3A_2508, %not3A_2510 : vector<16x512xi1>
    %or3A_2512 = arith.ori %and3A_2506, %and3A_2511 : vector<16x512xi1>
    %and3A_2513 = arith.andi %or3A_2496, %or3A_2503 : vector<16x512xi1>
    %not3A_2514 = arith.constant dense<true> : vector<16x512xi1>
    %not3A_2515 = arith.xori %or3A_2496, %not3A_2514 : vector<16x512xi1>
    %and3A_2516 = arith.andi %not3A_2515, %or3A_2512 : vector<16x512xi1>
    %or3A_2517 = arith.ori %and3A_2513, %and3A_2516 : vector<16x512xi1>
    %select_n3A_2518 = arith.select %or3A_2517, %select_n3A_2462, %select_n3A_2476 : vector<16x512xi1>, vector<16x512xf32>
    %select_n3A_2519 = arith.select %or3A_2517, %select_n3A_2463, %select_n3A_2483 : vector<16x512xi1>, vector<16x512xi32>
    %transpose3A = tpu.transpose %select_n3A_2518, [1, 0] : vector<16x512xf32> -> vector<512x16xf32>
    %swap3A = arith.constant 0 : index
    %swap3A_2520 = arith.constant 0 : index
    %swap3A_2521 = vector.load %arg1[%swap3A, %swap3A_2520] : memref<512x16xf32, #tpu.memory_space<vmem>>, vector<512x16xf32>
    tpu.vector_store %arg1[%swap3A, %swap3A_2520], %transpose3A {strides = array<i32>} : memref<512x16xf32, #tpu.memory_space<vmem>>, vector<512x16xf32>,
    %swap3A_2522 = arith.constant 0 : index
    %swap3A_2523 = arith.constant 0 : index
    %swap3A_2524 = vector.load %arg2[%swap3A_2522, %swap3A_2523] : memref<16x512xi32, #tpu.memory_space<vmem>>, vector<16x512xi32>
    tpu.vector_store %arg2[%swap3A_2522, %swap3A_2523], %select_n3A_2519 {strides = array<i32>} : memref<16x512xi32, #tpu.memory_space<vmem>>, vector<16x512xi32>,
    return
  }
}

</mosaic_0001>

<sc_bundles>
// kernel: kernel.5.cloned.1.call-start
scs
__scs_entry_jumppad:
0x0: {  	(pc) =	sbr.rel $0x88, $3  }
0x1: {  	(tag) =	ssettag $0x0;
	lr =	simm.s32 $0x1  }
0x2: {  	[smem:$0x3F98] =	sst lr;
	_ =	strace $0xD0000000  }
0x3: {  	_ = 	snop  }
0x4: {  	_ = 	snop  }
0x5: {  	_ = 	snop  }
0x6: {  	_ = 	snop  }
0x7: {  	_ = 	snop  }
__scs_overlays_trampoline_lowered:
0x8: {  	[smem:$0x3FA7] =	sst s0  }
0x9: {  	[smem:$0x3FA8] =	sst s1  }
0xa: {  	[smem:$0x3FA9] =	sst s2  }
0xb: {  	[smem:$0x3FAA] =	sst s3  }
0xc: {  	[smem:$0x3FAB] =	sst s4  }
0xd: {  	[smem:$0x3FAC] =	sst s5  }
0xe: {  	[smem:$0x3FAD] =	sst s6  }
0xf: {  	[smem:$0x3FAE] =	sst s7  }
0x10: {  	[smem:$0x3FAF] =	sst s8  }
0x11: {  	[smem:$0x3FB0] =	sst s9;
	s0 =	simm.s32 @!p0 $0x0  }
0x12: {  	s1 =	sld [smem:$0x3F96];
	s0 =	simm.s32 @p0 $0x1  }
0x13: {  	[smem:$0x3FB1] =	sst s0;
	s0 =	simm.s32 @!p1 $0x0  }
0x14: {  	s2 =	sld [smem:$0x3F95];
	s0 =	simm.s32 @p1 $0x1  }
0x15: {  	[smem:$0x3FB2] =	sst s0;
	s0 =	simm.s32 @!p2 $0x0  }
0x16: {  	s3 =	sld [smem:$0x3FDB];
	s0 =	simm.s32 @p2 $0x1  }
0x17: {  	s4 =	simm.s32 $0x1BF5;
	[smem:$0x3FB4] =	sst s0  }
0x18: {  	s0 =	sld [smem:$0x3F97];
	_ =	swait.ge [sflag:s4], $0x0  }
0x19: {  	s7 =	sld [smem:$0x3F98]  }
0x1a: {  	s8 =	sadd.s32 $0xFFFFE003, lr  }
0x1b: {  	s9 =	sadd.s32 $0xFFFFFEF7, lr;
	s5 =	simm.s32 $0xFFFFFFFF;
	p2 =	slt.u32 s8, $0xFFFFF086  }
0x1c: {  	p1 =	slt.u32 s9, $0xF7A;
	s5 =	simm.s32 @!p2 $0x0  }
0x1d: {  	s5 =	simm.s32 @p1 $0x1;
	p0 =	seq.s32 s7, s2  }
0x1e: {  	s7 =	smul.u32 @!p0 $0xF7A, s2;
	p2 =	seq.s32 @!p0 s5, $0x0  }
0x1f: {  	s9 =	smul.u32 $0xF7A, s1;
	s8 =	simm.s32 @!p0 $0x1BF5;
	p2 =	por !p2, p0  }
0x20: {  	[sflag:s8] =	ssyncset.s32 @!p0 $0xFFFFF086;
	s6 =	sadd.s32 @!p0 s3, s7;
	s7 =	simm.s32 @!p0 $0x108  }
0x21: {  	s3 =	sadd.s32 s3, s9;
	s6 =	sadd.s32 @!p0 $0x88, s6;
	s7 =	simm.s32 @p2 $0x1082  }
0x22: {  	[simem:s7], [sflag:s8] =	dma.local @!p0 [hbm:s6], $0xF7A  }
0x23: {  	s9 =	sor.u32 $0xD0000000, s2;
	s6 =	simm.s32 $0x108;
	_ =	swait.ge @!p0 [sflag:s8], $0x0  }
0x24: {  	s3 =	sadd.s32 $0x88, s3;
	s6 =	simm.s32 @!p1 $0x1082;
	[sflag:s4] =	ssyncset.s32 $0xFFFFF086  }
0x25: {  	[simem:s6], [sflag:s4] =	dma.local [hbm:s3], $0xF7A  }
0x26: {  	[smem:$0x3F98] =	sst s1;
	(tag) =	ssettag s2;
	_ =	strace s9  }
0x27: {  	s1 =	sld [smem:$0x3FA8]  }
0x28: {  	s2 =	sld [smem:$0x3FA9]  }
0x29: {  	s4 =	sld [smem:$0x3FAB]  }
0x2a: {  	p0 =	seq.s32 s5, $0x0;
	s5 =	sld [smem:$0x3FAC]  }
0x2b: {  	s6 =	sld [smem:$0x3FAD]  }
0x2c: {  	s7 =	sld [smem:$0x3FAE]  }
0x2d: {  	s3 =	simm.s32 $0x108;
	s8 =	sld [smem:$0x3FAF]  }
0x2e: {  	s3 =	simm.s32 @!p0 $0x1082;
	s9 =	sld [smem:$0x3FB0]  }
0x2f: {  	lr =	sadd.s32 s0, s3;
	s0 =	sld [smem:$0x3FA7]  }
0x30: {  	s3 =	sld [smem:$0x3FAA]  }
0x31: {  	[smem:$0x3FB3] =	sst s10  }
0x32: {  	s10 =	sld [smem:$0x3FB1];
	_ =	sdelay $0x3  }
0x33: {  	p0 =	seq.s32 s10, $0x1;
	s10 =	sld [smem:$0x3FB3];
	_ =	sdelay $0x3  }
0x34: {  	[smem:$0x3FB3] =	sst s10  }
0x35: {  	s10 =	sld [smem:$0x3FB2];
	_ =	sdelay $0x3  }
0x36: {  	p1 =	seq.s32 s10, $0x1;
	s10 =	sld [smem:$0x3FB3];
	_ =	sdelay $0x3  }
0x37: {  	[smem:$0x3FB3] =	sst s10  }
0x38: {  	s10 =	sld [smem:$0x3FB4]  }
0x39: {  	_ = 	snop;
	(pc) =	sbr.ind lr, $3  }
0x3a: {  	_ = 	snop  }
0x3b: {  	_ = 	snop  }
0x3c: {  	p2 =	seq.s32 s10, $0x1;
	s10 =	sld [smem:$0x3FB3]  }
0x3d: {  	_ =	shalt  }
0x3e: {  	_ =	shalt  }
0x3f: {  	_ =	shalt  }
0x40: {  	_ =	shalt  }
0x41: {  	_ =	shalt  }
0x42: {  	_ =	shalt  }
0x43: {  	_ =	shalt  }
0x44: {  	_ =	shalt  }
0x45: {  	_ =	shalt  }
0x46: {  	_ =	shalt  }
0x47: {  	_ =	shalt  }
0x48: {  	_ =	shalt  }
0x49: {  	_ =	shalt  }
0x4a: {  	_ =	shalt  }
0x4b: {  	_ =	shalt  }
0x4c: {  	_ =	shalt  }
0x4d: {  	_ =	shalt  }
0x4e: {  	_ =	shalt  }
0x4f: {  	_ =	shalt  }
0x50: {  	_ =	shalt  }
0x51: {  	_ =	shalt  }
0x52: {  	_ =	shalt  }
0x53: {  	_ =	shalt  }
0x54: {  	_ =	shalt  }
0x55: {  	_ =	shalt  }
0x56: {  	_ =	shalt  }
0x57: {  	_ =	shalt  }
0x58: {  	_ =	shalt  }
0x59: {  	_ =	shalt  }
0x5a: {  	_ =	shalt  }
0x5b: {  	_ =	shalt  }
0x5c: {  	_ =	shalt  }
0x5d: {  	_ =	shalt  }
0x5e: {  	_ =	shalt  }
0x5f: {  	_ =	shalt  }
0x60: {  	_ =	shalt  }
0x61: {  	_ =	shalt  }
0x62: {  	_ =	shalt  }
0x63: {  	_ =	shalt  }
0x64: {  	_ =	shalt  }
0x65: {  	_ =	shalt  }
0x66: {  	_ =	shalt  }
0x67: {  	_ =	shalt  }
0x68: {  	_ =	shalt  }
0x69: {  	_ =	shalt  }
0x6a: {  	_ =	shalt  }
0x6b: {  	_ =	shalt  }
0x6c: {  	_ =	shalt  }
0x6d: {  	_ =	shalt  }
0x6e: {  	_ =	shalt  }
0x6f: {  	_ =	shalt  }
0x70: {  	_ =	shalt  }
0x71: {  	_ =	shalt  }
0x72: {  	_ =	shalt  }
0x73: {  	_ =	shalt  }
0x74: {  	_ =	shalt  }
0x75: {  	_ =	shalt  }
0x76: {  	_ =	shalt  }
0x77: {  	_ =	shalt  }
0x78: {  	_ =	shalt  }
0x79: {  	_ =	shalt  }
0x7a: {  	_ =	shalt  }
0x7b: {  	_ =	shalt  }
0x7c: {  	_ =	shalt  }
0x7d: {  	_ =	shalt  }
0x7e: {  	_ =	shalt  }
0x7f: {  	_ =	shalt  }
0x80: {  	_ =	shalt  }
0x81: {  	_ =	shalt  }
0x82: {  	_ =	shalt  }
0x83: {  	_ =	shalt  }
0x84: {  	_ =	shalt  }
0x85: {  	_ =	shalt  }
0x86: {  	_ =	shalt  }
0x87: {  	_ =	shalt  }
.Lfunc_end0:
.L_simem_size_0:
called_computation_lowered:
.L_overlay_start_0:
0x88: {  	s2 =	sld [smem:$0x3FD9]  }
0x89: {  	s3 =	sld [smem:$0x3FFE];
	_ =	sdelay $0x1  }
0x8a: {  	s1 =	srdreg.scid  }
0x8b: {  	s0 =	sand.u32 $0x1, s1  }
0x8c: {  	s14 =	sshll.u32 s0, $0xA;
	s2 =	sadd.s32 s3, s2  }
0x8d: {  	s2 =	sadd.s32 s2, s14  }
0x8e: {  	[smem:$0x3FBF] =	sst s2  }
0x8f: {  	_ = 	snop  }
0x90: {  	s2 =	sld [smem:$0x3FD0];
	_ =	sdelay $0x2  }
0x91: {  	s15 =	simm.s32 $0xA;
	s4 =	simm.s32 $0x10  }
0x92: {  	[smem:s4], [sflag:s15] =	dma.local [hbm:s2], $0x1  }
0x93: {  	_ =	swait.eq [sflag:s15], $0x1  }
0x94: {  	[sflag:s15] =	ssyncset.done $0x0  }
0x95: {  	s16 =	sld [smem:$0x10];
	[sflag:s15] =	ssyncadd.s32 $0xFFFFFFFF  }
0x96: {  	s17 =	sld [smem:$0x11];
	(tm) =	ssettm $0x1  }
0x97: {  	s18 =	sld [smem:$0x3FFB];
	_ =	sdelay $0x3  }
0x98: {  	_ =	strace s18  }
0x99: {  	s4 =	sld [smem:$0x3FFC];
	_ =	sdelay $0x3  }
0x9a: {  	_ =	strace s4  }
0x9b: {  	s4 =	sld [smem:$0x3FFD];
	_ =	sdelay $0x3  }
0x9c: {  	_ =	strace s4  }
0x9d: {  	_ =	strace $0x8FFFFFFF  }
0x9e: {  	s19 =	sld [smem:$0x3FDB];
	_ =	sdelay $0x1  }
0x9f: {  	s5 =	simm.s32 $_scs_section_size  }
0xa0: {  	s6 =	simm.s32 $_size__tile_overlayer_lowered;
	s7 =	simm.s32 $_tile_overlayer_lowered  }
0xa1: {  	s22 =	simm.s32 $0x1BFF;
	s21 =	sshll.u32 s7, $0x1;
	s4 =	sadd.s32 s5, s19  }
0xa2: {  	s8 =	simm.s32 $0x0;
	s20 =	sshll.u32 s6, $0x1;
	s6 =	sadd.s32 s21, s4  }
0xa3: {  	[timem:s8], [sflag:s22] =	dma.local [hbm:s6], s20  }
0xa4: {  	_ =	swait.ge [sflag:s22], s20  }
0xa5: {  	s5 =	ssub.s32 $0x0, s20;
	[sflag:s22] =	ssyncset.done $0x0  }
0xa6: {  	[sflag:s22] =	ssyncadd.s32 s5;
	_ =	sdelay $0x1  }
0xa7: {  	s23 =	simm.s32 $0x1B8B  }
0xa8: {  	_ =	swait.ge [sflag:s23], $0x1  }
0xa9: {  	[sflag:s23] =	ssyncset.done $0x0  }
0xaa: {  	s25 =	simm.s32 $0x1B8E;
	s24 =	sld [smem:$0x3FFE];
	[sflag:s23] =	ssyncadd.s32 $0xFFFFFFFF  }
0xab: {  	s26 =	simm.s32 $execute0_lowered;
	[smem:$0x3FD2] =	sst s25  }
0xac: {  	s6 =	sshll.u32 s26, $0x1;
	_ =	strace $0x80000046;
	[dreg:$0x1] =	wrdreg $0xFFFFFFFF  }
0xad: {  	s28 =	simm.s32 $_size_execute0_lowered;
	s4 =	sadd.s32 s4, s6;
	[dreg:$0x0] =	wrdreg $0x0  }
0xae: {  	s6 =	sshll.u32 s28, $0x1;
	[dreg:$0x2] =	wrdreg s4  }
0xaf: {  	[dreg:$0x3] =	wrdreg s6  }
0xb0: {  	[dreg:$0x4] =	wrdreg $0xC0  }
0xb1: {  	_ =	task [dreg:s8], $0x5FFFF  }
0xb2: {  	[dreg:$0x1] =	wrdreg $0xFFFFFFFF  }
0xb3: {  	[dreg:$0x0] =	wrdreg $0x60  }
0xb4: {  	[dreg:$0x2] =	wrdreg s17  }
0xb5: {  	[dreg:$0x3] =	wrdreg s16  }
0xb6: {  	[dreg:$0x4] =	wrdreg s24  }
0xb7: {  	[dreg:$0x5] =	wrdreg $0x9  }
0xb8: {  	_ =	task.clear_ibuf [dreg:s8], $0x6FFFF;
	_ =	strace $0x90000046  }
0xb9: {  	s29 =	simm.s32 $0x9;
	_ =	strace $0x80000048  }
0xba: {  	_ =	swait.ge [sflag:s29], $0x1  }
0xbb: {  	[sflag:s29] =	ssyncadd.s32 $0xFFFFFFFF  }
0xbc: {  	_ =	strace $0x90000048  }
0xbd: {  	_ =	sfence  }
0xbe: {  	s30 =	sld [smem:$0x0];
	_ =	sdelay $0x2  }
0xbf: {  	s31 =	sshll.u32 s1, $0xD;
	s1 =	sshrl.u32 s1, $0x2  }
0xc0: {  	s3 =	sand.u32 $0x4000, s31;
	s1 =	sadd.s32 s1, s30  }
0xc1: {  	s0 =	sor.u32 s3, s0;
	s1 =	sshll.u32 s1, $0x11  }
0xc2: {  	s0 =	sor.u32 s1, s0  }
0xc3: {  	s0 =	sadd.s32 $0x8F2B, s0  }
0xc4: {  	[sflag:s0] =	ssyncadd.remote.s32 $0x1  }
0xc5: {  	_ =	sfence.sel $0xFFFF  }
0xc6: {  	[dreg:$0x0] =	wrdreg $0xFFFFFFFF;
	(pc) =	sbr.abs _section_cstart, $3  }
0xc7: {  	[dreg:$0x1] =	wrdreg $0xFFFFFFFF  }
0xc8: {  	_ =	task.clear_ibuf [dreg:s8], $0x2FFFF;
	_ =	strace $0x9FFFFFFF  }
0xc9: {  	(tm) =	ssettm $0x7FFFFFFF  }
tec
execute0_lowered:
.L_overlay_start_1:
0x0: {  	(tag) =	ssettag $0x1  }
0x1: {  	s2 =	stileid.u32  }
0x2: {  	p0 =	sgt.u32 s2, $0x7  }
.Ltmp0:
0x3: {  	s1 =	rddreg [dreg:$0x0];
	(pc) =	sbr.rel @p0 .LBB2_9-.Ltmp0, $4  }
0x4: {  	s5 =	rddreg [dreg:$0x1]  }
0x5: {  	s4 =	rddreg [dreg:$0x2];
	s3 =	simm.s32 $0x0  }
0x6: {  	[smem:$0x7FF] =	sst s3  }
0x7: {  	s0 =	rddreg [dreg:$0x3];
	_ =	strace $0x80000047  }
0x8: {  	v0 =	vlaneseq.u32;
	s6 =	srdreg.scid;
	v34 =	vimm.f32 $0.0e+00;
	v35 =	vimm.s32 $0x8  }
0x9: {  	s7 =	sshll.u32 s2, $0x1;
	v36 =	vimm.s32 $0x7;
	v37 =	vimm.s32 $0x6;
	v31 =	vmul.u32 $0x10, v0;
	s6 =	sand.u32 $0x1, s6  }
0xa: {  	v38 =	vimm.s32 $0x5;
	v39 =	vimm.s32 $0x4;
	v40 =	vimm.s32 $0x3;
	s8 =	sor.u32 s6, s7  }
0xb: {  	v2 =	vor.u32 $0x100, v31;
	v1 =	vor.u32 s8, v31;
	v3 =	vor.u32 $0x200, v31  }
0xc: {  	v4 =	vor.u32 $0x300, v31;
	v5 =	vor.u32 $0x400, v31;
	v6 =	vor.u32 $0x500, v31  }
0xd: {  	v7 =	vor.u32 $0x600, v31;
	v8 =	vor.u32 $0x700, v31;
	v9 =	vor.u32 $0x800, v31  }
0xe: {  	v10 =	vor.u32 $0x900, v31;
	v11 =	vor.u32 $0xA00, v31;
	v12 =	vor.u32 $0xB00, v31  }
0xf: {  	v13 =	vor.u32 $0xC00, v31;
	v14 =	vor.u32 $0xD00, v31;
	v15 =	vor.u32 $0xE00, v31  }
0x10: {  	v16 =	vor.u32 $0xF00, v31;
	v17 =	vor.u32 $0x1000, v31;
	v18 =	vor.u32 $0x1100, v31  }
0x11: {  	v19 =	vor.u32 $0x1200, v31;
	v20 =	vor.u32 $0x1300, v31;
	v21 =	vor.u32 $0x1400, v31  }
0x12: {  	v22 =	vor.u32 $0x1500, v31;
	v23 =	vor.u32 $0x1600, v31;
	v24 =	vor.u32 $0x1700, v31  }
0x13: {  	v25 =	vor.u32 $0x1800, v31;
	v26 =	vor.u32 $0x1900, v31;
	v27 =	vor.u32 $0x1A00, v31  }
0x14: {  	v28 =	vor.u32 $0x1B00, v31;
	v29 =	vor.u32 $0x1C00, v31;
	v30 =	vor.u32 $0x1D00, v31  }
0x15: {  	v32 =	vor.u32 $0x1E00, v31;
	v33 =	vor.u32 $0x1F00, v31;
	v2 =	vor.u32 s8, v2  }
0x16: {  	v3 =	vor.u32 s8, v3;
	v4 =	vor.u32 s8, v4;
	v5 =	vor.u32 s8, v5  }
0x17: {  	v6 =	vor.u32 s8, v6;
	v7 =	vor.u32 s8, v7;
	v8 =	vor.u32 s8, v8  }
0x18: {  	v9 =	vor.u32 s8, v9;
	v10 =	vor.u32 s8, v10;
	v11 =	vor.u32 s8, v11  }
0x19: {  	s29 =	sshll.u32 s2, $0x7;
	s12 =	simm.s32 $0x400;
	s13 =	simm.s32 $0x8000;
	v12 =	vor.u32 s8, v12;
	v13 =	vor.u32 s8, v13;
	v14 =	vor.u32 s8, v14  }
0x1a: {  	s14 =	simm.s32 $0x1;
	s15 =	simm.s32 $0x8200;
	s16 =	simm.s32 $0x6000;
	v15 =	vor.u32 s8, v15;
	v16 =	vor.u32 s8, v16;
	v17 =	vor.u32 s8, v17  }
0x1b: {  	s17 =	simm.s32 $0x8400;
	s18 =	simm.s32 $0x8600;
	s10 =	ssub.s32 $0x2, s6;
	v18 =	vor.u32 s8, v18;
	v19 =	vor.u32 s8, v19;
	v20 =	vor.u32 s8, v20  }
0x1c: {  	s19 =	simm.s32 $0x0;
	s9 =	sshll.u32 s8, $0x4;
	s11 =	sshrl.u32 s10, $0x1;
	v21 =	vor.u32 s8, v21;
	v22 =	vor.u32 s8, v22;
	v23 =	vor.u32 s8, v23  }
0x1d: {  	s7 =	sor.u32 s29, s9;
	v24 =	vor.u32 s8, v24;
	v25 =	vor.u32 s8, v25;
	v26 =	vor.u32 s8, v26;
	s31 =	ssub.s32 s10, s11;
	s9 =	simm.s32 $0x2000  }
0x1e: {  	v27 =	vor.u32 s8, v27;
	v28 =	vor.u32 s8, v28;
	v29 =	vor.u32 s8, v29;
	s10 =	simm.s32 $0x4000;
	s11 =	simm.s32 $0x80;
	s7 =	sand.u32 $0x270, s7  }
0x1f: {  	v30 =	vor.u32 s8, v30;
	v31 =	vor.u32 s8, v32;
	v32 =	vor.u32 s8, v33;
	s8 =	smax.u32 s31, $0x1;
	s30 =	sadd.s32 s7, s4;
	s4 =	sadd.s32 s5, s7  }
0x20: {  	v41 =	vimm.s32 $0x2;
	v42 =	vimm.s32 $0x1;
	v33 =	vimm.s32 $0x0;
	s5 =	sadd.s32 $0x270, s5;
	s6 =	sadd.s32 $0x1600, s30;
	s7 =	sadd.s32 $0x1A00, s30  }
.LBB2_2:
0x21: {  	[tilespmem:s3], [sflag:$0x1] =	stream.linear.gather [hbm4b:s1+s3], $0x2000, $0x38;
	[tilespmem:$0x8800] =	vst v63  }
0x22: {  	_ =	swait.ge [sflag:s14], $0x2000  }
0x23: {  	[sflag:s14] =	ssyncset.done $0x0  }
0x24: {  	[sflag:s14] =	ssyncadd.s32 $0xFFFFE000  }
0x25: {  	v43 =	vld [tilespmem:$0x0];
	_ =	sdelay $0x4  }
0x26: {  	v45 =	vimm.s32 $0x0;
	s20 =	simm.s32 $0x1;
	v44 =	vadd.f32 $-5.120000000e+02, v43;
	v43 =	vimm.f32 $1.000000000e+00  }
.LBB2_3:
0x27: {  	s21 =	sshll.u32 s20, $0x4  }
0x28: {  	s21 =	sand.u32 $0x3FFFFFF0, s21  }
0x29: {  	v46 =	vshll.u32 v45, $0x4;
	s31 =	scvt.s32.f32 s20;
	v47 =	vld [tilespmem:s21+$0x0]  }
0x2a: {  	v46 =	vor.u32 v0, v46  }
0x2b: {  	s21 =	ssub.f32 $5.120000000e+02, s31;
	_ =	sdelay $0x1  }
0x2c: {  	v48 =	vmov s21  }
0x2d: {  	v47 =	vsub.f32 v47, v48  }
0x2e: {  	[tilespmem:v46+s9+$0x0] =	vst.idx.msk $0xffff, v44  }
0x2f: {  	v45 =	vadd.s32 $0x1, v45;
	[tilespmem:v46+s10+$0x0] =	vst.idx.msk $0xffff, v43;
	v43 =	vimm.f32 $1.000000000e+00;
	v44 =	vmov v47  }
.LBB2_4:
0x30: {  	v46 =	vadd.s32 $0xFFFFFFFF, v45  }
0x31: {  	vm0 =	vgt.s32 v46, $0x0  }
0x32: {  	v46 =	vnsel vm0, $0x0, v46  }
0x33: {  	v46 =	vshll.u32 v46, $0x4  }
0x34: {  	v46 =	vor.u32 v0, v46;
	_ =	sdelay $0x4  }
0x35: {  	v47 =	vld.idx.msk [tilespmem:v46+s9+$0x0], $0xffff  }
0x36: {  	v46 =	vld.idx.msk [tilespmem:v46+s10+$0x0], $0xffff;
	_ =	sdelay $0x4  }
0x37: {  	v48 =	vmul.f32 v46, v44;
	v49 =	vmul.f32 v47, v43;
	_ =	sdelay $0x1  }
0x38: {  	vm15 =	vgt.s32 v45, $0x0;
	vm1 =	vgt.f32 v48, v49  }
0x39: {  	vm0 =	vmand vm15, vm1  }
0x3a: {  	v62 =	vsel vm0, $0x3F800000, v34  }
0x3b: {  	(xrf0) =	vmax.scan.msk.f32 $0xffff, v62;
	_ =	sdelay $0x5  }
0x3c: {  	v48, _, _ =	vpop (xrf0)  }
0x3d: {  	(v2sf) =	vpush v48, $0xF;
	_ =	sdelay $0xe  }
0x3e: {  	s21 =	spop (v2sf)  }
0x3f: {  	p0 =	sgt.f32 s21, $0.0e+00  }
.Ltmp1:
0x40: {  	_ = 	snop;
	(pc) =	sbr.rel @p0 .LBB2_4-.Ltmp1, $4  }
0x41: {  	_ = 	snop  }
0x42: {  	v47 =	vadd.f32 v47, v44;
	v46 =	vadd.f32 v46, v43  }
0x43: {  	v63 =	vsel vm0, $0xFFFFFFFF, v33  }
0x44: {  	v44 =	vsel vm0, v47, v44;
	v43 =	vsel vm0, v46, v43;
	v45 =	vadd.s32 v63, v45  }
0x45: {  	s20 =	sadd.s32 $0x1, s20  }
0x46: {  	p0 =	sne.s32 s20, $0x200  }
.Ltmp2:
0x47: {  	_ = 	snop;
	(pc) =	sbr.rel @p0 .LBB2_3-.Ltmp2, $1  }
0x48: {  	_ =	sdelay $0x3  }
0x49: {  	v45 =	vshll.u32 v45, $0x4  }
0x4a: {  	v46 =	vimm.s32 $0x0;
	v45 =	vor.u32 v0, v45  }
0x4b: {  	v47 =	vshll.u32 v46, $0x4  }
0x4c: {  	v47 =	vor.u32 v0, v47;
	_ =	sdelay $0x2  }
0x4d: {  	[tilespmem:v45+s9+$0x0] =	vst.idx.msk $0xffff, v44  }
0x4e: {  	[tilespmem:v45+s10+$0x0] =	vst.idx.msk $0xffff, v43  }
0x4f: {  	v43 =	vld.idx.msk [tilespmem:v47+s10+$0x0], $0xffff;
	_ =	sdelay $0x4  }
0x50: {  	(erf) = vrcp.f32 v43;
	_ =	sdelay $0x2  }
0x51: {  	s20 =	simm.s32 $0x0  }
0x52: {  	s21 =	scvt.s32.f32 s20  }
0x53: {  	v44 =	vld.idx.msk [tilespmem:v47+s9+$0x0], $0xffff  }
0x54: {  	v61 =	vimm.f32 $0.0e+00;
	v62 =	vmov s21  }
0x55: {  	vm0 =	vge.f32 v62, v61  }
0x56: {  	v49 =	vsel vm0, $0x1, v33;
	v48 =	vld [tilespmem:s20+$0x0]  }
0x57: {  	v45 =	vadd.s32 v49, v46;
	v63 =	vpop (erf)  }
0x58: {  	v46 =	vshll.u32 v45, $0x4;
	v44 =	vmul.f32 v63, v44  }
0x59: {  	v46 =	vor.u32 v0, v46;
	v50 =	vadd.f32 v43, v61  }
0x5a: {  	v43 =	vsel vm0, v44, v61  }
0x5b: {  	s22 =	simm.s32 $0x1;
	s23 =	simm.s32 $0x2;
	s21 =	simm.s32 $0x6000;
	v44 =	vsel vm0, v50, v61;
	v47 =	vsub.f32 v48, v43  }
.LBB2_7:
0x5c: {  	_ = 	snop  }
0x5d: {  	p0 =	sne.s32 s23, $0x1FF;
	s20 =	sadd.s32 $0x10, s20;
	[tilespmem:s21+$0x0] =	vst v47;
	s21 =	sadd.s32 $0x10, s21  }
0x5e: {  	s24 =	smov.u32 s23;
	s23 =	sadd.s32 $0x1, s23;
	v47 =	vld.idx.msk [tilespmem:v46+s10+$0x0], $0xffff;
	_ =	sdelay $0x3  }
0x5f: {  	s25 =	scvt.s32.f32 s22;
	s22 =	smov.u32 s24;
	_ =	sdelay $0x1  }
0x60: {  	v48 =	vmov s25;
	v49 =	vadd.f32 v47, v44;
	(erf) = vrcp.f32 v47  }
0x61: {  	vm0 =	vge.f32 v48, v44  }
0x62: {  	v47 =	vsel vm0, $0x1, v33;
	v44 =	vsel vm0, v49, v44  }
0x63: {  	v45 =	vadd.s32 v47, v45  }
0x64: {  	v46 =	vld.idx.msk [tilespmem:v46+s9+$0x0], $0xffff;
	_ =	sdelay $0x3  }
0x65: {  	v47 =	vld [tilespmem:s20+$0x0]  }
.Ltmp3:
0x66: {  	v48 =	vpop (erf);
	(pc) =	sbr.rel @p0 .LBB2_7-.Ltmp3, $4  }
0x67: {  	v49 =	vshll.u32 v45, $0x4;
	v48 =	vmul.f32 v48, v46  }
0x68: {  	v46 =	vor.u32 v0, v49  }
0x69: {  	v43 =	vsel vm0, v48, v43  }
0x6a: {  	v47 =	vsub.f32 v47, v43  }
0x6b: {  	_ =	sdelay $0x2  }
0x6c: {  	[tilespmem:s21+$0x0] =	vst v47  }
0x6d: {  	v45 =	vld.idx.msk [tilespmem:v46+s10+$0x0], $0xffff;
	_ =	sdelay $0x4  }
0x6e: {  	(erf) = vrcp.f32 v45;
	_ =	sdelay $0x4  }
0x6f: {  	v58 =	vld.idx.msk [tilespmem:v46+s9+$0x0], $0xffff;
	_ =	sdelay $0x1  }
0x70: {  	s20 =	sadd.s32 $0x10, s20  }
0x71: {  	s22 =	scvt.s32.f32 s22;
	v59 =	vld [tilespmem:s20+$0x0]  }
0x72: {  	v60 =	vpop (erf)  }
0x73: {  	v61 =	vmov s22;
	v45 =	vmul.f32 v60, v58  }
0x74: {  	vm0 =	vge.f32 v61, v44  }
0x75: {  	v43 =	vsel vm0, v45, v43  }
0x76: {  	v43 =	vsub.f32 v59, v43  }
0x77: {  	s31 =	sadd.s32 $0x10, s21  }
0x78: {  	[tilespmem:s31+$0x0] =	vst v43  }
0x79: {  	[tilespmem:s13], [sflag:$0x1] =	stream.strided.gather [hbm4b:s4+s11], $0x200, s12, s11, $0x38;
	[tilespmem:$0x8800] =	vst v63  }
0x7a: {  	_ =	swait.ge [sflag:s14], $0x200  }
0x7b: {  	[sflag:s14] =	ssyncset.done $0x0  }
0x7c: {  	[sflag:s14] =	ssyncadd.s32 $0xFFFFFE00  }
0x7d: {  	[tilespmem:s15], [sflag:$0x1] =	stream.strided.gather [hbm4b:s5+s11], $0x200, s12, s11, $0x38;
	[tilespmem:$0x8800] =	vst v63  }
0x7e: {  	_ =	swait.ge [sflag:s14], $0x200  }
0x7f: {  	[sflag:s14] =	ssyncset.done $0x0  }
0x80: {  	[sflag:s14] =	ssyncadd.s32 $0xFFFFFE00  }
0x81: {  	v62 =	vld [tilespmem:$0x8000];
	_ =	sdelay $0x2  }
0x82: {  	v63 =	vld.idx.msk [tilespmem:v1+s16+$0x0], $0xffff;
	_ =	sdelay $0x4  }
0x83: {  	[tilespmem:v62+s17+$0x0] =	vst.idx.msk $0xffff, v63  }
0x84: {  	v43 =	vld [tilespmem:$0x8200];
	_ =	sdelay $0x7  }
0x85: {  	[tilespmem:v43+s18+$0x0] =	vst.idx.msk $0xffff, v35  }
0x86: {  	v43 =	vld [tilespmem:$0x8010];
	_ =	sdelay $0x2  }
0x87: {  	v44 =	vld.idx.msk [tilespmem:v2+s16+$0x0], $0xffff;
	_ =	sdelay $0x4  }
0x88: {  	[tilespmem:v43+s17+$0x0] =	vst.idx.msk $0xffff, v44  }
0x89: {  	v43 =	vld [tilespmem:$0x8210];
	_ =	sdelay $0x7  }
0x8a: {  	[tilespmem:v43+s18+$0x0] =	vst.idx.msk $0xffff, v35  }
0x8b: {  	v43 =	vld [tilespmem:$0x8020];
	_ =	sdelay $0x2  }
0x8c: {  	v44 =	vld.idx.msk [tilespmem:v3+s16+$0x0], $0xffff;
	_ =	sdelay $0x4  }
0x8d: {  	[tilespmem:v43+s17+$0x0] =	vst.idx.msk $0xffff, v44  }
0x8e: {  	v43 =	vld [tilespmem:$0x8220];
	_ =	sdelay $0x7  }
0x8f: {  	[tilespmem:v43+s18+$0x0] =	vst.idx.msk $0xffff, v35  }
0x90: {  	v43 =	vld [tilespmem:$0x8030];
	_ =	sdelay $0x2  }
0x91: {  	v44 =	vld.idx.msk [tilespmem:v4+s16+$0x0], $0xffff;
	_ =	sdelay $0x4  }
0x92: {  	[tilespmem:v43+s17+$0x0] =	vst.idx.msk $0xffff, v44  }
0x93: {  	v43 =	vld [tilespmem:$0x8230];
	_ =	sdelay $0x7  }
0x94: {  	[tilespmem:v43+s18+$0x0] =	vst.idx.msk $0xffff, v35  }
0x95: {  	v43 =	vld [tilespmem:$0x8040];
	_ =	sdelay $0x2  }
0x96: {  	v44 =	vld.idx.msk [tilespmem:v5+s16+$0x0], $0xffff;
	_ =	sdelay $0x4  }
0x97: {  	[tilespmem:v43+s17+$0x0] =	vst.idx.msk $0xffff, v44  }
0x98: {  	v43 =	vld [tilespmem:$0x8240];
	_ =	sdelay $0x7  }
0x99: {  	[tilespmem:v43+s18+$0x0] =	vst.idx.msk $0xffff, v36  }
0x9a: {  	v43 =	vld [tilespmem:$0x8050];
	_ =	sdelay $0x2  }
0x9b: {  	v44 =	vld.idx.msk [tilespmem:v6+s16+$0x0], $0xffff;
	_ =	sdelay $0x4  }
0x9c: {  	[tilespmem:v43+s17+$0x0] =	vst.idx.msk $0xffff, v44  }
0x9d: {  	v43 =	vld [tilespmem:$0x8250];
	_ =	sdelay $0x7  }
0x9e: {  	[tilespmem:v43+s18+$0x0] =	vst.idx.msk $0xffff, v36  }
0x9f: {  	v43 =	vld [tilespmem:$0x8060];
	_ =	sdelay $0x2  }
0xa0: {  	v44 =	vld.idx.msk [tilespmem:v7+s16+$0x0], $0xffff;
	_ =	sdelay $0x4  }
0xa1: {  	[tilespmem:v43+s17+$0x0] =	vst.idx.msk $0xffff, v44  }
0xa2: {  	v43 =	vld [tilespmem:$0x8260];
	_ =	sdelay $0x7  }
0xa3: {  	[tilespmem:v43+s18+$0x0] =	vst.idx.msk $0xffff, v36  }
0xa4: {  	v43 =	vld [tilespmem:$0x8070];
	_ =	sdelay $0x2  }
0xa5: {  	v44 =	vld.idx.msk [tilespmem:v8+s16+$0x0], $0xffff;
	_ =	sdelay $0x4  }
0xa6: {  	[tilespmem:v43+s17+$0x0] =	vst.idx.msk $0xffff, v44  }
0xa7: {  	v43 =	vld [tilespmem:$0x8270];
	_ =	sdelay $0x7  }
0xa8: {  	[tilespmem:v43+s18+$0x0] =	vst.idx.msk $0xffff, v36  }
0xa9: {  	v43 =	vld [tilespmem:$0x8080];
	_ =	sdelay $0x2  }
0xaa: {  	v44 =	vld.idx.msk [tilespmem:v9+s16+$0x0], $0xffff;
	_ =	sdelay $0x4  }
0xab: {  	[tilespmem:v43+s17+$0x0] =	vst.idx.msk $0xffff, v44  }
0xac: {  	v43 =	vld [tilespmem:$0x8280];
	_ =	sdelay $0x7  }
0xad: {  	[tilespmem:v43+s18+$0x0] =	vst.idx.msk $0xffff, v37  }
0xae: {  	v43 =	vld [tilespmem:$0x8090];
	_ =	sdelay $0x2  }
0xaf: {  	v44 =	vld.idx.msk [tilespmem:v10+s16+$0x0], $0xffff;
	_ =	sdelay $0x4  }
0xb0: {  	[tilespmem:v43+s17+$0x0] =	vst.idx.msk $0xffff, v44  }
0xb1: {  	v43 =	vld [tilespmem:$0x8290];
	_ =	sdelay $0x7  }
0xb2: {  	[tilespmem:v43+s18+$0x0] =	vst.idx.msk $0xffff, v37  }
0xb3: {  	v43 =	vld [tilespmem:$0x80A0];
	_ =	sdelay $0x2  }
0xb4: {  	v44 =	vld.idx.msk [tilespmem:v11+s16+$0x0], $0xffff;
	_ =	sdelay $0x4  }
0xb5: {  	[tilespmem:v43+s17+$0x0] =	vst.idx.msk $0xffff, v44  }
0xb6: {  	v43 =	vld [tilespmem:$0x82A0];
	_ =	sdelay $0x7  }
0xb7: {  	[tilespmem:v43+s18+$0x0] =	vst.idx.msk $0xffff, v37  }
0xb8: {  	v43 =	vld [tilespmem:$0x80B0];
	_ =	sdelay $0x2  }
0xb9: {  	v44 =	vld.idx.msk [tilespmem:v12+s16+$0x0], $0xffff;
	_ =	sdelay $0x4  }
0xba: {  	[tilespmem:v43+s17+$0x0] =	vst.idx.msk $0xffff, v44  }
0xbb: {  	v43 =	vld [tilespmem:$0x82B0];
	_ =	sdelay $0x7  }
0xbc: {  	[tilespmem:v43+s18+$0x0] =	vst.idx.msk $0xffff, v37  }
0xbd: {  	v43 =	vld [tilespmem:$0x80C0];
	_ =	sdelay $0x2  }
0xbe: {  	v44 =	vld.idx.msk [tilespmem:v13+s16+$0x0], $0xffff;
	_ =	sdelay $0x4  }
0xbf: {  	[tilespmem:v43+s17+$0x0] =	vst.idx.msk $0xffff, v44  }
0xc0: {  	v43 =	vld [tilespmem:$0x82C0];
	_ =	sdelay $0x7  }
0xc1: {  	[tilespmem:v43+s18+$0x0] =	vst.idx.msk $0xffff, v38  }
0xc2: {  	v43 =	vld [tilespmem:$0x80D0];
	_ =	sdelay $0x2  }
0xc3: {  	v44 =	vld.idx.msk [tilespmem:v14+s16+$0x0], $0xffff;
	_ =	sdelay $0x4  }
0xc4: {  	[tilespmem:v43+s17+$0x0] =	vst.idx.msk $0xffff, v44  }
0xc5: {  	v43 =	vld [tilespmem:$0x82D0];
	_ =	sdelay $0x7  }
0xc6: {  	[tilespmem:v43+s18+$0x0] =	vst.idx.msk $0xffff, v38  }
0xc7: {  	v43 =	vld [tilespmem:$0x80E0];
	_ =	sdelay $0x2  }
0xc8: {  	v44 =	vld.idx.msk [tilespmem:v15+s16+$0x0], $0xffff;
	_ =	sdelay $0x4  }
0xc9: {  	[tilespmem:v43+s17+$0x0] =	vst.idx.msk $0xffff, v44  }
0xca: {  	v43 =	vld [tilespmem:$0x82E0];
	_ =	sdelay $0x7  }
0xcb: {  	[tilespmem:v43+s18+$0x0] =	vst.idx.msk $0xffff, v38  }
0xcc: {  	v43 =	vld [tilespmem:$0x80F0];
	_ =	sdelay $0x2  }
0xcd: {  	v44 =	vld.idx.msk [tilespmem:v16+s16+$0x0], $0xffff;
	_ =	sdelay $0x4  }
0xce: {  	[tilespmem:v43+s17+$0x0] =	vst.idx.msk $0xffff, v44  }
0xcf: {  	v43 =	vld [tilespmem:$0x82F0];
	_ =	sdelay $0x7  }
0xd0: {  	[tilespmem:v43+s18+$0x0] =	vst.idx.msk $0xffff, v38  }
0xd1: {  	v43 =	vld [tilespmem:$0x8100];
	_ =	sdelay $0x2  }
0xd2: {  	v44 =	vld.idx.msk [tilespmem:v17+s16+$0x0], $0xffff;
	_ =	sdelay $0x4  }
0xd3: {  	[tilespmem:v43+s17+$0x0] =	vst.idx.msk $0xffff, v44  }
0xd4: {  	v43 =	vld [tilespmem:$0x8300];
	_ =	sdelay $0x7  }
0xd5: {  	[tilespmem:v43+s18+$0x0] =	vst.idx.msk $0xffff, v39  }
0xd6: {  	v43 =	vld [tilespmem:$0x8110];
	_ =	sdelay $0x2  }
0xd7: {  	v44 =	vld.idx.msk [tilespmem:v18+s16+$0x0], $0xffff;
	_ =	sdelay $0x4  }
0xd8: {  	[tilespmem:v43+s17+$0x0] =	vst.idx.msk $0xffff, v44  }
0xd9: {  	v43 =	vld [tilespmem:$0x8310];
	_ =	sdelay $0x7  }
0xda: {  	[tilespmem:v43+s18+$0x0] =	vst.idx.msk $0xffff, v39  }
0xdb: {  	v43 =	vld [tilespmem:$0x8120];
	_ =	sdelay $0x2  }
0xdc: {  	v44 =	vld.idx.msk [tilespmem:v19+s16+$0x0], $0xffff;
	_ =	sdelay $0x4  }
0xdd: {  	[tilespmem:v43+s17+$0x0] =	vst.idx.msk $0xffff, v44  }
0xde: {  	v43 =	vld [tilespmem:$0x8320];
	_ =	sdelay $0x7  }
0xdf: {  	[tilespmem:v43+s18+$0x0] =	vst.idx.msk $0xffff, v39  }
0xe0: {  	v43 =	vld [tilespmem:$0x8130];
	_ =	sdelay $0x2  }
0xe1: {  	v44 =	vld.idx.msk [tilespmem:v20+s16+$0x0], $0xffff;
	_ =	sdelay $0x4  }
0xe2: {  	[tilespmem:v43+s17+$0x0] =	vst.idx.msk $0xffff, v44  }
0xe3: {  	v43 =	vld [tilespmem:$0x8330];
	_ =	sdelay $0x7  }
0xe4: {  	[tilespmem:v43+s18+$0x0] =	vst.idx.msk $0xffff, v39  }
0xe5: {  	v43 =	vld [tilespmem:$0x8140];
	_ =	sdelay $0x2  }
0xe6: {  	v44 =	vld.idx.msk [tilespmem:v21+s16+$0x0], $0xffff;
	_ =	sdelay $0x4  }
0xe7: {  	[tilespmem:v43+s17+$0x0] =	vst.idx.msk $0xffff, v44  }
0xe8: {  	v43 =	vld [tilespmem:$0x8340];
	_ =	sdelay $0x7  }
0xe9: {  	[tilespmem:v43+s18+$0x0] =	vst.idx.msk $0xffff, v40  }
0xea: {  	v43 =	vld [tilespmem:$0x8150];
	_ =	sdelay $0x2  }
0xeb: {  	v44 =	vld.idx.msk [tilespmem:v22+s16+$0x0], $0xffff;
	_ =	sdelay $0x4  }
0xec: {  	[tilespmem:v43+s17+$0x0] =	vst.idx.msk $0xffff, v44  }
0xed: {  	v43 =	vld [tilespmem:$0x8350];
	_ =	sdelay $0x7  }
0xee: {  	[tilespmem:v43+s18+$0x0] =	vst.idx.msk $0xffff, v40  }
0xef: {  	v43 =	vld [tilespmem:$0x8160];
	_ =	sdelay $0x2  }
0xf0: {  	v44 =	vld.idx.msk [tilespmem:v23+s16+$0x0], $0xffff;
	_ =	sdelay $0x4  }
0xf1: {  	[tilespmem:v43+s17+$0x0] =	vst.idx.msk $0xffff, v44  }
0xf2: {  	v43 =	vld [tilespmem:$0x8360];
	_ =	sdelay $0x7  }
0xf3: {  	[tilespmem:v43+s18+$0x0] =	vst.idx.msk $0xffff, v40  }
0xf4: {  	v43 =	vld [tilespmem:$0x8170];
	_ =	sdelay $0x2  }
0xf5: {  	v44 =	vld.idx.msk [tilespmem:v24+s16+$0x0], $0xffff;
	_ =	sdelay $0x4  }
0xf6: {  	[tilespmem:v43+s17+$0x0] =	vst.idx.msk $0xffff, v44  }
0xf7: {  	v43 =	vld [tilespmem:$0x8370];
	_ =	sdelay $0x7  }
0xf8: {  	[tilespmem:v43+s18+$0x0] =	vst.idx.msk $0xffff, v40  }
0xf9: {  	v43 =	vld [tilespmem:$0x8180];
	_ =	sdelay $0x2  }
0xfa: {  	v44 =	vld.idx.msk [tilespmem:v25+s16+$0x0], $0xffff;
	_ =	sdelay $0x4  }
0xfb: {  	[tilespmem:v43+s17+$0x0] =	vst.idx.msk $0xffff, v44  }
0xfc: {  	v43 =	vld [tilespmem:$0x8380];
	_ =	sdelay $0x7  }
0xfd: {  	[tilespmem:v43+s18+$0x0] =	vst.idx.msk $0xffff, v41  }
0xfe: {  	v43 =	vld [tilespmem:$0x8190];
	_ =	sdelay $0x2  }
0xff: {  	v44 =	vld.idx.msk [tilespmem:v26+s16+$0x0], $0xffff;
	_ =	sdelay $0x4  }
0x100: {  	[tilespmem:v43+s17+$0x0] =	vst.idx.msk $0xffff, v44  }
0x101: {  	v43 =	vld [tilespmem:$0x8390];
	_ =	sdelay $0x7  }
0x102: {  	[tilespmem:v43+s18+$0x0] =	vst.idx.msk $0xffff, v41  }
0x103: {  	v43 =	vld [tilespmem:$0x81A0];
	_ =	sdelay $0x2  }
0x104: {  	v44 =	vld.idx.msk [tilespmem:v27+s16+$0x0], $0xffff;
	_ =	sdelay $0x4  }
0x105: {  	[tilespmem:v43+s17+$0x0] =	vst.idx.msk $0xffff, v44  }
0x106: {  	v43 =	vld [tilespmem:$0x83A0];
	_ =	sdelay $0x7  }
0x107: {  	[tilespmem:v43+s18+$0x0] =	vst.idx.msk $0xffff, v41  }
0x108: {  	v43 =	vld [tilespmem:$0x81B0];
	_ =	sdelay $0x2  }
0x109: {  	v44 =	vld.idx.msk [tilespmem:v28+s16+$0x0], $0xffff;
	_ =	sdelay $0x4  }
0x10a: {  	[tilespmem:v43+s17+$0x0] =	vst.idx.msk $0xffff, v44  }
0x10b: {  	v43 =	vld [tilespmem:$0x83B0];
	_ =	sdelay $0x7  }
0x10c: {  	[tilespmem:v43+s18+$0x0] =	vst.idx.msk $0xffff, v41  }
0x10d: {  	v43 =	vld [tilespmem:$0x81C0];
	_ =	sdelay $0x2  }
0x10e: {  	v44 =	vld.idx.msk [tilespmem:v29+s16+$0x0], $0xffff;
	_ =	sdelay $0x4  }
0x10f: {  	[tilespmem:v43+s17+$0x0] =	vst.idx.msk $0xffff, v44  }
0x110: {  	v43 =	vld [tilespmem:$0x83C0];
	_ =	sdelay $0x7  }
0x111: {  	[tilespmem:v43+s18+$0x0] =	vst.idx.msk $0xffff, v42  }
0x112: {  	v43 =	vld [tilespmem:$0x81D0];
	_ =	sdelay $0x2  }
0x113: {  	v44 =	vld.idx.msk [tilespmem:v30+s16+$0x0], $0xffff;
	_ =	sdelay $0x4  }
0x114: {  	[tilespmem:v43+s17+$0x0] =	vst.idx.msk $0xffff, v44  }
0x115: {  	v43 =	vld [tilespmem:$0x83D0];
	_ =	sdelay $0x7  }
0x116: {  	[tilespmem:v43+s18+$0x0] =	vst.idx.msk $0xffff, v42  }
0x117: {  	v43 =	vld [tilespmem:$0x81E0];
	_ =	sdelay $0x2  }
0x118: {  	v44 =	vld.idx.msk [tilespmem:v31+s16+$0x0], $0xffff;
	_ =	sdelay $0x4  }
0x119: {  	[tilespmem:v43+s17+$0x0] =	vst.idx.msk $0xffff, v44  }
0x11a: {  	v43 =	vld [tilespmem:$0x83E0];
	_ =	sdelay $0x7  }
0x11b: {  	[tilespmem:v43+s18+$0x0] =	vst.idx.msk $0xffff, v42  }
0x11c: {  	v43 =	vld [tilespmem:$0x81F0];
	_ =	sdelay $0x2  }
0x11d: {  	v44 =	vld.idx.msk [tilespmem:v32+s16+$0x0], $0xffff;
	_ =	sdelay $0x4  }
0x11e: {  	[tilespmem:v43+s17+$0x0] =	vst.idx.msk $0xffff, v44  }
0x11f: {  	v43 =	vld [tilespmem:$0x83F0];
	_ =	sdelay $0x7  }
0x120: {  	[tilespmem:v43+s18+$0x0] =	vst.idx.msk $0xffff, v42  }
0x121: {  	[hbm4b:s6+s11] =	stream.strided.scatter [tilespmem:s17], [sflag:$0x1], $0x200, s12, s11, $0x38;
	[tilespmem:$0x8800] =	vst v63  }
0x122: {  	s19 =	sadd.s32 $0x1, s19;
	_ =	swait.ge [sflag:s14], $0x200  }
0x123: {  	p0 =	sne.s32 s19, s8;
	[sflag:s14] =	ssyncset.done $0x0  }
.Ltmp4:
0x124: {  	[sflag:s14] =	ssyncadd.s32 $0xFFFFFE00;
	(pc) =	sbr.rel @p0 .LBB2_2-.Ltmp4, $4  }
0x125: {  	[hbm4b:s7+s11] =	stream.strided.scatter [tilespmem:s18], [sflag:$0x1], $0x200, s12, s11, $0x38;
	[tilespmem:$0x8800] =	vst v63  }
0x126: {  	_ =	swait.ge [sflag:s14], $0x200  }
0x127: {  	[sflag:s14] =	ssyncset.done $0x0  }
0x128: {  	[sflag:s14] =	ssyncadd.s32 $0xFFFFFE00  }
.LBB2_9:
0x129: {  	_ =	sfence.sel $0x180000  }
0x12a: {  	[bflag:$0x0] =	sbarrier.arrive $0xFFFF  }
0x12b: {  	p0 =	sne.s32 s2, $0x0;
	_ =	strace $0x90000047  }
0x12c: {  	s0 =	sadd.s32 @!p0 $0x100000, s0;
	[bflag:$0x2] =	sbarrier.arrive $0xFFFF  }
0x12d: {  	[sflag:s0] =	ssyncadd.tile.s32 @!p0 $0x1;
	_ =	shalt  }
.Lfunc_end2:
_tile_overlayer_lowered:
.L_overlay_start_2:
0x12e: {  	(tag) =	ssettag $0x2  }
0x12f: {  	s0 =	rddreg [dreg:$0x0];
	s2 =	stileid.u32  }
0x130: {  	s1 =	rddreg [dreg:$0x1];
	p0 =	sne.s32 s2, $0x0  }
0x131: {  	s3 =	rddreg [dreg:$0x2];
	[bflag:$0x3] =	sbarrier.arrive $0xFFFF;
	s2 =	simm.s32 @!p0 $0x1C01  }
0x132: {  	[timem:s3], [sflag:s2] =	dma.local @!p0 [hbm:s0], s1  }
0x133: {  	s0 =	simm.s32 @!p0 $0x1  }
0x134: {  	_ =	swait.ge @!p0 [sflag:s0], s1  }
0x135: {  	s1 =	ssub.s32 @!p0 $0x0, s1;
	[sflag:s0] =	ssyncset.done @!p0 $0x0  }
0x136: {  	[sflag:s0] =	ssyncadd.s32 @!p0 s1  }
0x137: {  	[bflag:$0x3] =	sbarrier.arrive $0xFFFF  }
0x138: {  	_ =	shalt  }

</sc_bundles>
